<compile_context>
chip_gen: v7x
topology: tpu7x:2x2x1
jax: 0.10.2.dev20260603
libtpu: 0.0.44.dev20260713+nightly
codegen_flags: <defaults>
</compile_context>

<pallas_src>
import jax
import jax.numpy as jnp
from jax import lax
from jax.experimental import pallas as pl
from jax.experimental.pallas import tpu as pltpu
from jax.experimental.pallas import tpu_sc as plsc

N = 10000
E = 160000
D = 256
HALF = 128

NUM_CORES = 2
NUM_SUBCORES = 16
CHUNK = 128
SB = 8
EDGES_PER_TILE = E // NUM_SUBCORES
CHUNKS_PER_TILE = 80
NSB = CHUNKS_PER_TILE // SB
EDGES_PAD = CHUNKS_PER_TILE * CHUNK
DUMMY_ROW = N
AGG_ROWS = 10112
ROWS_PER_TILE = AGG_ROWS // NUM_SUBCORES


def _sc_body(tab_w, tab_c, srcw, dstw, srcc, dstc, zeros_h, zeros16_h, ones_h,
             aggw, cntw, aggc, cntc,
             agg_sh, cnt_sh, sidx0, sidx1, sdst0, sdst1, gbuf0, gbuf1,
             ones_v, gsem0, gsem1, isem0, isem1, csem):
    h = lax.axis_index("c")
    s = lax.axis_index("s")

    pltpu.sync_copy(ones_h, ones_v)

    def zero_my_rows():
        base = s * ROWS_PER_TILE
        for k in range(4):
            pltpu.sync_copy(zeros_h, agg_sh.at[pl.ds(base + 128 * k, 128)])
            pltpu.sync_copy(zeros16_h,
                            cnt_sh.at[pl.ds(base + 128 * k, 128)])
        rem = ROWS_PER_TILE - 512
        pltpu.sync_copy(zeros_h.at[pl.ds(0, rem)],
                        agg_sh.at[pl.ds(base + 512, rem)])
        pltpu.sync_copy(zeros16_h.at[pl.ds(0, rem)],
                        cnt_sh.at[pl.ds(base + 512, rem)])

    def run_relation(tab, src_h, dst_h, cnt_core):
        duty = h == cnt_core
        sidx = (sidx0, sidx1)
        sdst = (sdst0, sdst1)
        gbuf = (gbuf0, gbuf1)
        gsem = (gsem0, gsem1)
        isem = (isem0, isem1)

        def load_sb(sc, p):
            pltpu.async_copy(src_h.at[s, pl.ds(SB * sc, SB)], sidx[p], isem[p])
            pltpu.async_copy(dst_h.at[s, pl.ds(SB * sc, SB)], sdst[p], isem[p])

        def wait_sb(sc, p):
            pltpu.make_async_copy(src_h.at[s, pl.ds(SB * sc, SB)], sidx[p],
                                  isem[p]).wait()
            pltpu.make_async_copy(dst_h.at[s, pl.ds(SB * sc, SB)], sdst[p],
                                  isem[p]).wait()

        def xform(p):
            ref = sidx[p]

            def row(r, _):
                for j in range(SB):
                    v = ref[r, pl.ds(16 * j, 16)]
                    ref[r, pl.ds(16 * j, 16)] = v + v + h
                return 0
            lax.fori_loop(0, SB, row, 0)

        load_sb(0, 0)
        wait_sb(0, 0)
        xform(0)
        load_sb(1, 1)
        pltpu.async_copy(tab.at[sidx0.at[0]], gbuf0, gsem0)
        pltpu.async_copy(tab.at[sidx0.at[1]], gbuf1, gsem1)

        def pair(k, _):
            for p in range(2):
                sc = 2 * k + p

                @pl.when(sc + 1 < NSB)
                def _():
                    wait_sb(sc + 1, p ^ 1)
                    xform(p ^ 1)

                for j in range(SB):
                    b = j % 2
                    pltpu.make_async_copy(tab.at[sidx[p].at[j]], gbuf[b],
                                          gsem[b]).wait()
                    pltpu.sync_copy(gbuf[b], agg_sh.at[sdst[p].at[j]],
                                    add=True)

                    @pl.when(duty)
                    def _():
                        pltpu.async_copy(ones_v, cnt_sh.at[sdst[p].at[j]],
                                         csem, add=True)
                    if j < SB - 2:
                        pltpu.async_copy(tab.at[sidx[p].at[j + 2]], gbuf[b],
                                         gsem[b])
                    else:
                        @pl.when(sc + 1 < NSB)
                        def _():
                            pltpu.async_copy(tab.at[sidx[p ^ 1].at[j - 6]],
                                             gbuf[b], gsem[b])

                @pl.when(duty)
                def _():
                    def drain(i, _):
                        pltpu.make_async_copy(ones_v,
                                              cnt_sh.at[sdst[p].at[0]],
                                              csem).wait()
                        return 0
                    lax.fori_loop(0, SB, drain, 0)

                @pl.when(sc + 2 < NSB)
                def _():
                    load_sb(sc + 2, p)
            return 0
        lax.fori_loop(0, NSB // 2, pair, 0)

    def flush(agg_out, cnt_out, cnt_core):
        base = s * ROWS_PER_TILE
        pltpu.sync_copy(agg_sh.at[pl.ds(base, ROWS_PER_TILE)],
                        agg_out.at[h, pl.ds(base, ROWS_PER_TILE)])

        @pl.when(h == cnt_core)
        def _():
            pltpu.sync_copy(cnt_sh.at[pl.ds(base, ROWS_PER_TILE)],
                            cnt_out.at[pl.ds(base, ROWS_PER_TILE)])

    zero_my_rows()
    plsc.subcore_barrier()
    run_relation(tab_w, srcw, dstw, 0)
    plsc.subcore_barrier()
    flush(aggw, cntw, 0)
    zero_my_rows()
    plsc.subcore_barrier()
    run_relation(tab_c, srcc, dstc, 1)
    plsc.subcore_barrier()
    flush(aggc, cntc, 1)


def _sc_aggregate(tab_w, tab_c, srcw, dstw, srcc, dstc, zeros_h, zeros16_h,
                  ones_h):
    mesh = plsc.VectorSubcoreMesh(core_axis_name="c", subcore_axis_name="s")
    f32 = jnp.float32
    return pl.kernel(
        _sc_body,
        out_type=(
            jax.ShapeDtypeStruct((NUM_CORES, AGG_ROWS, HALF), f32),
            jax.ShapeDtypeStruct((AGG_ROWS, 16), f32),
            jax.ShapeDtypeStruct((NUM_CORES, AGG_ROWS, HALF), f32),
            jax.ShapeDtypeStruct((AGG_ROWS, 16), f32),
        ),
        mesh=mesh,
        compiler_params=pltpu.CompilerParams(use_tc_tiling_on_sc=False),
        scratch_types=[
            pltpu.VMEM_SHARED((AGG_ROWS, HALF), f32),
            pltpu.VMEM_SHARED((AGG_ROWS, 16), f32),
            pltpu.VMEM((SB, CHUNK), jnp.int32),
            pltpu.VMEM((SB, CHUNK), jnp.int32),
            pltpu.VMEM((SB, CHUNK), jnp.int32),
            pltpu.VMEM((SB, CHUNK), jnp.int32),
            pltpu.VMEM((CHUNK, HALF), f32),
            pltpu.VMEM((CHUNK, HALF), f32),
            pltpu.VMEM((CHUNK, 16), f32),
            pltpu.SemaphoreType.DMA,
            pltpu.SemaphoreType.DMA,
            pltpu.SemaphoreType.DMA,
            pltpu.SemaphoreType.DMA,
            pltpu.SemaphoreType.DMA,
        ],
    )(tab_w, tab_c, srcw, dstw, srcc, dstc, zeros_h, zeros16_h, ones_h)


def _tc_body(x_ref, aggw_ref, cntw_ref, aggc_ref, cntc_ref,
             wnw_ref, wsw_ref, wnc_ref, wsc_ref, bw_ref, bc_ref, out_ref):
    f32 = jnp.float32
    ws = wsw_ref[...] + wsc_ref[...]
    acc = jnp.dot(x_ref[...], ws, preferred_element_type=f32)

    rw = 1.0 / jnp.maximum(cntw_ref[:, 0:1], 1.0)
    wnw = wnw_ref[...]
    acc += jnp.dot(aggw_ref[0] * rw, wnw[0:HALF, :], preferred_element_type=f32)
    acc += jnp.dot(aggw_ref[1] * rw, wnw[HALF:D, :], preferred_element_type=f32)

    rc = 1.0 / jnp.maximum(cntc_ref[:, 0:1], 1.0)
    wnc = wnc_ref[...]
    acc += jnp.dot(aggc_ref[0] * rc, wnc[0:HALF, :], preferred_element_type=f32)
    acc += jnp.dot(aggc_ref[1] * rc, wnc[HALF:D, :], preferred_element_type=f32)

    out_ref[...] = acc + bw_ref[...] + bc_ref[...]


def _tc_combine(x_paper, aggw, cntw, aggc, cntc, Wnw, Wsw, Wnc, Wsc, bw, bc):
    BLK = 1000
    grid = N // BLK
    full = lambda i: (0, 0)
    return pl.pallas_call(
        _tc_body,
        grid=(grid,),
        in_specs=[
            pl.BlockSpec((BLK, D), lambda i: (i, 0)),
            pl.BlockSpec((NUM_CORES, BLK, HALF), lambda i: (0, i, 0)),
            pl.BlockSpec((BLK, 16), lambda i: (i, 0)),
            pl.BlockSpec((NUM_CORES, BLK, HALF), lambda i: (0, i, 0)),
            pl.BlockSpec((BLK, 16), lambda i: (i, 0)),
            pl.BlockSpec((D, D), full),
            pl.BlockSpec((D, D), full),
            pl.BlockSpec((D, D), full),
            pl.BlockSpec((D, D), full),
            pl.BlockSpec((1, D), full),
            pl.BlockSpec((1, D), full),
        ],
        out_specs=pl.BlockSpec((BLK, D), lambda i: (i, 0)),
        out_shape=jax.ShapeDtypeStruct((N, D), jnp.float32),
    )(x_paper, aggw, cntw, aggc, cntc, Wnw, Wsw, Wnc, Wsc, bw, bc)


def _prep_idx(idx, pad_val):
    a = idx.reshape(NUM_SUBCORES, EDGES_PER_TILE)
    pad = jnp.full((NUM_SUBCORES, EDGES_PAD - EDGES_PER_TILE), pad_val,
                   jnp.int32)
    return jnp.concatenate([a, pad], axis=1).reshape(
        NUM_SUBCORES, CHUNKS_PER_TILE, CHUNK)


@jax.jit
def kernel(x_paper, x_author, edge_index_writes, edge_index_cites,
           W_neigh_writes, W_self_writes, b_writes,
           W_neigh_cites, W_self_cites, b_cites):
    tab_w = x_author.reshape(2 * N, HALF)
    tab_c = x_paper.reshape(2 * N, HALF)
    srcw = _prep_idx(edge_index_writes[0], 0)
    dstw = _prep_idx(edge_index_writes[1], DUMMY_ROW)
    srcc = _prep_idx(edge_index_cites[0], 0)
    dstc = _prep_idx(edge_index_cites[1], DUMMY_ROW)
    zeros_h = jnp.zeros((128, HALF), jnp.float32)
    zeros16_h = jnp.zeros((128, 16), jnp.float32)
    ones_h = jnp.ones((CHUNK, 16), jnp.float32)

    aggw, cntw, aggc, cntc = _sc_aggregate(
        tab_w, tab_c, srcw, dstw, srcc, dstc, zeros_h, zeros16_h, ones_h)

    return _tc_combine(x_paper, aggw, cntw, aggc, cntc,
                       W_neigh_writes, W_self_writes,
                       W_neigh_cites, W_self_cites,
                       b_writes.reshape(1, D), b_cites.reshape(1, D))

# --- scband reference (transcript-rebuilt; emitter-appended) ---
"""Pipeline reference for scband-hetero-conv-4363686773420 (READ-ONLY COPY).

The authoritative reference and input builder live on the scoring server;
editing this copy changes nothing except your own understanding.
"""

import jax, jax.numpy as jnp
import numpy as np

N = 10000
E = 160000
D = 256

def setup_inputs(seed: int = 0) -> dict:
    key = jax.random.key(seed)
    ks = jax.random.split(key, 12)
    s = 1.0 / np.sqrt(D)
    return {
        "x_paper": jax.random.normal(ks[0], (N, D), dtype=jnp.float32),
        "x_author": jax.random.normal(ks[1], (N, D), dtype=jnp.float32),
        "edge_index_writes": jax.random.randint(ks[2], (2, E), 0, N, dtype=jnp.int32),
        "edge_index_cites": jax.random.randint(ks[3], (2, E), 0, N, dtype=jnp.int32),
        "W_neigh_writes": jax.random.normal(ks[4], (D, D), dtype=jnp.float32) * s,
        "W_self_writes": jax.random.normal(ks[5], (D, D), dtype=jnp.float32) * s,
        "b_writes": jnp.zeros((D,), dtype=jnp.float32),
        "W_neigh_cites": jax.random.normal(ks[6], (D, D), dtype=jnp.float32) * s,
        "W_self_cites": jax.random.normal(ks[7], (D, D), dtype=jnp.float32) * s,
        "b_cites": jnp.zeros((D,), dtype=jnp.float32),
    }

def _sage_conv(x_neigh, x_self, edge_index, W_neigh, W_self, b):
    # HeteroSAGEConv-style message passing: mean-aggregate neighbor features
    # gathered along src, scatter-added into dst, then linear transforms.
    src = edge_index[0]
    dst = edge_index[1]
    msgs = jnp.take(x_neigh, src, axis=0)               # gather [E, D]
    agg = jax.ops.segment_sum(msgs, dst, num_segments=x_self.shape[0])
    cnt = jax.ops.segment_sum(jnp.ones((edge_index.shape[1],), jnp.float32), dst, num_segments=x_self.shape[0])
    mean = agg / jnp.clip(cnt, 1.0, None)[:, None]
    return x_self @ W_self + mean @ W_neigh + b

def reference(x_paper, x_author, edge_index_writes, edge_index_cites,
              W_neigh_writes, W_self_writes, b_writes,
              W_neigh_cites, W_self_cites, b_cites):
    # message type ('author','writes','paper'): neigh=author, self=paper
    emb_writes = _sage_conv(x_author, x_paper, edge_index_writes, W_neigh_writes, W_self_writes, b_writes)
    # message type ('paper','cites','paper'): neigh=paper, self=paper
    emb_cites = _sage_conv(x_paper, x_paper, edge_index_cites, W_neigh_cites, W_self_cites, b_cites)
    # HeteroConv.aggregate with aggr='add': stack along dim=-1 then sum
    x = jnp.stack([emb_writes, emb_cites], axis=-1)
    node_emb_paper = x.sum(axis=-1)
    return node_emb_paper

if __name__ == "__main__":
    import jax
    _d = setup_inputs()
    print(jax.jit(kernel)(*tuple(_d.values())))

</pallas_src>

<mosaic_0001>
#map = affine_map<(d0, d1) -> (0, 0)>
#map1 = affine_map<(d0, d1) -> (0, 0, 0)>
module attributes {stable_mosaic.version = 14 : i64} {
  func.func @_sc_body(%arg0: i32, %arg1: i32, %arg2: memref<20000x128xf32, #tpu.memory_space<hbm>>, %arg3: memref<20000x128xf32, #tpu.memory_space<hbm>>, %arg4: memref<16x80x128xi32, #tpu.memory_space<hbm>>, %arg5: memref<16x80x128xi32, #tpu.memory_space<hbm>>, %arg6: memref<16x80x128xi32, #tpu.memory_space<hbm>>, %arg7: memref<16x80x128xi32, #tpu.memory_space<hbm>>, %arg8: memref<128x128xf32, #tpu.memory_space<hbm>>, %arg9: memref<128x16xf32, #tpu.memory_space<hbm>>, %arg10: memref<128x16xf32, #tpu.memory_space<hbm>>, %arg11: memref<2x10112x128xf32, #tpu.memory_space<hbm>>, %arg12: memref<10112x16xf32, #tpu.memory_space<hbm>>, %arg13: memref<2x10112x128xf32, #tpu.memory_space<hbm>>, %arg14: memref<10112x16xf32, #tpu.memory_space<hbm>>, %arg15: memref<10112x128xf32, #tpu.memory_space<vmem_shared>>, %arg16: memref<10112x16xf32, #tpu.memory_space<vmem_shared>>, %arg17: memref<8x128xi32, #tpu.memory_space<vmem>>, %arg18: memref<8x128xi32, #tpu.memory_space<vmem>>, %arg19: memref<8x128xi32, #tpu.memory_space<vmem>>, %arg20: memref<8x128xi32, #tpu.memory_space<vmem>>, %arg21: memref<128x128xf32, #tpu.memory_space<vmem>>, %arg22: memref<128x128xf32, #tpu.memory_space<vmem>>, %arg23: memref<128x16xf32, #tpu.memory_space<vmem>>, %arg24: memref<!tpu.dma_semaphore, #tpu.memory_space<semaphore_mem>>, %arg25: memref<!tpu.dma_semaphore, #tpu.memory_space<semaphore_mem>>, %arg26: memref<!tpu.dma_semaphore, #tpu.memory_space<semaphore_mem>>, %arg27: memref<!tpu.dma_semaphore, #tpu.memory_space<semaphore_mem>>, %arg28: memref<!tpu.dma_semaphore, #tpu.memory_space<semaphore_mem>>) attributes {dimension_semantics = [#tpu.dimension_semantics<core_parallel>, #tpu.dimension_semantics<subcore_parallel>], iteration_bounds = array<i64: 2, 16>, scalar_prefetch = 0 : i64, scratch_operands = 14 : i64, tpu.core_type = #tpu.core_type<sc_vector_subcore>, window_params = [{transform_indices = #map}, {transform_indices = #map}, {transform_indices = #map1}, {transform_indices = #map1}, {transform_indices = #map1}, {transform_indices = #map1}, {transform_indices = #map}, {transform_indices = #map}, {transform_indices = #map}, {transform_indices = #map1}, {transform_indices = #map}, {transform_indices = #map1}, {transform_indices = #map}]} {
    "tpu.region"() ({
      %run_scoped3A = tpu.sem_alloc : memref<!tpu.dma_semaphore, #tpu.memory_space<semaphore_mem>>
      tpu.enqueue_dma source(%arg10 : memref<128x16xf32, #tpu.memory_space<hbm>>) target(%arg23 : memref<128x16xf32, #tpu.memory_space<vmem>>) target_semaphore(%run_scoped3A : memref<!tpu.dma_semaphore, #tpu.memory_space<semaphore_mem>>)
      tpu.wait_dma2 semaphore(%run_scoped3A : memref<!tpu.dma_semaphore, #tpu.memory_space<semaphore_mem>>) src(%arg10 : memref<128x16xf32, #tpu.memory_space<hbm>>) dst(%arg23 : memref<128x16xf32, #tpu.memory_space<vmem>>)
      tpu.yield
    }) : () -> ()
    %mul3A = arith.constant 632 : i32
    %mul3A_0 = arith.muli %arg1, %mul3A : i32
    %add3A = arith.constant 0 : i32
    %add3A_1 = arith.addi %mul3A_0, %add3A : i32
    "tpu.region"() ({
      %run_scoped3A = tpu.sem_alloc : memref<!tpu.dma_semaphore, #tpu.memory_space<semaphore_mem>>
      %dma_start3A_209 = arith.constant 0 : i32
      %dma_start3A_210 = tpu.memref_slice %arg15[%add3A_1, %dma_start3A_209] : memref<10112x128xf32, #tpu.memory_space<vmem_shared>> -> memref<128x128xf32, #tpu.memory_space<vmem_shared>>
      tpu.enqueue_dma source(%arg8 : memref<128x128xf32, #tpu.memory_space<hbm>>) target(%dma_start3A_210 : memref<128x128xf32, #tpu.memory_space<vmem_shared>>) target_semaphore(%run_scoped3A : memref<!tpu.dma_semaphore, #tpu.memory_space<semaphore_mem>>)
      %dma_wait3A_211 = arith.constant 0 : i32
      %dma_wait3A_212 = tpu.memref_slice %arg15[%add3A_1, %dma_wait3A_211] : memref<10112x128xf32, #tpu.memory_space<vmem_shared>> -> memref<128x128xf32, #tpu.memory_space<vmem_shared>>
      tpu.wait_dma2 semaphore(%run_scoped3A : memref<!tpu.dma_semaphore, #tpu.memory_space<semaphore_mem>>) src(%arg8 : memref<128x128xf32, #tpu.memory_space<hbm>>) dst(%dma_wait3A_212 : memref<128x128xf32, #tpu.memory_space<vmem_shared>>)
      tpu.yield
    }) : () -> ()
    %add3A_2 = arith.constant 0 : i32
    %add3A_3 = arith.addi %mul3A_0, %add3A_2 : i32
    "tpu.region"() ({
      %run_scoped3A = tpu.sem_alloc : memref<!tpu.dma_semaphore, #tpu.memory_space<semaphore_mem>>
      %dma_start3A_209 = arith.constant 0 : i32
      %dma_start3A_210 = tpu.memref_slice %arg16[%add3A_3, %dma_start3A_209] : memref<10112x16xf32, #tpu.memory_space<vmem_shared>> -> memref<128x16xf32, #tpu.memory_space<vmem_shared>>
      tpu.enqueue_dma source(%arg9 : memref<128x16xf32, #tpu.memory_space<hbm>>) target(%dma_start3A_210 : memref<128x16xf32, #tpu.memory_space<vmem_shared>>) target_semaphore(%run_scoped3A : memref<!tpu.dma_semaphore, #tpu.memory_space<semaphore_mem>>)
      %dma_wait3A_211 = arith.constant 0 : i32
      %dma_wait3A_212 = tpu.memref_slice %arg16[%add3A_3, %dma_wait3A_211] : memref<10112x16xf32, #tpu.memory_space<vmem_shared>> -> memref<128x16xf32, #tpu.memory_space<vmem_shared>>
      tpu.wait_dma2 semaphore(%run_scoped3A : memref<!tpu.dma_semaphore, #tpu.memory_space<semaphore_mem>>) src(%arg9 : memref<128x16xf32, #tpu.memory_space<hbm>>) dst(%dma_wait3A_212 : memref<128x16xf32, #tpu.memory_space<vmem_shared>>)
      tpu.yield
    }) : () -> ()
    %add3A_4 = arith.constant 128 : i32
    %add3A_5 = arith.addi %mul3A_0, %add3A_4 : i32
    "tpu.region"() ({
      %run_scoped3A = tpu.sem_alloc : memref<!tpu.dma_semaphore, #tpu.memory_space<semaphore_mem>>
      %dma_start3A_209 = arith.constant 0 : i32
      %dma_start3A_210 = tpu.memref_slice %arg15[%add3A_5, %dma_start3A_209] : memref<10112x128xf32, #tpu.memory_space<vmem_shared>> -> memref<128x128xf32, #tpu.memory_space<vmem_shared>>
      tpu.enqueue_dma source(%arg8 : memref<128x128xf32, #tpu.memory_space<hbm>>) target(%dma_start3A_210 : memref<128x128xf32, #tpu.memory_space<vmem_shared>>) target_semaphore(%run_scoped3A : memref<!tpu.dma_semaphore, #tpu.memory_space<semaphore_mem>>)
      %dma_wait3A_211 = arith.constant 0 : i32
      %dma_wait3A_212 = tpu.memref_slice %arg15[%add3A_5, %dma_wait3A_211] : memref<10112x128xf32, #tpu.memory_space<vmem_shared>> -> memref<128x128xf32, #tpu.memory_space<vmem_shared>>
      tpu.wait_dma2 semaphore(%run_scoped3A : memref<!tpu.dma_semaphore, #tpu.memory_space<semaphore_mem>>) src(%arg8 : memref<128x128xf32, #tpu.memory_space<hbm>>) dst(%dma_wait3A_212 : memref<128x128xf32, #tpu.memory_space<vmem_shared>>)
      tpu.yield
    }) : () -> ()
    %add3A_6 = arith.constant 128 : i32
    %add3A_7 = arith.addi %mul3A_0, %add3A_6 : i32
    "tpu.region"() ({
      %run_scoped3A = tpu.sem_alloc : memref<!tpu.dma_semaphore, #tpu.memory_space<semaphore_mem>>
      %dma_start3A_209 = arith.constant 0 : i32
      %dma_start3A_210 = tpu.memref_slice %arg16[%add3A_7, %dma_start3A_209] : memref<10112x16xf32, #tpu.memory_space<vmem_shared>> -> memref<128x16xf32, #tpu.memory_space<vmem_shared>>
      tpu.enqueue_dma source(%arg9 : memref<128x16xf32, #tpu.memory_space<hbm>>) target(%dma_start3A_210 : memref<128x16xf32, #tpu.memory_space<vmem_shared>>) target_semaphore(%run_scoped3A : memref<!tpu.dma_semaphore, #tpu.memory_space<semaphore_mem>>)
      %dma_wait3A_211 = arith.constant 0 : i32
      %dma_wait3A_212 = tpu.memref_slice %arg16[%add3A_7, %dma_wait3A_211] : memref<10112x16xf32, #tpu.memory_space<vmem_shared>> -> memref<128x16xf32, #tpu.memory_space<vmem_shared>>
      tpu.wait_dma2 semaphore(%run_scoped3A : memref<!tpu.dma_semaphore, #tpu.memory_space<semaphore_mem>>) src(%arg9 : memref<128x16xf32, #tpu.memory_space<hbm>>) dst(%dma_wait3A_212 : memref<128x16xf32, #tpu.memory_space<vmem_shared>>)
      tpu.yield
    }) : () -> ()
    %add3A_8 = arith.constant 256 : i32
    %add3A_9 = arith.addi %mul3A_0, %add3A_8 : i32
    "tpu.region"() ({
      %run_scoped3A = tpu.sem_alloc : memref<!tpu.dma_semaphore, #tpu.memory_space<semaphore_mem>>
      %dma_start3A_209 = arith.constant 0 : i32
      %dma_start3A_210 = tpu.memref_slice %arg15[%add3A_9, %dma_start3A_209] : memref<10112x128xf32, #tpu.memory_space<vmem_shared>> -> memref<128x128xf32, #tpu.memory_space<vmem_shared>>
      tpu.enqueue_dma source(%arg8 : memref<128x128xf32, #tpu.memory_space<hbm>>) target(%dma_start3A_210 : memref<128x128xf32, #tpu.memory_space<vmem_shared>>) target_semaphore(%run_scoped3A : memref<!tpu.dma_semaphore, #tpu.memory_space<semaphore_mem>>)
      %dma_wait3A_211 = arith.constant 0 : i32
      %dma_wait3A_212 = tpu.memref_slice %arg15[%add3A_9, %dma_wait3A_211] : memref<10112x128xf32, #tpu.memory_space<vmem_shared>> -> memref<128x128xf32, #tpu.memory_space<vmem_shared>>
      tpu.wait_dma2 semaphore(%run_scoped3A : memref<!tpu.dma_semaphore, #tpu.memory_space<semaphore_mem>>) src(%arg8 : memref<128x128xf32, #tpu.memory_space<hbm>>) dst(%dma_wait3A_212 : memref<128x128xf32, #tpu.memory_space<vmem_shared>>)
      tpu.yield
    }) : () -> ()
    %add3A_10 = arith.constant 256 : i32
    %add3A_11 = arith.addi %mul3A_0, %add3A_10 : i32
    "tpu.region"() ({
      %run_scoped3A = tpu.sem_alloc : memref<!tpu.dma_semaphore, #tpu.memory_space<semaphore_mem>>
      %dma_start3A_209 = arith.constant 0 : i32
      %dma_start3A_210 = tpu.memref_slice %arg16[%add3A_11, %dma_start3A_209] : memref<10112x16xf32, #tpu.memory_space<vmem_shared>> -> memref<128x16xf32, #tpu.memory_space<vmem_shared>>
      tpu.enqueue_dma source(%arg9 : memref<128x16xf32, #tpu.memory_space<hbm>>) target(%dma_start3A_210 : memref<128x16xf32, #tpu.memory_space<vmem_shared>>) target_semaphore(%run_scoped3A : memref<!tpu.dma_semaphore, #tpu.memory_space<semaphore_mem>>)
      %dma_wait3A_211 = arith.constant 0 : i32
      %dma_wait3A_212 = tpu.memref_slice %arg16[%add3A_11, %dma_wait3A_211] : memref<10112x16xf32, #tpu.memory_space<vmem_shared>> -> memref<128x16xf32, #tpu.memory_space<vmem_shared>>
      tpu.wait_dma2 semaphore(%run_scoped3A : memref<!tpu.dma_semaphore, #tpu.memory_space<semaphore_mem>>) src(%arg9 : memref<128x16xf32, #tpu.memory_space<hbm>>) dst(%dma_wait3A_212 : memref<128x16xf32, #tpu.memory_space<vmem_shared>>)
      tpu.yield
    }) : () -> ()
    %add3A_12 = arith.constant 384 : i32
    %add3A_13 = arith.addi %mul3A_0, %add3A_12 : i32
    "tpu.region"() ({
      %run_scoped3A = tpu.sem_alloc : memref<!tpu.dma_semaphore, #tpu.memory_space<semaphore_mem>>
      %dma_start3A_209 = arith.constant 0 : i32
      %dma_start3A_210 = tpu.memref_slice %arg15[%add3A_13, %dma_start3A_209] : memref<10112x128xf32, #tpu.memory_space<vmem_shared>> -> memref<128x128xf32, #tpu.memory_space<vmem_shared>>
      tpu.enqueue_dma source(%arg8 : memref<128x128xf32, #tpu.memory_space<hbm>>) target(%dma_start3A_210 : memref<128x128xf32, #tpu.memory_space<vmem_shared>>) target_semaphore(%run_scoped3A : memref<!tpu.dma_semaphore, #tpu.memory_space<semaphore_mem>>)
      %dma_wait3A_211 = arith.constant 0 : i32
      %dma_wait3A_212 = tpu.memref_slice %arg15[%add3A_13, %dma_wait3A_211] : memref<10112x128xf32, #tpu.memory_space<vmem_shared>> -> memref<128x128xf32, #tpu.memory_space<vmem_shared>>
      tpu.wait_dma2 semaphore(%run_scoped3A : memref<!tpu.dma_semaphore, #tpu.memory_space<semaphore_mem>>) src(%arg8 : memref<128x128xf32, #tpu.memory_space<hbm>>) dst(%dma_wait3A_212 : memref<128x128xf32, #tpu.memory_space<vmem_shared>>)
      tpu.yield
    }) : () -> ()
    %add3A_14 = arith.constant 384 : i32
    %add3A_15 = arith.addi %mul3A_0, %add3A_14 : i32
    "tpu.region"() ({
      %run_scoped3A = tpu.sem_alloc : memref<!tpu.dma_semaphore, #tpu.memory_space<semaphore_mem>>
      %dma_start3A_209 = arith.constant 0 : i32
      %dma_start3A_210 = tpu.memref_slice %arg16[%add3A_15, %dma_start3A_209] : memref<10112x16xf32, #tpu.memory_space<vmem_shared>> -> memref<128x16xf32, #tpu.memory_space<vmem_shared>>
      tpu.enqueue_dma source(%arg9 : memref<128x16xf32, #tpu.memory_space<hbm>>) target(%dma_start3A_210 : memref<128x16xf32, #tpu.memory_space<vmem_shared>>) target_semaphore(%run_scoped3A : memref<!tpu.dma_semaphore, #tpu.memory_space<semaphore_mem>>)
      %dma_wait3A_211 = arith.constant 0 : i32
      %dma_wait3A_212 = tpu.memref_slice %arg16[%add3A_15, %dma_wait3A_211] : memref<10112x16xf32, #tpu.memory_space<vmem_shared>> -> memref<128x16xf32, #tpu.memory_space<vmem_shared>>
      tpu.wait_dma2 semaphore(%run_scoped3A : memref<!tpu.dma_semaphore, #tpu.memory_space<semaphore_mem>>) src(%arg9 : memref<128x16xf32, #tpu.memory_space<hbm>>) dst(%dma_wait3A_212 : memref<128x16xf32, #tpu.memory_space<vmem_shared>>)
      tpu.yield
    }) : () -> ()
    %add3A_16 = arith.constant 512 : i32
    %add3A_17 = arith.addi %mul3A_0, %add3A_16 : i32
    "tpu.region"() ({
      %run_scoped3A = tpu.sem_alloc : memref<!tpu.dma_semaphore, #tpu.memory_space<semaphore_mem>>
      %dma_start3A_209 = arith.constant 0 : i32
      %dma_start3A_210 = tpu.memref_slice %arg15[%add3A_17, %dma_start3A_209] : memref<10112x128xf32, #tpu.memory_space<vmem_shared>> -> memref<120x128xf32, #tpu.memory_space<vmem_shared>>
      %dma_start3A_211 = arith.constant 0 : i32
      %dma_start3A_212 = arith.constant 0 : i32
      %dma_start3A_213 = tpu.memref_slice %arg8[%dma_start3A_211, %dma_start3A_212] : memref<128x128xf32, #tpu.memory_space<hbm>> -> memref<120x128xf32, #tpu.memory_space<hbm>>
      tpu.enqueue_dma source(%dma_start3A_213 : memref<120x128xf32, #tpu.memory_space<hbm>>) target(%dma_start3A_210 : memref<120x128xf32, #tpu.memory_space<vmem_shared>>) target_semaphore(%run_scoped3A : memref<!tpu.dma_semaphore, #tpu.memory_space<semaphore_mem>>)
      %dma_wait3A_214 = arith.constant 0 : i32
      %dma_wait3A_215 = tpu.memref_slice %arg15[%add3A_17, %dma_wait3A_214] : memref<10112x128xf32, #tpu.memory_space<vmem_shared>> -> memref<120x128xf32, #tpu.memory_space<vmem_shared>>
      %dma_wait3A_216 = arith.constant 0 : i32
      %dma_wait3A_217 = arith.constant 0 : i32
      %dma_wait3A_218 = tpu.memref_slice %arg8[%dma_wait3A_216, %dma_wait3A_217] : memref<128x128xf32, #tpu.memory_space<hbm>> -> memref<120x128xf32, #tpu.memory_space<hbm>>
      tpu.wait_dma2 semaphore(%run_scoped3A : memref<!tpu.dma_semaphore, #tpu.memory_space<semaphore_mem>>) src(%dma_wait3A_218 : memref<120x128xf32, #tpu.memory_space<hbm>>) dst(%dma_wait3A_215 : memref<120x128xf32, #tpu.memory_space<vmem_shared>>)
      tpu.yield
    }) : () -> ()
    %add3A_18 = arith.constant 512 : i32
    %add3A_19 = arith.addi %mul3A_0, %add3A_18 : i32
    "tpu.region"() ({
      %run_scoped3A = tpu.sem_alloc : memref<!tpu.dma_semaphore, #tpu.memory_space<semaphore_mem>>
      %dma_start3A_209 = arith.constant 0 : i32
      %dma_start3A_210 = tpu.memref_slice %arg16[%add3A_19, %dma_start3A_209] : memref<10112x16xf32, #tpu.memory_space<vmem_shared>> -> memref<120x16xf32, #tpu.memory_space<vmem_shared>>
      %dma_start3A_211 = arith.constant 0 : i32
      %dma_start3A_212 = arith.constant 0 : i32
      %dma_start3A_213 = tpu.memref_slice %arg9[%dma_start3A_211, %dma_start3A_212] : memref<128x16xf32, #tpu.memory_space<hbm>> -> memref<120x16xf32, #tpu.memory_space<hbm>>
      tpu.enqueue_dma source(%dma_start3A_213 : memref<120x16xf32, #tpu.memory_space<hbm>>) target(%dma_start3A_210 : memref<120x16xf32, #tpu.memory_space<vmem_shared>>) target_semaphore(%run_scoped3A : memref<!tpu.dma_semaphore, #tpu.memory_space<semaphore_mem>>)
      %dma_wait3A_214 = arith.constant 0 : i32
      %dma_wait3A_215 = tpu.memref_slice %arg16[%add3A_19, %dma_wait3A_214] : memref<10112x16xf32, #tpu.memory_space<vmem_shared>> -> memref<120x16xf32, #tpu.memory_space<vmem_shared>>
      %dma_wait3A_216 = arith.constant 0 : i32
      %dma_wait3A_217 = arith.constant 0 : i32
      %dma_wait3A_218 = tpu.memref_slice %arg9[%dma_wait3A_216, %dma_wait3A_217] : memref<128x16xf32, #tpu.memory_space<hbm>> -> memref<120x16xf32, #tpu.memory_space<hbm>>
      tpu.wait_dma2 semaphore(%run_scoped3A : memref<!tpu.dma_semaphore, #tpu.memory_space<semaphore_mem>>) src(%dma_wait3A_218 : memref<120x16xf32, #tpu.memory_space<hbm>>) dst(%dma_wait3A_215 : memref<120x16xf32, #tpu.memory_space<vmem_shared>>)
      tpu.yield
    }) : () -> ()
    %barrier3A = arith.constant 0 : index
    tpu.barrier barrier_id(%barrier3A)
    %eq3A = arith.constant 0 : i32
    %eq3A_20 = arith.cmpi eq, %arg0, %eq3A : i32
    %dma_start3A = arith.constant 0 : i32
    %dma_start3A_21 = arith.constant 0 : i32
    %dma_start3A_22 = tpu.memref_slice %arg4[%arg1, %dma_start3A, %dma_start3A_21] : memref<16x80x128xi32, #tpu.memory_space<hbm>> -> memref<1x8x128xi32, #tpu.memory_space<hbm>>
    %dma_start3A_23 = tpu.memref_squeeze %dma_start3A_22 : memref<1x8x128xi32, #tpu.memory_space<hbm>> -> memref<8x128xi32, #tpu.memory_space<hbm>>
    %dma_start3A_24 = arith.constant 0 : i32
    %dma_start3A_25 = arith.constant 0 : i32
    %dma_start3A_26 = tpu.memref_slice %arg4[%arg1, %dma_start3A_24, %dma_start3A_25] : memref<16x80x128xi32, #tpu.memory_space<hbm>> -> memref<1x8x128xi32, #tpu.memory_space<hbm>>
    %dma_start3A_27 = tpu.memref_squeeze %dma_start3A_26 : memref<1x8x128xi32, #tpu.memory_space<hbm>> -> memref<8x128xi32, #tpu.memory_space<hbm>>
    tpu.enqueue_dma source(%dma_start3A_27 : memref<8x128xi32, #tpu.memory_space<hbm>>) target(%arg17 : memref<8x128xi32, #tpu.memory_space<vmem>>) target_semaphore(%arg26 : memref<!tpu.dma_semaphore, #tpu.memory_space<semaphore_mem>>)
    %dma_start3A_28 = arith.constant 0 : i32
    %dma_start3A_29 = arith.constant 0 : i32
    %dma_start3A_30 = tpu.memref_slice %arg5[%arg1, %dma_start3A_28, %dma_start3A_29] : memref<16x80x128xi32, #tpu.memory_space<hbm>> -> memref<1x8x128xi32, #tpu.memory_space<hbm>>
    %dma_start3A_31 = tpu.memref_squeeze %dma_start3A_30 : memref<1x8x128xi32, #tpu.memory_space<hbm>> -> memref<8x128xi32, #tpu.memory_space<hbm>>
    %dma_start3A_32 = arith.constant 0 : i32
    %dma_start3A_33 = arith.constant 0 : i32
    %dma_start3A_34 = tpu.memref_slice %arg5[%arg1, %dma_start3A_32, %dma_start3A_33] : memref<16x80x128xi32, #tpu.memory_space<hbm>> -> memref<1x8x128xi32, #tpu.memory_space<hbm>>
    %dma_start3A_35 = tpu.memref_squeeze %dma_start3A_34 : memref<1x8x128xi32, #tpu.memory_space<hbm>> -> memref<8x128xi32, #tpu.memory_space<hbm>>
    tpu.enqueue_dma source(%dma_start3A_35 : memref<8x128xi32, #tpu.memory_space<hbm>>) target(%arg19 : memref<8x128xi32, #tpu.memory_space<vmem>>) target_semaphore(%arg26 : memref<!tpu.dma_semaphore, #tpu.memory_space<semaphore_mem>>)
    %dma_wait3A = arith.constant 0 : i32
    %dma_wait3A_36 = arith.constant 0 : i32
    %dma_wait3A_37 = tpu.memref_slice %arg4[%arg1, %dma_wait3A, %dma_wait3A_36] : memref<16x80x128xi32, #tpu.memory_space<hbm>> -> memref<1x8x128xi32, #tpu.memory_space<hbm>>
    %dma_wait3A_38 = tpu.memref_squeeze %dma_wait3A_37 : memref<1x8x128xi32, #tpu.memory_space<hbm>> -> memref<8x128xi32, #tpu.memory_space<hbm>>
    %dma_wait3A_39 = arith.constant 0 : i32
    %dma_wait3A_40 = arith.constant 0 : i32
    %dma_wait3A_41 = tpu.memref_slice %arg4[%arg1, %dma_wait3A_39, %dma_wait3A_40] : memref<16x80x128xi32, #tpu.memory_space<hbm>> -> memref<1x8x128xi32, #tpu.memory_space<hbm>>
    %dma_wait3A_42 = tpu.memref_squeeze %dma_wait3A_41 : memref<1x8x128xi32, #tpu.memory_space<hbm>> -> memref<8x128xi32, #tpu.memory_space<hbm>>
    tpu.wait_dma2 semaphore(%arg26 : memref<!tpu.dma_semaphore, #tpu.memory_space<semaphore_mem>>) src(%dma_wait3A_42 : memref<8x128xi32, #tpu.memory_space<hbm>>) dst(%arg17 : memref<8x128xi32, #tpu.memory_space<vmem>>)
    %dma_wait3A_43 = arith.constant 0 : i32
    %dma_wait3A_44 = arith.constant 0 : i32
    %dma_wait3A_45 = tpu.memref_slice %arg5[%arg1, %dma_wait3A_43, %dma_wait3A_44] : memref<16x80x128xi32, #tpu.memory_space<hbm>> -> memref<1x8x128xi32, #tpu.memory_space<hbm>>
    %dma_wait3A_46 = tpu.memref_squeeze %dma_wait3A_45 : memref<1x8x128xi32, #tpu.memory_space<hbm>> -> memref<8x128xi32, #tpu.memory_space<hbm>>
    %dma_wait3A_47 = arith.constant 0 : i32
    %dma_wait3A_48 = arith.constant 0 : i32
    %dma_wait3A_49 = tpu.memref_slice %arg5[%arg1, %dma_wait3A_47, %dma_wait3A_48] : memref<16x80x128xi32, #tpu.memory_space<hbm>> -> memref<1x8x128xi32, #tpu.memory_space<hbm>>
    %dma_wait3A_50 = tpu.memref_squeeze %dma_wait3A_49 : memref<1x8x128xi32, #tpu.memory_space<hbm>> -> memref<8x128xi32, #tpu.memory_space<hbm>>
    tpu.wait_dma2 semaphore(%arg26 : memref<!tpu.dma_semaphore, #tpu.memory_space<semaphore_mem>>) src(%dma_wait3A_50 : memref<8x128xi32, #tpu.memory_space<hbm>>) dst(%arg19 : memref<8x128xi32, #tpu.memory_space<vmem>>)
    %scan3A = arith.constant 0 : i32
    %scan3A_51 = arith.constant 0 : i32
    %scan3A_52 = arith.constant 8 : i32
    %scan3A_53 = arith.addi %scan3A_51, %scan3A_52 : i32
    %scan3A_54 = arith.constant 1 : i32
    %scan3A_55 = scf.for %scan3A_209 = %scan3A_51 to %scan3A_53 step %scan3A_54 iter_args(%scan3A_210 = %scan3A) -> (i32)  : i32 {
      %get3A = arith.index_cast %scan3A_209 : i32 to index
      %get3A_211 = arith.constant 0 : index
      %get3A_212 = tpu.vector_load %arg17[%get3A, %get3A_211] {strides = array<i32>} : memref<8x128xi32, #tpu.memory_space<vmem>>, vector<1x16xi32>,
      %get3A_213 = vector.shape_cast %get3A_212 : vector<1x16xi32> to vector<16xi32>
      %add3A_214 = arith.addi %get3A_213, %get3A_213 : vector<16xi32>
      %add3A_215 = vector.broadcast %arg0 : i32 to vector<16xi32>
      %add3A_216 = arith.addi %add3A_214, %add3A_215 : vector<16xi32>
      %swap3A = arith.index_cast %scan3A_209 : i32 to index
      %swap3A_217 = arith.constant 0 : index
      %swap3A_218 = tpu.vector_load %arg17[%swap3A, %swap3A_217] {strides = array<i32>} : memref<8x128xi32, #tpu.memory_space<vmem>>, vector<1x16xi32>,
      %swap3A_219 = vector.shape_cast %swap3A_218 : vector<1x16xi32> to vector<16xi32>
      %swap3A_220 = vector.shape_cast %add3A_216 : vector<16xi32> to vector<1x16xi32>
      tpu.vector_store %arg17[%swap3A, %swap3A_217], %swap3A_220 {strides = array<i32>} : memref<8x128xi32, #tpu.memory_space<vmem>>, vector<1x16xi32>,
      %get3A_221 = arith.index_cast %scan3A_209 : i32 to index
      %get3A_222 = arith.constant 16 : index
      %get3A_223 = tpu.vector_load %arg17[%get3A_221, %get3A_222] {strides = array<i32>} : memref<8x128xi32, #tpu.memory_space<vmem>>, vector<1x16xi32>,
      %get3A_224 = vector.shape_cast %get3A_223 : vector<1x16xi32> to vector<16xi32>
      %add3A_225 = arith.addi %get3A_224, %get3A_224 : vector<16xi32>
      %add3A_226 = vector.broadcast %arg0 : i32 to vector<16xi32>
      %add3A_227 = arith.addi %add3A_225, %add3A_226 : vector<16xi32>
      %swap3A_228 = arith.index_cast %scan3A_209 : i32 to index
      %swap3A_229 = arith.constant 16 : index
      %swap3A_230 = tpu.vector_load %arg17[%swap3A_228, %swap3A_229] {strides = array<i32>} : memref<8x128xi32, #tpu.memory_space<vmem>>, vector<1x16xi32>,
      %swap3A_231 = vector.shape_cast %swap3A_230 : vector<1x16xi32> to vector<16xi32>
      %swap3A_232 = vector.shape_cast %add3A_227 : vector<16xi32> to vector<1x16xi32>
      tpu.vector_store %arg17[%swap3A_228, %swap3A_229], %swap3A_232 {strides = array<i32>} : memref<8x128xi32, #tpu.memory_space<vmem>>, vector<1x16xi32>,
      %get3A_233 = arith.index_cast %scan3A_209 : i32 to index
      %get3A_234 = arith.constant 32 : index
      %get3A_235 = tpu.vector_load %arg17[%get3A_233, %get3A_234] {strides = array<i32>} : memref<8x128xi32, #tpu.memory_space<vmem>>, vector<1x16xi32>,
      %get3A_236 = vector.shape_cast %get3A_235 : vector<1x16xi32> to vector<16xi32>
      %add3A_237 = arith.addi %get3A_236, %get3A_236 : vector<16xi32>
      %add3A_238 = vector.broadcast %arg0 : i32 to vector<16xi32>
      %add3A_239 = arith.addi %add3A_237, %add3A_238 : vector<16xi32>
      %swap3A_240 = arith.index_cast %scan3A_209 : i32 to index
      %swap3A_241 = arith.constant 32 : index
      %swap3A_242 = tpu.vector_load %arg17[%swap3A_240, %swap3A_241] {strides = array<i32>} : memref<8x128xi32, #tpu.memory_space<vmem>>, vector<1x16xi32>,
      %swap3A_243 = vector.shape_cast %swap3A_242 : vector<1x16xi32> to vector<16xi32>
      %swap3A_244 = vector.shape_cast %add3A_239 : vector<16xi32> to vector<1x16xi32>
      tpu.vector_store %arg17[%swap3A_240, %swap3A_241], %swap3A_244 {strides = array<i32>} : memref<8x128xi32, #tpu.memory_space<vmem>>, vector<1x16xi32>,
      %get3A_245 = arith.index_cast %scan3A_209 : i32 to index
      %get3A_246 = arith.constant 48 : index
      %get3A_247 = tpu.vector_load %arg17[%get3A_245, %get3A_246] {strides = array<i32>} : memref<8x128xi32, #tpu.memory_space<vmem>>, vector<1x16xi32>,
      %get3A_248 = vector.shape_cast %get3A_247 : vector<1x16xi32> to vector<16xi32>
      %add3A_249 = arith.addi %get3A_248, %get3A_248 : vector<16xi32>
      %add3A_250 = vector.broadcast %arg0 : i32 to vector<16xi32>
      %add3A_251 = arith.addi %add3A_249, %add3A_250 : vector<16xi32>
      %swap3A_252 = arith.index_cast %scan3A_209 : i32 to index
      %swap3A_253 = arith.constant 48 : index
      %swap3A_254 = tpu.vector_load %arg17[%swap3A_252, %swap3A_253] {strides = array<i32>} : memref<8x128xi32, #tpu.memory_space<vmem>>, vector<1x16xi32>,
      %swap3A_255 = vector.shape_cast %swap3A_254 : vector<1x16xi32> to vector<16xi32>
      %swap3A_256 = vector.shape_cast %add3A_251 : vector<16xi32> to vector<1x16xi32>
      tpu.vector_store %arg17[%swap3A_252, %swap3A_253], %swap3A_256 {strides = array<i32>} : memref<8x128xi32, #tpu.memory_space<vmem>>, vector<1x16xi32>,
      %get3A_257 = arith.index_cast %scan3A_209 : i32 to index
      %get3A_258 = arith.constant 64 : index
      %get3A_259 = tpu.vector_load %arg17[%get3A_257, %get3A_258] {strides = array<i32>} : memref<8x128xi32, #tpu.memory_space<vmem>>, vector<1x16xi32>,
      %get3A_260 = vector.shape_cast %get3A_259 : vector<1x16xi32> to vector<16xi32>
      %add3A_261 = arith.addi %get3A_260, %get3A_260 : vector<16xi32>
      %add3A_262 = vector.broadcast %arg0 : i32 to vector<16xi32>
      %add3A_263 = arith.addi %add3A_261, %add3A_262 : vector<16xi32>
      %swap3A_264 = arith.index_cast %scan3A_209 : i32 to index
      %swap3A_265 = arith.constant 64 : index
      %swap3A_266 = tpu.vector_load %arg17[%swap3A_264, %swap3A_265] {strides = array<i32>} : memref<8x128xi32, #tpu.memory_space<vmem>>, vector<1x16xi32>,
      %swap3A_267 = vector.shape_cast %swap3A_266 : vector<1x16xi32> to vector<16xi32>
      %swap3A_268 = vector.shape_cast %add3A_263 : vector<16xi32> to vector<1x16xi32>
      tpu.vector_store %arg17[%swap3A_264, %swap3A_265], %swap3A_268 {strides = array<i32>} : memref<8x128xi32, #tpu.memory_space<vmem>>, vector<1x16xi32>,
      %get3A_269 = arith.index_cast %scan3A_209 : i32 to index
      %get3A_270 = arith.constant 80 : index
      %get3A_271 = tpu.vector_load %arg17[%get3A_269, %get3A_270] {strides = array<i32>} : memref<8x128xi32, #tpu.memory_space<vmem>>, vector<1x16xi32>,
      %get3A_272 = vector.shape_cast %get3A_271 : vector<1x16xi32> to vector<16xi32>
      %add3A_273 = arith.addi %get3A_272, %get3A_272 : vector<16xi32>
      %add3A_274 = vector.broadcast %arg0 : i32 to vector<16xi32>
      %add3A_275 = arith.addi %add3A_273, %add3A_274 : vector<16xi32>
      %swap3A_276 = arith.index_cast %scan3A_209 : i32 to index
      %swap3A_277 = arith.constant 80 : index
      %swap3A_278 = tpu.vector_load %arg17[%swap3A_276, %swap3A_277] {strides = array<i32>} : memref<8x128xi32, #tpu.memory_space<vmem>>, vector<1x16xi32>,
      %swap3A_279 = vector.shape_cast %swap3A_278 : vector<1x16xi32> to vector<16xi32>
      %swap3A_280 = vector.shape_cast %add3A_275 : vector<16xi32> to vector<1x16xi32>
      tpu.vector_store %arg17[%swap3A_276, %swap3A_277], %swap3A_280 {strides = array<i32>} : memref<8x128xi32, #tpu.memory_space<vmem>>, vector<1x16xi32>,
      %get3A_281 = arith.index_cast %scan3A_209 : i32 to index
      %get3A_282 = arith.constant 96 : index
      %get3A_283 = tpu.vector_load %arg17[%get3A_281, %get3A_282] {strides = array<i32>} : memref<8x128xi32, #tpu.memory_space<vmem>>, vector<1x16xi32>,
      %get3A_284 = vector.shape_cast %get3A_283 : vector<1x16xi32> to vector<16xi32>
      %add3A_285 = arith.addi %get3A_284, %get3A_284 : vector<16xi32>
      %add3A_286 = vector.broadcast %arg0 : i32 to vector<16xi32>
      %add3A_287 = arith.addi %add3A_285, %add3A_286 : vector<16xi32>
      %swap3A_288 = arith.index_cast %scan3A_209 : i32 to index
      %swap3A_289 = arith.constant 96 : index
      %swap3A_290 = tpu.vector_load %arg17[%swap3A_288, %swap3A_289] {strides = array<i32>} : memref<8x128xi32, #tpu.memory_space<vmem>>, vector<1x16xi32>,
      %swap3A_291 = vector.shape_cast %swap3A_290 : vector<1x16xi32> to vector<16xi32>
      %swap3A_292 = vector.shape_cast %add3A_287 : vector<16xi32> to vector<1x16xi32>
      tpu.vector_store %arg17[%swap3A_288, %swap3A_289], %swap3A_292 {strides = array<i32>} : memref<8x128xi32, #tpu.memory_space<vmem>>, vector<1x16xi32>,
      %get3A_293 = arith.index_cast %scan3A_209 : i32 to index
      %get3A_294 = arith.constant 112 : index
      %get3A_295 = tpu.vector_load %arg17[%get3A_293, %get3A_294] {strides = array<i32>} : memref<8x128xi32, #tpu.memory_space<vmem>>, vector<1x16xi32>,
      %get3A_296 = vector.shape_cast %get3A_295 : vector<1x16xi32> to vector<16xi32>
      %add3A_297 = arith.addi %get3A_296, %get3A_296 : vector<16xi32>
      %add3A_298 = vector.broadcast %arg0 : i32 to vector<16xi32>
      %add3A_299 = arith.addi %add3A_297, %add3A_298 : vector<16xi32>
      %swap3A_300 = arith.index_cast %scan3A_209 : i32 to index
      %swap3A_301 = arith.constant 112 : index
      %swap3A_302 = tpu.vector_load %arg17[%swap3A_300, %swap3A_301] {strides = array<i32>} : memref<8x128xi32, #tpu.memory_space<vmem>>, vector<1x16xi32>,
      %swap3A_303 = vector.shape_cast %swap3A_302 : vector<1x16xi32> to vector<16xi32>
      %swap3A_304 = vector.shape_cast %add3A_299 : vector<16xi32> to vector<1x16xi32>
      tpu.vector_store %arg17[%swap3A_300, %swap3A_301], %swap3A_304 {strides = array<i32>} : memref<8x128xi32, #tpu.memory_space<vmem>>, vector<1x16xi32>,
      %scan3A_305 = arith.constant 0 : i32
      scf.yield %scan3A_305 : i32
    }
    %scan3A_56 = arith.constant 8 : i32
    %dma_start3A_57 = arith.constant 8 : i32
    %dma_start3A_58 = arith.constant 0 : i32
    %dma_start3A_59 = tpu.memref_slice %arg4[%arg1, %dma_start3A_57, %dma_start3A_58] : memref<16x80x128xi32, #tpu.memory_space<hbm>> -> memref<1x8x128xi32, #tpu.memory_space<hbm>>
    %dma_start3A_60 = tpu.memref_squeeze %dma_start3A_59 : memref<1x8x128xi32, #tpu.memory_space<hbm>> -> memref<8x128xi32, #tpu.memory_space<hbm>>
    %dma_start3A_61 = arith.constant 8 : i32
    %dma_start3A_62 = arith.constant 0 : i32
    %dma_start3A_63 = tpu.memref_slice %arg4[%arg1, %dma_start3A_61, %dma_start3A_62] : memref<16x80x128xi32, #tpu.memory_space<hbm>> -> memref<1x8x128xi32, #tpu.memory_space<hbm>>
    %dma_start3A_64 = tpu.memref_squeeze %dma_start3A_63 : memref<1x8x128xi32, #tpu.memory_space<hbm>> -> memref<8x128xi32, #tpu.memory_space<hbm>>
    tpu.enqueue_dma source(%dma_start3A_64 : memref<8x128xi32, #tpu.memory_space<hbm>>) target(%arg18 : memref<8x128xi32, #tpu.memory_space<vmem>>) target_semaphore(%arg27 : memref<!tpu.dma_semaphore, #tpu.memory_space<semaphore_mem>>)
    %dma_start3A_65 = arith.constant 8 : i32
    %dma_start3A_66 = arith.constant 0 : i32
    %dma_start3A_67 = tpu.memref_slice %arg5[%arg1, %dma_start3A_65, %dma_start3A_66] : memref<16x80x128xi32, #tpu.memory_space<hbm>> -> memref<1x8x128xi32, #tpu.memory_space<hbm>>
    %dma_start3A_68 = tpu.memref_squeeze %dma_start3A_67 : memref<1x8x128xi32, #tpu.memory_space<hbm>> -> memref<8x128xi32, #tpu.memory_space<hbm>>
    %dma_start3A_69 = arith.constant 8 : i32
    %dma_start3A_70 = arith.constant 0 : i32
    %dma_start3A_71 = tpu.memref_slice %arg5[%arg1, %dma_start3A_69, %dma_start3A_70] : memref<16x80x128xi32, #tpu.memory_space<hbm>> -> memref<1x8x128xi32, #tpu.memory_space<hbm>>
    %dma_start3A_72 = tpu.memref_squeeze %dma_start3A_71 : memref<1x8x128xi32, #tpu.memory_space<hbm>> -> memref<8x128xi32, #tpu.memory_space<hbm>>
    tpu.enqueue_dma source(%dma_start3A_72 : memref<8x128xi32, #tpu.memory_space<hbm>>) target(%arg20 : memref<8x128xi32, #tpu.memory_space<vmem>>) target_semaphore(%arg27 : memref<!tpu.dma_semaphore, #tpu.memory_space<semaphore_mem>>)
    %dma_start3A_73 = arith.constant 0 : i32
    %dma_start3A_74 = arith.constant 0 : i32
    %dma_start3A_75 = tpu.memref_slice %arg17[%dma_start3A_73, %dma_start3A_74] : memref<8x128xi32, #tpu.memory_space<vmem>> -> memref<1x128xi32, #tpu.memory_space<vmem>>
    %dma_start3A_76 = tpu.memref_squeeze %dma_start3A_75 : memref<1x128xi32, #tpu.memory_space<vmem>> -> memref<128xi32, #tpu.memory_space<vmem>>
    %dma_start3A_77 = arith.constant 0 : i32
    %dma_start3A_78 = arith.constant 0 : i32
    %dma_start3A_79 = tpu.memref_slice %arg2[%dma_start3A_77, %dma_start3A_78] : memref<20000x128xf32, #tpu.memory_space<hbm>> -> memref<20000x128xf32, #tpu.memory_space<hbm>>
    tpu.enqueue_indirect_dma source(%dma_start3A_79 : memref<20000x128xf32, #tpu.memory_space<hbm>>) target(%arg21 : memref<128x128xf32, #tpu.memory_space<vmem>>) offsets(%dma_start3A_76 : memref<128xi32, #tpu.memory_space<vmem>>) semaphore(%arg24 : memref<!tpu.dma_semaphore, #tpu.memory_space<semaphore_mem>>)
    %dma_start3A_80 = arith.constant 1 : i32
    %dma_start3A_81 = arith.constant 0 : i32
    %dma_start3A_82 = tpu.memref_slice %arg17[%dma_start3A_80, %dma_start3A_81] : memref<8x128xi32, #tpu.memory_space<vmem>> -> memref<1x128xi32, #tpu.memory_space<vmem>>
    %dma_start3A_83 = tpu.memref_squeeze %dma_start3A_82 : memref<1x128xi32, #tpu.memory_space<vmem>> -> memref<128xi32, #tpu.memory_space<vmem>>
    %dma_start3A_84 = arith.constant 0 : i32
    %dma_start3A_85 = arith.constant 0 : i32
    %dma_start3A_86 = tpu.memref_slice %arg2[%dma_start3A_84, %dma_start3A_85] : memref<20000x128xf32, #tpu.memory_space<hbm>> -> memref<20000x128xf32, #tpu.memory_space<hbm>>
    tpu.enqueue_indirect_dma source(%dma_start3A_86 : memref<20000x128xf32, #tpu.memory_space<hbm>>) target(%arg22 : memref<128x128xf32, #tpu.memory_space<vmem>>) offsets(%dma_start3A_83 : memref<128xi32, #tpu.memory_space<vmem>>) semaphore(%arg25 : memref<!tpu.dma_semaphore, #tpu.memory_space<semaphore_mem>>)
    %scan3A_87 = arith.constant 0 : i32
    %scan3A_88 = arith.constant 0 : i32
    %scan3A_89 = arith.constant 5 : i32
    %scan3A_90 = arith.addi %scan3A_88, %scan3A_89 : i32
    %scan3A_91 = arith.constant 1 : i32
    %scan3A_92 = scf.for %scan3A_209 = %scan3A_88 to %scan3A_90 step %scan3A_91 iter_args(%scan3A_210 = %scan3A_87) -> (i32)  : i32 {
      %mul3A_211 = arith.constant 2 : i32
      %mul3A_212 = arith.muli %mul3A_211, %scan3A_209 : i32
      %add3A_213 = arith.constant 0 : i32
      %add3A_214 = arith.addi %mul3A_212, %add3A_213 : i32
      %add3A_215 = arith.constant 1 : i32
      %add3A_216 = arith.addi %add3A_214, %add3A_215 : i32
      %lt3A = arith.constant 10 : i32
      %lt3A_217 = arith.cmpi slt, %add3A_216, %lt3A : i32
      %convert_element_type3A_218 = arith.extui %lt3A_217 : i1 to i32
      %cond3A_219 = arith.constant 0 : i32
      %cond3A_220 = arith.cmpi ne, %convert_element_type3A_218, %cond3A_219 : i32
      scf.if %cond3A_220 {
        %add3A_540 = arith.constant 1 : i32
        %add3A_541 = arith.addi %add3A_214, %add3A_540 : i32
        %mul3A_542 = arith.constant 8 : i32
        %mul3A_543 = arith.muli %mul3A_542, %add3A_541 : i32
        %dma_wait3A_544 = arith.constant 0 : i32
        %dma_wait3A_545 = tpu.memref_slice %arg4[%arg1, %mul3A_543, %dma_wait3A_544] : memref<16x80x128xi32, #tpu.memory_space<hbm>> -> memref<1x8x128xi32, #tpu.memory_space<hbm>>
        %dma_wait3A_546 = tpu.memref_squeeze %dma_wait3A_545 : memref<1x8x128xi32, #tpu.memory_space<hbm>> -> memref<8x128xi32, #tpu.memory_space<hbm>>
        %dma_wait3A_547 = arith.constant 0 : i32
        %dma_wait3A_548 = tpu.memref_slice %arg4[%arg1, %mul3A_543, %dma_wait3A_547] : memref<16x80x128xi32, #tpu.memory_space<hbm>> -> memref<1x8x128xi32, #tpu.memory_space<hbm>>
        %dma_wait3A_549 = tpu.memref_squeeze %dma_wait3A_548 : memref<1x8x128xi32, #tpu.memory_space<hbm>> -> memref<8x128xi32, #tpu.memory_space<hbm>>
        tpu.wait_dma2 semaphore(%arg27 : memref<!tpu.dma_semaphore, #tpu.memory_space<semaphore_mem>>) src(%dma_wait3A_549 : memref<8x128xi32, #tpu.memory_space<hbm>>) dst(%arg18 : memref<8x128xi32, #tpu.memory_space<vmem>>)
        %mul3A_550 = arith.constant 8 : i32
        %mul3A_551 = arith.muli %mul3A_550, %add3A_541 : i32
        %dma_wait3A_552 = arith.constant 0 : i32
        %dma_wait3A_553 = tpu.memref_slice %arg5[%arg1, %mul3A_551, %dma_wait3A_552] : memref<16x80x128xi32, #tpu.memory_space<hbm>> -> memref<1x8x128xi32, #tpu.memory_space<hbm>>
        %dma_wait3A_554 = tpu.memref_squeeze %dma_wait3A_553 : memref<1x8x128xi32, #tpu.memory_space<hbm>> -> memref<8x128xi32, #tpu.memory_space<hbm>>
        %dma_wait3A_555 = arith.constant 0 : i32
        %dma_wait3A_556 = tpu.memref_slice %arg5[%arg1, %mul3A_551, %dma_wait3A_555] : memref<16x80x128xi32, #tpu.memory_space<hbm>> -> memref<1x8x128xi32, #tpu.memory_space<hbm>>
        %dma_wait3A_557 = tpu.memref_squeeze %dma_wait3A_556 : memref<1x8x128xi32, #tpu.memory_space<hbm>> -> memref<8x128xi32, #tpu.memory_space<hbm>>
        tpu.wait_dma2 semaphore(%arg27 : memref<!tpu.dma_semaphore, #tpu.memory_space<semaphore_mem>>) src(%dma_wait3A_557 : memref<8x128xi32, #tpu.memory_space<hbm>>) dst(%arg20 : memref<8x128xi32, #tpu.memory_space<vmem>>)
        %scan3A_558 = arith.constant 0 : i32
        %scan3A_559 = arith.constant 0 : i32
        %scan3A_560 = arith.constant 8 : i32
        %scan3A_561 = arith.addi %scan3A_559, %scan3A_560 : i32
        %scan3A_562 = arith.constant 1 : i32
        %scan3A_563 = scf.for %scan3A_565 = %scan3A_559 to %scan3A_561 step %scan3A_562 iter_args(%scan3A_566 = %scan3A_558) -> (i32)  : i32 {
          %get3A = arith.index_cast %scan3A_565 : i32 to index
          %get3A_567 = arith.constant 0 : index
          %get3A_568 = tpu.vector_load %arg18[%get3A, %get3A_567] {strides = array<i32>} : memref<8x128xi32, #tpu.memory_space<vmem>>, vector<1x16xi32>,
          %get3A_569 = vector.shape_cast %get3A_568 : vector<1x16xi32> to vector<16xi32>
          %add3A_570 = arith.addi %get3A_569, %get3A_569 : vector<16xi32>
          %add3A_571 = vector.broadcast %arg0 : i32 to vector<16xi32>
          %add3A_572 = arith.addi %add3A_570, %add3A_571 : vector<16xi32>
          %swap3A = arith.index_cast %scan3A_565 : i32 to index
          %swap3A_573 = arith.constant 0 : index
          %swap3A_574 = tpu.vector_load %arg18[%swap3A, %swap3A_573] {strides = array<i32>} : memref<8x128xi32, #tpu.memory_space<vmem>>, vector<1x16xi32>,
          %swap3A_575 = vector.shape_cast %swap3A_574 : vector<1x16xi32> to vector<16xi32>
          %swap3A_576 = vector.shape_cast %add3A_572 : vector<16xi32> to vector<1x16xi32>
          tpu.vector_store %arg18[%swap3A, %swap3A_573], %swap3A_576 {strides = array<i32>} : memref<8x128xi32, #tpu.memory_space<vmem>>, vector<1x16xi32>,
          %get3A_577 = arith.index_cast %scan3A_565 : i32 to index
          %get3A_578 = arith.constant 16 : index
          %get3A_579 = tpu.vector_load %arg18[%get3A_577, %get3A_578] {strides = array<i32>} : memref<8x128xi32, #tpu.memory_space<vmem>>, vector<1x16xi32>,
          %get3A_580 = vector.shape_cast %get3A_579 : vector<1x16xi32> to vector<16xi32>
          %add3A_581 = arith.addi %get3A_580, %get3A_580 : vector<16xi32>
          %add3A_582 = vector.broadcast %arg0 : i32 to vector<16xi32>
          %add3A_583 = arith.addi %add3A_581, %add3A_582 : vector<16xi32>
          %swap3A_584 = arith.index_cast %scan3A_565 : i32 to index
          %swap3A_585 = arith.constant 16 : index
          %swap3A_586 = tpu.vector_load %arg18[%swap3A_584, %swap3A_585] {strides = array<i32>} : memref<8x128xi32, #tpu.memory_space<vmem>>, vector<1x16xi32>,
          %swap3A_587 = vector.shape_cast %swap3A_586 : vector<1x16xi32> to vector<16xi32>
          %swap3A_588 = vector.shape_cast %add3A_583 : vector<16xi32> to vector<1x16xi32>
          tpu.vector_store %arg18[%swap3A_584, %swap3A_585], %swap3A_588 {strides = array<i32>} : memref<8x128xi32, #tpu.memory_space<vmem>>, vector<1x16xi32>,
          %get3A_589 = arith.index_cast %scan3A_565 : i32 to index
          %get3A_590 = arith.constant 32 : index
          %get3A_591 = tpu.vector_load %arg18[%get3A_589, %get3A_590] {strides = array<i32>} : memref<8x128xi32, #tpu.memory_space<vmem>>, vector<1x16xi32>,
          %get3A_592 = vector.shape_cast %get3A_591 : vector<1x16xi32> to vector<16xi32>
          %add3A_593 = arith.addi %get3A_592, %get3A_592 : vector<16xi32>
          %add3A_594 = vector.broadcast %arg0 : i32 to vector<16xi32>
          %add3A_595 = arith.addi %add3A_593, %add3A_594 : vector<16xi32>
          %swap3A_596 = arith.index_cast %scan3A_565 : i32 to index
          %swap3A_597 = arith.constant 32 : index
          %swap3A_598 = tpu.vector_load %arg18[%swap3A_596, %swap3A_597] {strides = array<i32>} : memref<8x128xi32, #tpu.memory_space<vmem>>, vector<1x16xi32>,
          %swap3A_599 = vector.shape_cast %swap3A_598 : vector<1x16xi32> to vector<16xi32>
          %swap3A_600 = vector.shape_cast %add3A_595 : vector<16xi32> to vector<1x16xi32>
          tpu.vector_store %arg18[%swap3A_596, %swap3A_597], %swap3A_600 {strides = array<i32>} : memref<8x128xi32, #tpu.memory_space<vmem>>, vector<1x16xi32>,
          %get3A_601 = arith.index_cast %scan3A_565 : i32 to index
          %get3A_602 = arith.constant 48 : index
          %get3A_603 = tpu.vector_load %arg18[%get3A_601, %get3A_602] {strides = array<i32>} : memref<8x128xi32, #tpu.memory_space<vmem>>, vector<1x16xi32>,
          %get3A_604 = vector.shape_cast %get3A_603 : vector<1x16xi32> to vector<16xi32>
          %add3A_605 = arith.addi %get3A_604, %get3A_604 : vector<16xi32>
          %add3A_606 = vector.broadcast %arg0 : i32 to vector<16xi32>
          %add3A_607 = arith.addi %add3A_605, %add3A_606 : vector<16xi32>
          %swap3A_608 = arith.index_cast %scan3A_565 : i32 to index
          %swap3A_609 = arith.constant 48 : index
          %swap3A_610 = tpu.vector_load %arg18[%swap3A_608, %swap3A_609] {strides = array<i32>} : memref<8x128xi32, #tpu.memory_space<vmem>>, vector<1x16xi32>,
          %swap3A_611 = vector.shape_cast %swap3A_610 : vector<1x16xi32> to vector<16xi32>
          %swap3A_612 = vector.shape_cast %add3A_607 : vector<16xi32> to vector<1x16xi32>
          tpu.vector_store %arg18[%swap3A_608, %swap3A_609], %swap3A_612 {strides = array<i32>} : memref<8x128xi32, #tpu.memory_space<vmem>>, vector<1x16xi32>,
          %get3A_613 = arith.index_cast %scan3A_565 : i32 to index
          %get3A_614 = arith.constant 64 : index
          %get3A_615 = tpu.vector_load %arg18[%get3A_613, %get3A_614] {strides = array<i32>} : memref<8x128xi32, #tpu.memory_space<vmem>>, vector<1x16xi32>,
          %get3A_616 = vector.shape_cast %get3A_615 : vector<1x16xi32> to vector<16xi32>
          %add3A_617 = arith.addi %get3A_616, %get3A_616 : vector<16xi32>
          %add3A_618 = vector.broadcast %arg0 : i32 to vector<16xi32>
          %add3A_619 = arith.addi %add3A_617, %add3A_618 : vector<16xi32>
          %swap3A_620 = arith.index_cast %scan3A_565 : i32 to index
          %swap3A_621 = arith.constant 64 : index
          %swap3A_622 = tpu.vector_load %arg18[%swap3A_620, %swap3A_621] {strides = array<i32>} : memref<8x128xi32, #tpu.memory_space<vmem>>, vector<1x16xi32>,
          %swap3A_623 = vector.shape_cast %swap3A_622 : vector<1x16xi32> to vector<16xi32>
          %swap3A_624 = vector.shape_cast %add3A_619 : vector<16xi32> to vector<1x16xi32>
          tpu.vector_store %arg18[%swap3A_620, %swap3A_621], %swap3A_624 {strides = array<i32>} : memref<8x128xi32, #tpu.memory_space<vmem>>, vector<1x16xi32>,
          %get3A_625 = arith.index_cast %scan3A_565 : i32 to index
          %get3A_626 = arith.constant 80 : index
          %get3A_627 = tpu.vector_load %arg18[%get3A_625, %get3A_626] {strides = array<i32>} : memref<8x128xi32, #tpu.memory_space<vmem>>, vector<1x16xi32>,
          %get3A_628 = vector.shape_cast %get3A_627 : vector<1x16xi32> to vector<16xi32>
          %add3A_629 = arith.addi %get3A_628, %get3A_628 : vector<16xi32>
          %add3A_630 = vector.broadcast %arg0 : i32 to vector<16xi32>
          %add3A_631 = arith.addi %add3A_629, %add3A_630 : vector<16xi32>
          %swap3A_632 = arith.index_cast %scan3A_565 : i32 to index
          %swap3A_633 = arith.constant 80 : index
          %swap3A_634 = tpu.vector_load %arg18[%swap3A_632, %swap3A_633] {strides = array<i32>} : memref<8x128xi32, #tpu.memory_space<vmem>>, vector<1x16xi32>,
          %swap3A_635 = vector.shape_cast %swap3A_634 : vector<1x16xi32> to vector<16xi32>
          %swap3A_636 = vector.shape_cast %add3A_631 : vector<16xi32> to vector<1x16xi32>
          tpu.vector_store %arg18[%swap3A_632, %swap3A_633], %swap3A_636 {strides = array<i32>} : memref<8x128xi32, #tpu.memory_space<vmem>>, vector<1x16xi32>,
          %get3A_637 = arith.index_cast %scan3A_565 : i32 to index
          %get3A_638 = arith.constant 96 : index
          %get3A_639 = tpu.vector_load %arg18[%get3A_637, %get3A_638] {strides = array<i32>} : memref<8x128xi32, #tpu.memory_space<vmem>>, vector<1x16xi32>,
          %get3A_640 = vector.shape_cast %get3A_639 : vector<1x16xi32> to vector<16xi32>
          %add3A_641 = arith.addi %get3A_640, %get3A_640 : vector<16xi32>
          %add3A_642 = vector.broadcast %arg0 : i32 to vector<16xi32>
          %add3A_643 = arith.addi %add3A_641, %add3A_642 : vector<16xi32>
          %swap3A_644 = arith.index_cast %scan3A_565 : i32 to index
          %swap3A_645 = arith.constant 96 : index
          %swap3A_646 = tpu.vector_load %arg18[%swap3A_644, %swap3A_645] {strides = array<i32>} : memref<8x128xi32, #tpu.memory_space<vmem>>, vector<1x16xi32>,
          %swap3A_647 = vector.shape_cast %swap3A_646 : vector<1x16xi32> to vector<16xi32>
          %swap3A_648 = vector.shape_cast %add3A_643 : vector<16xi32> to vector<1x16xi32>
          tpu.vector_store %arg18[%swap3A_644, %swap3A_645], %swap3A_648 {strides = array<i32>} : memref<8x128xi32, #tpu.memory_space<vmem>>, vector<1x16xi32>,
          %get3A_649 = arith.index_cast %scan3A_565 : i32 to index
          %get3A_650 = arith.constant 112 : index
          %get3A_651 = tpu.vector_load %arg18[%get3A_649, %get3A_650] {strides = array<i32>} : memref<8x128xi32, #tpu.memory_space<vmem>>, vector<1x16xi32>,
          %get3A_652 = vector.shape_cast %get3A_651 : vector<1x16xi32> to vector<16xi32>
          %add3A_653 = arith.addi %get3A_652, %get3A_652 : vector<16xi32>
          %add3A_654 = vector.broadcast %arg0 : i32 to vector<16xi32>
          %add3A_655 = arith.addi %add3A_653, %add3A_654 : vector<16xi32>
          %swap3A_656 = arith.index_cast %scan3A_565 : i32 to index
          %swap3A_657 = arith.constant 112 : index
          %swap3A_658 = tpu.vector_load %arg18[%swap3A_656, %swap3A_657] {strides = array<i32>} : memref<8x128xi32, #tpu.memory_space<vmem>>, vector<1x16xi32>,
          %swap3A_659 = vector.shape_cast %swap3A_658 : vector<1x16xi32> to vector<16xi32>
          %swap3A_660 = vector.shape_cast %add3A_655 : vector<16xi32> to vector<1x16xi32>
          tpu.vector_store %arg18[%swap3A_656, %swap3A_657], %swap3A_660 {strides = array<i32>} : memref<8x128xi32, #tpu.memory_space<vmem>>, vector<1x16xi32>,
          %scan3A_661 = arith.constant 0 : i32
          scf.yield %scan3A_661 : i32
        }
        %scan3A_564 = arith.constant 8 : i32
      } else {
      }
      %dma_wait3A_221 = arith.constant 0 : i32
      %dma_wait3A_222 = arith.constant 0 : i32
      %dma_wait3A_223 = tpu.memref_slice %arg17[%dma_wait3A_221, %dma_wait3A_222] : memref<8x128xi32, #tpu.memory_space<vmem>> -> memref<1x128xi32, #tpu.memory_space<vmem>>
      %dma_wait3A_224 = tpu.memref_squeeze %dma_wait3A_223 : memref<1x128xi32, #tpu.memory_space<vmem>> -> memref<128xi32, #tpu.memory_space<vmem>>
      %dma_wait3A_225 = arith.constant 0 : i32
      %dma_wait3A_226 = arith.constant 0 : i32
      %dma_wait3A_227 = tpu.memref_slice %arg2[%dma_wait3A_225, %dma_wait3A_226] : memref<20000x128xf32, #tpu.memory_space<hbm>> -> memref<20000x128xf32, #tpu.memory_space<hbm>>
      tpu.wait_indirect_dma semaphore(%arg24 : memref<!tpu.dma_semaphore, #tpu.memory_space<semaphore_mem>>) src(%dma_wait3A_227 : memref<20000x128xf32, #tpu.memory_space<hbm>>) dst(%arg21 : memref<128x128xf32, #tpu.memory_space<vmem>>)
      %run_scoped3A = arith.constant 0 : i32
      "tpu.region"() ({
        %run_scoped3A_540 = tpu.sem_alloc : memref<!tpu.dma_semaphore, #tpu.memory_space<semaphore_mem>>
        %dma_start3A_541 = arith.constant 0 : i32
        %dma_start3A_542 = tpu.memref_slice %arg19[%run_scoped3A, %dma_start3A_541] : memref<8x128xi32, #tpu.memory_space<vmem>> -> memref<1x128xi32, #tpu.memory_space<vmem>>
        %dma_start3A_543 = tpu.memref_squeeze %dma_start3A_542 : memref<1x128xi32, #tpu.memory_space<vmem>> -> memref<128xi32, #tpu.memory_space<vmem>>
        %dma_start3A_544 = arith.constant 0 : i32
        %dma_start3A_545 = arith.constant 0 : i32
        %dma_start3A_546 = tpu.memref_slice %arg15[%dma_start3A_544, %dma_start3A_545] : memref<10112x128xf32, #tpu.memory_space<vmem_shared>> -> memref<10112x128xf32, #tpu.memory_space<vmem_shared>>
        tpu.enqueue_indirect_dma source(%arg21 : memref<128x128xf32, #tpu.memory_space<vmem>>) target(%dma_start3A_546 : memref<10112x128xf32, #tpu.memory_space<vmem_shared>>) offsets(%dma_start3A_543 : memref<128xi32, #tpu.memory_space<vmem>>) semaphore(%run_scoped3A_540 : memref<!tpu.dma_semaphore, #tpu.memory_space<semaphore_mem>>) {add = true}
        %dma_wait3A_547 = arith.constant 0 : i32
        %dma_wait3A_548 = tpu.memref_slice %arg19[%run_scoped3A, %dma_wait3A_547] : memref<8x128xi32, #tpu.memory_space<vmem>> -> memref<1x128xi32, #tpu.memory_space<vmem>>
        %dma_wait3A_549 = tpu.memref_squeeze %dma_wait3A_548 : memref<1x128xi32, #tpu.memory_space<vmem>> -> memref<128xi32, #tpu.memory_space<vmem>>
        %dma_wait3A_550 = arith.constant 0 : i32
        %dma_wait3A_551 = arith.constant 0 : i32
        %dma_wait3A_552 = tpu.memref_slice %arg15[%dma_wait3A_550, %dma_wait3A_551] : memref<10112x128xf32, #tpu.memory_space<vmem_shared>> -> memref<10112x128xf32, #tpu.memory_space<vmem_shared>>
        tpu.wait_indirect_dma semaphore(%run_scoped3A_540 : memref<!tpu.dma_semaphore, #tpu.memory_space<semaphore_mem>>) src(%arg21 : memref<128x128xf32, #tpu.memory_space<vmem>>) dst(%dma_wait3A_552 : memref<10112x128xf32, #tpu.memory_space<vmem_shared>>)
        tpu.yield
      }) : () -> ()
      %convert_element_type3A_228 = arith.extui %eq3A_20 : i1 to i32
      %cond3A_229 = arith.constant 0 : i32
      %cond3A_230 = arith.cmpi ne, %convert_element_type3A_228, %cond3A_229 : i32
      scf.if %cond3A_230 {
        %dma_start3A_540 = arith.constant 0 : i32
        %dma_start3A_541 = arith.constant 0 : i32
        %dma_start3A_542 = tpu.memref_slice %arg19[%dma_start3A_540, %dma_start3A_541] : memref<8x128xi32, #tpu.memory_space<vmem>> -> memref<1x128xi32, #tpu.memory_space<vmem>>
        %dma_start3A_543 = tpu.memref_squeeze %dma_start3A_542 : memref<1x128xi32, #tpu.memory_space<vmem>> -> memref<128xi32, #tpu.memory_space<vmem>>
        %dma_start3A_544 = arith.constant 0 : i32
        %dma_start3A_545 = arith.constant 0 : i32
        %dma_start3A_546 = tpu.memref_slice %arg16[%dma_start3A_544, %dma_start3A_545] : memref<10112x16xf32, #tpu.memory_space<vmem_shared>> -> memref<10112x16xf32, #tpu.memory_space<vmem_shared>>
        tpu.enqueue_indirect_dma source(%arg23 : memref<128x16xf32, #tpu.memory_space<vmem>>) target(%dma_start3A_546 : memref<10112x16xf32, #tpu.memory_space<vmem_shared>>) offsets(%dma_start3A_543 : memref<128xi32, #tpu.memory_space<vmem>>) semaphore(%arg28 : memref<!tpu.dma_semaphore, #tpu.memory_space<semaphore_mem>>) {add = true}
      } else {
      }
      %dma_start3A_231 = arith.constant 2 : i32
      %dma_start3A_232 = arith.constant 0 : i32
      %dma_start3A_233 = tpu.memref_slice %arg17[%dma_start3A_231, %dma_start3A_232] : memref<8x128xi32, #tpu.memory_space<vmem>> -> memref<1x128xi32, #tpu.memory_space<vmem>>
      %dma_start3A_234 = tpu.memref_squeeze %dma_start3A_233 : memref<1x128xi32, #tpu.memory_space<vmem>> -> memref<128xi32, #tpu.memory_space<vmem>>
      %dma_start3A_235 = arith.constant 0 : i32
      %dma_start3A_236 = arith.constant 0 : i32
      %dma_start3A_237 = tpu.memref_slice %arg2[%dma_start3A_235, %dma_start3A_236] : memref<20000x128xf32, #tpu.memory_space<hbm>> -> memref<20000x128xf32, #tpu.memory_space<hbm>>
      tpu.enqueue_indirect_dma source(%dma_start3A_237 : memref<20000x128xf32, #tpu.memory_space<hbm>>) target(%arg21 : memref<128x128xf32, #tpu.memory_space<vmem>>) offsets(%dma_start3A_234 : memref<128xi32, #tpu.memory_space<vmem>>) semaphore(%arg24 : memref<!tpu.dma_semaphore, #tpu.memory_space<semaphore_mem>>)
      %dma_wait3A_238 = arith.constant 1 : i32
      %dma_wait3A_239 = arith.constant 0 : i32
      %dma_wait3A_240 = tpu.memref_slice %arg17[%dma_wait3A_238, %dma_wait3A_239] : memref<8x128xi32, #tpu.memory_space<vmem>> -> memref<1x128xi32, #tpu.memory_space<vmem>>
      %dma_wait3A_241 = tpu.memref_squeeze %dma_wait3A_240 : memref<1x128xi32, #tpu.memory_space<vmem>> -> memref<128xi32, #tpu.memory_space<vmem>>
      %dma_wait3A_242 = arith.constant 0 : i32
      %dma_wait3A_243 = arith.constant 0 : i32
      %dma_wait3A_244 = tpu.memref_slice %arg2[%dma_wait3A_242, %dma_wait3A_243] : memref<20000x128xf32, #tpu.memory_space<hbm>> -> memref<20000x128xf32, #tpu.memory_space<hbm>>
      tpu.wait_indirect_dma semaphore(%arg25 : memref<!tpu.dma_semaphore, #tpu.memory_space<semaphore_mem>>) src(%dma_wait3A_244 : memref<20000x128xf32, #tpu.memory_space<hbm>>) dst(%arg22 : memref<128x128xf32, #tpu.memory_space<vmem>>)
      %run_scoped3A_245 = arith.constant 1 : i32
      "tpu.region"() ({
        %run_scoped3A_540 = tpu.sem_alloc : memref<!tpu.dma_semaphore, #tpu.memory_space<semaphore_mem>>
        %dma_start3A_541 = arith.constant 0 : i32
        %dma_start3A_542 = tpu.memref_slice %arg19[%run_scoped3A_245, %dma_start3A_541] : memref<8x128xi32, #tpu.memory_space<vmem>> -> memref<1x128xi32, #tpu.memory_space<vmem>>
        %dma_start3A_543 = tpu.memref_squeeze %dma_start3A_542 : memref<1x128xi32, #tpu.memory_space<vmem>> -> memref<128xi32, #tpu.memory_space<vmem>>
        %dma_start3A_544 = arith.constant 0 : i32
        %dma_start3A_545 = arith.constant 0 : i32
        %dma_start3A_546 = tpu.memref_slice %arg15[%dma_start3A_544, %dma_start3A_545] : memref<10112x128xf32, #tpu.memory_space<vmem_shared>> -> memref<10112x128xf32, #tpu.memory_space<vmem_shared>>
        tpu.enqueue_indirect_dma source(%arg22 : memref<128x128xf32, #tpu.memory_space<vmem>>) target(%dma_start3A_546 : memref<10112x128xf32, #tpu.memory_space<vmem_shared>>) offsets(%dma_start3A_543 : memref<128xi32, #tpu.memory_space<vmem>>) semaphore(%run_scoped3A_540 : memref<!tpu.dma_semaphore, #tpu.memory_space<semaphore_mem>>) {add = true}
        %dma_wait3A_547 = arith.constant 0 : i32
        %dma_wait3A_548 = tpu.memref_slice %arg19[%run_scoped3A_245, %dma_wait3A_547] : memref<8x128xi32, #tpu.memory_space<vmem>> -> memref<1x128xi32, #tpu.memory_space<vmem>>
        %dma_wait3A_549 = tpu.memref_squeeze %dma_wait3A_548 : memref<1x128xi32, #tpu.memory_space<vmem>> -> memref<128xi32, #tpu.memory_space<vmem>>
        %dma_wait3A_550 = arith.constant 0 : i32
        %dma_wait3A_551 = arith.constant 0 : i32
        %dma_wait3A_552 = tpu.memref_slice %arg15[%dma_wait3A_550, %dma_wait3A_551] : memref<10112x128xf32, #tpu.memory_space<vmem_shared>> -> memref<10112x128xf32, #tpu.memory_space<vmem_shared>>
        tpu.wait_indirect_dma semaphore(%run_scoped3A_540 : memref<!tpu.dma_semaphore, #tpu.memory_space<semaphore_mem>>) src(%arg22 : memref<128x128xf32, #tpu.memory_space<vmem>>) dst(%dma_wait3A_552 : memref<10112x128xf32, #tpu.memory_space<vmem_shared>>)
        tpu.yield
      }) : () -> ()
      %convert_element_type3A_246 = arith.extui %eq3A_20 : i1 to i32
      %cond3A_247 = arith.constant 0 : i32
      %cond3A_248 = arith.cmpi ne, %convert_element_type3A_246, %cond3A_247 : i32
      scf.if %cond3A_248 {
        %dma_start3A_540 = arith.constant 1 : i32
        %dma_start3A_541 = arith.constant 0 : i32
        %dma_start3A_542 = tpu.memref_slice %arg19[%dma_start3A_540, %dma_start3A_541] : memref<8x128xi32, #tpu.memory_space<vmem>> -> memref<1x128xi32, #tpu.memory_space<vmem>>
        %dma_start3A_543 = tpu.memref_squeeze %dma_start3A_542 : memref<1x128xi32, #tpu.memory_space<vmem>> -> memref<128xi32, #tpu.memory_space<vmem>>
        %dma_start3A_544 = arith.constant 0 : i32
        %dma_start3A_545 = arith.constant 0 : i32
        %dma_start3A_546 = tpu.memref_slice %arg16[%dma_start3A_544, %dma_start3A_545] : memref<10112x16xf32, #tpu.memory_space<vmem_shared>> -> memref<10112x16xf32, #tpu.memory_space<vmem_shared>>
        tpu.enqueue_indirect_dma source(%arg23 : memref<128x16xf32, #tpu.memory_space<vmem>>) target(%dma_start3A_546 : memref<10112x16xf32, #tpu.memory_space<vmem_shared>>) offsets(%dma_start3A_543 : memref<128xi32, #tpu.memory_space<vmem>>) semaphore(%arg28 : memref<!tpu.dma_semaphore, #tpu.memory_space<semaphore_mem>>) {add = true}
      } else {
      }
      %dma_start3A_249 = arith.constant 3 : i32
      %dma_start3A_250 = arith.constant 0 : i32
      %dma_start3A_251 = tpu.memref_slice %arg17[%dma_start3A_249, %dma_start3A_250] : memref<8x128xi32, #tpu.memory_space<vmem>> -> memref<1x128xi32, #tpu.memory_space<vmem>>
      %dma_start3A_252 = tpu.memref_squeeze %dma_start3A_251 : memref<1x128xi32, #tpu.memory_space<vmem>> -> memref<128xi32, #tpu.memory_space<vmem>>
      %dma_start3A_253 = arith.constant 0 : i32
      %dma_start3A_254 = arith.constant 0 : i32
      %dma_start3A_255 = tpu.memref_slice %arg2[%dma_start3A_253, %dma_start3A_254] : memref<20000x128xf32, #tpu.memory_space<hbm>> -> memref<20000x128xf32, #tpu.memory_space<hbm>>
      tpu.enqueue_indirect_dma source(%dma_start3A_255 : memref<20000x128xf32, #tpu.memory_space<hbm>>) target(%arg22 : memref<128x128xf32, #tpu.memory_space<vmem>>) offsets(%dma_start3A_252 : memref<128xi32, #tpu.memory_space<vmem>>) semaphore(%arg25 : memref<!tpu.dma_semaphore, #tpu.memory_space<semaphore_mem>>)
      %dma_wait3A_256 = arith.constant 2 : i32
      %dma_wait3A_257 = arith.constant 0 : i32
      %dma_wait3A_258 = tpu.memref_slice %arg17[%dma_wait3A_256, %dma_wait3A_257] : memref<8x128xi32, #tpu.memory_space<vmem>> -> memref<1x128xi32, #tpu.memory_space<vmem>>
      %dma_wait3A_259 = tpu.memref_squeeze %dma_wait3A_258 : memref<1x128xi32, #tpu.memory_space<vmem>> -> memref<128xi32, #tpu.memory_space<vmem>>
      %dma_wait3A_260 = arith.constant 0 : i32
      %dma_wait3A_261 = arith.constant 0 : i32
      %dma_wait3A_262 = tpu.memref_slice %arg2[%dma_wait3A_260, %dma_wait3A_261] : memref<20000x128xf32, #tpu.memory_space<hbm>> -> memref<20000x128xf32, #tpu.memory_space<hbm>>
      tpu.wait_indirect_dma semaphore(%arg24 : memref<!tpu.dma_semaphore, #tpu.memory_space<semaphore_mem>>) src(%dma_wait3A_262 : memref<20000x128xf32, #tpu.memory_space<hbm>>) dst(%arg21 : memref<128x128xf32, #tpu.memory_space<vmem>>)
      %run_scoped3A_263 = arith.constant 2 : i32
      "tpu.region"() ({
        %run_scoped3A_540 = tpu.sem_alloc : memref<!tpu.dma_semaphore, #tpu.memory_space<semaphore_mem>>
        %dma_start3A_541 = arith.constant 0 : i32
        %dma_start3A_542 = tpu.memref_slice %arg19[%run_scoped3A_263, %dma_start3A_541] : memref<8x128xi32, #tpu.memory_space<vmem>> -> memref<1x128xi32, #tpu.memory_space<vmem>>
        %dma_start3A_543 = tpu.memref_squeeze %dma_start3A_542 : memref<1x128xi32, #tpu.memory_space<vmem>> -> memref<128xi32, #tpu.memory_space<vmem>>
        %dma_start3A_544 = arith.constant 0 : i32
        %dma_start3A_545 = arith.constant 0 : i32
        %dma_start3A_546 = tpu.memref_slice %arg15[%dma_start3A_544, %dma_start3A_545] : memref<10112x128xf32, #tpu.memory_space<vmem_shared>> -> memref<10112x128xf32, #tpu.memory_space<vmem_shared>>
        tpu.enqueue_indirect_dma source(%arg21 : memref<128x128xf32, #tpu.memory_space<vmem>>) target(%dma_start3A_546 : memref<10112x128xf32, #tpu.memory_space<vmem_shared>>) offsets(%dma_start3A_543 : memref<128xi32, #tpu.memory_space<vmem>>) semaphore(%run_scoped3A_540 : memref<!tpu.dma_semaphore, #tpu.memory_space<semaphore_mem>>) {add = true}
        %dma_wait3A_547 = arith.constant 0 : i32
        %dma_wait3A_548 = tpu.memref_slice %arg19[%run_scoped3A_263, %dma_wait3A_547] : memref<8x128xi32, #tpu.memory_space<vmem>> -> memref<1x128xi32, #tpu.memory_space<vmem>>
        %dma_wait3A_549 = tpu.memref_squeeze %dma_wait3A_548 : memref<1x128xi32, #tpu.memory_space<vmem>> -> memref<128xi32, #tpu.memory_space<vmem>>
        %dma_wait3A_550 = arith.constant 0 : i32
        %dma_wait3A_551 = arith.constant 0 : i32
        %dma_wait3A_552 = tpu.memref_slice %arg15[%dma_wait3A_550, %dma_wait3A_551] : memref<10112x128xf32, #tpu.memory_space<vmem_shared>> -> memref<10112x128xf32, #tpu.memory_space<vmem_shared>>
        tpu.wait_indirect_dma semaphore(%run_scoped3A_540 : memref<!tpu.dma_semaphore, #tpu.memory_space<semaphore_mem>>) src(%arg21 : memref<128x128xf32, #tpu.memory_space<vmem>>) dst(%dma_wait3A_552 : memref<10112x128xf32, #tpu.memory_space<vmem_shared>>)
        tpu.yield
      }) : () -> ()
      %convert_element_type3A_264 = arith.extui %eq3A_20 : i1 to i32
      %cond3A_265 = arith.constant 0 : i32
      %cond3A_266 = arith.cmpi ne, %convert_element_type3A_264, %cond3A_265 : i32
      scf.if %cond3A_266 {
        %dma_start3A_540 = arith.constant 2 : i32
        %dma_start3A_541 = arith.constant 0 : i32
        %dma_start3A_542 = tpu.memref_slice %arg19[%dma_start3A_540, %dma_start3A_541] : memref<8x128xi32, #tpu.memory_space<vmem>> -> memref<1x128xi32, #tpu.memory_space<vmem>>
        %dma_start3A_543 = tpu.memref_squeeze %dma_start3A_542 : memref<1x128xi32, #tpu.memory_space<vmem>> -> memref<128xi32, #tpu.memory_space<vmem>>
        %dma_start3A_544 = arith.constant 0 : i32
        %dma_start3A_545 = arith.constant 0 : i32
        %dma_start3A_546 = tpu.memref_slice %arg16[%dma_start3A_544, %dma_start3A_545] : memref<10112x16xf32, #tpu.memory_space<vmem_shared>> -> memref<10112x16xf32, #tpu.memory_space<vmem_shared>>
        tpu.enqueue_indirect_dma source(%arg23 : memref<128x16xf32, #tpu.memory_space<vmem>>) target(%dma_start3A_546 : memref<10112x16xf32, #tpu.memory_space<vmem_shared>>) offsets(%dma_start3A_543 : memref<128xi32, #tpu.memory_space<vmem>>) semaphore(%arg28 : memref<!tpu.dma_semaphore, #tpu.memory_space<semaphore_mem>>) {add = true}
      } else {
      }
      %dma_start3A_267 = arith.constant 4 : i32
      %dma_start3A_268 = arith.constant 0 : i32
      %dma_start3A_269 = tpu.memref_slice %arg17[%dma_start3A_267, %dma_start3A_268] : memref<8x128xi32, #tpu.memory_space<vmem>> -> memref<1x128xi32, #tpu.memory_space<vmem>>
      %dma_start3A_270 = tpu.memref_squeeze %dma_start3A_269 : memref<1x128xi32, #tpu.memory_space<vmem>> -> memref<128xi32, #tpu.memory_space<vmem>>
      %dma_start3A_271 = arith.constant 0 : i32
      %dma_start3A_272 = arith.constant 0 : i32
      %dma_start3A_273 = tpu.memref_slice %arg2[%dma_start3A_271, %dma_start3A_272] : memref<20000x128xf32, #tpu.memory_space<hbm>> -> memref<20000x128xf32, #tpu.memory_space<hbm>>
      tpu.enqueue_indirect_dma source(%dma_start3A_273 : memref<20000x128xf32, #tpu.memory_space<hbm>>) target(%arg21 : memref<128x128xf32, #tpu.memory_space<vmem>>) offsets(%dma_start3A_270 : memref<128xi32, #tpu.memory_space<vmem>>) semaphore(%arg24 : memref<!tpu.dma_semaphore, #tpu.memory_space<semaphore_mem>>)
      %dma_wait3A_274 = arith.constant 3 : i32
      %dma_wait3A_275 = arith.constant 0 : i32
      %dma_wait3A_276 = tpu.memref_slice %arg17[%dma_wait3A_274, %dma_wait3A_275] : memref<8x128xi32, #tpu.memory_space<vmem>> -> memref<1x128xi32, #tpu.memory_space<vmem>>
      %dma_wait3A_277 = tpu.memref_squeeze %dma_wait3A_276 : memref<1x128xi32, #tpu.memory_space<vmem>> -> memref<128xi32, #tpu.memory_space<vmem>>
      %dma_wait3A_278 = arith.constant 0 : i32
      %dma_wait3A_279 = arith.constant 0 : i32
      %dma_wait3A_280 = tpu.memref_slice %arg2[%dma_wait3A_278, %dma_wait3A_279] : memref<20000x128xf32, #tpu.memory_space<hbm>> -> memref<20000x128xf32, #tpu.memory_space<hbm>>
      tpu.wait_indirect_dma semaphore(%arg25 : memref<!tpu.dma_semaphore, #tpu.memory_space<semaphore_mem>>) src(%dma_wait3A_280 : memref<20000x128xf32, #tpu.memory_space<hbm>>) dst(%arg22 : memref<128x128xf32, #tpu.memory_space<vmem>>)
      %run_scoped3A_281 = arith.constant 3 : i32
      "tpu.region"() ({
        %run_scoped3A_540 = tpu.sem_alloc : memref<!tpu.dma_semaphore, #tpu.memory_space<semaphore_mem>>
        %dma_start3A_541 = arith.constant 0 : i32
        %dma_start3A_542 = tpu.memref_slice %arg19[%run_scoped3A_281, %dma_start3A_541] : memref<8x128xi32, #tpu.memory_space<vmem>> -> memref<1x128xi32, #tpu.memory_space<vmem>>
        %dma_start3A_543 = tpu.memref_squeeze %dma_start3A_542 : memref<1x128xi32, #tpu.memory_space<vmem>> -> memref<128xi32, #tpu.memory_space<vmem>>
        %dma_start3A_544 = arith.constant 0 : i32
        %dma_start3A_545 = arith.constant 0 : i32
        %dma_start3A_546 = tpu.memref_slice %arg15[%dma_start3A_544, %dma_start3A_545] : memref<10112x128xf32, #tpu.memory_space<vmem_shared>> -> memref<10112x128xf32, #tpu.memory_space<vmem_shared>>
        tpu.enqueue_indirect_dma source(%arg22 : memref<128x128xf32, #tpu.memory_space<vmem>>) target(%dma_start3A_546 : memref<10112x128xf32, #tpu.memory_space<vmem_shared>>) offsets(%dma_start3A_543 : memref<128xi32, #tpu.memory_space<vmem>>) semaphore(%run_scoped3A_540 : memref<!tpu.dma_semaphore, #tpu.memory_space<semaphore_mem>>) {add = true}
        %dma_wait3A_547 = arith.constant 0 : i32
        %dma_wait3A_548 = tpu.memref_slice %arg19[%run_scoped3A_281, %dma_wait3A_547] : memref<8x128xi32, #tpu.memory_space<vmem>> -> memref<1x128xi32, #tpu.memory_space<vmem>>
        %dma_wait3A_549 = tpu.memref_squeeze %dma_wait3A_548 : memref<1x128xi32, #tpu.memory_space<vmem>> -> memref<128xi32, #tpu.memory_space<vmem>>
        %dma_wait3A_550 = arith.constant 0 : i32
        %dma_wait3A_551 = arith.constant 0 : i32
        %dma_wait3A_552 = tpu.memref_slice %arg15[%dma_wait3A_550, %dma_wait3A_551] : memref<10112x128xf32, #tpu.memory_space<vmem_shared>> -> memref<10112x128xf32, #tpu.memory_space<vmem_shared>>
        tpu.wait_indirect_dma semaphore(%run_scoped3A_540 : memref<!tpu.dma_semaphore, #tpu.memory_space<semaphore_mem>>) src(%arg22 : memref<128x128xf32, #tpu.memory_space<vmem>>) dst(%dma_wait3A_552 : memref<10112x128xf32, #tpu.memory_space<vmem_shared>>)
        tpu.yield
      }) : () -> ()
      %convert_element_type3A_282 = arith.extui %eq3A_20 : i1 to i32
      %cond3A_283 = arith.constant 0 : i32
      %cond3A_284 = arith.cmpi ne, %convert_element_type3A_282, %cond3A_283 : i32
      scf.if %cond3A_284 {
        %dma_start3A_540 = arith.constant 3 : i32
        %dma_start3A_541 = arith.constant 0 : i32
        %dma_start3A_542 = tpu.memref_slice %arg19[%dma_start3A_540, %dma_start3A_541] : memref<8x128xi32, #tpu.memory_space<vmem>> -> memref<1x128xi32, #tpu.memory_space<vmem>>
        %dma_start3A_543 = tpu.memref_squeeze %dma_start3A_542 : memref<1x128xi32, #tpu.memory_space<vmem>> -> memref<128xi32, #tpu.memory_space<vmem>>
        %dma_start3A_544 = arith.constant 0 : i32
        %dma_start3A_545 = arith.constant 0 : i32
        %dma_start3A_546 = tpu.memref_slice %arg16[%dma_start3A_544, %dma_start3A_545] : memref<10112x16xf32, #tpu.memory_space<vmem_shared>> -> memref<10112x16xf32, #tpu.memory_space<vmem_shared>>
        tpu.enqueue_indirect_dma source(%arg23 : memref<128x16xf32, #tpu.memory_space<vmem>>) target(%dma_start3A_546 : memref<10112x16xf32, #tpu.memory_space<vmem_shared>>) offsets(%dma_start3A_543 : memref<128xi32, #tpu.memory_space<vmem>>) semaphore(%arg28 : memref<!tpu.dma_semaphore, #tpu.memory_space<semaphore_mem>>) {add = true}
      } else {
      }
      %dma_start3A_285 = arith.constant 5 : i32
      %dma_start3A_286 = arith.constant 0 : i32
      %dma_start3A_287 = tpu.memref_slice %arg17[%dma_start3A_285, %dma_start3A_286] : memref<8x128xi32, #tpu.memory_space<vmem>> -> memref<1x128xi32, #tpu.memory_space<vmem>>
      %dma_start3A_288 = tpu.memref_squeeze %dma_start3A_287 : memref<1x128xi32, #tpu.memory_space<vmem>> -> memref<128xi32, #tpu.memory_space<vmem>>
      %dma_start3A_289 = arith.constant 0 : i32
      %dma_start3A_290 = arith.constant 0 : i32
      %dma_start3A_291 = tpu.memref_slice %arg2[%dma_start3A_289, %dma_start3A_290] : memref<20000x128xf32, #tpu.memory_space<hbm>> -> memref<20000x128xf32, #tpu.memory_space<hbm>>
      tpu.enqueue_indirect_dma source(%dma_start3A_291 : memref<20000x128xf32, #tpu.memory_space<hbm>>) target(%arg22 : memref<128x128xf32, #tpu.memory_space<vmem>>) offsets(%dma_start3A_288 : memref<128xi32, #tpu.memory_space<vmem>>) semaphore(%arg25 : memref<!tpu.dma_semaphore, #tpu.memory_space<semaphore_mem>>)
      %dma_wait3A_292 = arith.constant 4 : i32
      %dma_wait3A_293 = arith.constant 0 : i32
      %dma_wait3A_294 = tpu.memref_slice %arg17[%dma_wait3A_292, %dma_wait3A_293] : memref<8x128xi32, #tpu.memory_space<vmem>> -> memref<1x128xi32, #tpu.memory_space<vmem>>
      %dma_wait3A_295 = tpu.memref_squeeze %dma_wait3A_294 : memref<1x128xi32, #tpu.memory_space<vmem>> -> memref<128xi32, #tpu.memory_space<vmem>>
      %dma_wait3A_296 = arith.constant 0 : i32
      %dma_wait3A_297 = arith.constant 0 : i32
      %dma_wait3A_298 = tpu.memref_slice %arg2[%dma_wait3A_296, %dma_wait3A_297] : memref<20000x128xf32, #tpu.memory_space<hbm>> -> memref<20000x128xf32, #tpu.memory_space<hbm>>
      tpu.wait_indirect_dma semaphore(%arg24 : memref<!tpu.dma_semaphore, #tpu.memory_space<semaphore_mem>>) src(%dma_wait3A_298 : memref<20000x128xf32, #tpu.memory_space<hbm>>) dst(%arg21 : memref<128x128xf32, #tpu.memory_space<vmem>>)
      %run_scoped3A_299 = arith.constant 4 : i32
      "tpu.region"() ({
        %run_scoped3A_540 = tpu.sem_alloc : memref<!tpu.dma_semaphore, #tpu.memory_space<semaphore_mem>>
        %dma_start3A_541 = arith.constant 0 : i32
        %dma_start3A_542 = tpu.memref_slice %arg19[%run_scoped3A_299, %dma_start3A_541] : memref<8x128xi32, #tpu.memory_space<vmem>> -> memref<1x128xi32, #tpu.memory_space<vmem>>
        %dma_start3A_543 = tpu.memref_squeeze %dma_start3A_542 : memref<1x128xi32, #tpu.memory_space<vmem>> -> memref<128xi32, #tpu.memory_space<vmem>>
        %dma_start3A_544 = arith.constant 0 : i32
        %dma_start3A_545 = arith.constant 0 : i32
        %dma_start3A_546 = tpu.memref_slice %arg15[%dma_start3A_544, %dma_start3A_545] : memref<10112x128xf32, #tpu.memory_space<vmem_shared>> -> memref<10112x128xf32, #tpu.memory_space<vmem_shared>>
        tpu.enqueue_indirect_dma source(%arg21 : memref<128x128xf32, #tpu.memory_space<vmem>>) target(%dma_start3A_546 : memref<10112x128xf32, #tpu.memory_space<vmem_shared>>) offsets(%dma_start3A_543 : memref<128xi32, #tpu.memory_space<vmem>>) semaphore(%run_scoped3A_540 : memref<!tpu.dma_semaphore, #tpu.memory_space<semaphore_mem>>) {add = true}
        %dma_wait3A_547 = arith.constant 0 : i32
        %dma_wait3A_548 = tpu.memref_slice %arg19[%run_scoped3A_299, %dma_wait3A_547] : memref<8x128xi32, #tpu.memory_space<vmem>> -> memref<1x128xi32, #tpu.memory_space<vmem>>
        %dma_wait3A_549 = tpu.memref_squeeze %dma_wait3A_548 : memref<1x128xi32, #tpu.memory_space<vmem>> -> memref<128xi32, #tpu.memory_space<vmem>>
        %dma_wait3A_550 = arith.constant 0 : i32
        %dma_wait3A_551 = arith.constant 0 : i32
        %dma_wait3A_552 = tpu.memref_slice %arg15[%dma_wait3A_550, %dma_wait3A_551] : memref<10112x128xf32, #tpu.memory_space<vmem_shared>> -> memref<10112x128xf32, #tpu.memory_space<vmem_shared>>
        tpu.wait_indirect_dma semaphore(%run_scoped3A_540 : memref<!tpu.dma_semaphore, #tpu.memory_space<semaphore_mem>>) src(%arg21 : memref<128x128xf32, #tpu.memory_space<vmem>>) dst(%dma_wait3A_552 : memref<10112x128xf32, #tpu.memory_space<vmem_shared>>)
        tpu.yield
      }) : () -> ()
      %convert_element_type3A_300 = arith.extui %eq3A_20 : i1 to i32
      %cond3A_301 = arith.constant 0 : i32
      %cond3A_302 = arith.cmpi ne, %convert_element_type3A_300, %cond3A_301 : i32
      scf.if %cond3A_302 {
        %dma_start3A_540 = arith.constant 4 : i32
        %dma_start3A_541 = arith.constant 0 : i32
        %dma_start3A_542 = tpu.memref_slice %arg19[%dma_start3A_540, %dma_start3A_541] : memref<8x128xi32, #tpu.memory_space<vmem>> -> memref<1x128xi32, #tpu.memory_space<vmem>>
        %dma_start3A_543 = tpu.memref_squeeze %dma_start3A_542 : memref<1x128xi32, #tpu.memory_space<vmem>> -> memref<128xi32, #tpu.memory_space<vmem>>
        %dma_start3A_544 = arith.constant 0 : i32
        %dma_start3A_545 = arith.constant 0 : i32
        %dma_start3A_546 = tpu.memref_slice %arg16[%dma_start3A_544, %dma_start3A_545] : memref<10112x16xf32, #tpu.memory_space<vmem_shared>> -> memref<10112x16xf32, #tpu.memory_space<vmem_shared>>
        tpu.enqueue_indirect_dma source(%arg23 : memref<128x16xf32, #tpu.memory_space<vmem>>) target(%dma_start3A_546 : memref<10112x16xf32, #tpu.memory_space<vmem_shared>>) offsets(%dma_start3A_543 : memref<128xi32, #tpu.memory_space<vmem>>) semaphore(%arg28 : memref<!tpu.dma_semaphore, #tpu.memory_space<semaphore_mem>>) {add = true}
      } else {
      }
      %dma_start3A_303 = arith.constant 6 : i32
      %dma_start3A_304 = arith.constant 0 : i32
      %dma_start3A_305 = tpu.memref_slice %arg17[%dma_start3A_303, %dma_start3A_304] : memref<8x128xi32, #tpu.memory_space<vmem>> -> memref<1x128xi32, #tpu.memory_space<vmem>>
      %dma_start3A_306 = tpu.memref_squeeze %dma_start3A_305 : memref<1x128xi32, #tpu.memory_space<vmem>> -> memref<128xi32, #tpu.memory_space<vmem>>
      %dma_start3A_307 = arith.constant 0 : i32
      %dma_start3A_308 = arith.constant 0 : i32
      %dma_start3A_309 = tpu.memref_slice %arg2[%dma_start3A_307, %dma_start3A_308] : memref<20000x128xf32, #tpu.memory_space<hbm>> -> memref<20000x128xf32, #tpu.memory_space<hbm>>
      tpu.enqueue_indirect_dma source(%dma_start3A_309 : memref<20000x128xf32, #tpu.memory_space<hbm>>) target(%arg21 : memref<128x128xf32, #tpu.memory_space<vmem>>) offsets(%dma_start3A_306 : memref<128xi32, #tpu.memory_space<vmem>>) semaphore(%arg24 : memref<!tpu.dma_semaphore, #tpu.memory_space<semaphore_mem>>)
      %dma_wait3A_310 = arith.constant 5 : i32
      %dma_wait3A_311 = arith.constant 0 : i32
      %dma_wait3A_312 = tpu.memref_slice %arg17[%dma_wait3A_310, %dma_wait3A_311] : memref<8x128xi32, #tpu.memory_space<vmem>> -> memref<1x128xi32, #tpu.memory_space<vmem>>
      %dma_wait3A_313 = tpu.memref_squeeze %dma_wait3A_312 : memref<1x128xi32, #tpu.memory_space<vmem>> -> memref<128xi32, #tpu.memory_space<vmem>>
      %dma_wait3A_314 = arith.constant 0 : i32
      %dma_wait3A_315 = arith.constant 0 : i32
      %dma_wait3A_316 = tpu.memref_slice %arg2[%dma_wait3A_314, %dma_wait3A_315] : memref<20000x128xf32, #tpu.memory_space<hbm>> -> memref<20000x128xf32, #tpu.memory_space<hbm>>
      tpu.wait_indirect_dma semaphore(%arg25 : memref<!tpu.dma_semaphore, #tpu.memory_space<semaphore_mem>>) src(%dma_wait3A_316 : memref<20000x128xf32, #tpu.memory_space<hbm>>) dst(%arg22 : memref<128x128xf32, #tpu.memory_space<vmem>>)
      %run_scoped3A_317 = arith.constant 5 : i32
      "tpu.region"() ({
        %run_scoped3A_540 = tpu.sem_alloc : memref<!tpu.dma_semaphore, #tpu.memory_space<semaphore_mem>>
        %dma_start3A_541 = arith.constant 0 : i32
        %dma_start3A_542 = tpu.memref_slice %arg19[%run_scoped3A_317, %dma_start3A_541] : memref<8x128xi32, #tpu.memory_space<vmem>> -> memref<1x128xi32, #tpu.memory_space<vmem>>
        %dma_start3A_543 = tpu.memref_squeeze %dma_start3A_542 : memref<1x128xi32, #tpu.memory_space<vmem>> -> memref<128xi32, #tpu.memory_space<vmem>>
        %dma_start3A_544 = arith.constant 0 : i32
        %dma_start3A_545 = arith.constant 0 : i32
        %dma_start3A_546 = tpu.memref_slice %arg15[%dma_start3A_544, %dma_start3A_545] : memref<10112x128xf32, #tpu.memory_space<vmem_shared>> -> memref<10112x128xf32, #tpu.memory_space<vmem_shared>>
        tpu.enqueue_indirect_dma source(%arg22 : memref<128x128xf32, #tpu.memory_space<vmem>>) target(%dma_start3A_546 : memref<10112x128xf32, #tpu.memory_space<vmem_shared>>) offsets(%dma_start3A_543 : memref<128xi32, #tpu.memory_space<vmem>>) semaphore(%run_scoped3A_540 : memref<!tpu.dma_semaphore, #tpu.memory_space<semaphore_mem>>) {add = true}
        %dma_wait3A_547 = arith.constant 0 : i32
        %dma_wait3A_548 = tpu.memref_slice %arg19[%run_scoped3A_317, %dma_wait3A_547] : memref<8x128xi32, #tpu.memory_space<vmem>> -> memref<1x128xi32, #tpu.memory_space<vmem>>
        %dma_wait3A_549 = tpu.memref_squeeze %dma_wait3A_548 : memref<1x128xi32, #tpu.memory_space<vmem>> -> memref<128xi32, #tpu.memory_space<vmem>>
        %dma_wait3A_550 = arith.constant 0 : i32
        %dma_wait3A_551 = arith.constant 0 : i32
        %dma_wait3A_552 = tpu.memref_slice %arg15[%dma_wait3A_550, %dma_wait3A_551] : memref<10112x128xf32, #tpu.memory_space<vmem_shared>> -> memref<10112x128xf32, #tpu.memory_space<vmem_shared>>
        tpu.wait_indirect_dma semaphore(%run_scoped3A_540 : memref<!tpu.dma_semaphore, #tpu.memory_space<semaphore_mem>>) src(%arg22 : memref<128x128xf32, #tpu.memory_space<vmem>>) dst(%dma_wait3A_552 : memref<10112x128xf32, #tpu.memory_space<vmem_shared>>)
        tpu.yield
      }) : () -> ()
      %convert_element_type3A_318 = arith.extui %eq3A_20 : i1 to i32
      %cond3A_319 = arith.constant 0 : i32
      %cond3A_320 = arith.cmpi ne, %convert_element_type3A_318, %cond3A_319 : i32
      scf.if %cond3A_320 {
        %dma_start3A_540 = arith.constant 5 : i32
        %dma_start3A_541 = arith.constant 0 : i32
        %dma_start3A_542 = tpu.memref_slice %arg19[%dma_start3A_540, %dma_start3A_541] : memref<8x128xi32, #tpu.memory_space<vmem>> -> memref<1x128xi32, #tpu.memory_space<vmem>>
        %dma_start3A_543 = tpu.memref_squeeze %dma_start3A_542 : memref<1x128xi32, #tpu.memory_space<vmem>> -> memref<128xi32, #tpu.memory_space<vmem>>
        %dma_start3A_544 = arith.constant 0 : i32
        %dma_start3A_545 = arith.constant 0 : i32
        %dma_start3A_546 = tpu.memref_slice %arg16[%dma_start3A_544, %dma_start3A_545] : memref<10112x16xf32, #tpu.memory_space<vmem_shared>> -> memref<10112x16xf32, #tpu.memory_space<vmem_shared>>
        tpu.enqueue_indirect_dma source(%arg23 : memref<128x16xf32, #tpu.memory_space<vmem>>) target(%dma_start3A_546 : memref<10112x16xf32, #tpu.memory_space<vmem_shared>>) offsets(%dma_start3A_543 : memref<128xi32, #tpu.memory_space<vmem>>) semaphore(%arg28 : memref<!tpu.dma_semaphore, #tpu.memory_space<semaphore_mem>>) {add = true}
      } else {
      }
      %dma_start3A_321 = arith.constant 7 : i32
      %dma_start3A_322 = arith.constant 0 : i32
      %dma_start3A_323 = tpu.memref_slice %arg17[%dma_start3A_321, %dma_start3A_322] : memref<8x128xi32, #tpu.memory_space<vmem>> -> memref<1x128xi32, #tpu.memory_space<vmem>>
      %dma_start3A_324 = tpu.memref_squeeze %dma_start3A_323 : memref<1x128xi32, #tpu.memory_space<vmem>> -> memref<128xi32, #tpu.memory_space<vmem>>
      %dma_start3A_325 = arith.constant 0 : i32
      %dma_start3A_326 = arith.constant 0 : i32
      %dma_start3A_327 = tpu.memref_slice %arg2[%dma_start3A_325, %dma_start3A_326] : memref<20000x128xf32, #tpu.memory_space<hbm>> -> memref<20000x128xf32, #tpu.memory_space<hbm>>
      tpu.enqueue_indirect_dma source(%dma_start3A_327 : memref<20000x128xf32, #tpu.memory_space<hbm>>) target(%arg22 : memref<128x128xf32, #tpu.memory_space<vmem>>) offsets(%dma_start3A_324 : memref<128xi32, #tpu.memory_space<vmem>>) semaphore(%arg25 : memref<!tpu.dma_semaphore, #tpu.memory_space<semaphore_mem>>)
      %dma_wait3A_328 = arith.constant 6 : i32
      %dma_wait3A_329 = arith.constant 0 : i32
      %dma_wait3A_330 = tpu.memref_slice %arg17[%dma_wait3A_328, %dma_wait3A_329] : memref<8x128xi32, #tpu.memory_space<vmem>> -> memref<1x128xi32, #tpu.memory_space<vmem>>
      %dma_wait3A_331 = tpu.memref_squeeze %dma_wait3A_330 : memref<1x128xi32, #tpu.memory_space<vmem>> -> memref<128xi32, #tpu.memory_space<vmem>>
      %dma_wait3A_332 = arith.constant 0 : i32
      %dma_wait3A_333 = arith.constant 0 : i32
      %dma_wait3A_334 = tpu.memref_slice %arg2[%dma_wait3A_332, %dma_wait3A_333] : memref<20000x128xf32, #tpu.memory_space<hbm>> -> memref<20000x128xf32, #tpu.memory_space<hbm>>
      tpu.wait_indirect_dma semaphore(%arg24 : memref<!tpu.dma_semaphore, #tpu.memory_space<semaphore_mem>>) src(%dma_wait3A_334 : memref<20000x128xf32, #tpu.memory_space<hbm>>) dst(%arg21 : memref<128x128xf32, #tpu.memory_space<vmem>>)
      %run_scoped3A_335 = arith.constant 6 : i32
      "tpu.region"() ({
        %run_scoped3A_540 = tpu.sem_alloc : memref<!tpu.dma_semaphore, #tpu.memory_space<semaphore_mem>>
        %dma_start3A_541 = arith.constant 0 : i32
        %dma_start3A_542 = tpu.memref_slice %arg19[%run_scoped3A_335, %dma_start3A_541] : memref<8x128xi32, #tpu.memory_space<vmem>> -> memref<1x128xi32, #tpu.memory_space<vmem>>
        %dma_start3A_543 = tpu.memref_squeeze %dma_start3A_542 : memref<1x128xi32, #tpu.memory_space<vmem>> -> memref<128xi32, #tpu.memory_space<vmem>>
        %dma_start3A_544 = arith.constant 0 : i32
        %dma_start3A_545 = arith.constant 0 : i32
        %dma_start3A_546 = tpu.memref_slice %arg15[%dma_start3A_544, %dma_start3A_545] : memref<10112x128xf32, #tpu.memory_space<vmem_shared>> -> memref<10112x128xf32, #tpu.memory_space<vmem_shared>>
        tpu.enqueue_indirect_dma source(%arg21 : memref<128x128xf32, #tpu.memory_space<vmem>>) target(%dma_start3A_546 : memref<10112x128xf32, #tpu.memory_space<vmem_shared>>) offsets(%dma_start3A_543 : memref<128xi32, #tpu.memory_space<vmem>>) semaphore(%run_scoped3A_540 : memref<!tpu.dma_semaphore, #tpu.memory_space<semaphore_mem>>) {add = true}
        %dma_wait3A_547 = arith.constant 0 : i32
        %dma_wait3A_548 = tpu.memref_slice %arg19[%run_scoped3A_335, %dma_wait3A_547] : memref<8x128xi32, #tpu.memory_space<vmem>> -> memref<1x128xi32, #tpu.memory_space<vmem>>
        %dma_wait3A_549 = tpu.memref_squeeze %dma_wait3A_548 : memref<1x128xi32, #tpu.memory_space<vmem>> -> memref<128xi32, #tpu.memory_space<vmem>>
        %dma_wait3A_550 = arith.constant 0 : i32
        %dma_wait3A_551 = arith.constant 0 : i32
        %dma_wait3A_552 = tpu.memref_slice %arg15[%dma_wait3A_550, %dma_wait3A_551] : memref<10112x128xf32, #tpu.memory_space<vmem_shared>> -> memref<10112x128xf32, #tpu.memory_space<vmem_shared>>
        tpu.wait_indirect_dma semaphore(%run_scoped3A_540 : memref<!tpu.dma_semaphore, #tpu.memory_space<semaphore_mem>>) src(%arg21 : memref<128x128xf32, #tpu.memory_space<vmem>>) dst(%dma_wait3A_552 : memref<10112x128xf32, #tpu.memory_space<vmem_shared>>)
        tpu.yield
      }) : () -> ()
      %convert_element_type3A_336 = arith.extui %eq3A_20 : i1 to i32
      %cond3A_337 = arith.constant 0 : i32
      %cond3A_338 = arith.cmpi ne, %convert_element_type3A_336, %cond3A_337 : i32
      scf.if %cond3A_338 {
        %dma_start3A_540 = arith.constant 6 : i32
        %dma_start3A_541 = arith.constant 0 : i32
        %dma_start3A_542 = tpu.memref_slice %arg19[%dma_start3A_540, %dma_start3A_541] : memref<8x128xi32, #tpu.memory_space<vmem>> -> memref<1x128xi32, #tpu.memory_space<vmem>>
        %dma_start3A_543 = tpu.memref_squeeze %dma_start3A_542 : memref<1x128xi32, #tpu.memory_space<vmem>> -> memref<128xi32, #tpu.memory_space<vmem>>
        %dma_start3A_544 = arith.constant 0 : i32
        %dma_start3A_545 = arith.constant 0 : i32
        %dma_start3A_546 = tpu.memref_slice %arg16[%dma_start3A_544, %dma_start3A_545] : memref<10112x16xf32, #tpu.memory_space<vmem_shared>> -> memref<10112x16xf32, #tpu.memory_space<vmem_shared>>
        tpu.enqueue_indirect_dma source(%arg23 : memref<128x16xf32, #tpu.memory_space<vmem>>) target(%dma_start3A_546 : memref<10112x16xf32, #tpu.memory_space<vmem_shared>>) offsets(%dma_start3A_543 : memref<128xi32, #tpu.memory_space<vmem>>) semaphore(%arg28 : memref<!tpu.dma_semaphore, #tpu.memory_space<semaphore_mem>>) {add = true}
      } else {
      }
      %add3A_339 = arith.constant 1 : i32
      %add3A_340 = arith.addi %add3A_214, %add3A_339 : i32
      %lt3A_341 = arith.constant 10 : i32
      %lt3A_342 = arith.cmpi slt, %add3A_340, %lt3A_341 : i32
      %convert_element_type3A_343 = arith.extui %lt3A_342 : i1 to i32
      %cond3A_344 = arith.constant 0 : i32
      %cond3A_345 = arith.cmpi ne, %convert_element_type3A_343, %cond3A_344 : i32
      scf.if %cond3A_345 {
        %dma_start3A_540 = arith.constant 0 : i32
        %dma_start3A_541 = arith.constant 0 : i32
        %dma_start3A_542 = tpu.memref_slice %arg18[%dma_start3A_540, %dma_start3A_541] : memref<8x128xi32, #tpu.memory_space<vmem>> -> memref<1x128xi32, #tpu.memory_space<vmem>>
        %dma_start3A_543 = tpu.memref_squeeze %dma_start3A_542 : memref<1x128xi32, #tpu.memory_space<vmem>> -> memref<128xi32, #tpu.memory_space<vmem>>
        %dma_start3A_544 = arith.constant 0 : i32
        %dma_start3A_545 = arith.constant 0 : i32
        %dma_start3A_546 = tpu.memref_slice %arg2[%dma_start3A_544, %dma_start3A_545] : memref<20000x128xf32, #tpu.memory_space<hbm>> -> memref<20000x128xf32, #tpu.memory_space<hbm>>
        tpu.enqueue_indirect_dma source(%dma_start3A_546 : memref<20000x128xf32, #tpu.memory_space<hbm>>) target(%arg21 : memref<128x128xf32, #tpu.memory_space<vmem>>) offsets(%dma_start3A_543 : memref<128xi32, #tpu.memory_space<vmem>>) semaphore(%arg24 : memref<!tpu.dma_semaphore, #tpu.memory_space<semaphore_mem>>)
      } else {
      }
      %dma_wait3A_346 = arith.constant 7 : i32
      %dma_wait3A_347 = arith.constant 0 : i32
      %dma_wait3A_348 = tpu.memref_slice %arg17[%dma_wait3A_346, %dma_wait3A_347] : memref<8x128xi32, #tpu.memory_space<vmem>> -> memref<1x128xi32, #tpu.memory_space<vmem>>
      %dma_wait3A_349 = tpu.memref_squeeze %dma_wait3A_348 : memref<1x128xi32, #tpu.memory_space<vmem>> -> memref<128xi32, #tpu.memory_space<vmem>>
      %dma_wait3A_350 = arith.constant 0 : i32
      %dma_wait3A_351 = arith.constant 0 : i32
      %dma_wait3A_352 = tpu.memref_slice %arg2[%dma_wait3A_350, %dma_wait3A_351] : memref<20000x128xf32, #tpu.memory_space<hbm>> -> memref<20000x128xf32, #tpu.memory_space<hbm>>
      tpu.wait_indirect_dma semaphore(%arg25 : memref<!tpu.dma_semaphore, #tpu.memory_space<semaphore_mem>>) src(%dma_wait3A_352 : memref<20000x128xf32, #tpu.memory_space<hbm>>) dst(%arg22 : memref<128x128xf32, #tpu.memory_space<vmem>>)
      %run_scoped3A_353 = arith.constant 7 : i32
      "tpu.region"() ({
        %run_scoped3A_540 = tpu.sem_alloc : memref<!tpu.dma_semaphore, #tpu.memory_space<semaphore_mem>>
        %dma_start3A_541 = arith.constant 0 : i32
        %dma_start3A_542 = tpu.memref_slice %arg19[%run_scoped3A_353, %dma_start3A_541] : memref<8x128xi32, #tpu.memory_space<vmem>> -> memref<1x128xi32, #tpu.memory_space<vmem>>
        %dma_start3A_543 = tpu.memref_squeeze %dma_start3A_542 : memref<1x128xi32, #tpu.memory_space<vmem>> -> memref<128xi32, #tpu.memory_space<vmem>>
        %dma_start3A_544 = arith.constant 0 : i32
        %dma_start3A_545 = arith.constant 0 : i32
        %dma_start3A_546 = tpu.memref_slice %arg15[%dma_start3A_544, %dma_start3A_545] : memref<10112x128xf32, #tpu.memory_space<vmem_shared>> -> memref<10112x128xf32, #tpu.memory_space<vmem_shared>>
        tpu.enqueue_indirect_dma source(%arg22 : memref<128x128xf32, #tpu.memory_space<vmem>>) target(%dma_start3A_546 : memref<10112x128xf32, #tpu.memory_space<vmem_shared>>) offsets(%dma_start3A_543 : memref<128xi32, #tpu.memory_space<vmem>>) semaphore(%run_scoped3A_540 : memref<!tpu.dma_semaphore, #tpu.memory_space<semaphore_mem>>) {add = true}
        %dma_wait3A_547 = arith.constant 0 : i32
        %dma_wait3A_548 = tpu.memref_slice %arg19[%run_scoped3A_353, %dma_wait3A_547] : memref<8x128xi32, #tpu.memory_space<vmem>> -> memref<1x128xi32, #tpu.memory_space<vmem>>
        %dma_wait3A_549 = tpu.memref_squeeze %dma_wait3A_548 : memref<1x128xi32, #tpu.memory_space<vmem>> -> memref<128xi32, #tpu.memory_space<vmem>>
        %dma_wait3A_550 = arith.constant 0 : i32
        %dma_wait3A_551 = arith.constant 0 : i32
        %dma_wait3A_552 = tpu.memref_slice %arg15[%dma_wait3A_550, %dma_wait3A_551] : memref<10112x128xf32, #tpu.memory_space<vmem_shared>> -> memref<10112x128xf32, #tpu.memory_space<vmem_shared>>
        tpu.wait_indirect_dma semaphore(%run_scoped3A_540 : memref<!tpu.dma_semaphore, #tpu.memory_space<semaphore_mem>>) src(%arg22 : memref<128x128xf32, #tpu.memory_space<vmem>>) dst(%dma_wait3A_552 : memref<10112x128xf32, #tpu.memory_space<vmem_shared>>)
        tpu.yield
      }) : () -> ()
      %convert_element_type3A_354 = arith.extui %eq3A_20 : i1 to i32
      %cond3A_355 = arith.constant 0 : i32
      %cond3A_356 = arith.cmpi ne, %convert_element_type3A_354, %cond3A_355 : i32
      scf.if %cond3A_356 {
        %dma_start3A_540 = arith.constant 7 : i32
        %dma_start3A_541 = arith.constant 0 : i32
        %dma_start3A_542 = tpu.memref_slice %arg19[%dma_start3A_540, %dma_start3A_541] : memref<8x128xi32, #tpu.memory_space<vmem>> -> memref<1x128xi32, #tpu.memory_space<vmem>>
        %dma_start3A_543 = tpu.memref_squeeze %dma_start3A_542 : memref<1x128xi32, #tpu.memory_space<vmem>> -> memref<128xi32, #tpu.memory_space<vmem>>
        %dma_start3A_544 = arith.constant 0 : i32
        %dma_start3A_545 = arith.constant 0 : i32
        %dma_start3A_546 = tpu.memref_slice %arg16[%dma_start3A_544, %dma_start3A_545] : memref<10112x16xf32, #tpu.memory_space<vmem_shared>> -> memref<10112x16xf32, #tpu.memory_space<vmem_shared>>
        tpu.enqueue_indirect_dma source(%arg23 : memref<128x16xf32, #tpu.memory_space<vmem>>) target(%dma_start3A_546 : memref<10112x16xf32, #tpu.memory_space<vmem_shared>>) offsets(%dma_start3A_543 : memref<128xi32, #tpu.memory_space<vmem>>) semaphore(%arg28 : memref<!tpu.dma_semaphore, #tpu.memory_space<semaphore_mem>>) {add = true}
      } else {
      }
      %add3A_357 = arith.constant 1 : i32
      %add3A_358 = arith.addi %add3A_214, %add3A_357 : i32
      %lt3A_359 = arith.constant 10 : i32
      %lt3A_360 = arith.cmpi slt, %add3A_358, %lt3A_359 : i32
      %convert_element_type3A_361 = arith.extui %lt3A_360 : i1 to i32
      %cond3A_362 = arith.constant 0 : i32
      %cond3A_363 = arith.cmpi ne, %convert_element_type3A_361, %cond3A_362 : i32
      scf.if %cond3A_363 {
        %dma_start3A_540 = arith.constant 1 : i32
        %dma_start3A_541 = arith.constant 0 : i32
        %dma_start3A_542 = tpu.memref_slice %arg18[%dma_start3A_540, %dma_start3A_541] : memref<8x128xi32, #tpu.memory_space<vmem>> -> memref<1x128xi32, #tpu.memory_space<vmem>>
        %dma_start3A_543 = tpu.memref_squeeze %dma_start3A_542 : memref<1x128xi32, #tpu.memory_space<vmem>> -> memref<128xi32, #tpu.memory_space<vmem>>
        %dma_start3A_544 = arith.constant 0 : i32
        %dma_start3A_545 = arith.constant 0 : i32
        %dma_start3A_546 = tpu.memref_slice %arg2[%dma_start3A_544, %dma_start3A_545] : memref<20000x128xf32, #tpu.memory_space<hbm>> -> memref<20000x128xf32, #tpu.memory_space<hbm>>
        tpu.enqueue_indirect_dma source(%dma_start3A_546 : memref<20000x128xf32, #tpu.memory_space<hbm>>) target(%arg22 : memref<128x128xf32, #tpu.memory_space<vmem>>) offsets(%dma_start3A_543 : memref<128xi32, #tpu.memory_space<vmem>>) semaphore(%arg25 : memref<!tpu.dma_semaphore, #tpu.memory_space<semaphore_mem>>)
      } else {
      }
      %convert_element_type3A_364 = arith.extui %eq3A_20 : i1 to i32
      %cond3A_365 = arith.constant 0 : i32
      %cond3A_366 = arith.cmpi ne, %convert_element_type3A_364, %cond3A_365 : i32
      scf.if %cond3A_366 {
        %scan3A_540 = arith.constant 0 : i32
        %scan3A_541 = arith.constant 0 : i32
        %scan3A_542 = arith.constant 8 : i32
        %scan3A_543 = arith.addi %scan3A_541, %scan3A_542 : i32
        %scan3A_544 = arith.constant 1 : i32
        %scan3A_545 = scf.for %scan3A_547 = %scan3A_541 to %scan3A_543 step %scan3A_544 iter_args(%scan3A_548 = %scan3A_540) -> (i32)  : i32 {
          %dma_wait3A_549 = arith.constant 0 : i32
          %dma_wait3A_550 = arith.constant 0 : i32
          %dma_wait3A_551 = tpu.memref_slice %arg19[%dma_wait3A_549, %dma_wait3A_550] : memref<8x128xi32, #tpu.memory_space<vmem>> -> memref<1x128xi32, #tpu.memory_space<vmem>>
          %dma_wait3A_552 = tpu.memref_squeeze %dma_wait3A_551 : memref<1x128xi32, #tpu.memory_space<vmem>> -> memref<128xi32, #tpu.memory_space<vmem>>
          %dma_wait3A_553 = arith.constant 0 : i32
          %dma_wait3A_554 = arith.constant 0 : i32
          %dma_wait3A_555 = tpu.memref_slice %arg16[%dma_wait3A_553, %dma_wait3A_554] : memref<10112x16xf32, #tpu.memory_space<vmem_shared>> -> memref<10112x16xf32, #tpu.memory_space<vmem_shared>>
          tpu.wait_indirect_dma semaphore(%arg28 : memref<!tpu.dma_semaphore, #tpu.memory_space<semaphore_mem>>) src(%arg23 : memref<128x16xf32, #tpu.memory_space<vmem>>) dst(%dma_wait3A_555 : memref<10112x16xf32, #tpu.memory_space<vmem_shared>>)
          %scan3A_556 = arith.constant 0 : i32
          scf.yield %scan3A_556 : i32
        }
        %scan3A_546 = arith.constant 8 : i32
      } else {
      }
      %add3A_367 = arith.constant 2 : i32
      %add3A_368 = arith.addi %add3A_214, %add3A_367 : i32
      %lt3A_369 = arith.constant 10 : i32
      %lt3A_370 = arith.cmpi slt, %add3A_368, %lt3A_369 : i32
      %convert_element_type3A_371 = arith.extui %lt3A_370 : i1 to i32
      %cond3A_372 = arith.constant 0 : i32
      %cond3A_373 = arith.cmpi ne, %convert_element_type3A_371, %cond3A_372 : i32
      scf.if %cond3A_373 {
        %add3A_540 = arith.constant 2 : i32
        %add3A_541 = arith.addi %add3A_214, %add3A_540 : i32
        %mul3A_542 = arith.constant 8 : i32
        %mul3A_543 = arith.muli %mul3A_542, %add3A_541 : i32
        %dma_start3A_544 = arith.constant 0 : i32
        %dma_start3A_545 = tpu.memref_slice %arg4[%arg1, %mul3A_543, %dma_start3A_544] : memref<16x80x128xi32, #tpu.memory_space<hbm>> -> memref<1x8x128xi32, #tpu.memory_space<hbm>>
        %dma_start3A_546 = tpu.memref_squeeze %dma_start3A_545 : memref<1x8x128xi32, #tpu.memory_space<hbm>> -> memref<8x128xi32, #tpu.memory_space<hbm>>
        %dma_start3A_547 = arith.constant 0 : i32
        %dma_start3A_548 = tpu.memref_slice %arg4[%arg1, %mul3A_543, %dma_start3A_547] : memref<16x80x128xi32, #tpu.memory_space<hbm>> -> memref<1x8x128xi32, #tpu.memory_space<hbm>>
        %dma_start3A_549 = tpu.memref_squeeze %dma_start3A_548 : memref<1x8x128xi32, #tpu.memory_space<hbm>> -> memref<8x128xi32, #tpu.memory_space<hbm>>
        tpu.enqueue_dma source(%dma_start3A_549 : memref<8x128xi32, #tpu.memory_space<hbm>>) target(%arg17 : memref<8x128xi32, #tpu.memory_space<vmem>>) target_semaphore(%arg26 : memref<!tpu.dma_semaphore, #tpu.memory_space<semaphore_mem>>)
        %mul3A_550 = arith.constant 8 : i32
        %mul3A_551 = arith.muli %mul3A_550, %add3A_541 : i32
        %dma_start3A_552 = arith.constant 0 : i32
        %dma_start3A_553 = tpu.memref_slice %arg5[%arg1, %mul3A_551, %dma_start3A_552] : memref<16x80x128xi32, #tpu.memory_space<hbm>> -> memref<1x8x128xi32, #tpu.memory_space<hbm>>
        %dma_start3A_554 = tpu.memref_squeeze %dma_start3A_553 : memref<1x8x128xi32, #tpu.memory_space<hbm>> -> memref<8x128xi32, #tpu.memory_space<hbm>>
        %dma_start3A_555 = arith.constant 0 : i32
        %dma_start3A_556 = tpu.memref_slice %arg5[%arg1, %mul3A_551, %dma_start3A_555] : memref<16x80x128xi32, #tpu.memory_space<hbm>> -> memref<1x8x128xi32, #tpu.memory_space<hbm>>
        %dma_start3A_557 = tpu.memref_squeeze %dma_start3A_556 : memref<1x8x128xi32, #tpu.memory_space<hbm>> -> memref<8x128xi32, #tpu.memory_space<hbm>>
        tpu.enqueue_dma source(%dma_start3A_557 : memref<8x128xi32, #tpu.memory_space<hbm>>) target(%arg19 : memref<8x128xi32, #tpu.memory_space<vmem>>) target_semaphore(%arg26 : memref<!tpu.dma_semaphore, #tpu.memory_space<semaphore_mem>>)
      } else {
      }
      %mul3A_374 = arith.constant 2 : i32
      %mul3A_375 = arith.muli %mul3A_374, %scan3A_209 : i32
      %add3A_376 = arith.constant 1 : i32
      %add3A_377 = arith.addi %mul3A_375, %add3A_376 : i32
      %add3A_378 = arith.constant 1 : i32
      %add3A_379 = arith.addi %add3A_377, %add3A_378 : i32
      %lt3A_380 = arith.constant 10 : i32
      %lt3A_381 = arith.cmpi slt, %add3A_379, %lt3A_380 : i32
      %convert_element_type3A_382 = arith.extui %lt3A_381 : i1 to i32
      %cond3A_383 = arith.constant 0 : i32
      %cond3A_384 = arith.cmpi ne, %convert_element_type3A_382, %cond3A_383 : i32
      scf.if %cond3A_384 {
        %add3A_540 = arith.constant 1 : i32
        %add3A_541 = arith.addi %add3A_377, %add3A_540 : i32
        %mul3A_542 = arith.constant 8 : i32
        %mul3A_543 = arith.muli %mul3A_542, %add3A_541 : i32
        %dma_wait3A_544 = arith.constant 0 : i32
        %dma_wait3A_545 = tpu.memref_slice %arg4[%arg1, %mul3A_543, %dma_wait3A_544] : memref<16x80x128xi32, #tpu.memory_space<hbm>> -> memref<1x8x128xi32, #tpu.memory_space<hbm>>
        %dma_wait3A_546 = tpu.memref_squeeze %dma_wait3A_545 : memref<1x8x128xi32, #tpu.memory_space<hbm>> -> memref<8x128xi32, #tpu.memory_space<hbm>>
        %dma_wait3A_547 = arith.constant 0 : i32
        %dma_wait3A_548 = tpu.memref_slice %arg4[%arg1, %mul3A_543, %dma_wait3A_547] : memref<16x80x128xi32, #tpu.memory_space<hbm>> -> memref<1x8x128xi32, #tpu.memory_space<hbm>>
        %dma_wait3A_549 = tpu.memref_squeeze %dma_wait3A_548 : memref<1x8x128xi32, #tpu.memory_space<hbm>> -> memref<8x128xi32, #tpu.memory_space<hbm>>
        tpu.wait_dma2 semaphore(%arg26 : memref<!tpu.dma_semaphore, #tpu.memory_space<semaphore_mem>>) src(%dma_wait3A_549 : memref<8x128xi32, #tpu.memory_space<hbm>>) dst(%arg17 : memref<8x128xi32, #tpu.memory_space<vmem>>)
        %mul3A_550 = arith.constant 8 : i32
        %mul3A_551 = arith.muli %mul3A_550, %add3A_541 : i32
        %dma_wait3A_552 = arith.constant 0 : i32
        %dma_wait3A_553 = tpu.memref_slice %arg5[%arg1, %mul3A_551, %dma_wait3A_552] : memref<16x80x128xi32, #tpu.memory_space<hbm>> -> memref<1x8x128xi32, #tpu.memory_space<hbm>>
        %dma_wait3A_554 = tpu.memref_squeeze %dma_wait3A_553 : memref<1x8x128xi32, #tpu.memory_space<hbm>> -> memref<8x128xi32, #tpu.memory_space<hbm>>
        %dma_wait3A_555 = arith.constant 0 : i32
        %dma_wait3A_556 = tpu.memref_slice %arg5[%arg1, %mul3A_551, %dma_wait3A_555] : memref<16x80x128xi32, #tpu.memory_space<hbm>> -> memref<1x8x128xi32, #tpu.memory_space<hbm>>
        %dma_wait3A_557 = tpu.memref_squeeze %dma_wait3A_556 : memref<1x8x128xi32, #tpu.memory_space<hbm>> -> memref<8x128xi32, #tpu.memory_space<hbm>>
        tpu.wait_dma2 semaphore(%arg26 : memref<!tpu.dma_semaphore, #tpu.memory_space<semaphore_mem>>) src(%dma_wait3A_557 : memref<8x128xi32, #tpu.memory_space<hbm>>) dst(%arg19 : memref<8x128xi32, #tpu.memory_space<vmem>>)
        %scan3A_558 = arith.constant 0 : i32
        %scan3A_559 = arith.constant 0 : i32
        %scan3A_560 = arith.constant 8 : i32
        %scan3A_561 = arith.addi %scan3A_559, %scan3A_560 : i32
        %scan3A_562 = arith.constant 1 : i32
        %scan3A_563 = scf.for %scan3A_565 = %scan3A_559 to %scan3A_561 step %scan3A_562 iter_args(%scan3A_566 = %scan3A_558) -> (i32)  : i32 {
          %get3A = arith.index_cast %scan3A_565 : i32 to index
          %get3A_567 = arith.constant 0 : index
          %get3A_568 = tpu.vector_load %arg17[%get3A, %get3A_567] {strides = array<i32>} : memref<8x128xi32, #tpu.memory_space<vmem>>, vector<1x16xi32>,
          %get3A_569 = vector.shape_cast %get3A_568 : vector<1x16xi32> to vector<16xi32>
          %add3A_570 = arith.addi %get3A_569, %get3A_569 : vector<16xi32>
          %add3A_571 = vector.broadcast %arg0 : i32 to vector<16xi32>
          %add3A_572 = arith.addi %add3A_570, %add3A_571 : vector<16xi32>
          %swap3A = arith.index_cast %scan3A_565 : i32 to index
          %swap3A_573 = arith.constant 0 : index
          %swap3A_574 = tpu.vector_load %arg17[%swap3A, %swap3A_573] {strides = array<i32>} : memref<8x128xi32, #tpu.memory_space<vmem>>, vector<1x16xi32>,
          %swap3A_575 = vector.shape_cast %swap3A_574 : vector<1x16xi32> to vector<16xi32>
          %swap3A_576 = vector.shape_cast %add3A_572 : vector<16xi32> to vector<1x16xi32>
          tpu.vector_store %arg17[%swap3A, %swap3A_573], %swap3A_576 {strides = array<i32>} : memref<8x128xi32, #tpu.memory_space<vmem>>, vector<1x16xi32>,
          %get3A_577 = arith.index_cast %scan3A_565 : i32 to index
          %get3A_578 = arith.constant 16 : index
          %get3A_579 = tpu.vector_load %arg17[%get3A_577, %get3A_578] {strides = array<i32>} : memref<8x128xi32, #tpu.memory_space<vmem>>, vector<1x16xi32>,
          %get3A_580 = vector.shape_cast %get3A_579 : vector<1x16xi32> to vector<16xi32>
          %add3A_581 = arith.addi %get3A_580, %get3A_580 : vector<16xi32>
          %add3A_582 = vector.broadcast %arg0 : i32 to vector<16xi32>
          %add3A_583 = arith.addi %add3A_581, %add3A_582 : vector<16xi32>
          %swap3A_584 = arith.index_cast %scan3A_565 : i32 to index
          %swap3A_585 = arith.constant 16 : index
          %swap3A_586 = tpu.vector_load %arg17[%swap3A_584, %swap3A_585] {strides = array<i32>} : memref<8x128xi32, #tpu.memory_space<vmem>>, vector<1x16xi32>,
          %swap3A_587 = vector.shape_cast %swap3A_586 : vector<1x16xi32> to vector<16xi32>
          %swap3A_588 = vector.shape_cast %add3A_583 : vector<16xi32> to vector<1x16xi32>
          tpu.vector_store %arg17[%swap3A_584, %swap3A_585], %swap3A_588 {strides = array<i32>} : memref<8x128xi32, #tpu.memory_space<vmem>>, vector<1x16xi32>,
          %get3A_589 = arith.index_cast %scan3A_565 : i32 to index
          %get3A_590 = arith.constant 32 : index
          %get3A_591 = tpu.vector_load %arg17[%get3A_589, %get3A_590] {strides = array<i32>} : memref<8x128xi32, #tpu.memory_space<vmem>>, vector<1x16xi32>,
          %get3A_592 = vector.shape_cast %get3A_591 : vector<1x16xi32> to vector<16xi32>
          %add3A_593 = arith.addi %get3A_592, %get3A_592 : vector<16xi32>
          %add3A_594 = vector.broadcast %arg0 : i32 to vector<16xi32>
          %add3A_595 = arith.addi %add3A_593, %add3A_594 : vector<16xi32>
          %swap3A_596 = arith.index_cast %scan3A_565 : i32 to index
          %swap3A_597 = arith.constant 32 : index
          %swap3A_598 = tpu.vector_load %arg17[%swap3A_596, %swap3A_597] {strides = array<i32>} : memref<8x128xi32, #tpu.memory_space<vmem>>, vector<1x16xi32>,
          %swap3A_599 = vector.shape_cast %swap3A_598 : vector<1x16xi32> to vector<16xi32>
          %swap3A_600 = vector.shape_cast %add3A_595 : vector<16xi32> to vector<1x16xi32>
          tpu.vector_store %arg17[%swap3A_596, %swap3A_597], %swap3A_600 {strides = array<i32>} : memref<8x128xi32, #tpu.memory_space<vmem>>, vector<1x16xi32>,
          %get3A_601 = arith.index_cast %scan3A_565 : i32 to index
          %get3A_602 = arith.constant 48 : index
          %get3A_603 = tpu.vector_load %arg17[%get3A_601, %get3A_602] {strides = array<i32>} : memref<8x128xi32, #tpu.memory_space<vmem>>, vector<1x16xi32>,
          %get3A_604 = vector.shape_cast %get3A_603 : vector<1x16xi32> to vector<16xi32>
          %add3A_605 = arith.addi %get3A_604, %get3A_604 : vector<16xi32>
          %add3A_606 = vector.broadcast %arg0 : i32 to vector<16xi32>
          %add3A_607 = arith.addi %add3A_605, %add3A_606 : vector<16xi32>
          %swap3A_608 = arith.index_cast %scan3A_565 : i32 to index
          %swap3A_609 = arith.constant 48 : index
          %swap3A_610 = tpu.vector_load %arg17[%swap3A_608, %swap3A_609] {strides = array<i32>} : memref<8x128xi32, #tpu.memory_space<vmem>>, vector<1x16xi32>,
          %swap3A_611 = vector.shape_cast %swap3A_610 : vector<1x16xi32> to vector<16xi32>
          %swap3A_612 = vector.shape_cast %add3A_607 : vector<16xi32> to vector<1x16xi32>
          tpu.vector_store %arg17[%swap3A_608, %swap3A_609], %swap3A_612 {strides = array<i32>} : memref<8x128xi32, #tpu.memory_space<vmem>>, vector<1x16xi32>,
          %get3A_613 = arith.index_cast %scan3A_565 : i32 to index
          %get3A_614 = arith.constant 64 : index
          %get3A_615 = tpu.vector_load %arg17[%get3A_613, %get3A_614] {strides = array<i32>} : memref<8x128xi32, #tpu.memory_space<vmem>>, vector<1x16xi32>,
          %get3A_616 = vector.shape_cast %get3A_615 : vector<1x16xi32> to vector<16xi32>
          %add3A_617 = arith.addi %get3A_616, %get3A_616 : vector<16xi32>
          %add3A_618 = vector.broadcast %arg0 : i32 to vector<16xi32>
          %add3A_619 = arith.addi %add3A_617, %add3A_618 : vector<16xi32>
          %swap3A_620 = arith.index_cast %scan3A_565 : i32 to index
          %swap3A_621 = arith.constant 64 : index
          %swap3A_622 = tpu.vector_load %arg17[%swap3A_620, %swap3A_621] {strides = array<i32>} : memref<8x128xi32, #tpu.memory_space<vmem>>, vector<1x16xi32>,
          %swap3A_623 = vector.shape_cast %swap3A_622 : vector<1x16xi32> to vector<16xi32>
          %swap3A_624 = vector.shape_cast %add3A_619 : vector<16xi32> to vector<1x16xi32>
          tpu.vector_store %arg17[%swap3A_620, %swap3A_621], %swap3A_624 {strides = array<i32>} : memref<8x128xi32, #tpu.memory_space<vmem>>, vector<1x16xi32>,
          %get3A_625 = arith.index_cast %scan3A_565 : i32 to index
          %get3A_626 = arith.constant 80 : index
          %get3A_627 = tpu.vector_load %arg17[%get3A_625, %get3A_626] {strides = array<i32>} : memref<8x128xi32, #tpu.memory_space<vmem>>, vector<1x16xi32>,
          %get3A_628 = vector.shape_cast %get3A_627 : vector<1x16xi32> to vector<16xi32>
          %add3A_629 = arith.addi %get3A_628, %get3A_628 : vector<16xi32>
          %add3A_630 = vector.broadcast %arg0 : i32 to vector<16xi32>
          %add3A_631 = arith.addi %add3A_629, %add3A_630 : vector<16xi32>
          %swap3A_632 = arith.index_cast %scan3A_565 : i32 to index
          %swap3A_633 = arith.constant 80 : index
          %swap3A_634 = tpu.vector_load %arg17[%swap3A_632, %swap3A_633] {strides = array<i32>} : memref<8x128xi32, #tpu.memory_space<vmem>>, vector<1x16xi32>,
          %swap3A_635 = vector.shape_cast %swap3A_634 : vector<1x16xi32> to vector<16xi32>
          %swap3A_636 = vector.shape_cast %add3A_631 : vector<16xi32> to vector<1x16xi32>
          tpu.vector_store %arg17[%swap3A_632, %swap3A_633], %swap3A_636 {strides = array<i32>} : memref<8x128xi32, #tpu.memory_space<vmem>>, vector<1x16xi32>,
          %get3A_637 = arith.index_cast %scan3A_565 : i32 to index
          %get3A_638 = arith.constant 96 : index
          %get3A_639 = tpu.vector_load %arg17[%get3A_637, %get3A_638] {strides = array<i32>} : memref<8x128xi32, #tpu.memory_space<vmem>>, vector<1x16xi32>,
          %get3A_640 = vector.shape_cast %get3A_639 : vector<1x16xi32> to vector<16xi32>
          %add3A_641 = arith.addi %get3A_640, %get3A_640 : vector<16xi32>
          %add3A_642 = vector.broadcast %arg0 : i32 to vector<16xi32>
          %add3A_643 = arith.addi %add3A_641, %add3A_642 : vector<16xi32>
          %swap3A_644 = arith.index_cast %scan3A_565 : i32 to index
          %swap3A_645 = arith.constant 96 : index
          %swap3A_646 = tpu.vector_load %arg17[%swap3A_644, %swap3A_645] {strides = array<i32>} : memref<8x128xi32, #tpu.memory_space<vmem>>, vector<1x16xi32>,
          %swap3A_647 = vector.shape_cast %swap3A_646 : vector<1x16xi32> to vector<16xi32>
          %swap3A_648 = vector.shape_cast %add3A_643 : vector<16xi32> to vector<1x16xi32>
          tpu.vector_store %arg17[%swap3A_644, %swap3A_645], %swap3A_648 {strides = array<i32>} : memref<8x128xi32, #tpu.memory_space<vmem>>, vector<1x16xi32>,
          %get3A_649 = arith.index_cast %scan3A_565 : i32 to index
          %get3A_650 = arith.constant 112 : index
          %get3A_651 = tpu.vector_load %arg17[%get3A_649, %get3A_650] {strides = array<i32>} : memref<8x128xi32, #tpu.memory_space<vmem>>, vector<1x16xi32>,
          %get3A_652 = vector.shape_cast %get3A_651 : vector<1x16xi32> to vector<16xi32>
          %add3A_653 = arith.addi %get3A_652, %get3A_652 : vector<16xi32>
          %add3A_654 = vector.broadcast %arg0 : i32 to vector<16xi32>
          %add3A_655 = arith.addi %add3A_653, %add3A_654 : vector<16xi32>
          %swap3A_656 = arith.index_cast %scan3A_565 : i32 to index
          %swap3A_657 = arith.constant 112 : index
          %swap3A_658 = tpu.vector_load %arg17[%swap3A_656, %swap3A_657] {strides = array<i32>} : memref<8x128xi32, #tpu.memory_space<vmem>>, vector<1x16xi32>,
          %swap3A_659 = vector.shape_cast %swap3A_658 : vector<1x16xi32> to vector<16xi32>
          %swap3A_660 = vector.shape_cast %add3A_655 : vector<16xi32> to vector<1x16xi32>
          tpu.vector_store %arg17[%swap3A_656, %swap3A_657], %swap3A_660 {strides = array<i32>} : memref<8x128xi32, #tpu.memory_space<vmem>>, vector<1x16xi32>,
          %scan3A_661 = arith.constant 0 : i32
          scf.yield %scan3A_661 : i32
        }
        %scan3A_564 = arith.constant 8 : i32
      } else {
      }
      %dma_wait3A_385 = arith.constant 0 : i32
      %dma_wait3A_386 = arith.constant 0 : i32
      %dma_wait3A_387 = tpu.memref_slice %arg18[%dma_wait3A_385, %dma_wait3A_386] : memref<8x128xi32, #tpu.memory_space<vmem>> -> memref<1x128xi32, #tpu.memory_space<vmem>>
      %dma_wait3A_388 = tpu.memref_squeeze %dma_wait3A_387 : memref<1x128xi32, #tpu.memory_space<vmem>> -> memref<128xi32, #tpu.memory_space<vmem>>
      %dma_wait3A_389 = arith.constant 0 : i32
      %dma_wait3A_390 = arith.constant 0 : i32
      %dma_wait3A_391 = tpu.memref_slice %arg2[%dma_wait3A_389, %dma_wait3A_390] : memref<20000x128xf32, #tpu.memory_space<hbm>> -> memref<20000x128xf32, #tpu.memory_space<hbm>>
      tpu.wait_indirect_dma semaphore(%arg24 : memref<!tpu.dma_semaphore, #tpu.memory_space<semaphore_mem>>) src(%dma_wait3A_391 : memref<20000x128xf32, #tpu.memory_space<hbm>>) dst(%arg21 : memref<128x128xf32, #tpu.memory_space<vmem>>)
      %run_scoped3A_392 = arith.constant 0 : i32
      "tpu.region"() ({
        %run_scoped3A_540 = tpu.sem_alloc : memref<!tpu.dma_semaphore, #tpu.memory_space<semaphore_mem>>
        %dma_start3A_541 = arith.constant 0 : i32
        %dma_start3A_542 = tpu.memref_slice %arg20[%run_scoped3A_392, %dma_start3A_541] : memref<8x128xi32, #tpu.memory_space<vmem>> -> memref<1x128xi32, #tpu.memory_space<vmem>>
        %dma_start3A_543 = tpu.memref_squeeze %dma_start3A_542 : memref<1x128xi32, #tpu.memory_space<vmem>> -> memref<128xi32, #tpu.memory_space<vmem>>
        %dma_start3A_544 = arith.constant 0 : i32
        %dma_start3A_545 = arith.constant 0 : i32
        %dma_start3A_546 = tpu.memref_slice %arg15[%dma_start3A_544, %dma_start3A_545] : memref<10112x128xf32, #tpu.memory_space<vmem_shared>> -> memref<10112x128xf32, #tpu.memory_space<vmem_shared>>
        tpu.enqueue_indirect_dma source(%arg21 : memref<128x128xf32, #tpu.memory_space<vmem>>) target(%dma_start3A_546 : memref<10112x128xf32, #tpu.memory_space<vmem_shared>>) offsets(%dma_start3A_543 : memref<128xi32, #tpu.memory_space<vmem>>) semaphore(%run_scoped3A_540 : memref<!tpu.dma_semaphore, #tpu.memory_space<semaphore_mem>>) {add = true}
        %dma_wait3A_547 = arith.constant 0 : i32
        %dma_wait3A_548 = tpu.memref_slice %arg20[%run_scoped3A_392, %dma_wait3A_547] : memref<8x128xi32, #tpu.memory_space<vmem>> -> memref<1x128xi32, #tpu.memory_space<vmem>>
        %dma_wait3A_549 = tpu.memref_squeeze %dma_wait3A_548 : memref<1x128xi32, #tpu.memory_space<vmem>> -> memref<128xi32, #tpu.memory_space<vmem>>
        %dma_wait3A_550 = arith.constant 0 : i32
        %dma_wait3A_551 = arith.constant 0 : i32
        %dma_wait3A_552 = tpu.memref_slice %arg15[%dma_wait3A_550, %dma_wait3A_551] : memref<10112x128xf32, #tpu.memory_space<vmem_shared>> -> memref<10112x128xf32, #tpu.memory_space<vmem_shared>>
        tpu.wait_indirect_dma semaphore(%run_scoped3A_540 : memref<!tpu.dma_semaphore, #tpu.memory_space<semaphore_mem>>) src(%arg21 : memref<128x128xf32, #tpu.memory_space<vmem>>) dst(%dma_wait3A_552 : memref<10112x128xf32, #tpu.memory_space<vmem_shared>>)
        tpu.yield
      }) : () -> ()
      %convert_element_type3A_393 = arith.extui %eq3A_20 : i1 to i32
      %cond3A_394 = arith.constant 0 : i32
      %cond3A_395 = arith.cmpi ne, %convert_element_type3A_393, %cond3A_394 : i32
      scf.if %cond3A_395 {
        %dma_start3A_540 = arith.constant 0 : i32
        %dma_start3A_541 = arith.constant 0 : i32
        %dma_start3A_542 = tpu.memref_slice %arg20[%dma_start3A_540, %dma_start3A_541] : memref<8x128xi32, #tpu.memory_space<vmem>> -> memref<1x128xi32, #tpu.memory_space<vmem>>
        %dma_start3A_543 = tpu.memref_squeeze %dma_start3A_542 : memref<1x128xi32, #tpu.memory_space<vmem>> -> memref<128xi32, #tpu.memory_space<vmem>>
        %dma_start3A_544 = arith.constant 0 : i32
        %dma_start3A_545 = arith.constant 0 : i32
        %dma_start3A_546 = tpu.memref_slice %arg16[%dma_start3A_544, %dma_start3A_545] : memref<10112x16xf32, #tpu.memory_space<vmem_shared>> -> memref<10112x16xf32, #tpu.memory_space<vmem_shared>>
        tpu.enqueue_indirect_dma source(%arg23 : memref<128x16xf32, #tpu.memory_space<vmem>>) target(%dma_start3A_546 : memref<10112x16xf32, #tpu.memory_space<vmem_shared>>) offsets(%dma_start3A_543 : memref<128xi32, #tpu.memory_space<vmem>>) semaphore(%arg28 : memref<!tpu.dma_semaphore, #tpu.memory_space<semaphore_mem>>) {add = true}
      } else {
      }
      %dma_start3A_396 = arith.constant 2 : i32
      %dma_start3A_397 = arith.constant 0 : i32
      %dma_start3A_398 = tpu.memref_slice %arg18[%dma_start3A_396, %dma_start3A_397] : memref<8x128xi32, #tpu.memory_space<vmem>> -> memref<1x128xi32, #tpu.memory_space<vmem>>
      %dma_start3A_399 = tpu.memref_squeeze %dma_start3A_398 : memref<1x128xi32, #tpu.memory_space<vmem>> -> memref<128xi32, #tpu.memory_space<vmem>>
      %dma_start3A_400 = arith.constant 0 : i32
      %dma_start3A_401 = arith.constant 0 : i32
      %dma_start3A_402 = tpu.memref_slice %arg2[%dma_start3A_400, %dma_start3A_401] : memref<20000x128xf32, #tpu.memory_space<hbm>> -> memref<20000x128xf32, #tpu.memory_space<hbm>>
      tpu.enqueue_indirect_dma source(%dma_start3A_402 : memref<20000x128xf32, #tpu.memory_space<hbm>>) target(%arg21 : memref<128x128xf32, #tpu.memory_space<vmem>>) offsets(%dma_start3A_399 : memref<128xi32, #tpu.memory_space<vmem>>) semaphore(%arg24 : memref<!tpu.dma_semaphore, #tpu.memory_space<semaphore_mem>>)
      %dma_wait3A_403 = arith.constant 1 : i32
      %dma_wait3A_404 = arith.constant 0 : i32
      %dma_wait3A_405 = tpu.memref_slice %arg18[%dma_wait3A_403, %dma_wait3A_404] : memref<8x128xi32, #tpu.memory_space<vmem>> -> memref<1x128xi32, #tpu.memory_space<vmem>>
      %dma_wait3A_406 = tpu.memref_squeeze %dma_wait3A_405 : memref<1x128xi32, #tpu.memory_space<vmem>> -> memref<128xi32, #tpu.memory_space<vmem>>
      %dma_wait3A_407 = arith.constant 0 : i32
      %dma_wait3A_408 = arith.constant 0 : i32
      %dma_wait3A_409 = tpu.memref_slice %arg2[%dma_wait3A_407, %dma_wait3A_408] : memref<20000x128xf32, #tpu.memory_space<hbm>> -> memref<20000x128xf32, #tpu.memory_space<hbm>>
      tpu.wait_indirect_dma semaphore(%arg25 : memref<!tpu.dma_semaphore, #tpu.memory_space<semaphore_mem>>) src(%dma_wait3A_409 : memref<20000x128xf32, #tpu.memory_space<hbm>>) dst(%arg22 : memref<128x128xf32, #tpu.memory_space<vmem>>)
      %run_scoped3A_410 = arith.constant 1 : i32
      "tpu.region"() ({
        %run_scoped3A_540 = tpu.sem_alloc : memref<!tpu.dma_semaphore, #tpu.memory_space<semaphore_mem>>
        %dma_start3A_541 = arith.constant 0 : i32
        %dma_start3A_542 = tpu.memref_slice %arg20[%run_scoped3A_410, %dma_start3A_541] : memref<8x128xi32, #tpu.memory_space<vmem>> -> memref<1x128xi32, #tpu.memory_space<vmem>>
        %dma_start3A_543 = tpu.memref_squeeze %dma_start3A_542 : memref<1x128xi32, #tpu.memory_space<vmem>> -> memref<128xi32, #tpu.memory_space<vmem>>
        %dma_start3A_544 = arith.constant 0 : i32
        %dma_start3A_545 = arith.constant 0 : i32
        %dma_start3A_546 = tpu.memref_slice %arg15[%dma_start3A_544, %dma_start3A_545] : memref<10112x128xf32, #tpu.memory_space<vmem_shared>> -> memref<10112x128xf32, #tpu.memory_space<vmem_shared>>
        tpu.enqueue_indirect_dma source(%arg22 : memref<128x128xf32, #tpu.memory_space<vmem>>) target(%dma_start3A_546 : memref<10112x128xf32, #tpu.memory_space<vmem_shared>>) offsets(%dma_start3A_543 : memref<128xi32, #tpu.memory_space<vmem>>) semaphore(%run_scoped3A_540 : memref<!tpu.dma_semaphore, #tpu.memory_space<semaphore_mem>>) {add = true}
        %dma_wait3A_547 = arith.constant 0 : i32
        %dma_wait3A_548 = tpu.memref_slice %arg20[%run_scoped3A_410, %dma_wait3A_547] : memref<8x128xi32, #tpu.memory_space<vmem>> -> memref<1x128xi32, #tpu.memory_space<vmem>>
        %dma_wait3A_549 = tpu.memref_squeeze %dma_wait3A_548 : memref<1x128xi32, #tpu.memory_space<vmem>> -> memref<128xi32, #tpu.memory_space<vmem>>
        %dma_wait3A_550 = arith.constant 0 : i32
        %dma_wait3A_551 = arith.constant 0 : i32
        %dma_wait3A_552 = tpu.memref_slice %arg15[%dma_wait3A_550, %dma_wait3A_551] : memref<10112x128xf32, #tpu.memory_space<vmem_shared>> -> memref<10112x128xf32, #tpu.memory_space<vmem_shared>>
        tpu.wait_indirect_dma semaphore(%run_scoped3A_540 : memref<!tpu.dma_semaphore, #tpu.memory_space<semaphore_mem>>) src(%arg22 : memref<128x128xf32, #tpu.memory_space<vmem>>) dst(%dma_wait3A_552 : memref<10112x128xf32, #tpu.memory_space<vmem_shared>>)
        tpu.yield
      }) : () -> ()
      %convert_element_type3A_411 = arith.extui %eq3A_20 : i1 to i32
      %cond3A_412 = arith.constant 0 : i32
      %cond3A_413 = arith.cmpi ne, %convert_element_type3A_411, %cond3A_412 : i32
      scf.if %cond3A_413 {
        %dma_start3A_540 = arith.constant 1 : i32
        %dma_start3A_541 = arith.constant 0 : i32
        %dma_start3A_542 = tpu.memref_slice %arg20[%dma_start3A_540, %dma_start3A_541] : memref<8x128xi32, #tpu.memory_space<vmem>> -> memref<1x128xi32, #tpu.memory_space<vmem>>
        %dma_start3A_543 = tpu.memref_squeeze %dma_start3A_542 : memref<1x128xi32, #tpu.memory_space<vmem>> -> memref<128xi32, #tpu.memory_space<vmem>>
        %dma_start3A_544 = arith.constant 0 : i32
        %dma_start3A_545 = arith.constant 0 : i32
        %dma_start3A_546 = tpu.memref_slice %arg16[%dma_start3A_544, %dma_start3A_545] : memref<10112x16xf32, #tpu.memory_space<vmem_shared>> -> memref<10112x16xf32, #tpu.memory_space<vmem_shared>>
        tpu.enqueue_indirect_dma source(%arg23 : memref<128x16xf32, #tpu.memory_space<vmem>>) target(%dma_start3A_546 : memref<10112x16xf32, #tpu.memory_space<vmem_shared>>) offsets(%dma_start3A_543 : memref<128xi32, #tpu.memory_space<vmem>>) semaphore(%arg28 : memref<!tpu.dma_semaphore, #tpu.memory_space<semaphore_mem>>) {add = true}
      } else {
      }
      %dma_start3A_414 = arith.constant 3 : i32
      %dma_start3A_415 = arith.constant 0 : i32
      %dma_start3A_416 = tpu.memref_slice %arg18[%dma_start3A_414, %dma_start3A_415] : memref<8x128xi32, #tpu.memory_space<vmem>> -> memref<1x128xi32, #tpu.memory_space<vmem>>
      %dma_start3A_417 = tpu.memref_squeeze %dma_start3A_416 : memref<1x128xi32, #tpu.memory_space<vmem>> -> memref<128xi32, #tpu.memory_space<vmem>>
      %dma_start3A_418 = arith.constant 0 : i32
      %dma_start3A_419 = arith.constant 0 : i32
      %dma_start3A_420 = tpu.memref_slice %arg2[%dma_start3A_418, %dma_start3A_419] : memref<20000x128xf32, #tpu.memory_space<hbm>> -> memref<20000x128xf32, #tpu.memory_space<hbm>>
      tpu.enqueue_indirect_dma source(%dma_start3A_420 : memref<20000x128xf32, #tpu.memory_space<hbm>>) target(%arg22 : memref<128x128xf32, #tpu.memory_space<vmem>>) offsets(%dma_start3A_417 : memref<128xi32, #tpu.memory_space<vmem>>) semaphore(%arg25 : memref<!tpu.dma_semaphore, #tpu.memory_space<semaphore_mem>>)
      %dma_wait3A_421 = arith.constant 2 : i32
      %dma_wait3A_422 = arith.constant 0 : i32
      %dma_wait3A_423 = tpu.memref_slice %arg18[%dma_wait3A_421, %dma_wait3A_422] : memref<8x128xi32, #tpu.memory_space<vmem>> -> memref<1x128xi32, #tpu.memory_space<vmem>>
      %dma_wait3A_424 = tpu.memref_squeeze %dma_wait3A_423 : memref<1x128xi32, #tpu.memory_space<vmem>> -> memref<128xi32, #tpu.memory_space<vmem>>
      %dma_wait3A_425 = arith.constant 0 : i32
      %dma_wait3A_426 = arith.constant 0 : i32
      %dma_wait3A_427 = tpu.memref_slice %arg2[%dma_wait3A_425, %dma_wait3A_426] : memref<20000x128xf32, #tpu.memory_space<hbm>> -> memref<20000x128xf32, #tpu.memory_space<hbm>>
      tpu.wait_indirect_dma semaphore(%arg24 : memref<!tpu.dma_semaphore, #tpu.memory_space<semaphore_mem>>) src(%dma_wait3A_427 : memref<20000x128xf32, #tpu.memory_space<hbm>>) dst(%arg21 : memref<128x128xf32, #tpu.memory_space<vmem>>)
      %run_scoped3A_428 = arith.constant 2 : i32
      "tpu.region"() ({
        %run_scoped3A_540 = tpu.sem_alloc : memref<!tpu.dma_semaphore, #tpu.memory_space<semaphore_mem>>
        %dma_start3A_541 = arith.constant 0 : i32
        %dma_start3A_542 = tpu.memref_slice %arg20[%run_scoped3A_428, %dma_start3A_541] : memref<8x128xi32, #tpu.memory_space<vmem>> -> memref<1x128xi32, #tpu.memory_space<vmem>>
        %dma_start3A_543 = tpu.memref_squeeze %dma_start3A_542 : memref<1x128xi32, #tpu.memory_space<vmem>> -> memref<128xi32, #tpu.memory_space<vmem>>
        %dma_start3A_544 = arith.constant 0 : i32
        %dma_start3A_545 = arith.constant 0 : i32
        %dma_start3A_546 = tpu.memref_slice %arg15[%dma_start3A_544, %dma_start3A_545] : memref<10112x128xf32, #tpu.memory_space<vmem_shared>> -> memref<10112x128xf32, #tpu.memory_space<vmem_shared>>
        tpu.enqueue_indirect_dma source(%arg21 : memref<128x128xf32, #tpu.memory_space<vmem>>) target(%dma_start3A_546 : memref<10112x128xf32, #tpu.memory_space<vmem_shared>>) offsets(%dma_start3A_543 : memref<128xi32, #tpu.memory_space<vmem>>) semaphore(%run_scoped3A_540 : memref<!tpu.dma_semaphore, #tpu.memory_space<semaphore_mem>>) {add = true}
        %dma_wait3A_547 = arith.constant 0 : i32
        %dma_wait3A_548 = tpu.memref_slice %arg20[%run_scoped3A_428, %dma_wait3A_547] : memref<8x128xi32, #tpu.memory_space<vmem>> -> memref<1x128xi32, #tpu.memory_space<vmem>>
        %dma_wait3A_549 = tpu.memref_squeeze %dma_wait3A_548 : memref<1x128xi32, #tpu.memory_space<vmem>> -> memref<128xi32, #tpu.memory_space<vmem>>
        %dma_wait3A_550 = arith.constant 0 : i32
        %dma_wait3A_551 = arith.constant 0 : i32
        %dma_wait3A_552 = tpu.memref_slice %arg15[%dma_wait3A_550, %dma_wait3A_551] : memref<10112x128xf32, #tpu.memory_space<vmem_shared>> -> memref<10112x128xf32, #tpu.memory_space<vmem_shared>>
        tpu.wait_indirect_dma semaphore(%run_scoped3A_540 : memref<!tpu.dma_semaphore, #tpu.memory_space<semaphore_mem>>) src(%arg21 : memref<128x128xf32, #tpu.memory_space<vmem>>) dst(%dma_wait3A_552 : memref<10112x128xf32, #tpu.memory_space<vmem_shared>>)
        tpu.yield
      }) : () -> ()
      %convert_element_type3A_429 = arith.extui %eq3A_20 : i1 to i32
      %cond3A_430 = arith.constant 0 : i32
      %cond3A_431 = arith.cmpi ne, %convert_element_type3A_429, %cond3A_430 : i32
      scf.if %cond3A_431 {
        %dma_start3A_540 = arith.constant 2 : i32
        %dma_start3A_541 = arith.constant 0 : i32
        %dma_start3A_542 = tpu.memref_slice %arg20[%dma_start3A_540, %dma_start3A_541] : memref<8x128xi32, #tpu.memory_space<vmem>> -> memref<1x128xi32, #tpu.memory_space<vmem>>
        %dma_start3A_543 = tpu.memref_squeeze %dma_start3A_542 : memref<1x128xi32, #tpu.memory_space<vmem>> -> memref<128xi32, #tpu.memory_space<vmem>>
        %dma_start3A_544 = arith.constant 0 : i32
        %dma_start3A_545 = arith.constant 0 : i32
        %dma_start3A_546 = tpu.memref_slice %arg16[%dma_start3A_544, %dma_start3A_545] : memref<10112x16xf32, #tpu.memory_space<vmem_shared>> -> memref<10112x16xf32, #tpu.memory_space<vmem_shared>>
        tpu.enqueue_indirect_dma source(%arg23 : memref<128x16xf32, #tpu.memory_space<vmem>>) target(%dma_start3A_546 : memref<10112x16xf32, #tpu.memory_space<vmem_shared>>) offsets(%dma_start3A_543 : memref<128xi32, #tpu.memory_space<vmem>>) semaphore(%arg28 : memref<!tpu.dma_semaphore, #tpu.memory_space<semaphore_mem>>) {add = true}
      } else {
      }
      %dma_start3A_432 = arith.constant 4 : i32
      %dma_start3A_433 = arith.constant 0 : i32
      %dma_start3A_434 = tpu.memref_slice %arg18[%dma_start3A_432, %dma_start3A_433] : memref<8x128xi32, #tpu.memory_space<vmem>> -> memref<1x128xi32, #tpu.memory_space<vmem>>
      %dma_start3A_435 = tpu.memref_squeeze %dma_start3A_434 : memref<1x128xi32, #tpu.memory_space<vmem>> -> memref<128xi32, #tpu.memory_space<vmem>>
      %dma_start3A_436 = arith.constant 0 : i32
      %dma_start3A_437 = arith.constant 0 : i32
      %dma_start3A_438 = tpu.memref_slice %arg2[%dma_start3A_436, %dma_start3A_437] : memref<20000x128xf32, #tpu.memory_space<hbm>> -> memref<20000x128xf32, #tpu.memory_space<hbm>>
      tpu.enqueue_indirect_dma source(%dma_start3A_438 : memref<20000x128xf32, #tpu.memory_space<hbm>>) target(%arg21 : memref<128x128xf32, #tpu.memory_space<vmem>>) offsets(%dma_start3A_435 : memref<128xi32, #tpu.memory_space<vmem>>) semaphore(%arg24 : memref<!tpu.dma_semaphore, #tpu.memory_space<semaphore_mem>>)
      %dma_wait3A_439 = arith.constant 3 : i32
      %dma_wait3A_440 = arith.constant 0 : i32
      %dma_wait3A_441 = tpu.memref_slice %arg18[%dma_wait3A_439, %dma_wait3A_440] : memref<8x128xi32, #tpu.memory_space<vmem>> -> memref<1x128xi32, #tpu.memory_space<vmem>>
      %dma_wait3A_442 = tpu.memref_squeeze %dma_wait3A_441 : memref<1x128xi32, #tpu.memory_space<vmem>> -> memref<128xi32, #tpu.memory_space<vmem>>
      %dma_wait3A_443 = arith.constant 0 : i32
      %dma_wait3A_444 = arith.constant 0 : i32
      %dma_wait3A_445 = tpu.memref_slice %arg2[%dma_wait3A_443, %dma_wait3A_444] : memref<20000x128xf32, #tpu.memory_space<hbm>> -> memref<20000x128xf32, #tpu.memory_space<hbm>>
      tpu.wait_indirect_dma semaphore(%arg25 : memref<!tpu.dma_semaphore, #tpu.memory_space<semaphore_mem>>) src(%dma_wait3A_445 : memref<20000x128xf32, #tpu.memory_space<hbm>>) dst(%arg22 : memref<128x128xf32, #tpu.memory_space<vmem>>)
      %run_scoped3A_446 = arith.constant 3 : i32
      "tpu.region"() ({
        %run_scoped3A_540 = tpu.sem_alloc : memref<!tpu.dma_semaphore, #tpu.memory_space<semaphore_mem>>
        %dma_start3A_541 = arith.constant 0 : i32
        %dma_start3A_542 = tpu.memref_slice %arg20[%run_scoped3A_446, %dma_start3A_541] : memref<8x128xi32, #tpu.memory_space<vmem>> -> memref<1x128xi32, #tpu.memory_space<vmem>>
        %dma_start3A_543 = tpu.memref_squeeze %dma_start3A_542 : memref<1x128xi32, #tpu.memory_space<vmem>> -> memref<128xi32, #tpu.memory_space<vmem>>
        %dma_start3A_544 = arith.constant 0 : i32
        %dma_start3A_545 = arith.constant 0 : i32
        %dma_start3A_546 = tpu.memref_slice %arg15[%dma_start3A_544, %dma_start3A_545] : memref<10112x128xf32, #tpu.memory_space<vmem_shared>> -> memref<10112x128xf32, #tpu.memory_space<vmem_shared>>
        tpu.enqueue_indirect_dma source(%arg22 : memref<128x128xf32, #tpu.memory_space<vmem>>) target(%dma_start3A_546 : memref<10112x128xf32, #tpu.memory_space<vmem_shared>>) offsets(%dma_start3A_543 : memref<128xi32, #tpu.memory_space<vmem>>) semaphore(%run_scoped3A_540 : memref<!tpu.dma_semaphore, #tpu.memory_space<semaphore_mem>>) {add = true}
        %dma_wait3A_547 = arith.constant 0 : i32
        %dma_wait3A_548 = tpu.memref_slice %arg20[%run_scoped3A_446, %dma_wait3A_547] : memref<8x128xi32, #tpu.memory_space<vmem>> -> memref<1x128xi32, #tpu.memory_space<vmem>>
        %dma_wait3A_549 = tpu.memref_squeeze %dma_wait3A_548 : memref<1x128xi32, #tpu.memory_space<vmem>> -> memref<128xi32, #tpu.memory_space<vmem>>
        %dma_wait3A_550 = arith.constant 0 : i32
        %dma_wait3A_551 = arith.constant 0 : i32
        %dma_wait3A_552 = tpu.memref_slice %arg15[%dma_wait3A_550, %dma_wait3A_551] : memref<10112x128xf32, #tpu.memory_space<vmem_shared>> -> memref<10112x128xf32, #tpu.memory_space<vmem_shared>>
        tpu.wait_indirect_dma semaphore(%run_scoped3A_540 : memref<!tpu.dma_semaphore, #tpu.memory_space<semaphore_mem>>) src(%arg22 : memref<128x128xf32, #tpu.memory_space<vmem>>) dst(%dma_wait3A_552 : memref<10112x128xf32, #tpu.memory_space<vmem_shared>>)
        tpu.yield
      }) : () -> ()
      %convert_element_type3A_447 = arith.extui %eq3A_20 : i1 to i32
      %cond3A_448 = arith.constant 0 : i32
      %cond3A_449 = arith.cmpi ne, %convert_element_type3A_447, %cond3A_448 : i32
      scf.if %cond3A_449 {
        %dma_start3A_540 = arith.constant 3 : i32
        %dma_start3A_541 = arith.constant 0 : i32
        %dma_start3A_542 = tpu.memref_slice %arg20[%dma_start3A_540, %dma_start3A_541] : memref<8x128xi32, #tpu.memory_space<vmem>> -> memref<1x128xi32, #tpu.memory_space<vmem>>
        %dma_start3A_543 = tpu.memref_squeeze %dma_start3A_542 : memref<1x128xi32, #tpu.memory_space<vmem>> -> memref<128xi32, #tpu.memory_space<vmem>>
        %dma_start3A_544 = arith.constant 0 : i32
        %dma_start3A_545 = arith.constant 0 : i32
        %dma_start3A_546 = tpu.memref_slice %arg16[%dma_start3A_544, %dma_start3A_545] : memref<10112x16xf32, #tpu.memory_space<vmem_shared>> -> memref<10112x16xf32, #tpu.memory_space<vmem_shared>>
        tpu.enqueue_indirect_dma source(%arg23 : memref<128x16xf32, #tpu.memory_space<vmem>>) target(%dma_start3A_546 : memref<10112x16xf32, #tpu.memory_space<vmem_shared>>) offsets(%dma_start3A_543 : memref<128xi32, #tpu.memory_space<vmem>>) semaphore(%arg28 : memref<!tpu.dma_semaphore, #tpu.memory_space<semaphore_mem>>) {add = true}
      } else {
      }
      %dma_start3A_450 = arith.constant 5 : i32
      %dma_start3A_451 = arith.constant 0 : i32
      %dma_start3A_452 = tpu.memref_slice %arg18[%dma_start3A_450, %dma_start3A_451] : memref<8x128xi32, #tpu.memory_space<vmem>> -> memref<1x128xi32, #tpu.memory_space<vmem>>
      %dma_start3A_453 = tpu.memref_squeeze %dma_start3A_452 : memref<1x128xi32, #tpu.memory_space<vmem>> -> memref<128xi32, #tpu.memory_space<vmem>>
      %dma_start3A_454 = arith.constant 0 : i32
      %dma_start3A_455 = arith.constant 0 : i32
      %dma_start3A_456 = tpu.memref_slice %arg2[%dma_start3A_454, %dma_start3A_455] : memref<20000x128xf32, #tpu.memory_space<hbm>> -> memref<20000x128xf32, #tpu.memory_space<hbm>>
      tpu.enqueue_indirect_dma source(%dma_start3A_456 : memref<20000x128xf32, #tpu.memory_space<hbm>>) target(%arg22 : memref<128x128xf32, #tpu.memory_space<vmem>>) offsets(%dma_start3A_453 : memref<128xi32, #tpu.memory_space<vmem>>) semaphore(%arg25 : memref<!tpu.dma_semaphore, #tpu.memory_space<semaphore_mem>>)
      %dma_wait3A_457 = arith.constant 4 : i32
      %dma_wait3A_458 = arith.constant 0 : i32
      %dma_wait3A_459 = tpu.memref_slice %arg18[%dma_wait3A_457, %dma_wait3A_458] : memref<8x128xi32, #tpu.memory_space<vmem>> -> memref<1x128xi32, #tpu.memory_space<vmem>>
      %dma_wait3A_460 = tpu.memref_squeeze %dma_wait3A_459 : memref<1x128xi32, #tpu.memory_space<vmem>> -> memref<128xi32, #tpu.memory_space<vmem>>
      %dma_wait3A_461 = arith.constant 0 : i32
      %dma_wait3A_462 = arith.constant 0 : i32
      %dma_wait3A_463 = tpu.memref_slice %arg2[%dma_wait3A_461, %dma_wait3A_462] : memref<20000x128xf32, #tpu.memory_space<hbm>> -> memref<20000x128xf32, #tpu.memory_space<hbm>>
      tpu.wait_indirect_dma semaphore(%arg24 : memref<!tpu.dma_semaphore, #tpu.memory_space<semaphore_mem>>) src(%dma_wait3A_463 : memref<20000x128xf32, #tpu.memory_space<hbm>>) dst(%arg21 : memref<128x128xf32, #tpu.memory_space<vmem>>)
      %run_scoped3A_464 = arith.constant 4 : i32
      "tpu.region"() ({
        %run_scoped3A_540 = tpu.sem_alloc : memref<!tpu.dma_semaphore, #tpu.memory_space<semaphore_mem>>
        %dma_start3A_541 = arith.constant 0 : i32
        %dma_start3A_542 = tpu.memref_slice %arg20[%run_scoped3A_464, %dma_start3A_541] : memref<8x128xi32, #tpu.memory_space<vmem>> -> memref<1x128xi32, #tpu.memory_space<vmem>>
        %dma_start3A_543 = tpu.memref_squeeze %dma_start3A_542 : memref<1x128xi32, #tpu.memory_space<vmem>> -> memref<128xi32, #tpu.memory_space<vmem>>
        %dma_start3A_544 = arith.constant 0 : i32
        %dma_start3A_545 = arith.constant 0 : i32
        %dma_start3A_546 = tpu.memref_slice %arg15[%dma_start3A_544, %dma_start3A_545] : memref<10112x128xf32, #tpu.memory_space<vmem_shared>> -> memref<10112x128xf32, #tpu.memory_space<vmem_shared>>
        tpu.enqueue_indirect_dma source(%arg21 : memref<128x128xf32, #tpu.memory_space<vmem>>) target(%dma_start3A_546 : memref<10112x128xf32, #tpu.memory_space<vmem_shared>>) offsets(%dma_start3A_543 : memref<128xi32, #tpu.memory_space<vmem>>) semaphore(%run_scoped3A_540 : memref<!tpu.dma_semaphore, #tpu.memory_space<semaphore_mem>>) {add = true}
        %dma_wait3A_547 = arith.constant 0 : i32
        %dma_wait3A_548 = tpu.memref_slice %arg20[%run_scoped3A_464, %dma_wait3A_547] : memref<8x128xi32, #tpu.memory_space<vmem>> -> memref<1x128xi32, #tpu.memory_space<vmem>>
        %dma_wait3A_549 = tpu.memref_squeeze %dma_wait3A_548 : memref<1x128xi32, #tpu.memory_space<vmem>> -> memref<128xi32, #tpu.memory_space<vmem>>
        %dma_wait3A_550 = arith.constant 0 : i32
        %dma_wait3A_551 = arith.constant 0 : i32
        %dma_wait3A_552 = tpu.memref_slice %arg15[%dma_wait3A_550, %dma_wait3A_551] : memref<10112x128xf32, #tpu.memory_space<vmem_shared>> -> memref<10112x128xf32, #tpu.memory_space<vmem_shared>>
        tpu.wait_indirect_dma semaphore(%run_scoped3A_540 : memref<!tpu.dma_semaphore, #tpu.memory_space<semaphore_mem>>) src(%arg21 : memref<128x128xf32, #tpu.memory_space<vmem>>) dst(%dma_wait3A_552 : memref<10112x128xf32, #tpu.memory_space<vmem_shared>>)
        tpu.yield
      }) : () -> ()
      %convert_element_type3A_465 = arith.extui %eq3A_20 : i1 to i32
      %cond3A_466 = arith.constant 0 : i32
      %cond3A_467 = arith.cmpi ne, %convert_element_type3A_465, %cond3A_466 : i32
      scf.if %cond3A_467 {
        %dma_start3A_540 = arith.constant 4 : i32
        %dma_start3A_541 = arith.constant 0 : i32
        %dma_start3A_542 = tpu.memref_slice %arg20[%dma_start3A_540, %dma_start3A_541] : memref<8x128xi32, #tpu.memory_space<vmem>> -> memref<1x128xi32, #tpu.memory_space<vmem>>
        %dma_start3A_543 = tpu.memref_squeeze %dma_start3A_542 : memref<1x128xi32, #tpu.memory_space<vmem>> -> memref<128xi32, #tpu.memory_space<vmem>>
        %dma_start3A_544 = arith.constant 0 : i32
        %dma_start3A_545 = arith.constant 0 : i32
        %dma_start3A_546 = tpu.memref_slice %arg16[%dma_start3A_544, %dma_start3A_545] : memref<10112x16xf32, #tpu.memory_space<vmem_shared>> -> memref<10112x16xf32, #tpu.memory_space<vmem_shared>>
        tpu.enqueue_indirect_dma source(%arg23 : memref<128x16xf32, #tpu.memory_space<vmem>>) target(%dma_start3A_546 : memref<10112x16xf32, #tpu.memory_space<vmem_shared>>) offsets(%dma_start3A_543 : memref<128xi32, #tpu.memory_space<vmem>>) semaphore(%arg28 : memref<!tpu.dma_semaphore, #tpu.memory_space<semaphore_mem>>) {add = true}
      } else {
      }
      %dma_start3A_468 = arith.constant 6 : i32
      %dma_start3A_469 = arith.constant 0 : i32
      %dma_start3A_470 = tpu.memref_slice %arg18[%dma_start3A_468, %dma_start3A_469] : memref<8x128xi32, #tpu.memory_space<vmem>> -> memref<1x128xi32, #tpu.memory_space<vmem>>
      %dma_start3A_471 = tpu.memref_squeeze %dma_start3A_470 : memref<1x128xi32, #tpu.memory_space<vmem>> -> memref<128xi32, #tpu.memory_space<vmem>>
      %dma_start3A_472 = arith.constant 0 : i32
      %dma_start3A_473 = arith.constant 0 : i32
      %dma_start3A_474 = tpu.memref_slice %arg2[%dma_start3A_472, %dma_start3A_473] : memref<20000x128xf32, #tpu.memory_space<hbm>> -> memref<20000x128xf32, #tpu.memory_space<hbm>>
      tpu.enqueue_indirect_dma source(%dma_start3A_474 : memref<20000x128xf32, #tpu.memory_space<hbm>>) target(%arg21 : memref<128x128xf32, #tpu.memory_space<vmem>>) offsets(%dma_start3A_471 : memref<128xi32, #tpu.memory_space<vmem>>) semaphore(%arg24 : memref<!tpu.dma_semaphore, #tpu.memory_space<semaphore_mem>>)
      %dma_wait3A_475 = arith.constant 5 : i32
      %dma_wait3A_476 = arith.constant 0 : i32
      %dma_wait3A_477 = tpu.memref_slice %arg18[%dma_wait3A_475, %dma_wait3A_476] : memref<8x128xi32, #tpu.memory_space<vmem>> -> memref<1x128xi32, #tpu.memory_space<vmem>>
      %dma_wait3A_478 = tpu.memref_squeeze %dma_wait3A_477 : memref<1x128xi32, #tpu.memory_space<vmem>> -> memref<128xi32, #tpu.memory_space<vmem>>
      %dma_wait3A_479 = arith.constant 0 : i32
      %dma_wait3A_480 = arith.constant 0 : i32
      %dma_wait3A_481 = tpu.memref_slice %arg2[%dma_wait3A_479, %dma_wait3A_480] : memref<20000x128xf32, #tpu.memory_space<hbm>> -> memref<20000x128xf32, #tpu.memory_space<hbm>>
      tpu.wait_indirect_dma semaphore(%arg25 : memref<!tpu.dma_semaphore, #tpu.memory_space<semaphore_mem>>) src(%dma_wait3A_481 : memref<20000x128xf32, #tpu.memory_space<hbm>>) dst(%arg22 : memref<128x128xf32, #tpu.memory_space<vmem>>)
      %run_scoped3A_482 = arith.constant 5 : i32
      "tpu.region"() ({
        %run_scoped3A_540 = tpu.sem_alloc : memref<!tpu.dma_semaphore, #tpu.memory_space<semaphore_mem>>
        %dma_start3A_541 = arith.constant 0 : i32
        %dma_start3A_542 = tpu.memref_slice %arg20[%run_scoped3A_482, %dma_start3A_541] : memref<8x128xi32, #tpu.memory_space<vmem>> -> memref<1x128xi32, #tpu.memory_space<vmem>>
        %dma_start3A_543 = tpu.memref_squeeze %dma_start3A_542 : memref<1x128xi32, #tpu.memory_space<vmem>> -> memref<128xi32, #tpu.memory_space<vmem>>
        %dma_start3A_544 = arith.constant 0 : i32
        %dma_start3A_545 = arith.constant 0 : i32
        %dma_start3A_546 = tpu.memref_slice %arg15[%dma_start3A_544, %dma_start3A_545] : memref<10112x128xf32, #tpu.memory_space<vmem_shared>> -> memref<10112x128xf32, #tpu.memory_space<vmem_shared>>
        tpu.enqueue_indirect_dma source(%arg22 : memref<128x128xf32, #tpu.memory_space<vmem>>) target(%dma_start3A_546 : memref<10112x128xf32, #tpu.memory_space<vmem_shared>>) offsets(%dma_start3A_543 : memref<128xi32, #tpu.memory_space<vmem>>) semaphore(%run_scoped3A_540 : memref<!tpu.dma_semaphore, #tpu.memory_space<semaphore_mem>>) {add = true}
        %dma_wait3A_547 = arith.constant 0 : i32
        %dma_wait3A_548 = tpu.memref_slice %arg20[%run_scoped3A_482, %dma_wait3A_547] : memref<8x128xi32, #tpu.memory_space<vmem>> -> memref<1x128xi32, #tpu.memory_space<vmem>>
        %dma_wait3A_549 = tpu.memref_squeeze %dma_wait3A_548 : memref<1x128xi32, #tpu.memory_space<vmem>> -> memref<128xi32, #tpu.memory_space<vmem>>
        %dma_wait3A_550 = arith.constant 0 : i32
        %dma_wait3A_551 = arith.constant 0 : i32
        %dma_wait3A_552 = tpu.memref_slice %arg15[%dma_wait3A_550, %dma_wait3A_551] : memref<10112x128xf32, #tpu.memory_space<vmem_shared>> -> memref<10112x128xf32, #tpu.memory_space<vmem_shared>>
        tpu.wait_indirect_dma semaphore(%run_scoped3A_540 : memref<!tpu.dma_semaphore, #tpu.memory_space<semaphore_mem>>) src(%arg22 : memref<128x128xf32, #tpu.memory_space<vmem>>) dst(%dma_wait3A_552 : memref<10112x128xf32, #tpu.memory_space<vmem_shared>>)
        tpu.yield
      }) : () -> ()
      %convert_element_type3A_483 = arith.extui %eq3A_20 : i1 to i32
      %cond3A_484 = arith.constant 0 : i32
      %cond3A_485 = arith.cmpi ne, %convert_element_type3A_483, %cond3A_484 : i32
      scf.if %cond3A_485 {
        %dma_start3A_540 = arith.constant 5 : i32
        %dma_start3A_541 = arith.constant 0 : i32
        %dma_start3A_542 = tpu.memref_slice %arg20[%dma_start3A_540, %dma_start3A_541] : memref<8x128xi32, #tpu.memory_space<vmem>> -> memref<1x128xi32, #tpu.memory_space<vmem>>
        %dma_start3A_543 = tpu.memref_squeeze %dma_start3A_542 : memref<1x128xi32, #tpu.memory_space<vmem>> -> memref<128xi32, #tpu.memory_space<vmem>>
        %dma_start3A_544 = arith.constant 0 : i32
        %dma_start3A_545 = arith.constant 0 : i32
        %dma_start3A_546 = tpu.memref_slice %arg16[%dma_start3A_544, %dma_start3A_545] : memref<10112x16xf32, #tpu.memory_space<vmem_shared>> -> memref<10112x16xf32, #tpu.memory_space<vmem_shared>>
        tpu.enqueue_indirect_dma source(%arg23 : memref<128x16xf32, #tpu.memory_space<vmem>>) target(%dma_start3A_546 : memref<10112x16xf32, #tpu.memory_space<vmem_shared>>) offsets(%dma_start3A_543 : memref<128xi32, #tpu.memory_space<vmem>>) semaphore(%arg28 : memref<!tpu.dma_semaphore, #tpu.memory_space<semaphore_mem>>) {add = true}
      } else {
      }
      %dma_start3A_486 = arith.constant 7 : i32
      %dma_start3A_487 = arith.constant 0 : i32
      %dma_start3A_488 = tpu.memref_slice %arg18[%dma_start3A_486, %dma_start3A_487] : memref<8x128xi32, #tpu.memory_space<vmem>> -> memref<1x128xi32, #tpu.memory_space<vmem>>
      %dma_start3A_489 = tpu.memref_squeeze %dma_start3A_488 : memref<1x128xi32, #tpu.memory_space<vmem>> -> memref<128xi32, #tpu.memory_space<vmem>>
      %dma_start3A_490 = arith.constant 0 : i32
      %dma_start3A_491 = arith.constant 0 : i32
      %dma_start3A_492 = tpu.memref_slice %arg2[%dma_start3A_490, %dma_start3A_491] : memref<20000x128xf32, #tpu.memory_space<hbm>> -> memref<20000x128xf32, #tpu.memory_space<hbm>>
      tpu.enqueue_indirect_dma source(%dma_start3A_492 : memref<20000x128xf32, #tpu.memory_space<hbm>>) target(%arg22 : memref<128x128xf32, #tpu.memory_space<vmem>>) offsets(%dma_start3A_489 : memref<128xi32, #tpu.memory_space<vmem>>) semaphore(%arg25 : memref<!tpu.dma_semaphore, #tpu.memory_space<semaphore_mem>>)
      %dma_wait3A_493 = arith.constant 6 : i32
      %dma_wait3A_494 = arith.constant 0 : i32
      %dma_wait3A_495 = tpu.memref_slice %arg18[%dma_wait3A_493, %dma_wait3A_494] : memref<8x128xi32, #tpu.memory_space<vmem>> -> memref<1x128xi32, #tpu.memory_space<vmem>>
      %dma_wait3A_496 = tpu.memref_squeeze %dma_wait3A_495 : memref<1x128xi32, #tpu.memory_space<vmem>> -> memref<128xi32, #tpu.memory_space<vmem>>
      %dma_wait3A_497 = arith.constant 0 : i32
      %dma_wait3A_498 = arith.constant 0 : i32
      %dma_wait3A_499 = tpu.memref_slice %arg2[%dma_wait3A_497, %dma_wait3A_498] : memref<20000x128xf32, #tpu.memory_space<hbm>> -> memref<20000x128xf32, #tpu.memory_space<hbm>>
      tpu.wait_indirect_dma semaphore(%arg24 : memref<!tpu.dma_semaphore, #tpu.memory_space<semaphore_mem>>) src(%dma_wait3A_499 : memref<20000x128xf32, #tpu.memory_space<hbm>>) dst(%arg21 : memref<128x128xf32, #tpu.memory_space<vmem>>)
      %run_scoped3A_500 = arith.constant 6 : i32
      "tpu.region"() ({
        %run_scoped3A_540 = tpu.sem_alloc : memref<!tpu.dma_semaphore, #tpu.memory_space<semaphore_mem>>
        %dma_start3A_541 = arith.constant 0 : i32
        %dma_start3A_542 = tpu.memref_slice %arg20[%run_scoped3A_500, %dma_start3A_541] : memref<8x128xi32, #tpu.memory_space<vmem>> -> memref<1x128xi32, #tpu.memory_space<vmem>>
        %dma_start3A_543 = tpu.memref_squeeze %dma_start3A_542 : memref<1x128xi32, #tpu.memory_space<vmem>> -> memref<128xi32, #tpu.memory_space<vmem>>
        %dma_start3A_544 = arith.constant 0 : i32
        %dma_start3A_545 = arith.constant 0 : i32
        %dma_start3A_546 = tpu.memref_slice %arg15[%dma_start3A_544, %dma_start3A_545] : memref<10112x128xf32, #tpu.memory_space<vmem_shared>> -> memref<10112x128xf32, #tpu.memory_space<vmem_shared>>
        tpu.enqueue_indirect_dma source(%arg21 : memref<128x128xf32, #tpu.memory_space<vmem>>) target(%dma_start3A_546 : memref<10112x128xf32, #tpu.memory_space<vmem_shared>>) offsets(%dma_start3A_543 : memref<128xi32, #tpu.memory_space<vmem>>) semaphore(%run_scoped3A_540 : memref<!tpu.dma_semaphore, #tpu.memory_space<semaphore_mem>>) {add = true}
        %dma_wait3A_547 = arith.constant 0 : i32
        %dma_wait3A_548 = tpu.memref_slice %arg20[%run_scoped3A_500, %dma_wait3A_547] : memref<8x128xi32, #tpu.memory_space<vmem>> -> memref<1x128xi32, #tpu.memory_space<vmem>>
        %dma_wait3A_549 = tpu.memref_squeeze %dma_wait3A_548 : memref<1x128xi32, #tpu.memory_space<vmem>> -> memref<128xi32, #tpu.memory_space<vmem>>
        %dma_wait3A_550 = arith.constant 0 : i32
        %dma_wait3A_551 = arith.constant 0 : i32
        %dma_wait3A_552 = tpu.memref_slice %arg15[%dma_wait3A_550, %dma_wait3A_551] : memref<10112x128xf32, #tpu.memory_space<vmem_shared>> -> memref<10112x128xf32, #tpu.memory_space<vmem_shared>>
        tpu.wait_indirect_dma semaphore(%run_scoped3A_540 : memref<!tpu.dma_semaphore, #tpu.memory_space<semaphore_mem>>) src(%arg21 : memref<128x128xf32, #tpu.memory_space<vmem>>) dst(%dma_wait3A_552 : memref<10112x128xf32, #tpu.memory_space<vmem_shared>>)
        tpu.yield
      }) : () -> ()
      %convert_element_type3A_501 = arith.extui %eq3A_20 : i1 to i32
      %cond3A_502 = arith.constant 0 : i32
      %cond3A_503 = arith.cmpi ne, %convert_element_type3A_501, %cond3A_502 : i32
      scf.if %cond3A_503 {
        %dma_start3A_540 = arith.constant 6 : i32
        %dma_start3A_541 = arith.constant 0 : i32
        %dma_start3A_542 = tpu.memref_slice %arg20[%dma_start3A_540, %dma_start3A_541] : memref<8x128xi32, #tpu.memory_space<vmem>> -> memref<1x128xi32, #tpu.memory_space<vmem>>
        %dma_start3A_543 = tpu.memref_squeeze %dma_start3A_542 : memref<1x128xi32, #tpu.memory_space<vmem>> -> memref<128xi32, #tpu.memory_space<vmem>>
        %dma_start3A_544 = arith.constant 0 : i32
        %dma_start3A_545 = arith.constant 0 : i32
        %dma_start3A_546 = tpu.memref_slice %arg16[%dma_start3A_544, %dma_start3A_545] : memref<10112x16xf32, #tpu.memory_space<vmem_shared>> -> memref<10112x16xf32, #tpu.memory_space<vmem_shared>>
        tpu.enqueue_indirect_dma source(%arg23 : memref<128x16xf32, #tpu.memory_space<vmem>>) target(%dma_start3A_546 : memref<10112x16xf32, #tpu.memory_space<vmem_shared>>) offsets(%dma_start3A_543 : memref<128xi32, #tpu.memory_space<vmem>>) semaphore(%arg28 : memref<!tpu.dma_semaphore, #tpu.memory_space<semaphore_mem>>) {add = true}
      } else {
      }
      %add3A_504 = arith.constant 1 : i32
      %add3A_505 = arith.addi %add3A_377, %add3A_504 : i32
      %lt3A_506 = arith.constant 10 : i32
      %lt3A_507 = arith.cmpi slt, %add3A_505, %lt3A_506 : i32
      %convert_element_type3A_508 = arith.extui %lt3A_507 : i1 to i32
      %cond3A_509 = arith.constant 0 : i32
      %cond3A_510 = arith.cmpi ne, %convert_element_type3A_508, %cond3A_509 : i32
      scf.if %cond3A_510 {
        %dma_start3A_540 = arith.constant 0 : i32
        %dma_start3A_541 = arith.constant 0 : i32
        %dma_start3A_542 = tpu.memref_slice %arg17[%dma_start3A_540, %dma_start3A_541] : memref<8x128xi32, #tpu.memory_space<vmem>> -> memref<1x128xi32, #tpu.memory_space<vmem>>
        %dma_start3A_543 = tpu.memref_squeeze %dma_start3A_542 : memref<1x128xi32, #tpu.memory_space<vmem>> -> memref<128xi32, #tpu.memory_space<vmem>>
        %dma_start3A_544 = arith.constant 0 : i32
        %dma_start3A_545 = arith.constant 0 : i32
        %dma_start3A_546 = tpu.memref_slice %arg2[%dma_start3A_544, %dma_start3A_545] : memref<20000x128xf32, #tpu.memory_space<hbm>> -> memref<20000x128xf32, #tpu.memory_space<hbm>>
        tpu.enqueue_indirect_dma source(%dma_start3A_546 : memref<20000x128xf32, #tpu.memory_space<hbm>>) target(%arg21 : memref<128x128xf32, #tpu.memory_space<vmem>>) offsets(%dma_start3A_543 : memref<128xi32, #tpu.memory_space<vmem>>) semaphore(%arg24 : memref<!tpu.dma_semaphore, #tpu.memory_space<semaphore_mem>>)
      } else {
      }
      %dma_wait3A_511 = arith.constant 7 : i32
      %dma_wait3A_512 = arith.constant 0 : i32
      %dma_wait3A_513 = tpu.memref_slice %arg18[%dma_wait3A_511, %dma_wait3A_512] : memref<8x128xi32, #tpu.memory_space<vmem>> -> memref<1x128xi32, #tpu.memory_space<vmem>>
      %dma_wait3A_514 = tpu.memref_squeeze %dma_wait3A_513 : memref<1x128xi32, #tpu.memory_space<vmem>> -> memref<128xi32, #tpu.memory_space<vmem>>
      %dma_wait3A_515 = arith.constant 0 : i32
      %dma_wait3A_516 = arith.constant 0 : i32
      %dma_wait3A_517 = tpu.memref_slice %arg2[%dma_wait3A_515, %dma_wait3A_516] : memref<20000x128xf32, #tpu.memory_space<hbm>> -> memref<20000x128xf32, #tpu.memory_space<hbm>>
      tpu.wait_indirect_dma semaphore(%arg25 : memref<!tpu.dma_semaphore, #tpu.memory_space<semaphore_mem>>) src(%dma_wait3A_517 : memref<20000x128xf32, #tpu.memory_space<hbm>>) dst(%arg22 : memref<128x128xf32, #tpu.memory_space<vmem>>)
      %run_scoped3A_518 = arith.constant 7 : i32
      "tpu.region"() ({
        %run_scoped3A_540 = tpu.sem_alloc : memref<!tpu.dma_semaphore, #tpu.memory_space<semaphore_mem>>
        %dma_start3A_541 = arith.constant 0 : i32
        %dma_start3A_542 = tpu.memref_slice %arg20[%run_scoped3A_518, %dma_start3A_541] : memref<8x128xi32, #tpu.memory_space<vmem>> -> memref<1x128xi32, #tpu.memory_space<vmem>>
        %dma_start3A_543 = tpu.memref_squeeze %dma_start3A_542 : memref<1x128xi32, #tpu.memory_space<vmem>> -> memref<128xi32, #tpu.memory_space<vmem>>
        %dma_start3A_544 = arith.constant 0 : i32
        %dma_start3A_545 = arith.constant 0 : i32
        %dma_start3A_546 = tpu.memref_slice %arg15[%dma_start3A_544, %dma_start3A_545] : memref<10112x128xf32, #tpu.memory_space<vmem_shared>> -> memref<10112x128xf32, #tpu.memory_space<vmem_shared>>
        tpu.enqueue_indirect_dma source(%arg22 : memref<128x128xf32, #tpu.memory_space<vmem>>) target(%dma_start3A_546 : memref<10112x128xf32, #tpu.memory_space<vmem_shared>>) offsets(%dma_start3A_543 : memref<128xi32, #tpu.memory_space<vmem>>) semaphore(%run_scoped3A_540 : memref<!tpu.dma_semaphore, #tpu.memory_space<semaphore_mem>>) {add = true}
        %dma_wait3A_547 = arith.constant 0 : i32
        %dma_wait3A_548 = tpu.memref_slice %arg20[%run_scoped3A_518, %dma_wait3A_547] : memref<8x128xi32, #tpu.memory_space<vmem>> -> memref<1x128xi32, #tpu.memory_space<vmem>>
        %dma_wait3A_549 = tpu.memref_squeeze %dma_wait3A_548 : memref<1x128xi32, #tpu.memory_space<vmem>> -> memref<128xi32, #tpu.memory_space<vmem>>
        %dma_wait3A_550 = arith.constant 0 : i32
        %dma_wait3A_551 = arith.constant 0 : i32
        %dma_wait3A_552 = tpu.memref_slice %arg15[%dma_wait3A_550, %dma_wait3A_551] : memref<10112x128xf32, #tpu.memory_space<vmem_shared>> -> memref<10112x128xf32, #tpu.memory_space<vmem_shared>>
        tpu.wait_indirect_dma semaphore(%run_scoped3A_540 : memref<!tpu.dma_semaphore, #tpu.memory_space<semaphore_mem>>) src(%arg22 : memref<128x128xf32, #tpu.memory_space<vmem>>) dst(%dma_wait3A_552 : memref<10112x128xf32, #tpu.memory_space<vmem_shared>>)
        tpu.yield
      }) : () -> ()
      %convert_element_type3A_519 = arith.extui %eq3A_20 : i1 to i32
      %cond3A_520 = arith.constant 0 : i32
      %cond3A_521 = arith.cmpi ne, %convert_element_type3A_519, %cond3A_520 : i32
      scf.if %cond3A_521 {
        %dma_start3A_540 = arith.constant 7 : i32
        %dma_start3A_541 = arith.constant 0 : i32
        %dma_start3A_542 = tpu.memref_slice %arg20[%dma_start3A_540, %dma_start3A_541] : memref<8x128xi32, #tpu.memory_space<vmem>> -> memref<1x128xi32, #tpu.memory_space<vmem>>
        %dma_start3A_543 = tpu.memref_squeeze %dma_start3A_542 : memref<1x128xi32, #tpu.memory_space<vmem>> -> memref<128xi32, #tpu.memory_space<vmem>>
        %dma_start3A_544 = arith.constant 0 : i32
        %dma_start3A_545 = arith.constant 0 : i32
        %dma_start3A_546 = tpu.memref_slice %arg16[%dma_start3A_544, %dma_start3A_545] : memref<10112x16xf32, #tpu.memory_space<vmem_shared>> -> memref<10112x16xf32, #tpu.memory_space<vmem_shared>>
        tpu.enqueue_indirect_dma source(%arg23 : memref<128x16xf32, #tpu.memory_space<vmem>>) target(%dma_start3A_546 : memref<10112x16xf32, #tpu.memory_space<vmem_shared>>) offsets(%dma_start3A_543 : memref<128xi32, #tpu.memory_space<vmem>>) semaphore(%arg28 : memref<!tpu.dma_semaphore, #tpu.memory_space<semaphore_mem>>) {add = true}
      } else {
      }
      %add3A_522 = arith.constant 1 : i32
      %add3A_523 = arith.addi %add3A_377, %add3A_522 : i32
      %lt3A_524 = arith.constant 10 : i32
      %lt3A_525 = arith.cmpi slt, %add3A_523, %lt3A_524 : i32
      %convert_element_type3A_526 = arith.extui %lt3A_525 : i1 to i32
      %cond3A_527 = arith.constant 0 : i32
      %cond3A_528 = arith.cmpi ne, %convert_element_type3A_526, %cond3A_527 : i32
      scf.if %cond3A_528 {
        %dma_start3A_540 = arith.constant 1 : i32
        %dma_start3A_541 = arith.constant 0 : i32
        %dma_start3A_542 = tpu.memref_slice %arg17[%dma_start3A_540, %dma_start3A_541] : memref<8x128xi32, #tpu.memory_space<vmem>> -> memref<1x128xi32, #tpu.memory_space<vmem>>
        %dma_start3A_543 = tpu.memref_squeeze %dma_start3A_542 : memref<1x128xi32, #tpu.memory_space<vmem>> -> memref<128xi32, #tpu.memory_space<vmem>>
        %dma_start3A_544 = arith.constant 0 : i32
        %dma_start3A_545 = arith.constant 0 : i32
        %dma_start3A_546 = tpu.memref_slice %arg2[%dma_start3A_544, %dma_start3A_545] : memref<20000x128xf32, #tpu.memory_space<hbm>> -> memref<20000x128xf32, #tpu.memory_space<hbm>>
        tpu.enqueue_indirect_dma source(%dma_start3A_546 : memref<20000x128xf32, #tpu.memory_space<hbm>>) target(%arg22 : memref<128x128xf32, #tpu.memory_space<vmem>>) offsets(%dma_start3A_543 : memref<128xi32, #tpu.memory_space<vmem>>) semaphore(%arg25 : memref<!tpu.dma_semaphore, #tpu.memory_space<semaphore_mem>>)
      } else {
      }
      %convert_element_type3A_529 = arith.extui %eq3A_20 : i1 to i32
      %cond3A_530 = arith.constant 0 : i32
      %cond3A_531 = arith.cmpi ne, %convert_element_type3A_529, %cond3A_530 : i32
      scf.if %cond3A_531 {
        %scan3A_540 = arith.constant 0 : i32
        %scan3A_541 = arith.constant 0 : i32
        %scan3A_542 = arith.constant 8 : i32
        %scan3A_543 = arith.addi %scan3A_541, %scan3A_542 : i32
        %scan3A_544 = arith.constant 1 : i32
        %scan3A_545 = scf.for %scan3A_547 = %scan3A_541 to %scan3A_543 step %scan3A_544 iter_args(%scan3A_548 = %scan3A_540) -> (i32)  : i32 {
          %dma_wait3A_549 = arith.constant 0 : i32
          %dma_wait3A_550 = arith.constant 0 : i32
          %dma_wait3A_551 = tpu.memref_slice %arg20[%dma_wait3A_549, %dma_wait3A_550] : memref<8x128xi32, #tpu.memory_space<vmem>> -> memref<1x128xi32, #tpu.memory_space<vmem>>
          %dma_wait3A_552 = tpu.memref_squeeze %dma_wait3A_551 : memref<1x128xi32, #tpu.memory_space<vmem>> -> memref<128xi32, #tpu.memory_space<vmem>>
          %dma_wait3A_553 = arith.constant 0 : i32
          %dma_wait3A_554 = arith.constant 0 : i32
          %dma_wait3A_555 = tpu.memref_slice %arg16[%dma_wait3A_553, %dma_wait3A_554] : memref<10112x16xf32, #tpu.memory_space<vmem_shared>> -> memref<10112x16xf32, #tpu.memory_space<vmem_shared>>
          tpu.wait_indirect_dma semaphore(%arg28 : memref<!tpu.dma_semaphore, #tpu.memory_space<semaphore_mem>>) src(%arg23 : memref<128x16xf32, #tpu.memory_space<vmem>>) dst(%dma_wait3A_555 : memref<10112x16xf32, #tpu.memory_space<vmem_shared>>)
          %scan3A_556 = arith.constant 0 : i32
          scf.yield %scan3A_556 : i32
        }
        %scan3A_546 = arith.constant 8 : i32
      } else {
      }
      %add3A_532 = arith.constant 2 : i32
      %add3A_533 = arith.addi %add3A_377, %add3A_532 : i32
      %lt3A_534 = arith.constant 10 : i32
      %lt3A_535 = arith.cmpi slt, %add3A_533, %lt3A_534 : i32
      %convert_element_type3A_536 = arith.extui %lt3A_535 : i1 to i32
      %cond3A_537 = arith.constant 0 : i32
      %cond3A_538 = arith.cmpi ne, %convert_element_type3A_536, %cond3A_537 : i32
      scf.if %cond3A_538 {
        %add3A_540 = arith.constant 2 : i32
        %add3A_541 = arith.addi %add3A_377, %add3A_540 : i32
        %mul3A_542 = arith.constant 8 : i32
        %mul3A_543 = arith.muli %mul3A_542, %add3A_541 : i32
        %dma_start3A_544 = arith.constant 0 : i32
        %dma_start3A_545 = tpu.memref_slice %arg4[%arg1, %mul3A_543, %dma_start3A_544] : memref<16x80x128xi32, #tpu.memory_space<hbm>> -> memref<1x8x128xi32, #tpu.memory_space<hbm>>
        %dma_start3A_546 = tpu.memref_squeeze %dma_start3A_545 : memref<1x8x128xi32, #tpu.memory_space<hbm>> -> memref<8x128xi32, #tpu.memory_space<hbm>>
        %dma_start3A_547 = arith.constant 0 : i32
        %dma_start3A_548 = tpu.memref_slice %arg4[%arg1, %mul3A_543, %dma_start3A_547] : memref<16x80x128xi32, #tpu.memory_space<hbm>> -> memref<1x8x128xi32, #tpu.memory_space<hbm>>
        %dma_start3A_549 = tpu.memref_squeeze %dma_start3A_548 : memref<1x8x128xi32, #tpu.memory_space<hbm>> -> memref<8x128xi32, #tpu.memory_space<hbm>>
        tpu.enqueue_dma source(%dma_start3A_549 : memref<8x128xi32, #tpu.memory_space<hbm>>) target(%arg18 : memref<8x128xi32, #tpu.memory_space<vmem>>) target_semaphore(%arg27 : memref<!tpu.dma_semaphore, #tpu.memory_space<semaphore_mem>>)
        %mul3A_550 = arith.constant 8 : i32
        %mul3A_551 = arith.muli %mul3A_550, %add3A_541 : i32
        %dma_start3A_552 = arith.constant 0 : i32
        %dma_start3A_553 = tpu.memref_slice %arg5[%arg1, %mul3A_551, %dma_start3A_552] : memref<16x80x128xi32, #tpu.memory_space<hbm>> -> memref<1x8x128xi32, #tpu.memory_space<hbm>>
        %dma_start3A_554 = tpu.memref_squeeze %dma_start3A_553 : memref<1x8x128xi32, #tpu.memory_space<hbm>> -> memref<8x128xi32, #tpu.memory_space<hbm>>
        %dma_start3A_555 = arith.constant 0 : i32
        %dma_start3A_556 = tpu.memref_slice %arg5[%arg1, %mul3A_551, %dma_start3A_555] : memref<16x80x128xi32, #tpu.memory_space<hbm>> -> memref<1x8x128xi32, #tpu.memory_space<hbm>>
        %dma_start3A_557 = tpu.memref_squeeze %dma_start3A_556 : memref<1x8x128xi32, #tpu.memory_space<hbm>> -> memref<8x128xi32, #tpu.memory_space<hbm>>
        tpu.enqueue_dma source(%dma_start3A_557 : memref<8x128xi32, #tpu.memory_space<hbm>>) target(%arg20 : memref<8x128xi32, #tpu.memory_space<vmem>>) target_semaphore(%arg27 : memref<!tpu.dma_semaphore, #tpu.memory_space<semaphore_mem>>)
      } else {
      }
      %scan3A_539 = arith.constant 0 : i32
      scf.yield %scan3A_539 : i32
    }
    %scan3A_93 = arith.constant 5 : i32
    %barrier3A_94 = arith.constant 0 : index
    tpu.barrier barrier_id(%barrier3A_94)
    %mul3A_95 = arith.constant 632 : i32
    %mul3A_96 = arith.muli %arg1, %mul3A_95 : i32
    "tpu.region"() ({
      %run_scoped3A = tpu.sem_alloc : memref<!tpu.dma_semaphore, #tpu.memory_space<semaphore_mem>>
      %dma_start3A_209 = arith.constant 0 : i32
      %dma_start3A_210 = tpu.memref_slice %arg11[%arg0, %mul3A_96, %dma_start3A_209] : memref<2x10112x128xf32, #tpu.memory_space<hbm>> -> memref<1x632x128xf32, #tpu.memory_space<hbm>>
      %dma_start3A_211 = tpu.memref_squeeze %dma_start3A_210 : memref<1x632x128xf32, #tpu.memory_space<hbm>> -> memref<632x128xf32, #tpu.memory_space<hbm>>
      %dma_start3A_212 = arith.constant 0 : i32
      %dma_start3A_213 = tpu.memref_slice %arg15[%mul3A_96, %dma_start3A_212] : memref<10112x128xf32, #tpu.memory_space<vmem_shared>> -> memref<632x128xf32, #tpu.memory_space<vmem_shared>>
      tpu.enqueue_dma source(%dma_start3A_213 : memref<632x128xf32, #tpu.memory_space<vmem_shared>>) target(%dma_start3A_211 : memref<632x128xf32, #tpu.memory_space<hbm>>) target_semaphore(%run_scoped3A : memref<!tpu.dma_semaphore, #tpu.memory_space<semaphore_mem>>)
      %dma_wait3A_214 = arith.constant 0 : i32
      %dma_wait3A_215 = tpu.memref_slice %arg11[%arg0, %mul3A_96, %dma_wait3A_214] : memref<2x10112x128xf32, #tpu.memory_space<hbm>> -> memref<1x632x128xf32, #tpu.memory_space<hbm>>
      %dma_wait3A_216 = tpu.memref_squeeze %dma_wait3A_215 : memref<1x632x128xf32, #tpu.memory_space<hbm>> -> memref<632x128xf32, #tpu.memory_space<hbm>>
      %dma_wait3A_217 = arith.constant 0 : i32
      %dma_wait3A_218 = tpu.memref_slice %arg15[%mul3A_96, %dma_wait3A_217] : memref<10112x128xf32, #tpu.memory_space<vmem_shared>> -> memref<632x128xf32, #tpu.memory_space<vmem_shared>>
      tpu.wait_dma2 semaphore(%run_scoped3A : memref<!tpu.dma_semaphore, #tpu.memory_space<semaphore_mem>>) src(%dma_wait3A_218 : memref<632x128xf32, #tpu.memory_space<vmem_shared>>) dst(%dma_wait3A_216 : memref<632x128xf32, #tpu.memory_space<hbm>>)
      tpu.yield
    }) : () -> ()
    %eq3A_97 = arith.constant 0 : i32
    %eq3A_98 = arith.cmpi eq, %arg0, %eq3A_97 : i32
    %convert_element_type3A = arith.extui %eq3A_98 : i1 to i32
    %cond3A = arith.constant 0 : i32
    %cond3A_99 = arith.cmpi ne, %convert_element_type3A, %cond3A : i32
    scf.if %cond3A_99 {
      "tpu.region"() ({
        %run_scoped3A = tpu.sem_alloc : memref<!tpu.dma_semaphore, #tpu.memory_space<semaphore_mem>>
        %dma_start3A_209 = arith.constant 0 : i32
        %dma_start3A_210 = tpu.memref_slice %arg12[%mul3A_96, %dma_start3A_209] : memref<10112x16xf32, #tpu.memory_space<hbm>> -> memref<632x16xf32, #tpu.memory_space<hbm>>
        %dma_start3A_211 = arith.constant 0 : i32
        %dma_start3A_212 = tpu.memref_slice %arg16[%mul3A_96, %dma_start3A_211] : memref<10112x16xf32, #tpu.memory_space<vmem_shared>> -> memref<632x16xf32, #tpu.memory_space<vmem_shared>>
        tpu.enqueue_dma source(%dma_start3A_212 : memref<632x16xf32, #tpu.memory_space<vmem_shared>>) target(%dma_start3A_210 : memref<632x16xf32, #tpu.memory_space<hbm>>) target_semaphore(%run_scoped3A : memref<!tpu.dma_semaphore, #tpu.memory_space<semaphore_mem>>)
        %dma_wait3A_213 = arith.constant 0 : i32
        %dma_wait3A_214 = tpu.memref_slice %arg12[%mul3A_96, %dma_wait3A_213] : memref<10112x16xf32, #tpu.memory_space<hbm>> -> memref<632x16xf32, #tpu.memory_space<hbm>>
        %dma_wait3A_215 = arith.constant 0 : i32
        %dma_wait3A_216 = tpu.memref_slice %arg16[%mul3A_96, %dma_wait3A_215] : memref<10112x16xf32, #tpu.memory_space<vmem_shared>> -> memref<632x16xf32, #tpu.memory_space<vmem_shared>>
        tpu.wait_dma2 semaphore(%run_scoped3A : memref<!tpu.dma_semaphore, #tpu.memory_space<semaphore_mem>>) src(%dma_wait3A_216 : memref<632x16xf32, #tpu.memory_space<vmem_shared>>) dst(%dma_wait3A_214 : memref<632x16xf32, #tpu.memory_space<hbm>>)
        tpu.yield
      }) : () -> ()
    } else {
    }
    %mul3A_100 = arith.constant 632 : i32
    %mul3A_101 = arith.muli %arg1, %mul3A_100 : i32
    %add3A_102 = arith.constant 0 : i32
    %add3A_103 = arith.addi %mul3A_101, %add3A_102 : i32
    "tpu.region"() ({
      %run_scoped3A = tpu.sem_alloc : memref<!tpu.dma_semaphore, #tpu.memory_space<semaphore_mem>>
      %dma_start3A_209 = arith.constant 0 : i32
      %dma_start3A_210 = tpu.memref_slice %arg15[%add3A_103, %dma_start3A_209] : memref<10112x128xf32, #tpu.memory_space<vmem_shared>> -> memref<128x128xf32, #tpu.memory_space<vmem_shared>>
      tpu.enqueue_dma source(%arg8 : memref<128x128xf32, #tpu.memory_space<hbm>>) target(%dma_start3A_210 : memref<128x128xf32, #tpu.memory_space<vmem_shared>>) target_semaphore(%run_scoped3A : memref<!tpu.dma_semaphore, #tpu.memory_space<semaphore_mem>>)
      %dma_wait3A_211 = arith.constant 0 : i32
      %dma_wait3A_212 = tpu.memref_slice %arg15[%add3A_103, %dma_wait3A_211] : memref<10112x128xf32, #tpu.memory_space<vmem_shared>> -> memref<128x128xf32, #tpu.memory_space<vmem_shared>>
      tpu.wait_dma2 semaphore(%run_scoped3A : memref<!tpu.dma_semaphore, #tpu.memory_space<semaphore_mem>>) src(%arg8 : memref<128x128xf32, #tpu.memory_space<hbm>>) dst(%dma_wait3A_212 : memref<128x128xf32, #tpu.memory_space<vmem_shared>>)
      tpu.yield
    }) : () -> ()
    %add3A_104 = arith.constant 0 : i32
    %add3A_105 = arith.addi %mul3A_101, %add3A_104 : i32
    "tpu.region"() ({
      %run_scoped3A = tpu.sem_alloc : memref<!tpu.dma_semaphore, #tpu.memory_space<semaphore_mem>>
      %dma_start3A_209 = arith.constant 0 : i32
      %dma_start3A_210 = tpu.memref_slice %arg16[%add3A_105, %dma_start3A_209] : memref<10112x16xf32, #tpu.memory_space<vmem_shared>> -> memref<128x16xf32, #tpu.memory_space<vmem_shared>>
      tpu.enqueue_dma source(%arg9 : memref<128x16xf32, #tpu.memory_space<hbm>>) target(%dma_start3A_210 : memref<128x16xf32, #tpu.memory_space<vmem_shared>>) target_semaphore(%run_scoped3A : memref<!tpu.dma_semaphore, #tpu.memory_space<semaphore_mem>>)
      %dma_wait3A_211 = arith.constant 0 : i32
      %dma_wait3A_212 = tpu.memref_slice %arg16[%add3A_105, %dma_wait3A_211] : memref<10112x16xf32, #tpu.memory_space<vmem_shared>> -> memref<128x16xf32, #tpu.memory_space<vmem_shared>>
      tpu.wait_dma2 semaphore(%run_scoped3A : memref<!tpu.dma_semaphore, #tpu.memory_space<semaphore_mem>>) src(%arg9 : memref<128x16xf32, #tpu.memory_space<hbm>>) dst(%dma_wait3A_212 : memref<128x16xf32, #tpu.memory_space<vmem_shared>>)
      tpu.yield
    }) : () -> ()
    %add3A_106 = arith.constant 128 : i32
    %add3A_107 = arith.addi %mul3A_101, %add3A_106 : i32
    "tpu.region"() ({
      %run_scoped3A = tpu.sem_alloc : memref<!tpu.dma_semaphore, #tpu.memory_space<semaphore_mem>>
      %dma_start3A_209 = arith.constant 0 : i32
      %dma_start3A_210 = tpu.memref_slice %arg15[%add3A_107, %dma_start3A_209] : memref<10112x128xf32, #tpu.memory_space<vmem_shared>> -> memref<128x128xf32, #tpu.memory_space<vmem_shared>>
      tpu.enqueue_dma source(%arg8 : memref<128x128xf32, #tpu.memory_space<hbm>>) target(%dma_start3A_210 : memref<128x128xf32, #tpu.memory_space<vmem_shared>>) target_semaphore(%run_scoped3A : memref<!tpu.dma_semaphore, #tpu.memory_space<semaphore_mem>>)
      %dma_wait3A_211 = arith.constant 0 : i32
      %dma_wait3A_212 = tpu.memref_slice %arg15[%add3A_107, %dma_wait3A_211] : memref<10112x128xf32, #tpu.memory_space<vmem_shared>> -> memref<128x128xf32, #tpu.memory_space<vmem_shared>>
      tpu.wait_dma2 semaphore(%run_scoped3A : memref<!tpu.dma_semaphore, #tpu.memory_space<semaphore_mem>>) src(%arg8 : memref<128x128xf32, #tpu.memory_space<hbm>>) dst(%dma_wait3A_212 : memref<128x128xf32, #tpu.memory_space<vmem_shared>>)
      tpu.yield
    }) : () -> ()
    %add3A_108 = arith.constant 128 : i32
    %add3A_109 = arith.addi %mul3A_101, %add3A_108 : i32
    "tpu.region"() ({
      %run_scoped3A = tpu.sem_alloc : memref<!tpu.dma_semaphore, #tpu.memory_space<semaphore_mem>>
      %dma_start3A_209 = arith.constant 0 : i32
      %dma_start3A_210 = tpu.memref_slice %arg16[%add3A_109, %dma_start3A_209] : memref<10112x16xf32, #tpu.memory_space<vmem_shared>> -> memref<128x16xf32, #tpu.memory_space<vmem_shared>>
      tpu.enqueue_dma source(%arg9 : memref<128x16xf32, #tpu.memory_space<hbm>>) target(%dma_start3A_210 : memref<128x16xf32, #tpu.memory_space<vmem_shared>>) target_semaphore(%run_scoped3A : memref<!tpu.dma_semaphore, #tpu.memory_space<semaphore_mem>>)
      %dma_wait3A_211 = arith.constant 0 : i32
      %dma_wait3A_212 = tpu.memref_slice %arg16[%add3A_109, %dma_wait3A_211] : memref<10112x16xf32, #tpu.memory_space<vmem_shared>> -> memref<128x16xf32, #tpu.memory_space<vmem_shared>>
      tpu.wait_dma2 semaphore(%run_scoped3A : memref<!tpu.dma_semaphore, #tpu.memory_space<semaphore_mem>>) src(%arg9 : memref<128x16xf32, #tpu.memory_space<hbm>>) dst(%dma_wait3A_212 : memref<128x16xf32, #tpu.memory_space<vmem_shared>>)
      tpu.yield
    }) : () -> ()
    %add3A_110 = arith.constant 256 : i32
    %add3A_111 = arith.addi %mul3A_101, %add3A_110 : i32
    "tpu.region"() ({
      %run_scoped3A = tpu.sem_alloc : memref<!tpu.dma_semaphore, #tpu.memory_space<semaphore_mem>>
      %dma_start3A_209 = arith.constant 0 : i32
      %dma_start3A_210 = tpu.memref_slice %arg15[%add3A_111, %dma_start3A_209] : memref<10112x128xf32, #tpu.memory_space<vmem_shared>> -> memref<128x128xf32, #tpu.memory_space<vmem_shared>>
      tpu.enqueue_dma source(%arg8 : memref<128x128xf32, #tpu.memory_space<hbm>>) target(%dma_start3A_210 : memref<128x128xf32, #tpu.memory_space<vmem_shared>>) target_semaphore(%run_scoped3A : memref<!tpu.dma_semaphore, #tpu.memory_space<semaphore_mem>>)
      %dma_wait3A_211 = arith.constant 0 : i32
      %dma_wait3A_212 = tpu.memref_slice %arg15[%add3A_111, %dma_wait3A_211] : memref<10112x128xf32, #tpu.memory_space<vmem_shared>> -> memref<128x128xf32, #tpu.memory_space<vmem_shared>>
      tpu.wait_dma2 semaphore(%run_scoped3A : memref<!tpu.dma_semaphore, #tpu.memory_space<semaphore_mem>>) src(%arg8 : memref<128x128xf32, #tpu.memory_space<hbm>>) dst(%dma_wait3A_212 : memref<128x128xf32, #tpu.memory_space<vmem_shared>>)
      tpu.yield
    }) : () -> ()
    %add3A_112 = arith.constant 256 : i32
    %add3A_113 = arith.addi %mul3A_101, %add3A_112 : i32
    "tpu.region"() ({
      %run_scoped3A = tpu.sem_alloc : memref<!tpu.dma_semaphore, #tpu.memory_space<semaphore_mem>>
      %dma_start3A_209 = arith.constant 0 : i32
      %dma_start3A_210 = tpu.memref_slice %arg16[%add3A_113, %dma_start3A_209] : memref<10112x16xf32, #tpu.memory_space<vmem_shared>> -> memref<128x16xf32, #tpu.memory_space<vmem_shared>>
      tpu.enqueue_dma source(%arg9 : memref<128x16xf32, #tpu.memory_space<hbm>>) target(%dma_start3A_210 : memref<128x16xf32, #tpu.memory_space<vmem_shared>>) target_semaphore(%run_scoped3A : memref<!tpu.dma_semaphore, #tpu.memory_space<semaphore_mem>>)
      %dma_wait3A_211 = arith.constant 0 : i32
      %dma_wait3A_212 = tpu.memref_slice %arg16[%add3A_113, %dma_wait3A_211] : memref<10112x16xf32, #tpu.memory_space<vmem_shared>> -> memref<128x16xf32, #tpu.memory_space<vmem_shared>>
      tpu.wait_dma2 semaphore(%run_scoped3A : memref<!tpu.dma_semaphore, #tpu.memory_space<semaphore_mem>>) src(%arg9 : memref<128x16xf32, #tpu.memory_space<hbm>>) dst(%dma_wait3A_212 : memref<128x16xf32, #tpu.memory_space<vmem_shared>>)
      tpu.yield
    }) : () -> ()
    %add3A_114 = arith.constant 384 : i32
    %add3A_115 = arith.addi %mul3A_101, %add3A_114 : i32
    "tpu.region"() ({
      %run_scoped3A = tpu.sem_alloc : memref<!tpu.dma_semaphore, #tpu.memory_space<semaphore_mem>>
      %dma_start3A_209 = arith.constant 0 : i32
      %dma_start3A_210 = tpu.memref_slice %arg15[%add3A_115, %dma_start3A_209] : memref<10112x128xf32, #tpu.memory_space<vmem_shared>> -> memref<128x128xf32, #tpu.memory_space<vmem_shared>>
      tpu.enqueue_dma source(%arg8 : memref<128x128xf32, #tpu.memory_space<hbm>>) target(%dma_start3A_210 : memref<128x128xf32, #tpu.memory_space<vmem_shared>>) target_semaphore(%run_scoped3A : memref<!tpu.dma_semaphore, #tpu.memory_space<semaphore_mem>>)
      %dma_wait3A_211 = arith.constant 0 : i32
      %dma_wait3A_212 = tpu.memref_slice %arg15[%add3A_115, %dma_wait3A_211] : memref<10112x128xf32, #tpu.memory_space<vmem_shared>> -> memref<128x128xf32, #tpu.memory_space<vmem_shared>>
      tpu.wait_dma2 semaphore(%run_scoped3A : memref<!tpu.dma_semaphore, #tpu.memory_space<semaphore_mem>>) src(%arg8 : memref<128x128xf32, #tpu.memory_space<hbm>>) dst(%dma_wait3A_212 : memref<128x128xf32, #tpu.memory_space<vmem_shared>>)
      tpu.yield
    }) : () -> ()
    %add3A_116 = arith.constant 384 : i32
    %add3A_117 = arith.addi %mul3A_101, %add3A_116 : i32
    "tpu.region"() ({
      %run_scoped3A = tpu.sem_alloc : memref<!tpu.dma_semaphore, #tpu.memory_space<semaphore_mem>>
      %dma_start3A_209 = arith.constant 0 : i32
      %dma_start3A_210 = tpu.memref_slice %arg16[%add3A_117, %dma_start3A_209] : memref<10112x16xf32, #tpu.memory_space<vmem_shared>> -> memref<128x16xf32, #tpu.memory_space<vmem_shared>>
      tpu.enqueue_dma source(%arg9 : memref<128x16xf32, #tpu.memory_space<hbm>>) target(%dma_start3A_210 : memref<128x16xf32, #tpu.memory_space<vmem_shared>>) target_semaphore(%run_scoped3A : memref<!tpu.dma_semaphore, #tpu.memory_space<semaphore_mem>>)
      %dma_wait3A_211 = arith.constant 0 : i32
      %dma_wait3A_212 = tpu.memref_slice %arg16[%add3A_117, %dma_wait3A_211] : memref<10112x16xf32, #tpu.memory_space<vmem_shared>> -> memref<128x16xf32, #tpu.memory_space<vmem_shared>>
      tpu.wait_dma2 semaphore(%run_scoped3A : memref<!tpu.dma_semaphore, #tpu.memory_space<semaphore_mem>>) src(%arg9 : memref<128x16xf32, #tpu.memory_space<hbm>>) dst(%dma_wait3A_212 : memref<128x16xf32, #tpu.memory_space<vmem_shared>>)
      tpu.yield
    }) : () -> ()
    %add3A_118 = arith.constant 512 : i32
    %add3A_119 = arith.addi %mul3A_101, %add3A_118 : i32
    "tpu.region"() ({
      %run_scoped3A = tpu.sem_alloc : memref<!tpu.dma_semaphore, #tpu.memory_space<semaphore_mem>>
      %dma_start3A_209 = arith.constant 0 : i32
      %dma_start3A_210 = tpu.memref_slice %arg15[%add3A_119, %dma_start3A_209] : memref<10112x128xf32, #tpu.memory_space<vmem_shared>> -> memref<120x128xf32, #tpu.memory_space<vmem_shared>>
      %dma_start3A_211 = arith.constant 0 : i32
      %dma_start3A_212 = arith.constant 0 : i32
      %dma_start3A_213 = tpu.memref_slice %arg8[%dma_start3A_211, %dma_start3A_212] : memref<128x128xf32, #tpu.memory_space<hbm>> -> memref<120x128xf32, #tpu.memory_space<hbm>>
      tpu.enqueue_dma source(%dma_start3A_213 : memref<120x128xf32, #tpu.memory_space<hbm>>) target(%dma_start3A_210 : memref<120x128xf32, #tpu.memory_space<vmem_shared>>) target_semaphore(%run_scoped3A : memref<!tpu.dma_semaphore, #tpu.memory_space<semaphore_mem>>)
      %dma_wait3A_214 = arith.constant 0 : i32
      %dma_wait3A_215 = tpu.memref_slice %arg15[%add3A_119, %dma_wait3A_214] : memref<10112x128xf32, #tpu.memory_space<vmem_shared>> -> memref<120x128xf32, #tpu.memory_space<vmem_shared>>
      %dma_wait3A_216 = arith.constant 0 : i32
      %dma_wait3A_217 = arith.constant 0 : i32
      %dma_wait3A_218 = tpu.memref_slice %arg8[%dma_wait3A_216, %dma_wait3A_217] : memref<128x128xf32, #tpu.memory_space<hbm>> -> memref<120x128xf32, #tpu.memory_space<hbm>>
      tpu.wait_dma2 semaphore(%run_scoped3A : memref<!tpu.dma_semaphore, #tpu.memory_space<semaphore_mem>>) src(%dma_wait3A_218 : memref<120x128xf32, #tpu.memory_space<hbm>>) dst(%dma_wait3A_215 : memref<120x128xf32, #tpu.memory_space<vmem_shared>>)
      tpu.yield
    }) : () -> ()
    %add3A_120 = arith.constant 512 : i32
    %add3A_121 = arith.addi %mul3A_101, %add3A_120 : i32
    "tpu.region"() ({
      %run_scoped3A = tpu.sem_alloc : memref<!tpu.dma_semaphore, #tpu.memory_space<semaphore_mem>>
      %dma_start3A_209 = arith.constant 0 : i32
      %dma_start3A_210 = tpu.memref_slice %arg16[%add3A_121, %dma_start3A_209] : memref<10112x16xf32, #tpu.memory_space<vmem_shared>> -> memref<120x16xf32, #tpu.memory_space<vmem_shared>>
      %dma_start3A_211 = arith.constant 0 : i32
      %dma_start3A_212 = arith.constant 0 : i32
      %dma_start3A_213 = tpu.memref_slice %arg9[%dma_start3A_211, %dma_start3A_212] : memref<128x16xf32, #tpu.memory_space<hbm>> -> memref<120x16xf32, #tpu.memory_space<hbm>>
      tpu.enqueue_dma source(%dma_start3A_213 : memref<120x16xf32, #tpu.memory_space<hbm>>) target(%dma_start3A_210 : memref<120x16xf32, #tpu.memory_space<vmem_shared>>) target_semaphore(%run_scoped3A : memref<!tpu.dma_semaphore, #tpu.memory_space<semaphore_mem>>)
      %dma_wait3A_214 = arith.constant 0 : i32
      %dma_wait3A_215 = tpu.memref_slice %arg16[%add3A_121, %dma_wait3A_214] : memref<10112x16xf32, #tpu.memory_space<vmem_shared>> -> memref<120x16xf32, #tpu.memory_space<vmem_shared>>
      %dma_wait3A_216 = arith.constant 0 : i32
      %dma_wait3A_217 = arith.constant 0 : i32
      %dma_wait3A_218 = tpu.memref_slice %arg9[%dma_wait3A_216, %dma_wait3A_217] : memref<128x16xf32, #tpu.memory_space<hbm>> -> memref<120x16xf32, #tpu.memory_space<hbm>>
      tpu.wait_dma2 semaphore(%run_scoped3A : memref<!tpu.dma_semaphore, #tpu.memory_space<semaphore_mem>>) src(%dma_wait3A_218 : memref<120x16xf32, #tpu.memory_space<hbm>>) dst(%dma_wait3A_215 : memref<120x16xf32, #tpu.memory_space<vmem_shared>>)
      tpu.yield
    }) : () -> ()
    %barrier3A_122 = arith.constant 0 : index
    tpu.barrier barrier_id(%barrier3A_122)
    %eq3A_123 = arith.constant 1 : i32
    %eq3A_124 = arith.cmpi eq, %arg0, %eq3A_123 : i32
    %dma_start3A_125 = arith.constant 0 : i32
    %dma_start3A_126 = arith.constant 0 : i32
    %dma_start3A_127 = tpu.memref_slice %arg6[%arg1, %dma_start3A_125, %dma_start3A_126] : memref<16x80x128xi32, #tpu.memory_space<hbm>> -> memref<1x8x128xi32, #tpu.memory_space<hbm>>
    %dma_start3A_128 = tpu.memref_squeeze %dma_start3A_127 : memref<1x8x128xi32, #tpu.memory_space<hbm>> -> memref<8x128xi32, #tpu.memory_space<hbm>>
    %dma_start3A_129 = arith.constant 0 : i32
    %dma_start3A_130 = arith.constant 0 : i32
    %dma_start3A_131 = tpu.memref_slice %arg6[%arg1, %dma_start3A_129, %dma_start3A_130] : memref<16x80x128xi32, #tpu.memory_space<hbm>> -> memref<1x8x128xi32, #tpu.memory_space<hbm>>
    %dma_start3A_132 = tpu.memref_squeeze %dma_start3A_131 : memref<1x8x128xi32, #tpu.memory_space<hbm>> -> memref<8x128xi32, #tpu.memory_space<hbm>>
    tpu.enqueue_dma source(%dma_start3A_132 : memref<8x128xi32, #tpu.memory_space<hbm>>) target(%arg17 : memref<8x128xi32, #tpu.memory_space<vmem>>) target_semaphore(%arg26 : memref<!tpu.dma_semaphore, #tpu.memory_space<semaphore_mem>>)
    %dma_start3A_133 = arith.constant 0 : i32
    %dma_start3A_134 = arith.constant 0 : i32
    %dma_start3A_135 = tpu.memref_slice %arg7[%arg1, %dma_start3A_133, %dma_start3A_134] : memref<16x80x128xi32, #tpu.memory_space<hbm>> -> memref<1x8x128xi32, #tpu.memory_space<hbm>>
    %dma_start3A_136 = tpu.memref_squeeze %dma_start3A_135 : memref<1x8x128xi32, #tpu.memory_space<hbm>> -> memref<8x128xi32, #tpu.memory_space<hbm>>
    %dma_start3A_137 = arith.constant 0 : i32
    %dma_start3A_138 = arith.constant 0 : i32
    %dma_start3A_139 = tpu.memref_slice %arg7[%arg1, %dma_start3A_137, %dma_start3A_138] : memref<16x80x128xi32, #tpu.memory_space<hbm>> -> memref<1x8x128xi32, #tpu.memory_space<hbm>>
    %dma_start3A_140 = tpu.memref_squeeze %dma_start3A_139 : memref<1x8x128xi32, #tpu.memory_space<hbm>> -> memref<8x128xi32, #tpu.memory_space<hbm>>
    tpu.enqueue_dma source(%dma_start3A_140 : memref<8x128xi32, #tpu.memory_space<hbm>>) target(%arg19 : memref<8x128xi32, #tpu.memory_space<vmem>>) target_semaphore(%arg26 : memref<!tpu.dma_semaphore, #tpu.memory_space<semaphore_mem>>)
    %dma_wait3A_141 = arith.constant 0 : i32
    %dma_wait3A_142 = arith.constant 0 : i32
    %dma_wait3A_143 = tpu.memref_slice %arg6[%arg1, %dma_wait3A_141, %dma_wait3A_142] : memref<16x80x128xi32, #tpu.memory_space<hbm>> -> memref<1x8x128xi32, #tpu.memory_space<hbm>>
    %dma_wait3A_144 = tpu.memref_squeeze %dma_wait3A_143 : memref<1x8x128xi32, #tpu.memory_space<hbm>> -> memref<8x128xi32, #tpu.memory_space<hbm>>
    %dma_wait3A_145 = arith.constant 0 : i32
    %dma_wait3A_146 = arith.constant 0 : i32
    %dma_wait3A_147 = tpu.memref_slice %arg6[%arg1, %dma_wait3A_145, %dma_wait3A_146] : memref<16x80x128xi32, #tpu.memory_space<hbm>> -> memref<1x8x128xi32, #tpu.memory_space<hbm>>
    %dma_wait3A_148 = tpu.memref_squeeze %dma_wait3A_147 : memref<1x8x128xi32, #tpu.memory_space<hbm>> -> memref<8x128xi32, #tpu.memory_space<hbm>>
    tpu.wait_dma2 semaphore(%arg26 : memref<!tpu.dma_semaphore, #tpu.memory_space<semaphore_mem>>) src(%dma_wait3A_148 : memref<8x128xi32, #tpu.memory_space<hbm>>) dst(%arg17 : memref<8x128xi32, #tpu.memory_space<vmem>>)
    %dma_wait3A_149 = arith.constant 0 : i32
    %dma_wait3A_150 = arith.constant 0 : i32
    %dma_wait3A_151 = tpu.memref_slice %arg7[%arg1, %dma_wait3A_149, %dma_wait3A_150] : memref<16x80x128xi32, #tpu.memory_space<hbm>> -> memref<1x8x128xi32, #tpu.memory_space<hbm>>
    %dma_wait3A_152 = tpu.memref_squeeze %dma_wait3A_151 : memref<1x8x128xi32, #tpu.memory_space<hbm>> -> memref<8x128xi32, #tpu.memory_space<hbm>>
    %dma_wait3A_153 = arith.constant 0 : i32
    %dma_wait3A_154 = arith.constant 0 : i32
    %dma_wait3A_155 = tpu.memref_slice %arg7[%arg1, %dma_wait3A_153, %dma_wait3A_154] : memref<16x80x128xi32, #tpu.memory_space<hbm>> -> memref<1x8x128xi32, #tpu.memory_space<hbm>>
    %dma_wait3A_156 = tpu.memref_squeeze %dma_wait3A_155 : memref<1x8x128xi32, #tpu.memory_space<hbm>> -> memref<8x128xi32, #tpu.memory_space<hbm>>
    tpu.wait_dma2 semaphore(%arg26 : memref<!tpu.dma_semaphore, #tpu.memory_space<semaphore_mem>>) src(%dma_wait3A_156 : memref<8x128xi32, #tpu.memory_space<hbm>>) dst(%arg19 : memref<8x128xi32, #tpu.memory_space<vmem>>)
    %scan3A_157 = arith.constant 0 : i32
    %scan3A_158 = arith.constant 0 : i32
    %scan3A_159 = arith.constant 8 : i32
    %scan3A_160 = arith.addi %scan3A_158, %scan3A_159 : i32
    %scan3A_161 = arith.constant 1 : i32
    %scan3A_162 = scf.for %scan3A_209 = %scan3A_158 to %scan3A_160 step %scan3A_161 iter_args(%scan3A_210 = %scan3A_157) -> (i32)  : i32 {
      %get3A = arith.index_cast %scan3A_209 : i32 to index
      %get3A_211 = arith.constant 0 : index
      %get3A_212 = tpu.vector_load %arg17[%get3A, %get3A_211] {strides = array<i32>} : memref<8x128xi32, #tpu.memory_space<vmem>>, vector<1x16xi32>,
      %get3A_213 = vector.shape_cast %get3A_212 : vector<1x16xi32> to vector<16xi32>
      %add3A_214 = arith.addi %get3A_213, %get3A_213 : vector<16xi32>
      %add3A_215 = vector.broadcast %arg0 : i32 to vector<16xi32>
      %add3A_216 = arith.addi %add3A_214, %add3A_215 : vector<16xi32>
      %swap3A = arith.index_cast %scan3A_209 : i32 to index
      %swap3A_217 = arith.constant 0 : index
      %swap3A_218 = tpu.vector_load %arg17[%swap3A, %swap3A_217] {strides = array<i32>} : memref<8x128xi32, #tpu.memory_space<vmem>>, vector<1x16xi32>,
      %swap3A_219 = vector.shape_cast %swap3A_218 : vector<1x16xi32> to vector<16xi32>
      %swap3A_220 = vector.shape_cast %add3A_216 : vector<16xi32> to vector<1x16xi32>
      tpu.vector_store %arg17[%swap3A, %swap3A_217], %swap3A_220 {strides = array<i32>} : memref<8x128xi32, #tpu.memory_space<vmem>>, vector<1x16xi32>,
      %get3A_221 = arith.index_cast %scan3A_209 : i32 to index
      %get3A_222 = arith.constant 16 : index
      %get3A_223 = tpu.vector_load %arg17[%get3A_221, %get3A_222] {strides = array<i32>} : memref<8x128xi32, #tpu.memory_space<vmem>>, vector<1x16xi32>,
      %get3A_224 = vector.shape_cast %get3A_223 : vector<1x16xi32> to vector<16xi32>
      %add3A_225 = arith.addi %get3A_224, %get3A_224 : vector<16xi32>
      %add3A_226 = vector.broadcast %arg0 : i32 to vector<16xi32>
      %add3A_227 = arith.addi %add3A_225, %add3A_226 : vector<16xi32>
      %swap3A_228 = arith.index_cast %scan3A_209 : i32 to index
      %swap3A_229 = arith.constant 16 : index
      %swap3A_230 = tpu.vector_load %arg17[%swap3A_228, %swap3A_229] {strides = array<i32>} : memref<8x128xi32, #tpu.memory_space<vmem>>, vector<1x16xi32>,
      %swap3A_231 = vector.shape_cast %swap3A_230 : vector<1x16xi32> to vector<16xi32>
      %swap3A_232 = vector.shape_cast %add3A_227 : vector<16xi32> to vector<1x16xi32>
      tpu.vector_store %arg17[%swap3A_228, %swap3A_229], %swap3A_232 {strides = array<i32>} : memref<8x128xi32, #tpu.memory_space<vmem>>, vector<1x16xi32>,
      %get3A_233 = arith.index_cast %scan3A_209 : i32 to index
      %get3A_234 = arith.constant 32 : index
      %get3A_235 = tpu.vector_load %arg17[%get3A_233, %get3A_234] {strides = array<i32>} : memref<8x128xi32, #tpu.memory_space<vmem>>, vector<1x16xi32>,
      %get3A_236 = vector.shape_cast %get3A_235 : vector<1x16xi32> to vector<16xi32>
      %add3A_237 = arith.addi %get3A_236, %get3A_236 : vector<16xi32>
      %add3A_238 = vector.broadcast %arg0 : i32 to vector<16xi32>
      %add3A_239 = arith.addi %add3A_237, %add3A_238 : vector<16xi32>
      %swap3A_240 = arith.index_cast %scan3A_209 : i32 to index
      %swap3A_241 = arith.constant 32 : index
      %swap3A_242 = tpu.vector_load %arg17[%swap3A_240, %swap3A_241] {strides = array<i32>} : memref<8x128xi32, #tpu.memory_space<vmem>>, vector<1x16xi32>,
      %swap3A_243 = vector.shape_cast %swap3A_242 : vector<1x16xi32> to vector<16xi32>
      %swap3A_244 = vector.shape_cast %add3A_239 : vector<16xi32> to vector<1x16xi32>
      tpu.vector_store %arg17[%swap3A_240, %swap3A_241], %swap3A_244 {strides = array<i32>} : memref<8x128xi32, #tpu.memory_space<vmem>>, vector<1x16xi32>,
      %get3A_245 = arith.index_cast %scan3A_209 : i32 to index
      %get3A_246 = arith.constant 48 : index
      %get3A_247 = tpu.vector_load %arg17[%get3A_245, %get3A_246] {strides = array<i32>} : memref<8x128xi32, #tpu.memory_space<vmem>>, vector<1x16xi32>,
      %get3A_248 = vector.shape_cast %get3A_247 : vector<1x16xi32> to vector<16xi32>
      %add3A_249 = arith.addi %get3A_248, %get3A_248 : vector<16xi32>
      %add3A_250 = vector.broadcast %arg0 : i32 to vector<16xi32>
      %add3A_251 = arith.addi %add3A_249, %add3A_250 : vector<16xi32>
      %swap3A_252 = arith.index_cast %scan3A_209 : i32 to index
      %swap3A_253 = arith.constant 48 : index
      %swap3A_254 = tpu.vector_load %arg17[%swap3A_252, %swap3A_253] {strides = array<i32>} : memref<8x128xi32, #tpu.memory_space<vmem>>, vector<1x16xi32>,
      %swap3A_255 = vector.shape_cast %swap3A_254 : vector<1x16xi32> to vector<16xi32>
      %swap3A_256 = vector.shape_cast %add3A_251 : vector<16xi32> to vector<1x16xi32>
      tpu.vector_store %arg17[%swap3A_252, %swap3A_253], %swap3A_256 {strides = array<i32>} : memref<8x128xi32, #tpu.memory_space<vmem>>, vector<1x16xi32>,
      %get3A_257 = arith.index_cast %scan3A_209 : i32 to index
      %get3A_258 = arith.constant 64 : index
      %get3A_259 = tpu.vector_load %arg17[%get3A_257, %get3A_258] {strides = array<i32>} : memref<8x128xi32, #tpu.memory_space<vmem>>, vector<1x16xi32>,
      %get3A_260 = vector.shape_cast %get3A_259 : vector<1x16xi32> to vector<16xi32>
      %add3A_261 = arith.addi %get3A_260, %get3A_260 : vector<16xi32>
      %add3A_262 = vector.broadcast %arg0 : i32 to vector<16xi32>
      %add3A_263 = arith.addi %add3A_261, %add3A_262 : vector<16xi32>
      %swap3A_264 = arith.index_cast %scan3A_209 : i32 to index
      %swap3A_265 = arith.constant 64 : index
      %swap3A_266 = tpu.vector_load %arg17[%swap3A_264, %swap3A_265] {strides = array<i32>} : memref<8x128xi32, #tpu.memory_space<vmem>>, vector<1x16xi32>,
      %swap3A_267 = vector.shape_cast %swap3A_266 : vector<1x16xi32> to vector<16xi32>
      %swap3A_268 = vector.shape_cast %add3A_263 : vector<16xi32> to vector<1x16xi32>
      tpu.vector_store %arg17[%swap3A_264, %swap3A_265], %swap3A_268 {strides = array<i32>} : memref<8x128xi32, #tpu.memory_space<vmem>>, vector<1x16xi32>,
      %get3A_269 = arith.index_cast %scan3A_209 : i32 to index
      %get3A_270 = arith.constant 80 : index
      %get3A_271 = tpu.vector_load %arg17[%get3A_269, %get3A_270] {strides = array<i32>} : memref<8x128xi32, #tpu.memory_space<vmem>>, vector<1x16xi32>,
      %get3A_272 = vector.shape_cast %get3A_271 : vector<1x16xi32> to vector<16xi32>
      %add3A_273 = arith.addi %get3A_272, %get3A_272 : vector<16xi32>
      %add3A_274 = vector.broadcast %arg0 : i32 to vector<16xi32>
      %add3A_275 = arith.addi %add3A_273, %add3A_274 : vector<16xi32>
      %swap3A_276 = arith.index_cast %scan3A_209 : i32 to index
      %swap3A_277 = arith.constant 80 : index
      %swap3A_278 = tpu.vector_load %arg17[%swap3A_276, %swap3A_277] {strides = array<i32>} : memref<8x128xi32, #tpu.memory_space<vmem>>, vector<1x16xi32>,
      %swap3A_279 = vector.shape_cast %swap3A_278 : vector<1x16xi32> to vector<16xi32>
      %swap3A_280 = vector.shape_cast %add3A_275 : vector<16xi32> to vector<1x16xi32>
      tpu.vector_store %arg17[%swap3A_276, %swap3A_277], %swap3A_280 {strides = array<i32>} : memref<8x128xi32, #tpu.memory_space<vmem>>, vector<1x16xi32>,
      %get3A_281 = arith.index_cast %scan3A_209 : i32 to index
      %get3A_282 = arith.constant 96 : index
      %get3A_283 = tpu.vector_load %arg17[%get3A_281, %get3A_282] {strides = array<i32>} : memref<8x128xi32, #tpu.memory_space<vmem>>, vector<1x16xi32>,
      %get3A_284 = vector.shape_cast %get3A_283 : vector<1x16xi32> to vector<16xi32>
      %add3A_285 = arith.addi %get3A_284, %get3A_284 : vector<16xi32>
      %add3A_286 = vector.broadcast %arg0 : i32 to vector<16xi32>
      %add3A_287 = arith.addi %add3A_285, %add3A_286 : vector<16xi32>
      %swap3A_288 = arith.index_cast %scan3A_209 : i32 to index
      %swap3A_289 = arith.constant 96 : index
      %swap3A_290 = tpu.vector_load %arg17[%swap3A_288, %swap3A_289] {strides = array<i32>} : memref<8x128xi32, #tpu.memory_space<vmem>>, vector<1x16xi32>,
      %swap3A_291 = vector.shape_cast %swap3A_290 : vector<1x16xi32> to vector<16xi32>
      %swap3A_292 = vector.shape_cast %add3A_287 : vector<16xi32> to vector<1x16xi32>
      tpu.vector_store %arg17[%swap3A_288, %swap3A_289], %swap3A_292 {strides = array<i32>} : memref<8x128xi32, #tpu.memory_space<vmem>>, vector<1x16xi32>,
      %get3A_293 = arith.index_cast %scan3A_209 : i32 to index
      %get3A_294 = arith.constant 112 : index
      %get3A_295 = tpu.vector_load %arg17[%get3A_293, %get3A_294] {strides = array<i32>} : memref<8x128xi32, #tpu.memory_space<vmem>>, vector<1x16xi32>,
      %get3A_296 = vector.shape_cast %get3A_295 : vector<1x16xi32> to vector<16xi32>
      %add3A_297 = arith.addi %get3A_296, %get3A_296 : vector<16xi32>
      %add3A_298 = vector.broadcast %arg0 : i32 to vector<16xi32>
      %add3A_299 = arith.addi %add3A_297, %add3A_298 : vector<16xi32>
      %swap3A_300 = arith.index_cast %scan3A_209 : i32 to index
      %swap3A_301 = arith.constant 112 : index
      %swap3A_302 = tpu.vector_load %arg17[%swap3A_300, %swap3A_301] {strides = array<i32>} : memref<8x128xi32, #tpu.memory_space<vmem>>, vector<1x16xi32>,
      %swap3A_303 = vector.shape_cast %swap3A_302 : vector<1x16xi32> to vector<16xi32>
      %swap3A_304 = vector.shape_cast %add3A_299 : vector<16xi32> to vector<1x16xi32>
      tpu.vector_store %arg17[%swap3A_300, %swap3A_301], %swap3A_304 {strides = array<i32>} : memref<8x128xi32, #tpu.memory_space<vmem>>, vector<1x16xi32>,
      %scan3A_305 = arith.constant 0 : i32
      scf.yield %scan3A_305 : i32
    }
    %scan3A_163 = arith.constant 8 : i32
    %dma_start3A_164 = arith.constant 8 : i32
    %dma_start3A_165 = arith.constant 0 : i32
    %dma_start3A_166 = tpu.memref_slice %arg6[%arg1, %dma_start3A_164, %dma_start3A_165] : memref<16x80x128xi32, #tpu.memory_space<hbm>> -> memref<1x8x128xi32, #tpu.memory_space<hbm>>
    %dma_start3A_167 = tpu.memref_squeeze %dma_start3A_166 : memref<1x8x128xi32, #tpu.memory_space<hbm>> -> memref<8x128xi32, #tpu.memory_space<hbm>>
    %dma_start3A_168 = arith.constant 8 : i32
    %dma_start3A_169 = arith.constant 0 : i32
    %dma_start3A_170 = tpu.memref_slice %arg6[%arg1, %dma_start3A_168, %dma_start3A_169] : memref<16x80x128xi32, #tpu.memory_space<hbm>> -> memref<1x8x128xi32, #tpu.memory_space<hbm>>
    %dma_start3A_171 = tpu.memref_squeeze %dma_start3A_170 : memref<1x8x128xi32, #tpu.memory_space<hbm>> -> memref<8x128xi32, #tpu.memory_space<hbm>>
    tpu.enqueue_dma source(%dma_start3A_171 : memref<8x128xi32, #tpu.memory_space<hbm>>) target(%arg18 : memref<8x128xi32, #tpu.memory_space<vmem>>) target_semaphore(%arg27 : memref<!tpu.dma_semaphore, #tpu.memory_space<semaphore_mem>>)
    %dma_start3A_172 = arith.constant 8 : i32
    %dma_start3A_173 = arith.constant 0 : i32
    %dma_start3A_174 = tpu.memref_slice %arg7[%arg1, %dma_start3A_172, %dma_start3A_173] : memref<16x80x128xi32, #tpu.memory_space<hbm>> -> memref<1x8x128xi32, #tpu.memory_space<hbm>>
    %dma_start3A_175 = tpu.memref_squeeze %dma_start3A_174 : memref<1x8x128xi32, #tpu.memory_space<hbm>> -> memref<8x128xi32, #tpu.memory_space<hbm>>
    %dma_start3A_176 = arith.constant 8 : i32
    %dma_start3A_177 = arith.constant 0 : i32
    %dma_start3A_178 = tpu.memref_slice %arg7[%arg1, %dma_start3A_176, %dma_start3A_177] : memref<16x80x128xi32, #tpu.memory_space<hbm>> -> memref<1x8x128xi32, #tpu.memory_space<hbm>>
    %dma_start3A_179 = tpu.memref_squeeze %dma_start3A_178 : memref<1x8x128xi32, #tpu.memory_space<hbm>> -> memref<8x128xi32, #tpu.memory_space<hbm>>
    tpu.enqueue_dma source(%dma_start3A_179 : memref<8x128xi32, #tpu.memory_space<hbm>>) target(%arg20 : memref<8x128xi32, #tpu.memory_space<vmem>>) target_semaphore(%arg27 : memref<!tpu.dma_semaphore, #tpu.memory_space<semaphore_mem>>)
    %dma_start3A_180 = arith.constant 0 : i32
    %dma_start3A_181 = arith.constant 0 : i32
    %dma_start3A_182 = tpu.memref_slice %arg17[%dma_start3A_180, %dma_start3A_181] : memref<8x128xi32, #tpu.memory_space<vmem>> -> memref<1x128xi32, #tpu.memory_space<vmem>>
    %dma_start3A_183 = tpu.memref_squeeze %dma_start3A_182 : memref<1x128xi32, #tpu.memory_space<vmem>> -> memref<128xi32, #tpu.memory_space<vmem>>
    %dma_start3A_184 = arith.constant 0 : i32
    %dma_start3A_185 = arith.constant 0 : i32
    %dma_start3A_186 = tpu.memref_slice %arg3[%dma_start3A_184, %dma_start3A_185] : memref<20000x128xf32, #tpu.memory_space<hbm>> -> memref<20000x128xf32, #tpu.memory_space<hbm>>
    tpu.enqueue_indirect_dma source(%dma_start3A_186 : memref<20000x128xf32, #tpu.memory_space<hbm>>) target(%arg21 : memref<128x128xf32, #tpu.memory_space<vmem>>) offsets(%dma_start3A_183 : memref<128xi32, #tpu.memory_space<vmem>>) semaphore(%arg24 : memref<!tpu.dma_semaphore, #tpu.memory_space<semaphore_mem>>)
    %dma_start3A_187 = arith.constant 1 : i32
    %dma_start3A_188 = arith.constant 0 : i32
    %dma_start3A_189 = tpu.memref_slice %arg17[%dma_start3A_187, %dma_start3A_188] : memref<8x128xi32, #tpu.memory_space<vmem>> -> memref<1x128xi32, #tpu.memory_space<vmem>>
    %dma_start3A_190 = tpu.memref_squeeze %dma_start3A_189 : memref<1x128xi32, #tpu.memory_space<vmem>> -> memref<128xi32, #tpu.memory_space<vmem>>
    %dma_start3A_191 = arith.constant 0 : i32
    %dma_start3A_192 = arith.constant 0 : i32
    %dma_start3A_193 = tpu.memref_slice %arg3[%dma_start3A_191, %dma_start3A_192] : memref<20000x128xf32, #tpu.memory_space<hbm>> -> memref<20000x128xf32, #tpu.memory_space<hbm>>
    tpu.enqueue_indirect_dma source(%dma_start3A_193 : memref<20000x128xf32, #tpu.memory_space<hbm>>) target(%arg22 : memref<128x128xf32, #tpu.memory_space<vmem>>) offsets(%dma_start3A_190 : memref<128xi32, #tpu.memory_space<vmem>>) semaphore(%arg25 : memref<!tpu.dma_semaphore, #tpu.memory_space<semaphore_mem>>)
    %scan3A_194 = arith.constant 0 : i32
    %scan3A_195 = arith.constant 0 : i32
    %scan3A_196 = arith.constant 5 : i32
    %scan3A_197 = arith.addi %scan3A_195, %scan3A_196 : i32
    %scan3A_198 = arith.constant 1 : i32
    %scan3A_199 = scf.for %scan3A_209 = %scan3A_195 to %scan3A_197 step %scan3A_198 iter_args(%scan3A_210 = %scan3A_194) -> (i32)  : i32 {
      %mul3A_211 = arith.constant 2 : i32
      %mul3A_212 = arith.muli %mul3A_211, %scan3A_209 : i32
      %add3A_213 = arith.constant 0 : i32
      %add3A_214 = arith.addi %mul3A_212, %add3A_213 : i32
      %add3A_215 = arith.constant 1 : i32
      %add3A_216 = arith.addi %add3A_214, %add3A_215 : i32
      %lt3A = arith.constant 10 : i32
      %lt3A_217 = arith.cmpi slt, %add3A_216, %lt3A : i32
      %convert_element_type3A_218 = arith.extui %lt3A_217 : i1 to i32
      %cond3A_219 = arith.constant 0 : i32
      %cond3A_220 = arith.cmpi ne, %convert_element_type3A_218, %cond3A_219 : i32
      scf.if %cond3A_220 {
        %add3A_540 = arith.constant 1 : i32
        %add3A_541 = arith.addi %add3A_214, %add3A_540 : i32
        %mul3A_542 = arith.constant 8 : i32
        %mul3A_543 = arith.muli %mul3A_542, %add3A_541 : i32
        %dma_wait3A_544 = arith.constant 0 : i32
        %dma_wait3A_545 = tpu.memref_slice %arg6[%arg1, %mul3A_543, %dma_wait3A_544] : memref<16x80x128xi32, #tpu.memory_space<hbm>> -> memref<1x8x128xi32, #tpu.memory_space<hbm>>
        %dma_wait3A_546 = tpu.memref_squeeze %dma_wait3A_545 : memref<1x8x128xi32, #tpu.memory_space<hbm>> -> memref<8x128xi32, #tpu.memory_space<hbm>>
        %dma_wait3A_547 = arith.constant 0 : i32
        %dma_wait3A_548 = tpu.memref_slice %arg6[%arg1, %mul3A_543, %dma_wait3A_547] : memref<16x80x128xi32, #tpu.memory_space<hbm>> -> memref<1x8x128xi32, #tpu.memory_space<hbm>>
        %dma_wait3A_549 = tpu.memref_squeeze %dma_wait3A_548 : memref<1x8x128xi32, #tpu.memory_space<hbm>> -> memref<8x128xi32, #tpu.memory_space<hbm>>
        tpu.wait_dma2 semaphore(%arg27 : memref<!tpu.dma_semaphore, #tpu.memory_space<semaphore_mem>>) src(%dma_wait3A_549 : memref<8x128xi32, #tpu.memory_space<hbm>>) dst(%arg18 : memref<8x128xi32, #tpu.memory_space<vmem>>)
        %mul3A_550 = arith.constant 8 : i32
        %mul3A_551 = arith.muli %mul3A_550, %add3A_541 : i32
        %dma_wait3A_552 = arith.constant 0 : i32
        %dma_wait3A_553 = tpu.memref_slice %arg7[%arg1, %mul3A_551, %dma_wait3A_552] : memref<16x80x128xi32, #tpu.memory_space<hbm>> -> memref<1x8x128xi32, #tpu.memory_space<hbm>>
        %dma_wait3A_554 = tpu.memref_squeeze %dma_wait3A_553 : memref<1x8x128xi32, #tpu.memory_space<hbm>> -> memref<8x128xi32, #tpu.memory_space<hbm>>
        %dma_wait3A_555 = arith.constant 0 : i32
        %dma_wait3A_556 = tpu.memref_slice %arg7[%arg1, %mul3A_551, %dma_wait3A_555] : memref<16x80x128xi32, #tpu.memory_space<hbm>> -> memref<1x8x128xi32, #tpu.memory_space<hbm>>
        %dma_wait3A_557 = tpu.memref_squeeze %dma_wait3A_556 : memref<1x8x128xi32, #tpu.memory_space<hbm>> -> memref<8x128xi32, #tpu.memory_space<hbm>>
        tpu.wait_dma2 semaphore(%arg27 : memref<!tpu.dma_semaphore, #tpu.memory_space<semaphore_mem>>) src(%dma_wait3A_557 : memref<8x128xi32, #tpu.memory_space<hbm>>) dst(%arg20 : memref<8x128xi32, #tpu.memory_space<vmem>>)
        %scan3A_558 = arith.constant 0 : i32
        %scan3A_559 = arith.constant 0 : i32
        %scan3A_560 = arith.constant 8 : i32
        %scan3A_561 = arith.addi %scan3A_559, %scan3A_560 : i32
        %scan3A_562 = arith.constant 1 : i32
        %scan3A_563 = scf.for %scan3A_565 = %scan3A_559 to %scan3A_561 step %scan3A_562 iter_args(%scan3A_566 = %scan3A_558) -> (i32)  : i32 {
          %get3A = arith.index_cast %scan3A_565 : i32 to index
          %get3A_567 = arith.constant 0 : index
          %get3A_568 = tpu.vector_load %arg18[%get3A, %get3A_567] {strides = array<i32>} : memref<8x128xi32, #tpu.memory_space<vmem>>, vector<1x16xi32>,
          %get3A_569 = vector.shape_cast %get3A_568 : vector<1x16xi32> to vector<16xi32>
          %add3A_570 = arith.addi %get3A_569, %get3A_569 : vector<16xi32>
          %add3A_571 = vector.broadcast %arg0 : i32 to vector<16xi32>
          %add3A_572 = arith.addi %add3A_570, %add3A_571 : vector<16xi32>
          %swap3A = arith.index_cast %scan3A_565 : i32 to index
          %swap3A_573 = arith.constant 0 : index
          %swap3A_574 = tpu.vector_load %arg18[%swap3A, %swap3A_573] {strides = array<i32>} : memref<8x128xi32, #tpu.memory_space<vmem>>, vector<1x16xi32>,
          %swap3A_575 = vector.shape_cast %swap3A_574 : vector<1x16xi32> to vector<16xi32>
          %swap3A_576 = vector.shape_cast %add3A_572 : vector<16xi32> to vector<1x16xi32>
          tpu.vector_store %arg18[%swap3A, %swap3A_573], %swap3A_576 {strides = array<i32>} : memref<8x128xi32, #tpu.memory_space<vmem>>, vector<1x16xi32>,
          %get3A_577 = arith.index_cast %scan3A_565 : i32 to index
          %get3A_578 = arith.constant 16 : index
          %get3A_579 = tpu.vector_load %arg18[%get3A_577, %get3A_578] {strides = array<i32>} : memref<8x128xi32, #tpu.memory_space<vmem>>, vector<1x16xi32>,
          %get3A_580 = vector.shape_cast %get3A_579 : vector<1x16xi32> to vector<16xi32>
          %add3A_581 = arith.addi %get3A_580, %get3A_580 : vector<16xi32>
          %add3A_582 = vector.broadcast %arg0 : i32 to vector<16xi32>
          %add3A_583 = arith.addi %add3A_581, %add3A_582 : vector<16xi32>
          %swap3A_584 = arith.index_cast %scan3A_565 : i32 to index
          %swap3A_585 = arith.constant 16 : index
          %swap3A_586 = tpu.vector_load %arg18[%swap3A_584, %swap3A_585] {strides = array<i32>} : memref<8x128xi32, #tpu.memory_space<vmem>>, vector<1x16xi32>,
          %swap3A_587 = vector.shape_cast %swap3A_586 : vector<1x16xi32> to vector<16xi32>
          %swap3A_588 = vector.shape_cast %add3A_583 : vector<16xi32> to vector<1x16xi32>
          tpu.vector_store %arg18[%swap3A_584, %swap3A_585], %swap3A_588 {strides = array<i32>} : memref<8x128xi32, #tpu.memory_space<vmem>>, vector<1x16xi32>,
          %get3A_589 = arith.index_cast %scan3A_565 : i32 to index
          %get3A_590 = arith.constant 32 : index
          %get3A_591 = tpu.vector_load %arg18[%get3A_589, %get3A_590] {strides = array<i32>} : memref<8x128xi32, #tpu.memory_space<vmem>>, vector<1x16xi32>,
          %get3A_592 = vector.shape_cast %get3A_591 : vector<1x16xi32> to vector<16xi32>
          %add3A_593 = arith.addi %get3A_592, %get3A_592 : vector<16xi32>
          %add3A_594 = vector.broadcast %arg0 : i32 to vector<16xi32>
          %add3A_595 = arith.addi %add3A_593, %add3A_594 : vector<16xi32>
          %swap3A_596 = arith.index_cast %scan3A_565 : i32 to index
          %swap3A_597 = arith.constant 32 : index
          %swap3A_598 = tpu.vector_load %arg18[%swap3A_596, %swap3A_597] {strides = array<i32>} : memref<8x128xi32, #tpu.memory_space<vmem>>, vector<1x16xi32>,
          %swap3A_599 = vector.shape_cast %swap3A_598 : vector<1x16xi32> to vector<16xi32>
          %swap3A_600 = vector.shape_cast %add3A_595 : vector<16xi32> to vector<1x16xi32>
          tpu.vector_store %arg18[%swap3A_596, %swap3A_597], %swap3A_600 {strides = array<i32>} : memref<8x128xi32, #tpu.memory_space<vmem>>, vector<1x16xi32>,
          %get3A_601 = arith.index_cast %scan3A_565 : i32 to index
          %get3A_602 = arith.constant 48 : index
          %get3A_603 = tpu.vector_load %arg18[%get3A_601, %get3A_602] {strides = array<i32>} : memref<8x128xi32, #tpu.memory_space<vmem>>, vector<1x16xi32>,
          %get3A_604 = vector.shape_cast %get3A_603 : vector<1x16xi32> to vector<16xi32>
          %add3A_605 = arith.addi %get3A_604, %get3A_604 : vector<16xi32>
          %add3A_606 = vector.broadcast %arg0 : i32 to vector<16xi32>
          %add3A_607 = arith.addi %add3A_605, %add3A_606 : vector<16xi32>
          %swap3A_608 = arith.index_cast %scan3A_565 : i32 to index
          %swap3A_609 = arith.constant 48 : index
          %swap3A_610 = tpu.vector_load %arg18[%swap3A_608, %swap3A_609] {strides = array<i32>} : memref<8x128xi32, #tpu.memory_space<vmem>>, vector<1x16xi32>,
          %swap3A_611 = vector.shape_cast %swap3A_610 : vector<1x16xi32> to vector<16xi32>
          %swap3A_612 = vector.shape_cast %add3A_607 : vector<16xi32> to vector<1x16xi32>
          tpu.vector_store %arg18[%swap3A_608, %swap3A_609], %swap3A_612 {strides = array<i32>} : memref<8x128xi32, #tpu.memory_space<vmem>>, vector<1x16xi32>,
          %get3A_613 = arith.index_cast %scan3A_565 : i32 to index
          %get3A_614 = arith.constant 64 : index
          %get3A_615 = tpu.vector_load %arg18[%get3A_613, %get3A_614] {strides = array<i32>} : memref<8x128xi32, #tpu.memory_space<vmem>>, vector<1x16xi32>,
          %get3A_616 = vector.shape_cast %get3A_615 : vector<1x16xi32> to vector<16xi32>
          %add3A_617 = arith.addi %get3A_616, %get3A_616 : vector<16xi32>
          %add3A_618 = vector.broadcast %arg0 : i32 to vector<16xi32>
          %add3A_619 = arith.addi %add3A_617, %add3A_618 : vector<16xi32>
          %swap3A_620 = arith.index_cast %scan3A_565 : i32 to index
          %swap3A_621 = arith.constant 64 : index
          %swap3A_622 = tpu.vector_load %arg18[%swap3A_620, %swap3A_621] {strides = array<i32>} : memref<8x128xi32, #tpu.memory_space<vmem>>, vector<1x16xi32>,
          %swap3A_623 = vector.shape_cast %swap3A_622 : vector<1x16xi32> to vector<16xi32>
          %swap3A_624 = vector.shape_cast %add3A_619 : vector<16xi32> to vector<1x16xi32>
          tpu.vector_store %arg18[%swap3A_620, %swap3A_621], %swap3A_624 {strides = array<i32>} : memref<8x128xi32, #tpu.memory_space<vmem>>, vector<1x16xi32>,
          %get3A_625 = arith.index_cast %scan3A_565 : i32 to index
          %get3A_626 = arith.constant 80 : index
          %get3A_627 = tpu.vector_load %arg18[%get3A_625, %get3A_626] {strides = array<i32>} : memref<8x128xi32, #tpu.memory_space<vmem>>, vector<1x16xi32>,
          %get3A_628 = vector.shape_cast %get3A_627 : vector<1x16xi32> to vector<16xi32>
          %add3A_629 = arith.addi %get3A_628, %get3A_628 : vector<16xi32>
          %add3A_630 = vector.broadcast %arg0 : i32 to vector<16xi32>
          %add3A_631 = arith.addi %add3A_629, %add3A_630 : vector<16xi32>
          %swap3A_632 = arith.index_cast %scan3A_565 : i32 to index
          %swap3A_633 = arith.constant 80 : index
          %swap3A_634 = tpu.vector_load %arg18[%swap3A_632, %swap3A_633] {strides = array<i32>} : memref<8x128xi32, #tpu.memory_space<vmem>>, vector<1x16xi32>,
          %swap3A_635 = vector.shape_cast %swap3A_634 : vector<1x16xi32> to vector<16xi32>
          %swap3A_636 = vector.shape_cast %add3A_631 : vector<16xi32> to vector<1x16xi32>
          tpu.vector_store %arg18[%swap3A_632, %swap3A_633], %swap3A_636 {strides = array<i32>} : memref<8x128xi32, #tpu.memory_space<vmem>>, vector<1x16xi32>,
          %get3A_637 = arith.index_cast %scan3A_565 : i32 to index
          %get3A_638 = arith.constant 96 : index
          %get3A_639 = tpu.vector_load %arg18[%get3A_637, %get3A_638] {strides = array<i32>} : memref<8x128xi32, #tpu.memory_space<vmem>>, vector<1x16xi32>,
          %get3A_640 = vector.shape_cast %get3A_639 : vector<1x16xi32> to vector<16xi32>
          %add3A_641 = arith.addi %get3A_640, %get3A_640 : vector<16xi32>
          %add3A_642 = vector.broadcast %arg0 : i32 to vector<16xi32>
          %add3A_643 = arith.addi %add3A_641, %add3A_642 : vector<16xi32>
          %swap3A_644 = arith.index_cast %scan3A_565 : i32 to index
          %swap3A_645 = arith.constant 96 : index
          %swap3A_646 = tpu.vector_load %arg18[%swap3A_644, %swap3A_645] {strides = array<i32>} : memref<8x128xi32, #tpu.memory_space<vmem>>, vector<1x16xi32>,
          %swap3A_647 = vector.shape_cast %swap3A_646 : vector<1x16xi32> to vector<16xi32>
          %swap3A_648 = vector.shape_cast %add3A_643 : vector<16xi32> to vector<1x16xi32>
          tpu.vector_store %arg18[%swap3A_644, %swap3A_645], %swap3A_648 {strides = array<i32>} : memref<8x128xi32, #tpu.memory_space<vmem>>, vector<1x16xi32>,
          %get3A_649 = arith.index_cast %scan3A_565 : i32 to index
          %get3A_650 = arith.constant 112 : index
          %get3A_651 = tpu.vector_load %arg18[%get3A_649, %get3A_650] {strides = array<i32>} : memref<8x128xi32, #tpu.memory_space<vmem>>, vector<1x16xi32>,
          %get3A_652 = vector.shape_cast %get3A_651 : vector<1x16xi32> to vector<16xi32>
          %add3A_653 = arith.addi %get3A_652, %get3A_652 : vector<16xi32>
          %add3A_654 = vector.broadcast %arg0 : i32 to vector<16xi32>
          %add3A_655 = arith.addi %add3A_653, %add3A_654 : vector<16xi32>
          %swap3A_656 = arith.index_cast %scan3A_565 : i32 to index
          %swap3A_657 = arith.constant 112 : index
          %swap3A_658 = tpu.vector_load %arg18[%swap3A_656, %swap3A_657] {strides = array<i32>} : memref<8x128xi32, #tpu.memory_space<vmem>>, vector<1x16xi32>,
          %swap3A_659 = vector.shape_cast %swap3A_658 : vector<1x16xi32> to vector<16xi32>
          %swap3A_660 = vector.shape_cast %add3A_655 : vector<16xi32> to vector<1x16xi32>
          tpu.vector_store %arg18[%swap3A_656, %swap3A_657], %swap3A_660 {strides = array<i32>} : memref<8x128xi32, #tpu.memory_space<vmem>>, vector<1x16xi32>,
          %scan3A_661 = arith.constant 0 : i32
          scf.yield %scan3A_661 : i32
        }
        %scan3A_564 = arith.constant 8 : i32
      } else {
      }
      %dma_wait3A_221 = arith.constant 0 : i32
      %dma_wait3A_222 = arith.constant 0 : i32
      %dma_wait3A_223 = tpu.memref_slice %arg17[%dma_wait3A_221, %dma_wait3A_222] : memref<8x128xi32, #tpu.memory_space<vmem>> -> memref<1x128xi32, #tpu.memory_space<vmem>>
      %dma_wait3A_224 = tpu.memref_squeeze %dma_wait3A_223 : memref<1x128xi32, #tpu.memory_space<vmem>> -> memref<128xi32, #tpu.memory_space<vmem>>
      %dma_wait3A_225 = arith.constant 0 : i32
      %dma_wait3A_226 = arith.constant 0 : i32
      %dma_wait3A_227 = tpu.memref_slice %arg3[%dma_wait3A_225, %dma_wait3A_226] : memref<20000x128xf32, #tpu.memory_space<hbm>> -> memref<20000x128xf32, #tpu.memory_space<hbm>>
      tpu.wait_indirect_dma semaphore(%arg24 : memref<!tpu.dma_semaphore, #tpu.memory_space<semaphore_mem>>) src(%dma_wait3A_227 : memref<20000x128xf32, #tpu.memory_space<hbm>>) dst(%arg21 : memref<128x128xf32, #tpu.memory_space<vmem>>)
      %run_scoped3A = arith.constant 0 : i32
      "tpu.region"() ({
        %run_scoped3A_540 = tpu.sem_alloc : memref<!tpu.dma_semaphore, #tpu.memory_space<semaphore_mem>>
        %dma_start3A_541 = arith.constant 0 : i32
        %dma_start3A_542 = tpu.memref_slice %arg19[%run_scoped3A, %dma_start3A_541] : memref<8x128xi32, #tpu.memory_space<vmem>> -> memref<1x128xi32, #tpu.memory_space<vmem>>
        %dma_start3A_543 = tpu.memref_squeeze %dma_start3A_542 : memref<1x128xi32, #tpu.memory_space<vmem>> -> memref<128xi32, #tpu.memory_space<vmem>>
        %dma_start3A_544 = arith.constant 0 : i32
        %dma_start3A_545 = arith.constant 0 : i32
        %dma_start3A_546 = tpu.memref_slice %arg15[%dma_start3A_544, %dma_start3A_545] : memref<10112x128xf32, #tpu.memory_space<vmem_shared>> -> memref<10112x128xf32, #tpu.memory_space<vmem_shared>>
        tpu.enqueue_indirect_dma source(%arg21 : memref<128x128xf32, #tpu.memory_space<vmem>>) target(%dma_start3A_546 : memref<10112x128xf32, #tpu.memory_space<vmem_shared>>) offsets(%dma_start3A_543 : memref<128xi32, #tpu.memory_space<vmem>>) semaphore(%run_scoped3A_540 : memref<!tpu.dma_semaphore, #tpu.memory_space<semaphore_mem>>) {add = true}
        %dma_wait3A_547 = arith.constant 0 : i32
        %dma_wait3A_548 = tpu.memref_slice %arg19[%run_scoped3A, %dma_wait3A_547] : memref<8x128xi32, #tpu.memory_space<vmem>> -> memref<1x128xi32, #tpu.memory_space<vmem>>
        %dma_wait3A_549 = tpu.memref_squeeze %dma_wait3A_548 : memref<1x128xi32, #tpu.memory_space<vmem>> -> memref<128xi32, #tpu.memory_space<vmem>>
        %dma_wait3A_550 = arith.constant 0 : i32
        %dma_wait3A_551 = arith.constant 0 : i32
        %dma_wait3A_552 = tpu.memref_slice %arg15[%dma_wait3A_550, %dma_wait3A_551] : memref<10112x128xf32, #tpu.memory_space<vmem_shared>> -> memref<10112x128xf32, #tpu.memory_space<vmem_shared>>
        tpu.wait_indirect_dma semaphore(%run_scoped3A_540 : memref<!tpu.dma_semaphore, #tpu.memory_space<semaphore_mem>>) src(%arg21 : memref<128x128xf32, #tpu.memory_space<vmem>>) dst(%dma_wait3A_552 : memref<10112x128xf32, #tpu.memory_space<vmem_shared>>)
        tpu.yield
      }) : () -> ()
      %convert_element_type3A_228 = arith.extui %eq3A_124 : i1 to i32
      %cond3A_229 = arith.constant 0 : i32
      %cond3A_230 = arith.cmpi ne, %convert_element_type3A_228, %cond3A_229 : i32
      scf.if %cond3A_230 {
        %dma_start3A_540 = arith.constant 0 : i32
        %dma_start3A_541 = arith.constant 0 : i32
        %dma_start3A_542 = tpu.memref_slice %arg19[%dma_start3A_540, %dma_start3A_541] : memref<8x128xi32, #tpu.memory_space<vmem>> -> memref<1x128xi32, #tpu.memory_space<vmem>>
        %dma_start3A_543 = tpu.memref_squeeze %dma_start3A_542 : memref<1x128xi32, #tpu.memory_space<vmem>> -> memref<128xi32, #tpu.memory_space<vmem>>
        %dma_start3A_544 = arith.constant 0 : i32
        %dma_start3A_545 = arith.constant 0 : i32
        %dma_start3A_546 = tpu.memref_slice %arg16[%dma_start3A_544, %dma_start3A_545] : memref<10112x16xf32, #tpu.memory_space<vmem_shared>> -> memref<10112x16xf32, #tpu.memory_space<vmem_shared>>
        tpu.enqueue_indirect_dma source(%arg23 : memref<128x16xf32, #tpu.memory_space<vmem>>) target(%dma_start3A_546 : memref<10112x16xf32, #tpu.memory_space<vmem_shared>>) offsets(%dma_start3A_543 : memref<128xi32, #tpu.memory_space<vmem>>) semaphore(%arg28 : memref<!tpu.dma_semaphore, #tpu.memory_space<semaphore_mem>>) {add = true}
      } else {
      }
      %dma_start3A_231 = arith.constant 2 : i32
      %dma_start3A_232 = arith.constant 0 : i32
      %dma_start3A_233 = tpu.memref_slice %arg17[%dma_start3A_231, %dma_start3A_232] : memref<8x128xi32, #tpu.memory_space<vmem>> -> memref<1x128xi32, #tpu.memory_space<vmem>>
      %dma_start3A_234 = tpu.memref_squeeze %dma_start3A_233 : memref<1x128xi32, #tpu.memory_space<vmem>> -> memref<128xi32, #tpu.memory_space<vmem>>
      %dma_start3A_235 = arith.constant 0 : i32
      %dma_start3A_236 = arith.constant 0 : i32
      %dma_start3A_237 = tpu.memref_slice %arg3[%dma_start3A_235, %dma_start3A_236] : memref<20000x128xf32, #tpu.memory_space<hbm>> -> memref<20000x128xf32, #tpu.memory_space<hbm>>
      tpu.enqueue_indirect_dma source(%dma_start3A_237 : memref<20000x128xf32, #tpu.memory_space<hbm>>) target(%arg21 : memref<128x128xf32, #tpu.memory_space<vmem>>) offsets(%dma_start3A_234 : memref<128xi32, #tpu.memory_space<vmem>>) semaphore(%arg24 : memref<!tpu.dma_semaphore, #tpu.memory_space<semaphore_mem>>)
      %dma_wait3A_238 = arith.constant 1 : i32
      %dma_wait3A_239 = arith.constant 0 : i32
      %dma_wait3A_240 = tpu.memref_slice %arg17[%dma_wait3A_238, %dma_wait3A_239] : memref<8x128xi32, #tpu.memory_space<vmem>> -> memref<1x128xi32, #tpu.memory_space<vmem>>
      %dma_wait3A_241 = tpu.memref_squeeze %dma_wait3A_240 : memref<1x128xi32, #tpu.memory_space<vmem>> -> memref<128xi32, #tpu.memory_space<vmem>>
      %dma_wait3A_242 = arith.constant 0 : i32
      %dma_wait3A_243 = arith.constant 0 : i32
      %dma_wait3A_244 = tpu.memref_slice %arg3[%dma_wait3A_242, %dma_wait3A_243] : memref<20000x128xf32, #tpu.memory_space<hbm>> -> memref<20000x128xf32, #tpu.memory_space<hbm>>
      tpu.wait_indirect_dma semaphore(%arg25 : memref<!tpu.dma_semaphore, #tpu.memory_space<semaphore_mem>>) src(%dma_wait3A_244 : memref<20000x128xf32, #tpu.memory_space<hbm>>) dst(%arg22 : memref<128x128xf32, #tpu.memory_space<vmem>>)
      %run_scoped3A_245 = arith.constant 1 : i32
      "tpu.region"() ({
        %run_scoped3A_540 = tpu.sem_alloc : memref<!tpu.dma_semaphore, #tpu.memory_space<semaphore_mem>>
        %dma_start3A_541 = arith.constant 0 : i32
        %dma_start3A_542 = tpu.memref_slice %arg19[%run_scoped3A_245, %dma_start3A_541] : memref<8x128xi32, #tpu.memory_space<vmem>> -> memref<1x128xi32, #tpu.memory_space<vmem>>
        %dma_start3A_543 = tpu.memref_squeeze %dma_start3A_542 : memref<1x128xi32, #tpu.memory_space<vmem>> -> memref<128xi32, #tpu.memory_space<vmem>>
        %dma_start3A_544 = arith.constant 0 : i32
        %dma_start3A_545 = arith.constant 0 : i32
        %dma_start3A_546 = tpu.memref_slice %arg15[%dma_start3A_544, %dma_start3A_545] : memref<10112x128xf32, #tpu.memory_space<vmem_shared>> -> memref<10112x128xf32, #tpu.memory_space<vmem_shared>>
        tpu.enqueue_indirect_dma source(%arg22 : memref<128x128xf32, #tpu.memory_space<vmem>>) target(%dma_start3A_546 : memref<10112x128xf32, #tpu.memory_space<vmem_shared>>) offsets(%dma_start3A_543 : memref<128xi32, #tpu.memory_space<vmem>>) semaphore(%run_scoped3A_540 : memref<!tpu.dma_semaphore, #tpu.memory_space<semaphore_mem>>) {add = true}
        %dma_wait3A_547 = arith.constant 0 : i32
        %dma_wait3A_548 = tpu.memref_slice %arg19[%run_scoped3A_245, %dma_wait3A_547] : memref<8x128xi32, #tpu.memory_space<vmem>> -> memref<1x128xi32, #tpu.memory_space<vmem>>
        %dma_wait3A_549 = tpu.memref_squeeze %dma_wait3A_548 : memref<1x128xi32, #tpu.memory_space<vmem>> -> memref<128xi32, #tpu.memory_space<vmem>>
        %dma_wait3A_550 = arith.constant 0 : i32
        %dma_wait3A_551 = arith.constant 0 : i32
        %dma_wait3A_552 = tpu.memref_slice %arg15[%dma_wait3A_550, %dma_wait3A_551] : memref<10112x128xf32, #tpu.memory_space<vmem_shared>> -> memref<10112x128xf32, #tpu.memory_space<vmem_shared>>
        tpu.wait_indirect_dma semaphore(%run_scoped3A_540 : memref<!tpu.dma_semaphore, #tpu.memory_space<semaphore_mem>>) src(%arg22 : memref<128x128xf32, #tpu.memory_space<vmem>>) dst(%dma_wait3A_552 : memref<10112x128xf32, #tpu.memory_space<vmem_shared>>)
        tpu.yield
      }) : () -> ()
      %convert_element_type3A_246 = arith.extui %eq3A_124 : i1 to i32
      %cond3A_247 = arith.constant 0 : i32
      %cond3A_248 = arith.cmpi ne, %convert_element_type3A_246, %cond3A_247 : i32
      scf.if %cond3A_248 {
        %dma_start3A_540 = arith.constant 1 : i32
        %dma_start3A_541 = arith.constant 0 : i32
        %dma_start3A_542 = tpu.memref_slice %arg19[%dma_start3A_540, %dma_start3A_541] : memref<8x128xi32, #tpu.memory_space<vmem>> -> memref<1x128xi32, #tpu.memory_space<vmem>>
        %dma_start3A_543 = tpu.memref_squeeze %dma_start3A_542 : memref<1x128xi32, #tpu.memory_space<vmem>> -> memref<128xi32, #tpu.memory_space<vmem>>
        %dma_start3A_544 = arith.constant 0 : i32
        %dma_start3A_545 = arith.constant 0 : i32
        %dma_start3A_546 = tpu.memref_slice %arg16[%dma_start3A_544, %dma_start3A_545] : memref<10112x16xf32, #tpu.memory_space<vmem_shared>> -> memref<10112x16xf32, #tpu.memory_space<vmem_shared>>
        tpu.enqueue_indirect_dma source(%arg23 : memref<128x16xf32, #tpu.memory_space<vmem>>) target(%dma_start3A_546 : memref<10112x16xf32, #tpu.memory_space<vmem_shared>>) offsets(%dma_start3A_543 : memref<128xi32, #tpu.memory_space<vmem>>) semaphore(%arg28 : memref<!tpu.dma_semaphore, #tpu.memory_space<semaphore_mem>>) {add = true}
      } else {
      }
      %dma_start3A_249 = arith.constant 3 : i32
      %dma_start3A_250 = arith.constant 0 : i32
      %dma_start3A_251 = tpu.memref_slice %arg17[%dma_start3A_249, %dma_start3A_250] : memref<8x128xi32, #tpu.memory_space<vmem>> -> memref<1x128xi32, #tpu.memory_space<vmem>>
      %dma_start3A_252 = tpu.memref_squeeze %dma_start3A_251 : memref<1x128xi32, #tpu.memory_space<vmem>> -> memref<128xi32, #tpu.memory_space<vmem>>
      %dma_start3A_253 = arith.constant 0 : i32
      %dma_start3A_254 = arith.constant 0 : i32
      %dma_start3A_255 = tpu.memref_slice %arg3[%dma_start3A_253, %dma_start3A_254] : memref<20000x128xf32, #tpu.memory_space<hbm>> -> memref<20000x128xf32, #tpu.memory_space<hbm>>
      tpu.enqueue_indirect_dma source(%dma_start3A_255 : memref<20000x128xf32, #tpu.memory_space<hbm>>) target(%arg22 : memref<128x128xf32, #tpu.memory_space<vmem>>) offsets(%dma_start3A_252 : memref<128xi32, #tpu.memory_space<vmem>>) semaphore(%arg25 : memref<!tpu.dma_semaphore, #tpu.memory_space<semaphore_mem>>)
      %dma_wait3A_256 = arith.constant 2 : i32
      %dma_wait3A_257 = arith.constant 0 : i32
      %dma_wait3A_258 = tpu.memref_slice %arg17[%dma_wait3A_256, %dma_wait3A_257] : memref<8x128xi32, #tpu.memory_space<vmem>> -> memref<1x128xi32, #tpu.memory_space<vmem>>
      %dma_wait3A_259 = tpu.memref_squeeze %dma_wait3A_258 : memref<1x128xi32, #tpu.memory_space<vmem>> -> memref<128xi32, #tpu.memory_space<vmem>>
      %dma_wait3A_260 = arith.constant 0 : i32
      %dma_wait3A_261 = arith.constant 0 : i32
      %dma_wait3A_262 = tpu.memref_slice %arg3[%dma_wait3A_260, %dma_wait3A_261] : memref<20000x128xf32, #tpu.memory_space<hbm>> -> memref<20000x128xf32, #tpu.memory_space<hbm>>
      tpu.wait_indirect_dma semaphore(%arg24 : memref<!tpu.dma_semaphore, #tpu.memory_space<semaphore_mem>>) src(%dma_wait3A_262 : memref<20000x128xf32, #tpu.memory_space<hbm>>) dst(%arg21 : memref<128x128xf32, #tpu.memory_space<vmem>>)
      %run_scoped3A_263 = arith.constant 2 : i32
      "tpu.region"() ({
        %run_scoped3A_540 = tpu.sem_alloc : memref<!tpu.dma_semaphore, #tpu.memory_space<semaphore_mem>>
        %dma_start3A_541 = arith.constant 0 : i32
        %dma_start3A_542 = tpu.memref_slice %arg19[%run_scoped3A_263, %dma_start3A_541] : memref<8x128xi32, #tpu.memory_space<vmem>> -> memref<1x128xi32, #tpu.memory_space<vmem>>
        %dma_start3A_543 = tpu.memref_squeeze %dma_start3A_542 : memref<1x128xi32, #tpu.memory_space<vmem>> -> memref<128xi32, #tpu.memory_space<vmem>>
        %dma_start3A_544 = arith.constant 0 : i32
        %dma_start3A_545 = arith.constant 0 : i32
        %dma_start3A_546 = tpu.memref_slice %arg15[%dma_start3A_544, %dma_start3A_545] : memref<10112x128xf32, #tpu.memory_space<vmem_shared>> -> memref<10112x128xf32, #tpu.memory_space<vmem_shared>>
        tpu.enqueue_indirect_dma source(%arg21 : memref<128x128xf32, #tpu.memory_space<vmem>>) target(%dma_start3A_546 : memref<10112x128xf32, #tpu.memory_space<vmem_shared>>) offsets(%dma_start3A_543 : memref<128xi32, #tpu.memory_space<vmem>>) semaphore(%run_scoped3A_540 : memref<!tpu.dma_semaphore, #tpu.memory_space<semaphore_mem>>) {add = true}
        %dma_wait3A_547 = arith.constant 0 : i32
        %dma_wait3A_548 = tpu.memref_slice %arg19[%run_scoped3A_263, %dma_wait3A_547] : memref<8x128xi32, #tpu.memory_space<vmem>> -> memref<1x128xi32, #tpu.memory_space<vmem>>
        %dma_wait3A_549 = tpu.memref_squeeze %dma_wait3A_548 : memref<1x128xi32, #tpu.memory_space<vmem>> -> memref<128xi32, #tpu.memory_space<vmem>>
        %dma_wait3A_550 = arith.constant 0 : i32
        %dma_wait3A_551 = arith.constant 0 : i32
        %dma_wait3A_552 = tpu.memref_slice %arg15[%dma_wait3A_550, %dma_wait3A_551] : memref<10112x128xf32, #tpu.memory_space<vmem_shared>> -> memref<10112x128xf32, #tpu.memory_space<vmem_shared>>
        tpu.wait_indirect_dma semaphore(%run_scoped3A_540 : memref<!tpu.dma_semaphore, #tpu.memory_space<semaphore_mem>>) src(%arg21 : memref<128x128xf32, #tpu.memory_space<vmem>>) dst(%dma_wait3A_552 : memref<10112x128xf32, #tpu.memory_space<vmem_shared>>)
        tpu.yield
      }) : () -> ()
      %convert_element_type3A_264 = arith.extui %eq3A_124 : i1 to i32
      %cond3A_265 = arith.constant 0 : i32
      %cond3A_266 = arith.cmpi ne, %convert_element_type3A_264, %cond3A_265 : i32
      scf.if %cond3A_266 {
        %dma_start3A_540 = arith.constant 2 : i32
        %dma_start3A_541 = arith.constant 0 : i32
        %dma_start3A_542 = tpu.memref_slice %arg19[%dma_start3A_540, %dma_start3A_541] : memref<8x128xi32, #tpu.memory_space<vmem>> -> memref<1x128xi32, #tpu.memory_space<vmem>>
        %dma_start3A_543 = tpu.memref_squeeze %dma_start3A_542 : memref<1x128xi32, #tpu.memory_space<vmem>> -> memref<128xi32, #tpu.memory_space<vmem>>
        %dma_start3A_544 = arith.constant 0 : i32
        %dma_start3A_545 = arith.constant 0 : i32
        %dma_start3A_546 = tpu.memref_slice %arg16[%dma_start3A_544, %dma_start3A_545] : memref<10112x16xf32, #tpu.memory_space<vmem_shared>> -> memref<10112x16xf32, #tpu.memory_space<vmem_shared>>
        tpu.enqueue_indirect_dma source(%arg23 : memref<128x16xf32, #tpu.memory_space<vmem>>) target(%dma_start3A_546 : memref<10112x16xf32, #tpu.memory_space<vmem_shared>>) offsets(%dma_start3A_543 : memref<128xi32, #tpu.memory_space<vmem>>) semaphore(%arg28 : memref<!tpu.dma_semaphore, #tpu.memory_space<semaphore_mem>>) {add = true}
      } else {
      }
      %dma_start3A_267 = arith.constant 4 : i32
      %dma_start3A_268 = arith.constant 0 : i32
      %dma_start3A_269 = tpu.memref_slice %arg17[%dma_start3A_267, %dma_start3A_268] : memref<8x128xi32, #tpu.memory_space<vmem>> -> memref<1x128xi32, #tpu.memory_space<vmem>>
      %dma_start3A_270 = tpu.memref_squeeze %dma_start3A_269 : memref<1x128xi32, #tpu.memory_space<vmem>> -> memref<128xi32, #tpu.memory_space<vmem>>
      %dma_start3A_271 = arith.constant 0 : i32
      %dma_start3A_272 = arith.constant 0 : i32
      %dma_start3A_273 = tpu.memref_slice %arg3[%dma_start3A_271, %dma_start3A_272] : memref<20000x128xf32, #tpu.memory_space<hbm>> -> memref<20000x128xf32, #tpu.memory_space<hbm>>
      tpu.enqueue_indirect_dma source(%dma_start3A_273 : memref<20000x128xf32, #tpu.memory_space<hbm>>) target(%arg21 : memref<128x128xf32, #tpu.memory_space<vmem>>) offsets(%dma_start3A_270 : memref<128xi32, #tpu.memory_space<vmem>>) semaphore(%arg24 : memref<!tpu.dma_semaphore, #tpu.memory_space<semaphore_mem>>)
      %dma_wait3A_274 = arith.constant 3 : i32
      %dma_wait3A_275 = arith.constant 0 : i32
      %dma_wait3A_276 = tpu.memref_slice %arg17[%dma_wait3A_274, %dma_wait3A_275] : memref<8x128xi32, #tpu.memory_space<vmem>> -> memref<1x128xi32, #tpu.memory_space<vmem>>
      %dma_wait3A_277 = tpu.memref_squeeze %dma_wait3A_276 : memref<1x128xi32, #tpu.memory_space<vmem>> -> memref<128xi32, #tpu.memory_space<vmem>>
      %dma_wait3A_278 = arith.constant 0 : i32
      %dma_wait3A_279 = arith.constant 0 : i32
      %dma_wait3A_280 = tpu.memref_slice %arg3[%dma_wait3A_278, %dma_wait3A_279] : memref<20000x128xf32, #tpu.memory_space<hbm>> -> memref<20000x128xf32, #tpu.memory_space<hbm>>
      tpu.wait_indirect_dma semaphore(%arg25 : memref<!tpu.dma_semaphore, #tpu.memory_space<semaphore_mem>>) src(%dma_wait3A_280 : memref<20000x128xf32, #tpu.memory_space<hbm>>) dst(%arg22 : memref<128x128xf32, #tpu.memory_space<vmem>>)
      %run_scoped3A_281 = arith.constant 3 : i32
      "tpu.region"() ({
        %run_scoped3A_540 = tpu.sem_alloc : memref<!tpu.dma_semaphore, #tpu.memory_space<semaphore_mem>>
        %dma_start3A_541 = arith.constant 0 : i32
        %dma_start3A_542 = tpu.memref_slice %arg19[%run_scoped3A_281, %dma_start3A_541] : memref<8x128xi32, #tpu.memory_space<vmem>> -> memref<1x128xi32, #tpu.memory_space<vmem>>
        %dma_start3A_543 = tpu.memref_squeeze %dma_start3A_542 : memref<1x128xi32, #tpu.memory_space<vmem>> -> memref<128xi32, #tpu.memory_space<vmem>>
        %dma_start3A_544 = arith.constant 0 : i32
        %dma_start3A_545 = arith.constant 0 : i32
        %dma_start3A_546 = tpu.memref_slice %arg15[%dma_start3A_544, %dma_start3A_545] : memref<10112x128xf32, #tpu.memory_space<vmem_shared>> -> memref<10112x128xf32, #tpu.memory_space<vmem_shared>>
        tpu.enqueue_indirect_dma source(%arg22 : memref<128x128xf32, #tpu.memory_space<vmem>>) target(%dma_start3A_546 : memref<10112x128xf32, #tpu.memory_space<vmem_shared>>) offsets(%dma_start3A_543 : memref<128xi32, #tpu.memory_space<vmem>>) semaphore(%run_scoped3A_540 : memref<!tpu.dma_semaphore, #tpu.memory_space<semaphore_mem>>) {add = true}
        %dma_wait3A_547 = arith.constant 0 : i32
        %dma_wait3A_548 = tpu.memref_slice %arg19[%run_scoped3A_281, %dma_wait3A_547] : memref<8x128xi32, #tpu.memory_space<vmem>> -> memref<1x128xi32, #tpu.memory_space<vmem>>
        %dma_wait3A_549 = tpu.memref_squeeze %dma_wait3A_548 : memref<1x128xi32, #tpu.memory_space<vmem>> -> memref<128xi32, #tpu.memory_space<vmem>>
        %dma_wait3A_550 = arith.constant 0 : i32
        %dma_wait3A_551 = arith.constant 0 : i32
        %dma_wait3A_552 = tpu.memref_slice %arg15[%dma_wait3A_550, %dma_wait3A_551] : memref<10112x128xf32, #tpu.memory_space<vmem_shared>> -> memref<10112x128xf32, #tpu.memory_space<vmem_shared>>
        tpu.wait_indirect_dma semaphore(%run_scoped3A_540 : memref<!tpu.dma_semaphore, #tpu.memory_space<semaphore_mem>>) src(%arg22 : memref<128x128xf32, #tpu.memory_space<vmem>>) dst(%dma_wait3A_552 : memref<10112x128xf32, #tpu.memory_space<vmem_shared>>)
        tpu.yield
      }) : () -> ()
      %convert_element_type3A_282 = arith.extui %eq3A_124 : i1 to i32
      %cond3A_283 = arith.constant 0 : i32
      %cond3A_284 = arith.cmpi ne, %convert_element_type3A_282, %cond3A_283 : i32
      scf.if %cond3A_284 {
        %dma_start3A_540 = arith.constant 3 : i32
        %dma_start3A_541 = arith.constant 0 : i32
        %dma_start3A_542 = tpu.memref_slice %arg19[%dma_start3A_540, %dma_start3A_541] : memref<8x128xi32, #tpu.memory_space<vmem>> -> memref<1x128xi32, #tpu.memory_space<vmem>>
        %dma_start3A_543 = tpu.memref_squeeze %dma_start3A_542 : memref<1x128xi32, #tpu.memory_space<vmem>> -> memref<128xi32, #tpu.memory_space<vmem>>
        %dma_start3A_544 = arith.constant 0 : i32
        %dma_start3A_545 = arith.constant 0 : i32
        %dma_start3A_546 = tpu.memref_slice %arg16[%dma_start3A_544, %dma_start3A_545] : memref<10112x16xf32, #tpu.memory_space<vmem_shared>> -> memref<10112x16xf32, #tpu.memory_space<vmem_shared>>
        tpu.enqueue_indirect_dma source(%arg23 : memref<128x16xf32, #tpu.memory_space<vmem>>) target(%dma_start3A_546 : memref<10112x16xf32, #tpu.memory_space<vmem_shared>>) offsets(%dma_start3A_543 : memref<128xi32, #tpu.memory_space<vmem>>) semaphore(%arg28 : memref<!tpu.dma_semaphore, #tpu.memory_space<semaphore_mem>>) {add = true}
      } else {
      }
      %dma_start3A_285 = arith.constant 5 : i32
      %dma_start3A_286 = arith.constant 0 : i32
      %dma_start3A_287 = tpu.memref_slice %arg17[%dma_start3A_285, %dma_start3A_286] : memref<8x128xi32, #tpu.memory_space<vmem>> -> memref<1x128xi32, #tpu.memory_space<vmem>>
      %dma_start3A_288 = tpu.memref_squeeze %dma_start3A_287 : memref<1x128xi32, #tpu.memory_space<vmem>> -> memref<128xi32, #tpu.memory_space<vmem>>
      %dma_start3A_289 = arith.constant 0 : i32
      %dma_start3A_290 = arith.constant 0 : i32
      %dma_start3A_291 = tpu.memref_slice %arg3[%dma_start3A_289, %dma_start3A_290] : memref<20000x128xf32, #tpu.memory_space<hbm>> -> memref<20000x128xf32, #tpu.memory_space<hbm>>
      tpu.enqueue_indirect_dma source(%dma_start3A_291 : memref<20000x128xf32, #tpu.memory_space<hbm>>) target(%arg22 : memref<128x128xf32, #tpu.memory_space<vmem>>) offsets(%dma_start3A_288 : memref<128xi32, #tpu.memory_space<vmem>>) semaphore(%arg25 : memref<!tpu.dma_semaphore, #tpu.memory_space<semaphore_mem>>)
      %dma_wait3A_292 = arith.constant 4 : i32
      %dma_wait3A_293 = arith.constant 0 : i32
      %dma_wait3A_294 = tpu.memref_slice %arg17[%dma_wait3A_292, %dma_wait3A_293] : memref<8x128xi32, #tpu.memory_space<vmem>> -> memref<1x128xi32, #tpu.memory_space<vmem>>
      %dma_wait3A_295 = tpu.memref_squeeze %dma_wait3A_294 : memref<1x128xi32, #tpu.memory_space<vmem>> -> memref<128xi32, #tpu.memory_space<vmem>>
      %dma_wait3A_296 = arith.constant 0 : i32
      %dma_wait3A_297 = arith.constant 0 : i32
      %dma_wait3A_298 = tpu.memref_slice %arg3[%dma_wait3A_296, %dma_wait3A_297] : memref<20000x128xf32, #tpu.memory_space<hbm>> -> memref<20000x128xf32, #tpu.memory_space<hbm>>
      tpu.wait_indirect_dma semaphore(%arg24 : memref<!tpu.dma_semaphore, #tpu.memory_space<semaphore_mem>>) src(%dma_wait3A_298 : memref<20000x128xf32, #tpu.memory_space<hbm>>) dst(%arg21 : memref<128x128xf32, #tpu.memory_space<vmem>>)
      %run_scoped3A_299 = arith.constant 4 : i32
      "tpu.region"() ({
        %run_scoped3A_540 = tpu.sem_alloc : memref<!tpu.dma_semaphore, #tpu.memory_space<semaphore_mem>>
        %dma_start3A_541 = arith.constant 0 : i32
        %dma_start3A_542 = tpu.memref_slice %arg19[%run_scoped3A_299, %dma_start3A_541] : memref<8x128xi32, #tpu.memory_space<vmem>> -> memref<1x128xi32, #tpu.memory_space<vmem>>
        %dma_start3A_543 = tpu.memref_squeeze %dma_start3A_542 : memref<1x128xi32, #tpu.memory_space<vmem>> -> memref<128xi32, #tpu.memory_space<vmem>>
        %dma_start3A_544 = arith.constant 0 : i32
        %dma_start3A_545 = arith.constant 0 : i32
        %dma_start3A_546 = tpu.memref_slice %arg15[%dma_start3A_544, %dma_start3A_545] : memref<10112x128xf32, #tpu.memory_space<vmem_shared>> -> memref<10112x128xf32, #tpu.memory_space<vmem_shared>>
        tpu.enqueue_indirect_dma source(%arg21 : memref<128x128xf32, #tpu.memory_space<vmem>>) target(%dma_start3A_546 : memref<10112x128xf32, #tpu.memory_space<vmem_shared>>) offsets(%dma_start3A_543 : memref<128xi32, #tpu.memory_space<vmem>>) semaphore(%run_scoped3A_540 : memref<!tpu.dma_semaphore, #tpu.memory_space<semaphore_mem>>) {add = true}
        %dma_wait3A_547 = arith.constant 0 : i32
        %dma_wait3A_548 = tpu.memref_slice %arg19[%run_scoped3A_299, %dma_wait3A_547] : memref<8x128xi32, #tpu.memory_space<vmem>> -> memref<1x128xi32, #tpu.memory_space<vmem>>
        %dma_wait3A_549 = tpu.memref_squeeze %dma_wait3A_548 : memref<1x128xi32, #tpu.memory_space<vmem>> -> memref<128xi32, #tpu.memory_space<vmem>>
        %dma_wait3A_550 = arith.constant 0 : i32
        %dma_wait3A_551 = arith.constant 0 : i32
        %dma_wait3A_552 = tpu.memref_slice %arg15[%dma_wait3A_550, %dma_wait3A_551] : memref<10112x128xf32, #tpu.memory_space<vmem_shared>> -> memref<10112x128xf32, #tpu.memory_space<vmem_shared>>
        tpu.wait_indirect_dma semaphore(%run_scoped3A_540 : memref<!tpu.dma_semaphore, #tpu.memory_space<semaphore_mem>>) src(%arg21 : memref<128x128xf32, #tpu.memory_space<vmem>>) dst(%dma_wait3A_552 : memref<10112x128xf32, #tpu.memory_space<vmem_shared>>)
        tpu.yield
      }) : () -> ()
      %convert_element_type3A_300 = arith.extui %eq3A_124 : i1 to i32
      %cond3A_301 = arith.constant 0 : i32
      %cond3A_302 = arith.cmpi ne, %convert_element_type3A_300, %cond3A_301 : i32
      scf.if %cond3A_302 {
        %dma_start3A_540 = arith.constant 4 : i32
        %dma_start3A_541 = arith.constant 0 : i32
        %dma_start3A_542 = tpu.memref_slice %arg19[%dma_start3A_540, %dma_start3A_541] : memref<8x128xi32, #tpu.memory_space<vmem>> -> memref<1x128xi32, #tpu.memory_space<vmem>>
        %dma_start3A_543 = tpu.memref_squeeze %dma_start3A_542 : memref<1x128xi32, #tpu.memory_space<vmem>> -> memref<128xi32, #tpu.memory_space<vmem>>
        %dma_start3A_544 = arith.constant 0 : i32
        %dma_start3A_545 = arith.constant 0 : i32
        %dma_start3A_546 = tpu.memref_slice %arg16[%dma_start3A_544, %dma_start3A_545] : memref<10112x16xf32, #tpu.memory_space<vmem_shared>> -> memref<10112x16xf32, #tpu.memory_space<vmem_shared>>
        tpu.enqueue_indirect_dma source(%arg23 : memref<128x16xf32, #tpu.memory_space<vmem>>) target(%dma_start3A_546 : memref<10112x16xf32, #tpu.memory_space<vmem_shared>>) offsets(%dma_start3A_543 : memref<128xi32, #tpu.memory_space<vmem>>) semaphore(%arg28 : memref<!tpu.dma_semaphore, #tpu.memory_space<semaphore_mem>>) {add = true}
      } else {
      }
      %dma_start3A_303 = arith.constant 6 : i32
      %dma_start3A_304 = arith.constant 0 : i32
      %dma_start3A_305 = tpu.memref_slice %arg17[%dma_start3A_303, %dma_start3A_304] : memref<8x128xi32, #tpu.memory_space<vmem>> -> memref<1x128xi32, #tpu.memory_space<vmem>>
      %dma_start3A_306 = tpu.memref_squeeze %dma_start3A_305 : memref<1x128xi32, #tpu.memory_space<vmem>> -> memref<128xi32, #tpu.memory_space<vmem>>
      %dma_start3A_307 = arith.constant 0 : i32
      %dma_start3A_308 = arith.constant 0 : i32
      %dma_start3A_309 = tpu.memref_slice %arg3[%dma_start3A_307, %dma_start3A_308] : memref<20000x128xf32, #tpu.memory_space<hbm>> -> memref<20000x128xf32, #tpu.memory_space<hbm>>
      tpu.enqueue_indirect_dma source(%dma_start3A_309 : memref<20000x128xf32, #tpu.memory_space<hbm>>) target(%arg21 : memref<128x128xf32, #tpu.memory_space<vmem>>) offsets(%dma_start3A_306 : memref<128xi32, #tpu.memory_space<vmem>>) semaphore(%arg24 : memref<!tpu.dma_semaphore, #tpu.memory_space<semaphore_mem>>)
      %dma_wait3A_310 = arith.constant 5 : i32
      %dma_wait3A_311 = arith.constant 0 : i32
      %dma_wait3A_312 = tpu.memref_slice %arg17[%dma_wait3A_310, %dma_wait3A_311] : memref<8x128xi32, #tpu.memory_space<vmem>> -> memref<1x128xi32, #tpu.memory_space<vmem>>
      %dma_wait3A_313 = tpu.memref_squeeze %dma_wait3A_312 : memref<1x128xi32, #tpu.memory_space<vmem>> -> memref<128xi32, #tpu.memory_space<vmem>>
      %dma_wait3A_314 = arith.constant 0 : i32
      %dma_wait3A_315 = arith.constant 0 : i32
      %dma_wait3A_316 = tpu.memref_slice %arg3[%dma_wait3A_314, %dma_wait3A_315] : memref<20000x128xf32, #tpu.memory_space<hbm>> -> memref<20000x128xf32, #tpu.memory_space<hbm>>
      tpu.wait_indirect_dma semaphore(%arg25 : memref<!tpu.dma_semaphore, #tpu.memory_space<semaphore_mem>>) src(%dma_wait3A_316 : memref<20000x128xf32, #tpu.memory_space<hbm>>) dst(%arg22 : memref<128x128xf32, #tpu.memory_space<vmem>>)
      %run_scoped3A_317 = arith.constant 5 : i32
      "tpu.region"() ({
        %run_scoped3A_540 = tpu.sem_alloc : memref<!tpu.dma_semaphore, #tpu.memory_space<semaphore_mem>>
        %dma_start3A_541 = arith.constant 0 : i32
        %dma_start3A_542 = tpu.memref_slice %arg19[%run_scoped3A_317, %dma_start3A_541] : memref<8x128xi32, #tpu.memory_space<vmem>> -> memref<1x128xi32, #tpu.memory_space<vmem>>
        %dma_start3A_543 = tpu.memref_squeeze %dma_start3A_542 : memref<1x128xi32, #tpu.memory_space<vmem>> -> memref<128xi32, #tpu.memory_space<vmem>>
        %dma_start3A_544 = arith.constant 0 : i32
        %dma_start3A_545 = arith.constant 0 : i32
        %dma_start3A_546 = tpu.memref_slice %arg15[%dma_start3A_544, %dma_start3A_545] : memref<10112x128xf32, #tpu.memory_space<vmem_shared>> -> memref<10112x128xf32, #tpu.memory_space<vmem_shared>>
        tpu.enqueue_indirect_dma source(%arg22 : memref<128x128xf32, #tpu.memory_space<vmem>>) target(%dma_start3A_546 : memref<10112x128xf32, #tpu.memory_space<vmem_shared>>) offsets(%dma_start3A_543 : memref<128xi32, #tpu.memory_space<vmem>>) semaphore(%run_scoped3A_540 : memref<!tpu.dma_semaphore, #tpu.memory_space<semaphore_mem>>) {add = true}
        %dma_wait3A_547 = arith.constant 0 : i32
        %dma_wait3A_548 = tpu.memref_slice %arg19[%run_scoped3A_317, %dma_wait3A_547] : memref<8x128xi32, #tpu.memory_space<vmem>> -> memref<1x128xi32, #tpu.memory_space<vmem>>
        %dma_wait3A_549 = tpu.memref_squeeze %dma_wait3A_548 : memref<1x128xi32, #tpu.memory_space<vmem>> -> memref<128xi32, #tpu.memory_space<vmem>>
        %dma_wait3A_550 = arith.constant 0 : i32
        %dma_wait3A_551 = arith.constant 0 : i32
        %dma_wait3A_552 = tpu.memref_slice %arg15[%dma_wait3A_550, %dma_wait3A_551] : memref<10112x128xf32, #tpu.memory_space<vmem_shared>> -> memref<10112x128xf32, #tpu.memory_space<vmem_shared>>
        tpu.wait_indirect_dma semaphore(%run_scoped3A_540 : memref<!tpu.dma_semaphore, #tpu.memory_space<semaphore_mem>>) src(%arg22 : memref<128x128xf32, #tpu.memory_space<vmem>>) dst(%dma_wait3A_552 : memref<10112x128xf32, #tpu.memory_space<vmem_shared>>)
        tpu.yield
      }) : () -> ()
      %convert_element_type3A_318 = arith.extui %eq3A_124 : i1 to i32
      %cond3A_319 = arith.constant 0 : i32
      %cond3A_320 = arith.cmpi ne, %convert_element_type3A_318, %cond3A_319 : i32
      scf.if %cond3A_320 {
        %dma_start3A_540 = arith.constant 5 : i32
        %dma_start3A_541 = arith.constant 0 : i32
        %dma_start3A_542 = tpu.memref_slice %arg19[%dma_start3A_540, %dma_start3A_541] : memref<8x128xi32, #tpu.memory_space<vmem>> -> memref<1x128xi32, #tpu.memory_space<vmem>>
        %dma_start3A_543 = tpu.memref_squeeze %dma_start3A_542 : memref<1x128xi32, #tpu.memory_space<vmem>> -> memref<128xi32, #tpu.memory_space<vmem>>
        %dma_start3A_544 = arith.constant 0 : i32
        %dma_start3A_545 = arith.constant 0 : i32
        %dma_start3A_546 = tpu.memref_slice %arg16[%dma_start3A_544, %dma_start3A_545] : memref<10112x16xf32, #tpu.memory_space<vmem_shared>> -> memref<10112x16xf32, #tpu.memory_space<vmem_shared>>
        tpu.enqueue_indirect_dma source(%arg23 : memref<128x16xf32, #tpu.memory_space<vmem>>) target(%dma_start3A_546 : memref<10112x16xf32, #tpu.memory_space<vmem_shared>>) offsets(%dma_start3A_543 : memref<128xi32, #tpu.memory_space<vmem>>) semaphore(%arg28 : memref<!tpu.dma_semaphore, #tpu.memory_space<semaphore_mem>>) {add = true}
      } else {
      }
      %dma_start3A_321 = arith.constant 7 : i32
      %dma_start3A_322 = arith.constant 0 : i32
      %dma_start3A_323 = tpu.memref_slice %arg17[%dma_start3A_321, %dma_start3A_322] : memref<8x128xi32, #tpu.memory_space<vmem>> -> memref<1x128xi32, #tpu.memory_space<vmem>>
      %dma_start3A_324 = tpu.memref_squeeze %dma_start3A_323 : memref<1x128xi32, #tpu.memory_space<vmem>> -> memref<128xi32, #tpu.memory_space<vmem>>
      %dma_start3A_325 = arith.constant 0 : i32
      %dma_start3A_326 = arith.constant 0 : i32
      %dma_start3A_327 = tpu.memref_slice %arg3[%dma_start3A_325, %dma_start3A_326] : memref<20000x128xf32, #tpu.memory_space<hbm>> -> memref<20000x128xf32, #tpu.memory_space<hbm>>
      tpu.enqueue_indirect_dma source(%dma_start3A_327 : memref<20000x128xf32, #tpu.memory_space<hbm>>) target(%arg22 : memref<128x128xf32, #tpu.memory_space<vmem>>) offsets(%dma_start3A_324 : memref<128xi32, #tpu.memory_space<vmem>>) semaphore(%arg25 : memref<!tpu.dma_semaphore, #tpu.memory_space<semaphore_mem>>)
      %dma_wait3A_328 = arith.constant 6 : i32
      %dma_wait3A_329 = arith.constant 0 : i32
      %dma_wait3A_330 = tpu.memref_slice %arg17[%dma_wait3A_328, %dma_wait3A_329] : memref<8x128xi32, #tpu.memory_space<vmem>> -> memref<1x128xi32, #tpu.memory_space<vmem>>
      %dma_wait3A_331 = tpu.memref_squeeze %dma_wait3A_330 : memref<1x128xi32, #tpu.memory_space<vmem>> -> memref<128xi32, #tpu.memory_space<vmem>>
      %dma_wait3A_332 = arith.constant 0 : i32
      %dma_wait3A_333 = arith.constant 0 : i32
      %dma_wait3A_334 = tpu.memref_slice %arg3[%dma_wait3A_332, %dma_wait3A_333] : memref<20000x128xf32, #tpu.memory_space<hbm>> -> memref<20000x128xf32, #tpu.memory_space<hbm>>
      tpu.wait_indirect_dma semaphore(%arg24 : memref<!tpu.dma_semaphore, #tpu.memory_space<semaphore_mem>>) src(%dma_wait3A_334 : memref<20000x128xf32, #tpu.memory_space<hbm>>) dst(%arg21 : memref<128x128xf32, #tpu.memory_space<vmem>>)
      %run_scoped3A_335 = arith.constant 6 : i32
      "tpu.region"() ({
        %run_scoped3A_540 = tpu.sem_alloc : memref<!tpu.dma_semaphore, #tpu.memory_space<semaphore_mem>>
        %dma_start3A_541 = arith.constant 0 : i32
        %dma_start3A_542 = tpu.memref_slice %arg19[%run_scoped3A_335, %dma_start3A_541] : memref<8x128xi32, #tpu.memory_space<vmem>> -> memref<1x128xi32, #tpu.memory_space<vmem>>
        %dma_start3A_543 = tpu.memref_squeeze %dma_start3A_542 : memref<1x128xi32, #tpu.memory_space<vmem>> -> memref<128xi32, #tpu.memory_space<vmem>>
        %dma_start3A_544 = arith.constant 0 : i32
        %dma_start3A_545 = arith.constant 0 : i32
        %dma_start3A_546 = tpu.memref_slice %arg15[%dma_start3A_544, %dma_start3A_545] : memref<10112x128xf32, #tpu.memory_space<vmem_shared>> -> memref<10112x128xf32, #tpu.memory_space<vmem_shared>>
        tpu.enqueue_indirect_dma source(%arg21 : memref<128x128xf32, #tpu.memory_space<vmem>>) target(%dma_start3A_546 : memref<10112x128xf32, #tpu.memory_space<vmem_shared>>) offsets(%dma_start3A_543 : memref<128xi32, #tpu.memory_space<vmem>>) semaphore(%run_scoped3A_540 : memref<!tpu.dma_semaphore, #tpu.memory_space<semaphore_mem>>) {add = true}
        %dma_wait3A_547 = arith.constant 0 : i32
        %dma_wait3A_548 = tpu.memref_slice %arg19[%run_scoped3A_335, %dma_wait3A_547] : memref<8x128xi32, #tpu.memory_space<vmem>> -> memref<1x128xi32, #tpu.memory_space<vmem>>
        %dma_wait3A_549 = tpu.memref_squeeze %dma_wait3A_548 : memref<1x128xi32, #tpu.memory_space<vmem>> -> memref<128xi32, #tpu.memory_space<vmem>>
        %dma_wait3A_550 = arith.constant 0 : i32
        %dma_wait3A_551 = arith.constant 0 : i32
        %dma_wait3A_552 = tpu.memref_slice %arg15[%dma_wait3A_550, %dma_wait3A_551] : memref<10112x128xf32, #tpu.memory_space<vmem_shared>> -> memref<10112x128xf32, #tpu.memory_space<vmem_shared>>
        tpu.wait_indirect_dma semaphore(%run_scoped3A_540 : memref<!tpu.dma_semaphore, #tpu.memory_space<semaphore_mem>>) src(%arg21 : memref<128x128xf32, #tpu.memory_space<vmem>>) dst(%dma_wait3A_552 : memref<10112x128xf32, #tpu.memory_space<vmem_shared>>)
        tpu.yield
      }) : () -> ()
      %convert_element_type3A_336 = arith.extui %eq3A_124 : i1 to i32
      %cond3A_337 = arith.constant 0 : i32
      %cond3A_338 = arith.cmpi ne, %convert_element_type3A_336, %cond3A_337 : i32
      scf.if %cond3A_338 {
        %dma_start3A_540 = arith.constant 6 : i32
        %dma_start3A_541 = arith.constant 0 : i32
        %dma_start3A_542 = tpu.memref_slice %arg19[%dma_start3A_540, %dma_start3A_541] : memref<8x128xi32, #tpu.memory_space<vmem>> -> memref<1x128xi32, #tpu.memory_space<vmem>>
        %dma_start3A_543 = tpu.memref_squeeze %dma_start3A_542 : memref<1x128xi32, #tpu.memory_space<vmem>> -> memref<128xi32, #tpu.memory_space<vmem>>
        %dma_start3A_544 = arith.constant 0 : i32
        %dma_start3A_545 = arith.constant 0 : i32
        %dma_start3A_546 = tpu.memref_slice %arg16[%dma_start3A_544, %dma_start3A_545] : memref<10112x16xf32, #tpu.memory_space<vmem_shared>> -> memref<10112x16xf32, #tpu.memory_space<vmem_shared>>
        tpu.enqueue_indirect_dma source(%arg23 : memref<128x16xf32, #tpu.memory_space<vmem>>) target(%dma_start3A_546 : memref<10112x16xf32, #tpu.memory_space<vmem_shared>>) offsets(%dma_start3A_543 : memref<128xi32, #tpu.memory_space<vmem>>) semaphore(%arg28 : memref<!tpu.dma_semaphore, #tpu.memory_space<semaphore_mem>>) {add = true}
      } else {
      }
      %add3A_339 = arith.constant 1 : i32
      %add3A_340 = arith.addi %add3A_214, %add3A_339 : i32
      %lt3A_341 = arith.constant 10 : i32
      %lt3A_342 = arith.cmpi slt, %add3A_340, %lt3A_341 : i32
      %convert_element_type3A_343 = arith.extui %lt3A_342 : i1 to i32
      %cond3A_344 = arith.constant 0 : i32
      %cond3A_345 = arith.cmpi ne, %convert_element_type3A_343, %cond3A_344 : i32
      scf.if %cond3A_345 {
        %dma_start3A_540 = arith.constant 0 : i32
        %dma_start3A_541 = arith.constant 0 : i32
        %dma_start3A_542 = tpu.memref_slice %arg18[%dma_start3A_540, %dma_start3A_541] : memref<8x128xi32, #tpu.memory_space<vmem>> -> memref<1x128xi32, #tpu.memory_space<vmem>>
        %dma_start3A_543 = tpu.memref_squeeze %dma_start3A_542 : memref<1x128xi32, #tpu.memory_space<vmem>> -> memref<128xi32, #tpu.memory_space<vmem>>
        %dma_start3A_544 = arith.constant 0 : i32
        %dma_start3A_545 = arith.constant 0 : i32
        %dma_start3A_546 = tpu.memref_slice %arg3[%dma_start3A_544, %dma_start3A_545] : memref<20000x128xf32, #tpu.memory_space<hbm>> -> memref<20000x128xf32, #tpu.memory_space<hbm>>
        tpu.enqueue_indirect_dma source(%dma_start3A_546 : memref<20000x128xf32, #tpu.memory_space<hbm>>) target(%arg21 : memref<128x128xf32, #tpu.memory_space<vmem>>) offsets(%dma_start3A_543 : memref<128xi32, #tpu.memory_space<vmem>>) semaphore(%arg24 : memref<!tpu.dma_semaphore, #tpu.memory_space<semaphore_mem>>)
      } else {
      }
      %dma_wait3A_346 = arith.constant 7 : i32
      %dma_wait3A_347 = arith.constant 0 : i32
      %dma_wait3A_348 = tpu.memref_slice %arg17[%dma_wait3A_346, %dma_wait3A_347] : memref<8x128xi32, #tpu.memory_space<vmem>> -> memref<1x128xi32, #tpu.memory_space<vmem>>
      %dma_wait3A_349 = tpu.memref_squeeze %dma_wait3A_348 : memref<1x128xi32, #tpu.memory_space<vmem>> -> memref<128xi32, #tpu.memory_space<vmem>>
      %dma_wait3A_350 = arith.constant 0 : i32
      %dma_wait3A_351 = arith.constant 0 : i32
      %dma_wait3A_352 = tpu.memref_slice %arg3[%dma_wait3A_350, %dma_wait3A_351] : memref<20000x128xf32, #tpu.memory_space<hbm>> -> memref<20000x128xf32, #tpu.memory_space<hbm>>
      tpu.wait_indirect_dma semaphore(%arg25 : memref<!tpu.dma_semaphore, #tpu.memory_space<semaphore_mem>>) src(%dma_wait3A_352 : memref<20000x128xf32, #tpu.memory_space<hbm>>) dst(%arg22 : memref<128x128xf32, #tpu.memory_space<vmem>>)
      %run_scoped3A_353 = arith.constant 7 : i32
      "tpu.region"() ({
        %run_scoped3A_540 = tpu.sem_alloc : memref<!tpu.dma_semaphore, #tpu.memory_space<semaphore_mem>>
        %dma_start3A_541 = arith.constant 0 : i32
        %dma_start3A_542 = tpu.memref_slice %arg19[%run_scoped3A_353, %dma_start3A_541] : memref<8x128xi32, #tpu.memory_space<vmem>> -> memref<1x128xi32, #tpu.memory_space<vmem>>
        %dma_start3A_543 = tpu.memref_squeeze %dma_start3A_542 : memref<1x128xi32, #tpu.memory_space<vmem>> -> memref<128xi32, #tpu.memory_space<vmem>>
        %dma_start3A_544 = arith.constant 0 : i32
        %dma_start3A_545 = arith.constant 0 : i32
        %dma_start3A_546 = tpu.memref_slice %arg15[%dma_start3A_544, %dma_start3A_545] : memref<10112x128xf32, #tpu.memory_space<vmem_shared>> -> memref<10112x128xf32, #tpu.memory_space<vmem_shared>>
        tpu.enqueue_indirect_dma source(%arg22 : memref<128x128xf32, #tpu.memory_space<vmem>>) target(%dma_start3A_546 : memref<10112x128xf32, #tpu.memory_space<vmem_shared>>) offsets(%dma_start3A_543 : memref<128xi32, #tpu.memory_space<vmem>>) semaphore(%run_scoped3A_540 : memref<!tpu.dma_semaphore, #tpu.memory_space<semaphore_mem>>) {add = true}
        %dma_wait3A_547 = arith.constant 0 : i32
        %dma_wait3A_548 = tpu.memref_slice %arg19[%run_scoped3A_353, %dma_wait3A_547] : memref<8x128xi32, #tpu.memory_space<vmem>> -> memref<1x128xi32, #tpu.memory_space<vmem>>
        %dma_wait3A_549 = tpu.memref_squeeze %dma_wait3A_548 : memref<1x128xi32, #tpu.memory_space<vmem>> -> memref<128xi32, #tpu.memory_space<vmem>>
        %dma_wait3A_550 = arith.constant 0 : i32
        %dma_wait3A_551 = arith.constant 0 : i32
        %dma_wait3A_552 = tpu.memref_slice %arg15[%dma_wait3A_550, %dma_wait3A_551] : memref<10112x128xf32, #tpu.memory_space<vmem_shared>> -> memref<10112x128xf32, #tpu.memory_space<vmem_shared>>
        tpu.wait_indirect_dma semaphore(%run_scoped3A_540 : memref<!tpu.dma_semaphore, #tpu.memory_space<semaphore_mem>>) src(%arg22 : memref<128x128xf32, #tpu.memory_space<vmem>>) dst(%dma_wait3A_552 : memref<10112x128xf32, #tpu.memory_space<vmem_shared>>)
        tpu.yield
      }) : () -> ()
      %convert_element_type3A_354 = arith.extui %eq3A_124 : i1 to i32
      %cond3A_355 = arith.constant 0 : i32
      %cond3A_356 = arith.cmpi ne, %convert_element_type3A_354, %cond3A_355 : i32
      scf.if %cond3A_356 {
        %dma_start3A_540 = arith.constant 7 : i32
        %dma_start3A_541 = arith.constant 0 : i32
        %dma_start3A_542 = tpu.memref_slice %arg19[%dma_start3A_540, %dma_start3A_541] : memref<8x128xi32, #tpu.memory_space<vmem>> -> memref<1x128xi32, #tpu.memory_space<vmem>>
        %dma_start3A_543 = tpu.memref_squeeze %dma_start3A_542 : memref<1x128xi32, #tpu.memory_space<vmem>> -> memref<128xi32, #tpu.memory_space<vmem>>
        %dma_start3A_544 = arith.constant 0 : i32
        %dma_start3A_545 = arith.constant 0 : i32
        %dma_start3A_546 = tpu.memref_slice %arg16[%dma_start3A_544, %dma_start3A_545] : memref<10112x16xf32, #tpu.memory_space<vmem_shared>> -> memref<10112x16xf32, #tpu.memory_space<vmem_shared>>
        tpu.enqueue_indirect_dma source(%arg23 : memref<128x16xf32, #tpu.memory_space<vmem>>) target(%dma_start3A_546 : memref<10112x16xf32, #tpu.memory_space<vmem_shared>>) offsets(%dma_start3A_543 : memref<128xi32, #tpu.memory_space<vmem>>) semaphore(%arg28 : memref<!tpu.dma_semaphore, #tpu.memory_space<semaphore_mem>>) {add = true}
      } else {
      }
      %add3A_357 = arith.constant 1 : i32
      %add3A_358 = arith.addi %add3A_214, %add3A_357 : i32
      %lt3A_359 = arith.constant 10 : i32
      %lt3A_360 = arith.cmpi slt, %add3A_358, %lt3A_359 : i32
      %convert_element_type3A_361 = arith.extui %lt3A_360 : i1 to i32
      %cond3A_362 = arith.constant 0 : i32
      %cond3A_363 = arith.cmpi ne, %convert_element_type3A_361, %cond3A_362 : i32
      scf.if %cond3A_363 {
        %dma_start3A_540 = arith.constant 1 : i32
        %dma_start3A_541 = arith.constant 0 : i32
        %dma_start3A_542 = tpu.memref_slice %arg18[%dma_start3A_540, %dma_start3A_541] : memref<8x128xi32, #tpu.memory_space<vmem>> -> memref<1x128xi32, #tpu.memory_space<vmem>>
        %dma_start3A_543 = tpu.memref_squeeze %dma_start3A_542 : memref<1x128xi32, #tpu.memory_space<vmem>> -> memref<128xi32, #tpu.memory_space<vmem>>
        %dma_start3A_544 = arith.constant 0 : i32
        %dma_start3A_545 = arith.constant 0 : i32
        %dma_start3A_546 = tpu.memref_slice %arg3[%dma_start3A_544, %dma_start3A_545] : memref<20000x128xf32, #tpu.memory_space<hbm>> -> memref<20000x128xf32, #tpu.memory_space<hbm>>
        tpu.enqueue_indirect_dma source(%dma_start3A_546 : memref<20000x128xf32, #tpu.memory_space<hbm>>) target(%arg22 : memref<128x128xf32, #tpu.memory_space<vmem>>) offsets(%dma_start3A_543 : memref<128xi32, #tpu.memory_space<vmem>>) semaphore(%arg25 : memref<!tpu.dma_semaphore, #tpu.memory_space<semaphore_mem>>)
      } else {
      }
      %convert_element_type3A_364 = arith.extui %eq3A_124 : i1 to i32
      %cond3A_365 = arith.constant 0 : i32
      %cond3A_366 = arith.cmpi ne, %convert_element_type3A_364, %cond3A_365 : i32
      scf.if %cond3A_366 {
        %scan3A_540 = arith.constant 0 : i32
        %scan3A_541 = arith.constant 0 : i32
        %scan3A_542 = arith.constant 8 : i32
        %scan3A_543 = arith.addi %scan3A_541, %scan3A_542 : i32
        %scan3A_544 = arith.constant 1 : i32
        %scan3A_545 = scf.for %scan3A_547 = %scan3A_541 to %scan3A_543 step %scan3A_544 iter_args(%scan3A_548 = %scan3A_540) -> (i32)  : i32 {
          %dma_wait3A_549 = arith.constant 0 : i32
          %dma_wait3A_550 = arith.constant 0 : i32
          %dma_wait3A_551 = tpu.memref_slice %arg19[%dma_wait3A_549, %dma_wait3A_550] : memref<8x128xi32, #tpu.memory_space<vmem>> -> memref<1x128xi32, #tpu.memory_space<vmem>>
          %dma_wait3A_552 = tpu.memref_squeeze %dma_wait3A_551 : memref<1x128xi32, #tpu.memory_space<vmem>> -> memref<128xi32, #tpu.memory_space<vmem>>
          %dma_wait3A_553 = arith.constant 0 : i32
          %dma_wait3A_554 = arith.constant 0 : i32
          %dma_wait3A_555 = tpu.memref_slice %arg16[%dma_wait3A_553, %dma_wait3A_554] : memref<10112x16xf32, #tpu.memory_space<vmem_shared>> -> memref<10112x16xf32, #tpu.memory_space<vmem_shared>>
          tpu.wait_indirect_dma semaphore(%arg28 : memref<!tpu.dma_semaphore, #tpu.memory_space<semaphore_mem>>) src(%arg23 : memref<128x16xf32, #tpu.memory_space<vmem>>) dst(%dma_wait3A_555 : memref<10112x16xf32, #tpu.memory_space<vmem_shared>>)
          %scan3A_556 = arith.constant 0 : i32
          scf.yield %scan3A_556 : i32
        }
        %scan3A_546 = arith.constant 8 : i32
      } else {
      }
      %add3A_367 = arith.constant 2 : i32
      %add3A_368 = arith.addi %add3A_214, %add3A_367 : i32
      %lt3A_369 = arith.constant 10 : i32
      %lt3A_370 = arith.cmpi slt, %add3A_368, %lt3A_369 : i32
      %convert_element_type3A_371 = arith.extui %lt3A_370 : i1 to i32
      %cond3A_372 = arith.constant 0 : i32
      %cond3A_373 = arith.cmpi ne, %convert_element_type3A_371, %cond3A_372 : i32
      scf.if %cond3A_373 {
        %add3A_540 = arith.constant 2 : i32
        %add3A_541 = arith.addi %add3A_214, %add3A_540 : i32
        %mul3A_542 = arith.constant 8 : i32
        %mul3A_543 = arith.muli %mul3A_542, %add3A_541 : i32
        %dma_start3A_544 = arith.constant 0 : i32
        %dma_start3A_545 = tpu.memref_slice %arg6[%arg1, %mul3A_543, %dma_start3A_544] : memref<16x80x128xi32, #tpu.memory_space<hbm>> -> memref<1x8x128xi32, #tpu.memory_space<hbm>>
        %dma_start3A_546 = tpu.memref_squeeze %dma_start3A_545 : memref<1x8x128xi32, #tpu.memory_space<hbm>> -> memref<8x128xi32, #tpu.memory_space<hbm>>
        %dma_start3A_547 = arith.constant 0 : i32
        %dma_start3A_548 = tpu.memref_slice %arg6[%arg1, %mul3A_543, %dma_start3A_547] : memref<16x80x128xi32, #tpu.memory_space<hbm>> -> memref<1x8x128xi32, #tpu.memory_space<hbm>>
        %dma_start3A_549 = tpu.memref_squeeze %dma_start3A_548 : memref<1x8x128xi32, #tpu.memory_space<hbm>> -> memref<8x128xi32, #tpu.memory_space<hbm>>
        tpu.enqueue_dma source(%dma_start3A_549 : memref<8x128xi32, #tpu.memory_space<hbm>>) target(%arg17 : memref<8x128xi32, #tpu.memory_space<vmem>>) target_semaphore(%arg26 : memref<!tpu.dma_semaphore, #tpu.memory_space<semaphore_mem>>)
        %mul3A_550 = arith.constant 8 : i32
        %mul3A_551 = arith.muli %mul3A_550, %add3A_541 : i32
        %dma_start3A_552 = arith.constant 0 : i32
        %dma_start3A_553 = tpu.memref_slice %arg7[%arg1, %mul3A_551, %dma_start3A_552] : memref<16x80x128xi32, #tpu.memory_space<hbm>> -> memref<1x8x128xi32, #tpu.memory_space<hbm>>
        %dma_start3A_554 = tpu.memref_squeeze %dma_start3A_553 : memref<1x8x128xi32, #tpu.memory_space<hbm>> -> memref<8x128xi32, #tpu.memory_space<hbm>>
        %dma_start3A_555 = arith.constant 0 : i32
        %dma_start3A_556 = tpu.memref_slice %arg7[%arg1, %mul3A_551, %dma_start3A_555] : memref<16x80x128xi32, #tpu.memory_space<hbm>> -> memref<1x8x128xi32, #tpu.memory_space<hbm>>
        %dma_start3A_557 = tpu.memref_squeeze %dma_start3A_556 : memref<1x8x128xi32, #tpu.memory_space<hbm>> -> memref<8x128xi32, #tpu.memory_space<hbm>>
        tpu.enqueue_dma source(%dma_start3A_557 : memref<8x128xi32, #tpu.memory_space<hbm>>) target(%arg19 : memref<8x128xi32, #tpu.memory_space<vmem>>) target_semaphore(%arg26 : memref<!tpu.dma_semaphore, #tpu.memory_space<semaphore_mem>>)
      } else {
      }
      %mul3A_374 = arith.constant 2 : i32
      %mul3A_375 = arith.muli %mul3A_374, %scan3A_209 : i32
      %add3A_376 = arith.constant 1 : i32
      %add3A_377 = arith.addi %mul3A_375, %add3A_376 : i32
      %add3A_378 = arith.constant 1 : i32
      %add3A_379 = arith.addi %add3A_377, %add3A_378 : i32
      %lt3A_380 = arith.constant 10 : i32
      %lt3A_381 = arith.cmpi slt, %add3A_379, %lt3A_380 : i32
      %convert_element_type3A_382 = arith.extui %lt3A_381 : i1 to i32
      %cond3A_383 = arith.constant 0 : i32
      %cond3A_384 = arith.cmpi ne, %convert_element_type3A_382, %cond3A_383 : i32
      scf.if %cond3A_384 {
        %add3A_540 = arith.constant 1 : i32
        %add3A_541 = arith.addi %add3A_377, %add3A_540 : i32
        %mul3A_542 = arith.constant 8 : i32
        %mul3A_543 = arith.muli %mul3A_542, %add3A_541 : i32
        %dma_wait3A_544 = arith.constant 0 : i32
        %dma_wait3A_545 = tpu.memref_slice %arg6[%arg1, %mul3A_543, %dma_wait3A_544] : memref<16x80x128xi32, #tpu.memory_space<hbm>> -> memref<1x8x128xi32, #tpu.memory_space<hbm>>
        %dma_wait3A_546 = tpu.memref_squeeze %dma_wait3A_545 : memref<1x8x128xi32, #tpu.memory_space<hbm>> -> memref<8x128xi32, #tpu.memory_space<hbm>>
        %dma_wait3A_547 = arith.constant 0 : i32
        %dma_wait3A_548 = tpu.memref_slice %arg6[%arg1, %mul3A_543, %dma_wait3A_547] : memref<16x80x128xi32, #tpu.memory_space<hbm>> -> memref<1x8x128xi32, #tpu.memory_space<hbm>>
        %dma_wait3A_549 = tpu.memref_squeeze %dma_wait3A_548 : memref<1x8x128xi32, #tpu.memory_space<hbm>> -> memref<8x128xi32, #tpu.memory_space<hbm>>
        tpu.wait_dma2 semaphore(%arg26 : memref<!tpu.dma_semaphore, #tpu.memory_space<semaphore_mem>>) src(%dma_wait3A_549 : memref<8x128xi32, #tpu.memory_space<hbm>>) dst(%arg17 : memref<8x128xi32, #tpu.memory_space<vmem>>)
        %mul3A_550 = arith.constant 8 : i32
        %mul3A_551 = arith.muli %mul3A_550, %add3A_541 : i32
        %dma_wait3A_552 = arith.constant 0 : i32
        %dma_wait3A_553 = tpu.memref_slice %arg7[%arg1, %mul3A_551, %dma_wait3A_552] : memref<16x80x128xi32, #tpu.memory_space<hbm>> -> memref<1x8x128xi32, #tpu.memory_space<hbm>>
        %dma_wait3A_554 = tpu.memref_squeeze %dma_wait3A_553 : memref<1x8x128xi32, #tpu.memory_space<hbm>> -> memref<8x128xi32, #tpu.memory_space<hbm>>
        %dma_wait3A_555 = arith.constant 0 : i32
        %dma_wait3A_556 = tpu.memref_slice %arg7[%arg1, %mul3A_551, %dma_wait3A_555] : memref<16x80x128xi32, #tpu.memory_space<hbm>> -> memref<1x8x128xi32, #tpu.memory_space<hbm>>
        %dma_wait3A_557 = tpu.memref_squeeze %dma_wait3A_556 : memref<1x8x128xi32, #tpu.memory_space<hbm>> -> memref<8x128xi32, #tpu.memory_space<hbm>>
        tpu.wait_dma2 semaphore(%arg26 : memref<!tpu.dma_semaphore, #tpu.memory_space<semaphore_mem>>) src(%dma_wait3A_557 : memref<8x128xi32, #tpu.memory_space<hbm>>) dst(%arg19 : memref<8x128xi32, #tpu.memory_space<vmem>>)
        %scan3A_558 = arith.constant 0 : i32
        %scan3A_559 = arith.constant 0 : i32
        %scan3A_560 = arith.constant 8 : i32
        %scan3A_561 = arith.addi %scan3A_559, %scan3A_560 : i32
        %scan3A_562 = arith.constant 1 : i32
        %scan3A_563 = scf.for %scan3A_565 = %scan3A_559 to %scan3A_561 step %scan3A_562 iter_args(%scan3A_566 = %scan3A_558) -> (i32)  : i32 {
          %get3A = arith.index_cast %scan3A_565 : i32 to index
          %get3A_567 = arith.constant 0 : index
          %get3A_568 = tpu.vector_load %arg17[%get3A, %get3A_567] {strides = array<i32>} : memref<8x128xi32, #tpu.memory_space<vmem>>, vector<1x16xi32>,
          %get3A_569 = vector.shape_cast %get3A_568 : vector<1x16xi32> to vector<16xi32>
          %add3A_570 = arith.addi %get3A_569, %get3A_569 : vector<16xi32>
          %add3A_571 = vector.broadcast %arg0 : i32 to vector<16xi32>
          %add3A_572 = arith.addi %add3A_570, %add3A_571 : vector<16xi32>
          %swap3A = arith.index_cast %scan3A_565 : i32 to index
          %swap3A_573 = arith.constant 0 : index
          %swap3A_574 = tpu.vector_load %arg17[%swap3A, %swap3A_573] {strides = array<i32>} : memref<8x128xi32, #tpu.memory_space<vmem>>, vector<1x16xi32>,
          %swap3A_575 = vector.shape_cast %swap3A_574 : vector<1x16xi32> to vector<16xi32>
          %swap3A_576 = vector.shape_cast %add3A_572 : vector<16xi32> to vector<1x16xi32>
          tpu.vector_store %arg17[%swap3A, %swap3A_573], %swap3A_576 {strides = array<i32>} : memref<8x128xi32, #tpu.memory_space<vmem>>, vector<1x16xi32>,
          %get3A_577 = arith.index_cast %scan3A_565 : i32 to index
          %get3A_578 = arith.constant 16 : index
          %get3A_579 = tpu.vector_load %arg17[%get3A_577, %get3A_578] {strides = array<i32>} : memref<8x128xi32, #tpu.memory_space<vmem>>, vector<1x16xi32>,
          %get3A_580 = vector.shape_cast %get3A_579 : vector<1x16xi32> to vector<16xi32>
          %add3A_581 = arith.addi %get3A_580, %get3A_580 : vector<16xi32>
          %add3A_582 = vector.broadcast %arg0 : i32 to vector<16xi32>
          %add3A_583 = arith.addi %add3A_581, %add3A_582 : vector<16xi32>
          %swap3A_584 = arith.index_cast %scan3A_565 : i32 to index
          %swap3A_585 = arith.constant 16 : index
          %swap3A_586 = tpu.vector_load %arg17[%swap3A_584, %swap3A_585] {strides = array<i32>} : memref<8x128xi32, #tpu.memory_space<vmem>>, vector<1x16xi32>,
          %swap3A_587 = vector.shape_cast %swap3A_586 : vector<1x16xi32> to vector<16xi32>
          %swap3A_588 = vector.shape_cast %add3A_583 : vector<16xi32> to vector<1x16xi32>
          tpu.vector_store %arg17[%swap3A_584, %swap3A_585], %swap3A_588 {strides = array<i32>} : memref<8x128xi32, #tpu.memory_space<vmem>>, vector<1x16xi32>,
          %get3A_589 = arith.index_cast %scan3A_565 : i32 to index
          %get3A_590 = arith.constant 32 : index
          %get3A_591 = tpu.vector_load %arg17[%get3A_589, %get3A_590] {strides = array<i32>} : memref<8x128xi32, #tpu.memory_space<vmem>>, vector<1x16xi32>,
          %get3A_592 = vector.shape_cast %get3A_591 : vector<1x16xi32> to vector<16xi32>
          %add3A_593 = arith.addi %get3A_592, %get3A_592 : vector<16xi32>
          %add3A_594 = vector.broadcast %arg0 : i32 to vector<16xi32>
          %add3A_595 = arith.addi %add3A_593, %add3A_594 : vector<16xi32>
          %swap3A_596 = arith.index_cast %scan3A_565 : i32 to index
          %swap3A_597 = arith.constant 32 : index
          %swap3A_598 = tpu.vector_load %arg17[%swap3A_596, %swap3A_597] {strides = array<i32>} : memref<8x128xi32, #tpu.memory_space<vmem>>, vector<1x16xi32>,
          %swap3A_599 = vector.shape_cast %swap3A_598 : vector<1x16xi32> to vector<16xi32>
          %swap3A_600 = vector.shape_cast %add3A_595 : vector<16xi32> to vector<1x16xi32>
          tpu.vector_store %arg17[%swap3A_596, %swap3A_597], %swap3A_600 {strides = array<i32>} : memref<8x128xi32, #tpu.memory_space<vmem>>, vector<1x16xi32>,
          %get3A_601 = arith.index_cast %scan3A_565 : i32 to index
          %get3A_602 = arith.constant 48 : index
          %get3A_603 = tpu.vector_load %arg17[%get3A_601, %get3A_602] {strides = array<i32>} : memref<8x128xi32, #tpu.memory_space<vmem>>, vector<1x16xi32>,
          %get3A_604 = vector.shape_cast %get3A_603 : vector<1x16xi32> to vector<16xi32>
          %add3A_605 = arith.addi %get3A_604, %get3A_604 : vector<16xi32>
          %add3A_606 = vector.broadcast %arg0 : i32 to vector<16xi32>
          %add3A_607 = arith.addi %add3A_605, %add3A_606 : vector<16xi32>
          %swap3A_608 = arith.index_cast %scan3A_565 : i32 to index
          %swap3A_609 = arith.constant 48 : index
          %swap3A_610 = tpu.vector_load %arg17[%swap3A_608, %swap3A_609] {strides = array<i32>} : memref<8x128xi32, #tpu.memory_space<vmem>>, vector<1x16xi32>,
          %swap3A_611 = vector.shape_cast %swap3A_610 : vector<1x16xi32> to vector<16xi32>
          %swap3A_612 = vector.shape_cast %add3A_607 : vector<16xi32> to vector<1x16xi32>
          tpu.vector_store %arg17[%swap3A_608, %swap3A_609], %swap3A_612 {strides = array<i32>} : memref<8x128xi32, #tpu.memory_space<vmem>>, vector<1x16xi32>,
          %get3A_613 = arith.index_cast %scan3A_565 : i32 to index
          %get3A_614 = arith.constant 64 : index
          %get3A_615 = tpu.vector_load %arg17[%get3A_613, %get3A_614] {strides = array<i32>} : memref<8x128xi32, #tpu.memory_space<vmem>>, vector<1x16xi32>,
          %get3A_616 = vector.shape_cast %get3A_615 : vector<1x16xi32> to vector<16xi32>
          %add3A_617 = arith.addi %get3A_616, %get3A_616 : vector<16xi32>
          %add3A_618 = vector.broadcast %arg0 : i32 to vector<16xi32>
          %add3A_619 = arith.addi %add3A_617, %add3A_618 : vector<16xi32>
          %swap3A_620 = arith.index_cast %scan3A_565 : i32 to index
          %swap3A_621 = arith.constant 64 : index
          %swap3A_622 = tpu.vector_load %arg17[%swap3A_620, %swap3A_621] {strides = array<i32>} : memref<8x128xi32, #tpu.memory_space<vmem>>, vector<1x16xi32>,
          %swap3A_623 = vector.shape_cast %swap3A_622 : vector<1x16xi32> to vector<16xi32>
          %swap3A_624 = vector.shape_cast %add3A_619 : vector<16xi32> to vector<1x16xi32>
          tpu.vector_store %arg17[%swap3A_620, %swap3A_621], %swap3A_624 {strides = array<i32>} : memref<8x128xi32, #tpu.memory_space<vmem>>, vector<1x16xi32>,
          %get3A_625 = arith.index_cast %scan3A_565 : i32 to index
          %get3A_626 = arith.constant 80 : index
          %get3A_627 = tpu.vector_load %arg17[%get3A_625, %get3A_626] {strides = array<i32>} : memref<8x128xi32, #tpu.memory_space<vmem>>, vector<1x16xi32>,
          %get3A_628 = vector.shape_cast %get3A_627 : vector<1x16xi32> to vector<16xi32>
          %add3A_629 = arith.addi %get3A_628, %get3A_628 : vector<16xi32>
          %add3A_630 = vector.broadcast %arg0 : i32 to vector<16xi32>
          %add3A_631 = arith.addi %add3A_629, %add3A_630 : vector<16xi32>
          %swap3A_632 = arith.index_cast %scan3A_565 : i32 to index
          %swap3A_633 = arith.constant 80 : index
          %swap3A_634 = tpu.vector_load %arg17[%swap3A_632, %swap3A_633] {strides = array<i32>} : memref<8x128xi32, #tpu.memory_space<vmem>>, vector<1x16xi32>,
          %swap3A_635 = vector.shape_cast %swap3A_634 : vector<1x16xi32> to vector<16xi32>
          %swap3A_636 = vector.shape_cast %add3A_631 : vector<16xi32> to vector<1x16xi32>
          tpu.vector_store %arg17[%swap3A_632, %swap3A_633], %swap3A_636 {strides = array<i32>} : memref<8x128xi32, #tpu.memory_space<vmem>>, vector<1x16xi32>,
          %get3A_637 = arith.index_cast %scan3A_565 : i32 to index
          %get3A_638 = arith.constant 96 : index
          %get3A_639 = tpu.vector_load %arg17[%get3A_637, %get3A_638] {strides = array<i32>} : memref<8x128xi32, #tpu.memory_space<vmem>>, vector<1x16xi32>,
          %get3A_640 = vector.shape_cast %get3A_639 : vector<1x16xi32> to vector<16xi32>
          %add3A_641 = arith.addi %get3A_640, %get3A_640 : vector<16xi32>
          %add3A_642 = vector.broadcast %arg0 : i32 to vector<16xi32>
          %add3A_643 = arith.addi %add3A_641, %add3A_642 : vector<16xi32>
          %swap3A_644 = arith.index_cast %scan3A_565 : i32 to index
          %swap3A_645 = arith.constant 96 : index
          %swap3A_646 = tpu.vector_load %arg17[%swap3A_644, %swap3A_645] {strides = array<i32>} : memref<8x128xi32, #tpu.memory_space<vmem>>, vector<1x16xi32>,
          %swap3A_647 = vector.shape_cast %swap3A_646 : vector<1x16xi32> to vector<16xi32>
          %swap3A_648 = vector.shape_cast %add3A_643 : vector<16xi32> to vector<1x16xi32>
          tpu.vector_store %arg17[%swap3A_644, %swap3A_645], %swap3A_648 {strides = array<i32>} : memref<8x128xi32, #tpu.memory_space<vmem>>, vector<1x16xi32>,
          %get3A_649 = arith.index_cast %scan3A_565 : i32 to index
          %get3A_650 = arith.constant 112 : index
          %get3A_651 = tpu.vector_load %arg17[%get3A_649, %get3A_650] {strides = array<i32>} : memref<8x128xi32, #tpu.memory_space<vmem>>, vector<1x16xi32>,
          %get3A_652 = vector.shape_cast %get3A_651 : vector<1x16xi32> to vector<16xi32>
          %add3A_653 = arith.addi %get3A_652, %get3A_652 : vector<16xi32>
          %add3A_654 = vector.broadcast %arg0 : i32 to vector<16xi32>
          %add3A_655 = arith.addi %add3A_653, %add3A_654 : vector<16xi32>
          %swap3A_656 = arith.index_cast %scan3A_565 : i32 to index
          %swap3A_657 = arith.constant 112 : index
          %swap3A_658 = tpu.vector_load %arg17[%swap3A_656, %swap3A_657] {strides = array<i32>} : memref<8x128xi32, #tpu.memory_space<vmem>>, vector<1x16xi32>,
          %swap3A_659 = vector.shape_cast %swap3A_658 : vector<1x16xi32> to vector<16xi32>
          %swap3A_660 = vector.shape_cast %add3A_655 : vector<16xi32> to vector<1x16xi32>
          tpu.vector_store %arg17[%swap3A_656, %swap3A_657], %swap3A_660 {strides = array<i32>} : memref<8x128xi32, #tpu.memory_space<vmem>>, vector<1x16xi32>,
          %scan3A_661 = arith.constant 0 : i32
          scf.yield %scan3A_661 : i32
        }
        %scan3A_564 = arith.constant 8 : i32
      } else {
      }
      %dma_wait3A_385 = arith.constant 0 : i32
      %dma_wait3A_386 = arith.constant 0 : i32
      %dma_wait3A_387 = tpu.memref_slice %arg18[%dma_wait3A_385, %dma_wait3A_386] : memref<8x128xi32, #tpu.memory_space<vmem>> -> memref<1x128xi32, #tpu.memory_space<vmem>>
      %dma_wait3A_388 = tpu.memref_squeeze %dma_wait3A_387 : memref<1x128xi32, #tpu.memory_space<vmem>> -> memref<128xi32, #tpu.memory_space<vmem>>
      %dma_wait3A_389 = arith.constant 0 : i32
      %dma_wait3A_390 = arith.constant 0 : i32
      %dma_wait3A_391 = tpu.memref_slice %arg3[%dma_wait3A_389, %dma_wait3A_390] : memref<20000x128xf32, #tpu.memory_space<hbm>> -> memref<20000x128xf32, #tpu.memory_space<hbm>>
      tpu.wait_indirect_dma semaphore(%arg24 : memref<!tpu.dma_semaphore, #tpu.memory_space<semaphore_mem>>) src(%dma_wait3A_391 : memref<20000x128xf32, #tpu.memory_space<hbm>>) dst(%arg21 : memref<128x128xf32, #tpu.memory_space<vmem>>)
      %run_scoped3A_392 = arith.constant 0 : i32
      "tpu.region"() ({
        %run_scoped3A_540 = tpu.sem_alloc : memref<!tpu.dma_semaphore, #tpu.memory_space<semaphore_mem>>
        %dma_start3A_541 = arith.constant 0 : i32
        %dma_start3A_542 = tpu.memref_slice %arg20[%run_scoped3A_392, %dma_start3A_541] : memref<8x128xi32, #tpu.memory_space<vmem>> -> memref<1x128xi32, #tpu.memory_space<vmem>>
        %dma_start3A_543 = tpu.memref_squeeze %dma_start3A_542 : memref<1x128xi32, #tpu.memory_space<vmem>> -> memref<128xi32, #tpu.memory_space<vmem>>
        %dma_start3A_544 = arith.constant 0 : i32
        %dma_start3A_545 = arith.constant 0 : i32
        %dma_start3A_546 = tpu.memref_slice %arg15[%dma_start3A_544, %dma_start3A_545] : memref<10112x128xf32, #tpu.memory_space<vmem_shared>> -> memref<10112x128xf32, #tpu.memory_space<vmem_shared>>
        tpu.enqueue_indirect_dma source(%arg21 : memref<128x128xf32, #tpu.memory_space<vmem>>) target(%dma_start3A_546 : memref<10112x128xf32, #tpu.memory_space<vmem_shared>>) offsets(%dma_start3A_543 : memref<128xi32, #tpu.memory_space<vmem>>) semaphore(%run_scoped3A_540 : memref<!tpu.dma_semaphore, #tpu.memory_space<semaphore_mem>>) {add = true}
        %dma_wait3A_547 = arith.constant 0 : i32
        %dma_wait3A_548 = tpu.memref_slice %arg20[%run_scoped3A_392, %dma_wait3A_547] : memref<8x128xi32, #tpu.memory_space<vmem>> -> memref<1x128xi32, #tpu.memory_space<vmem>>
        %dma_wait3A_549 = tpu.memref_squeeze %dma_wait3A_548 : memref<1x128xi32, #tpu.memory_space<vmem>> -> memref<128xi32, #tpu.memory_space<vmem>>
        %dma_wait3A_550 = arith.constant 0 : i32
        %dma_wait3A_551 = arith.constant 0 : i32
        %dma_wait3A_552 = tpu.memref_slice %arg15[%dma_wait3A_550, %dma_wait3A_551] : memref<10112x128xf32, #tpu.memory_space<vmem_shared>> -> memref<10112x128xf32, #tpu.memory_space<vmem_shared>>
        tpu.wait_indirect_dma semaphore(%run_scoped3A_540 : memref<!tpu.dma_semaphore, #tpu.memory_space<semaphore_mem>>) src(%arg21 : memref<128x128xf32, #tpu.memory_space<vmem>>) dst(%dma_wait3A_552 : memref<10112x128xf32, #tpu.memory_space<vmem_shared>>)
        tpu.yield
      }) : () -> ()
      %convert_element_type3A_393 = arith.extui %eq3A_124 : i1 to i32
      %cond3A_394 = arith.constant 0 : i32
      %cond3A_395 = arith.cmpi ne, %convert_element_type3A_393, %cond3A_394 : i32
      scf.if %cond3A_395 {
        %dma_start3A_540 = arith.constant 0 : i32
        %dma_start3A_541 = arith.constant 0 : i32
        %dma_start3A_542 = tpu.memref_slice %arg20[%dma_start3A_540, %dma_start3A_541] : memref<8x128xi32, #tpu.memory_space<vmem>> -> memref<1x128xi32, #tpu.memory_space<vmem>>
        %dma_start3A_543 = tpu.memref_squeeze %dma_start3A_542 : memref<1x128xi32, #tpu.memory_space<vmem>> -> memref<128xi32, #tpu.memory_space<vmem>>
        %dma_start3A_544 = arith.constant 0 : i32
        %dma_start3A_545 = arith.constant 0 : i32
        %dma_start3A_546 = tpu.memref_slice %arg16[%dma_start3A_544, %dma_start3A_545] : memref<10112x16xf32, #tpu.memory_space<vmem_shared>> -> memref<10112x16xf32, #tpu.memory_space<vmem_shared>>
        tpu.enqueue_indirect_dma source(%arg23 : memref<128x16xf32, #tpu.memory_space<vmem>>) target(%dma_start3A_546 : memref<10112x16xf32, #tpu.memory_space<vmem_shared>>) offsets(%dma_start3A_543 : memref<128xi32, #tpu.memory_space<vmem>>) semaphore(%arg28 : memref<!tpu.dma_semaphore, #tpu.memory_space<semaphore_mem>>) {add = true}
      } else {
      }
      %dma_start3A_396 = arith.constant 2 : i32
      %dma_start3A_397 = arith.constant 0 : i32
      %dma_start3A_398 = tpu.memref_slice %arg18[%dma_start3A_396, %dma_start3A_397] : memref<8x128xi32, #tpu.memory_space<vmem>> -> memref<1x128xi32, #tpu.memory_space<vmem>>
      %dma_start3A_399 = tpu.memref_squeeze %dma_start3A_398 : memref<1x128xi32, #tpu.memory_space<vmem>> -> memref<128xi32, #tpu.memory_space<vmem>>
      %dma_start3A_400 = arith.constant 0 : i32
      %dma_start3A_401 = arith.constant 0 : i32
      %dma_start3A_402 = tpu.memref_slice %arg3[%dma_start3A_400, %dma_start3A_401] : memref<20000x128xf32, #tpu.memory_space<hbm>> -> memref<20000x128xf32, #tpu.memory_space<hbm>>
      tpu.enqueue_indirect_dma source(%dma_start3A_402 : memref<20000x128xf32, #tpu.memory_space<hbm>>) target(%arg21 : memref<128x128xf32, #tpu.memory_space<vmem>>) offsets(%dma_start3A_399 : memref<128xi32, #tpu.memory_space<vmem>>) semaphore(%arg24 : memref<!tpu.dma_semaphore, #tpu.memory_space<semaphore_mem>>)
      %dma_wait3A_403 = arith.constant 1 : i32
      %dma_wait3A_404 = arith.constant 0 : i32
      %dma_wait3A_405 = tpu.memref_slice %arg18[%dma_wait3A_403, %dma_wait3A_404] : memref<8x128xi32, #tpu.memory_space<vmem>> -> memref<1x128xi32, #tpu.memory_space<vmem>>
      %dma_wait3A_406 = tpu.memref_squeeze %dma_wait3A_405 : memref<1x128xi32, #tpu.memory_space<vmem>> -> memref<128xi32, #tpu.memory_space<vmem>>
      %dma_wait3A_407 = arith.constant 0 : i32
      %dma_wait3A_408 = arith.constant 0 : i32
      %dma_wait3A_409 = tpu.memref_slice %arg3[%dma_wait3A_407, %dma_wait3A_408] : memref<20000x128xf32, #tpu.memory_space<hbm>> -> memref<20000x128xf32, #tpu.memory_space<hbm>>
      tpu.wait_indirect_dma semaphore(%arg25 : memref<!tpu.dma_semaphore, #tpu.memory_space<semaphore_mem>>) src(%dma_wait3A_409 : memref<20000x128xf32, #tpu.memory_space<hbm>>) dst(%arg22 : memref<128x128xf32, #tpu.memory_space<vmem>>)
      %run_scoped3A_410 = arith.constant 1 : i32
      "tpu.region"() ({
        %run_scoped3A_540 = tpu.sem_alloc : memref<!tpu.dma_semaphore, #tpu.memory_space<semaphore_mem>>
        %dma_start3A_541 = arith.constant 0 : i32
        %dma_start3A_542 = tpu.memref_slice %arg20[%run_scoped3A_410, %dma_start3A_541] : memref<8x128xi32, #tpu.memory_space<vmem>> -> memref<1x128xi32, #tpu.memory_space<vmem>>
        %dma_start3A_543 = tpu.memref_squeeze %dma_start3A_542 : memref<1x128xi32, #tpu.memory_space<vmem>> -> memref<128xi32, #tpu.memory_space<vmem>>
        %dma_start3A_544 = arith.constant 0 : i32
        %dma_start3A_545 = arith.constant 0 : i32
        %dma_start3A_546 = tpu.memref_slice %arg15[%dma_start3A_544, %dma_start3A_545] : memref<10112x128xf32, #tpu.memory_space<vmem_shared>> -> memref<10112x128xf32, #tpu.memory_space<vmem_shared>>
        tpu.enqueue_indirect_dma source(%arg22 : memref<128x128xf32, #tpu.memory_space<vmem>>) target(%dma_start3A_546 : memref<10112x128xf32, #tpu.memory_space<vmem_shared>>) offsets(%dma_start3A_543 : memref<128xi32, #tpu.memory_space<vmem>>) semaphore(%run_scoped3A_540 : memref<!tpu.dma_semaphore, #tpu.memory_space<semaphore_mem>>) {add = true}
        %dma_wait3A_547 = arith.constant 0 : i32
        %dma_wait3A_548 = tpu.memref_slice %arg20[%run_scoped3A_410, %dma_wait3A_547] : memref<8x128xi32, #tpu.memory_space<vmem>> -> memref<1x128xi32, #tpu.memory_space<vmem>>
        %dma_wait3A_549 = tpu.memref_squeeze %dma_wait3A_548 : memref<1x128xi32, #tpu.memory_space<vmem>> -> memref<128xi32, #tpu.memory_space<vmem>>
        %dma_wait3A_550 = arith.constant 0 : i32
        %dma_wait3A_551 = arith.constant 0 : i32
        %dma_wait3A_552 = tpu.memref_slice %arg15[%dma_wait3A_550, %dma_wait3A_551] : memref<10112x128xf32, #tpu.memory_space<vmem_shared>> -> memref<10112x128xf32, #tpu.memory_space<vmem_shared>>
        tpu.wait_indirect_dma semaphore(%run_scoped3A_540 : memref<!tpu.dma_semaphore, #tpu.memory_space<semaphore_mem>>) src(%arg22 : memref<128x128xf32, #tpu.memory_space<vmem>>) dst(%dma_wait3A_552 : memref<10112x128xf32, #tpu.memory_space<vmem_shared>>)
        tpu.yield
      }) : () -> ()
      %convert_element_type3A_411 = arith.extui %eq3A_124 : i1 to i32
      %cond3A_412 = arith.constant 0 : i32
      %cond3A_413 = arith.cmpi ne, %convert_element_type3A_411, %cond3A_412 : i32
      scf.if %cond3A_413 {
        %dma_start3A_540 = arith.constant 1 : i32
        %dma_start3A_541 = arith.constant 0 : i32
        %dma_start3A_542 = tpu.memref_slice %arg20[%dma_start3A_540, %dma_start3A_541] : memref<8x128xi32, #tpu.memory_space<vmem>> -> memref<1x128xi32, #tpu.memory_space<vmem>>
        %dma_start3A_543 = tpu.memref_squeeze %dma_start3A_542 : memref<1x128xi32, #tpu.memory_space<vmem>> -> memref<128xi32, #tpu.memory_space<vmem>>
        %dma_start3A_544 = arith.constant 0 : i32
        %dma_start3A_545 = arith.constant 0 : i32
        %dma_start3A_546 = tpu.memref_slice %arg16[%dma_start3A_544, %dma_start3A_545] : memref<10112x16xf32, #tpu.memory_space<vmem_shared>> -> memref<10112x16xf32, #tpu.memory_space<vmem_shared>>
        tpu.enqueue_indirect_dma source(%arg23 : memref<128x16xf32, #tpu.memory_space<vmem>>) target(%dma_start3A_546 : memref<10112x16xf32, #tpu.memory_space<vmem_shared>>) offsets(%dma_start3A_543 : memref<128xi32, #tpu.memory_space<vmem>>) semaphore(%arg28 : memref<!tpu.dma_semaphore, #tpu.memory_space<semaphore_mem>>) {add = true}
      } else {
      }
      %dma_start3A_414 = arith.constant 3 : i32
      %dma_start3A_415 = arith.constant 0 : i32
      %dma_start3A_416 = tpu.memref_slice %arg18[%dma_start3A_414, %dma_start3A_415] : memref<8x128xi32, #tpu.memory_space<vmem>> -> memref<1x128xi32, #tpu.memory_space<vmem>>
      %dma_start3A_417 = tpu.memref_squeeze %dma_start3A_416 : memref<1x128xi32, #tpu.memory_space<vmem>> -> memref<128xi32, #tpu.memory_space<vmem>>
      %dma_start3A_418 = arith.constant 0 : i32
      %dma_start3A_419 = arith.constant 0 : i32
      %dma_start3A_420 = tpu.memref_slice %arg3[%dma_start3A_418, %dma_start3A_419] : memref<20000x128xf32, #tpu.memory_space<hbm>> -> memref<20000x128xf32, #tpu.memory_space<hbm>>
      tpu.enqueue_indirect_dma source(%dma_start3A_420 : memref<20000x128xf32, #tpu.memory_space<hbm>>) target(%arg22 : memref<128x128xf32, #tpu.memory_space<vmem>>) offsets(%dma_start3A_417 : memref<128xi32, #tpu.memory_space<vmem>>) semaphore(%arg25 : memref<!tpu.dma_semaphore, #tpu.memory_space<semaphore_mem>>)
      %dma_wait3A_421 = arith.constant 2 : i32
      %dma_wait3A_422 = arith.constant 0 : i32
      %dma_wait3A_423 = tpu.memref_slice %arg18[%dma_wait3A_421, %dma_wait3A_422] : memref<8x128xi32, #tpu.memory_space<vmem>> -> memref<1x128xi32, #tpu.memory_space<vmem>>
      %dma_wait3A_424 = tpu.memref_squeeze %dma_wait3A_423 : memref<1x128xi32, #tpu.memory_space<vmem>> -> memref<128xi32, #tpu.memory_space<vmem>>
      %dma_wait3A_425 = arith.constant 0 : i32
      %dma_wait3A_426 = arith.constant 0 : i32
      %dma_wait3A_427 = tpu.memref_slice %arg3[%dma_wait3A_425, %dma_wait3A_426] : memref<20000x128xf32, #tpu.memory_space<hbm>> -> memref<20000x128xf32, #tpu.memory_space<hbm>>
      tpu.wait_indirect_dma semaphore(%arg24 : memref<!tpu.dma_semaphore, #tpu.memory_space<semaphore_mem>>) src(%dma_wait3A_427 : memref<20000x128xf32, #tpu.memory_space<hbm>>) dst(%arg21 : memref<128x128xf32, #tpu.memory_space<vmem>>)
      %run_scoped3A_428 = arith.constant 2 : i32
      "tpu.region"() ({
        %run_scoped3A_540 = tpu.sem_alloc : memref<!tpu.dma_semaphore, #tpu.memory_space<semaphore_mem>>
        %dma_start3A_541 = arith.constant 0 : i32
        %dma_start3A_542 = tpu.memref_slice %arg20[%run_scoped3A_428, %dma_start3A_541] : memref<8x128xi32, #tpu.memory_space<vmem>> -> memref<1x128xi32, #tpu.memory_space<vmem>>
        %dma_start3A_543 = tpu.memref_squeeze %dma_start3A_542 : memref<1x128xi32, #tpu.memory_space<vmem>> -> memref<128xi32, #tpu.memory_space<vmem>>
        %dma_start3A_544 = arith.constant 0 : i32
        %dma_start3A_545 = arith.constant 0 : i32
        %dma_start3A_546 = tpu.memref_slice %arg15[%dma_start3A_544, %dma_start3A_545] : memref<10112x128xf32, #tpu.memory_space<vmem_shared>> -> memref<10112x128xf32, #tpu.memory_space<vmem_shared>>
        tpu.enqueue_indirect_dma source(%arg21 : memref<128x128xf32, #tpu.memory_space<vmem>>) target(%dma_start3A_546 : memref<10112x128xf32, #tpu.memory_space<vmem_shared>>) offsets(%dma_start3A_543 : memref<128xi32, #tpu.memory_space<vmem>>) semaphore(%run_scoped3A_540 : memref<!tpu.dma_semaphore, #tpu.memory_space<semaphore_mem>>) {add = true}
        %dma_wait3A_547 = arith.constant 0 : i32
        %dma_wait3A_548 = tpu.memref_slice %arg20[%run_scoped3A_428, %dma_wait3A_547] : memref<8x128xi32, #tpu.memory_space<vmem>> -> memref<1x128xi32, #tpu.memory_space<vmem>>
        %dma_wait3A_549 = tpu.memref_squeeze %dma_wait3A_548 : memref<1x128xi32, #tpu.memory_space<vmem>> -> memref<128xi32, #tpu.memory_space<vmem>>
        %dma_wait3A_550 = arith.constant 0 : i32
        %dma_wait3A_551 = arith.constant 0 : i32
        %dma_wait3A_552 = tpu.memref_slice %arg15[%dma_wait3A_550, %dma_wait3A_551] : memref<10112x128xf32, #tpu.memory_space<vmem_shared>> -> memref<10112x128xf32, #tpu.memory_space<vmem_shared>>
        tpu.wait_indirect_dma semaphore(%run_scoped3A_540 : memref<!tpu.dma_semaphore, #tpu.memory_space<semaphore_mem>>) src(%arg21 : memref<128x128xf32, #tpu.memory_space<vmem>>) dst(%dma_wait3A_552 : memref<10112x128xf32, #tpu.memory_space<vmem_shared>>)
        tpu.yield
      }) : () -> ()
      %convert_element_type3A_429 = arith.extui %eq3A_124 : i1 to i32
      %cond3A_430 = arith.constant 0 : i32
      %cond3A_431 = arith.cmpi ne, %convert_element_type3A_429, %cond3A_430 : i32
      scf.if %cond3A_431 {
        %dma_start3A_540 = arith.constant 2 : i32
        %dma_start3A_541 = arith.constant 0 : i32
        %dma_start3A_542 = tpu.memref_slice %arg20[%dma_start3A_540, %dma_start3A_541] : memref<8x128xi32, #tpu.memory_space<vmem>> -> memref<1x128xi32, #tpu.memory_space<vmem>>
        %dma_start3A_543 = tpu.memref_squeeze %dma_start3A_542 : memref<1x128xi32, #tpu.memory_space<vmem>> -> memref<128xi32, #tpu.memory_space<vmem>>
        %dma_start3A_544 = arith.constant 0 : i32
        %dma_start3A_545 = arith.constant 0 : i32
        %dma_start3A_546 = tpu.memref_slice %arg16[%dma_start3A_544, %dma_start3A_545] : memref<10112x16xf32, #tpu.memory_space<vmem_shared>> -> memref<10112x16xf32, #tpu.memory_space<vmem_shared>>
        tpu.enqueue_indirect_dma source(%arg23 : memref<128x16xf32, #tpu.memory_space<vmem>>) target(%dma_start3A_546 : memref<10112x16xf32, #tpu.memory_space<vmem_shared>>) offsets(%dma_start3A_543 : memref<128xi32, #tpu.memory_space<vmem>>) semaphore(%arg28 : memref<!tpu.dma_semaphore, #tpu.memory_space<semaphore_mem>>) {add = true}
      } else {
      }
      %dma_start3A_432 = arith.constant 4 : i32
      %dma_start3A_433 = arith.constant 0 : i32
      %dma_start3A_434 = tpu.memref_slice %arg18[%dma_start3A_432, %dma_start3A_433] : memref<8x128xi32, #tpu.memory_space<vmem>> -> memref<1x128xi32, #tpu.memory_space<vmem>>
      %dma_start3A_435 = tpu.memref_squeeze %dma_start3A_434 : memref<1x128xi32, #tpu.memory_space<vmem>> -> memref<128xi32, #tpu.memory_space<vmem>>
      %dma_start3A_436 = arith.constant 0 : i32
      %dma_start3A_437 = arith.constant 0 : i32
      %dma_start3A_438 = tpu.memref_slice %arg3[%dma_start3A_436, %dma_start3A_437] : memref<20000x128xf32, #tpu.memory_space<hbm>> -> memref<20000x128xf32, #tpu.memory_space<hbm>>
      tpu.enqueue_indirect_dma source(%dma_start3A_438 : memref<20000x128xf32, #tpu.memory_space<hbm>>) target(%arg21 : memref<128x128xf32, #tpu.memory_space<vmem>>) offsets(%dma_start3A_435 : memref<128xi32, #tpu.memory_space<vmem>>) semaphore(%arg24 : memref<!tpu.dma_semaphore, #tpu.memory_space<semaphore_mem>>)
      %dma_wait3A_439 = arith.constant 3 : i32
      %dma_wait3A_440 = arith.constant 0 : i32
      %dma_wait3A_441 = tpu.memref_slice %arg18[%dma_wait3A_439, %dma_wait3A_440] : memref<8x128xi32, #tpu.memory_space<vmem>> -> memref<1x128xi32, #tpu.memory_space<vmem>>
      %dma_wait3A_442 = tpu.memref_squeeze %dma_wait3A_441 : memref<1x128xi32, #tpu.memory_space<vmem>> -> memref<128xi32, #tpu.memory_space<vmem>>
      %dma_wait3A_443 = arith.constant 0 : i32
      %dma_wait3A_444 = arith.constant 0 : i32
      %dma_wait3A_445 = tpu.memref_slice %arg3[%dma_wait3A_443, %dma_wait3A_444] : memref<20000x128xf32, #tpu.memory_space<hbm>> -> memref<20000x128xf32, #tpu.memory_space<hbm>>
      tpu.wait_indirect_dma semaphore(%arg25 : memref<!tpu.dma_semaphore, #tpu.memory_space<semaphore_mem>>) src(%dma_wait3A_445 : memref<20000x128xf32, #tpu.memory_space<hbm>>) dst(%arg22 : memref<128x128xf32, #tpu.memory_space<vmem>>)
      %run_scoped3A_446 = arith.constant 3 : i32
      "tpu.region"() ({
        %run_scoped3A_540 = tpu.sem_alloc : memref<!tpu.dma_semaphore, #tpu.memory_space<semaphore_mem>>
        %dma_start3A_541 = arith.constant 0 : i32
        %dma_start3A_542 = tpu.memref_slice %arg20[%run_scoped3A_446, %dma_start3A_541] : memref<8x128xi32, #tpu.memory_space<vmem>> -> memref<1x128xi32, #tpu.memory_space<vmem>>
        %dma_start3A_543 = tpu.memref_squeeze %dma_start3A_542 : memref<1x128xi32, #tpu.memory_space<vmem>> -> memref<128xi32, #tpu.memory_space<vmem>>
        %dma_start3A_544 = arith.constant 0 : i32
        %dma_start3A_545 = arith.constant 0 : i32
        %dma_start3A_546 = tpu.memref_slice %arg15[%dma_start3A_544, %dma_start3A_545] : memref<10112x128xf32, #tpu.memory_space<vmem_shared>> -> memref<10112x128xf32, #tpu.memory_space<vmem_shared>>
        tpu.enqueue_indirect_dma source(%arg22 : memref<128x128xf32, #tpu.memory_space<vmem>>) target(%dma_start3A_546 : memref<10112x128xf32, #tpu.memory_space<vmem_shared>>) offsets(%dma_start3A_543 : memref<128xi32, #tpu.memory_space<vmem>>) semaphore(%run_scoped3A_540 : memref<!tpu.dma_semaphore, #tpu.memory_space<semaphore_mem>>) {add = true}
        %dma_wait3A_547 = arith.constant 0 : i32
        %dma_wait3A_548 = tpu.memref_slice %arg20[%run_scoped3A_446, %dma_wait3A_547] : memref<8x128xi32, #tpu.memory_space<vmem>> -> memref<1x128xi32, #tpu.memory_space<vmem>>
        %dma_wait3A_549 = tpu.memref_squeeze %dma_wait3A_548 : memref<1x128xi32, #tpu.memory_space<vmem>> -> memref<128xi32, #tpu.memory_space<vmem>>
        %dma_wait3A_550 = arith.constant 0 : i32
        %dma_wait3A_551 = arith.constant 0 : i32
        %dma_wait3A_552 = tpu.memref_slice %arg15[%dma_wait3A_550, %dma_wait3A_551] : memref<10112x128xf32, #tpu.memory_space<vmem_shared>> -> memref<10112x128xf32, #tpu.memory_space<vmem_shared>>
        tpu.wait_indirect_dma semaphore(%run_scoped3A_540 : memref<!tpu.dma_semaphore, #tpu.memory_space<semaphore_mem>>) src(%arg22 : memref<128x128xf32, #tpu.memory_space<vmem>>) dst(%dma_wait3A_552 : memref<10112x128xf32, #tpu.memory_space<vmem_shared>>)
        tpu.yield
      }) : () -> ()
      %convert_element_type3A_447 = arith.extui %eq3A_124 : i1 to i32
      %cond3A_448 = arith.constant 0 : i32
      %cond3A_449 = arith.cmpi ne, %convert_element_type3A_447, %cond3A_448 : i32
      scf.if %cond3A_449 {
        %dma_start3A_540 = arith.constant 3 : i32
        %dma_start3A_541 = arith.constant 0 : i32
        %dma_start3A_542 = tpu.memref_slice %arg20[%dma_start3A_540, %dma_start3A_541] : memref<8x128xi32, #tpu.memory_space<vmem>> -> memref<1x128xi32, #tpu.memory_space<vmem>>
        %dma_start3A_543 = tpu.memref_squeeze %dma_start3A_542 : memref<1x128xi32, #tpu.memory_space<vmem>> -> memref<128xi32, #tpu.memory_space<vmem>>
        %dma_start3A_544 = arith.constant 0 : i32
        %dma_start3A_545 = arith.constant 0 : i32
        %dma_start3A_546 = tpu.memref_slice %arg16[%dma_start3A_544, %dma_start3A_545] : memref<10112x16xf32, #tpu.memory_space<vmem_shared>> -> memref<10112x16xf32, #tpu.memory_space<vmem_shared>>
        tpu.enqueue_indirect_dma source(%arg23 : memref<128x16xf32, #tpu.memory_space<vmem>>) target(%dma_start3A_546 : memref<10112x16xf32, #tpu.memory_space<vmem_shared>>) offsets(%dma_start3A_543 : memref<128xi32, #tpu.memory_space<vmem>>) semaphore(%arg28 : memref<!tpu.dma_semaphore, #tpu.memory_space<semaphore_mem>>) {add = true}
      } else {
      }
      %dma_start3A_450 = arith.constant 5 : i32
      %dma_start3A_451 = arith.constant 0 : i32
      %dma_start3A_452 = tpu.memref_slice %arg18[%dma_start3A_450, %dma_start3A_451] : memref<8x128xi32, #tpu.memory_space<vmem>> -> memref<1x128xi32, #tpu.memory_space<vmem>>
      %dma_start3A_453 = tpu.memref_squeeze %dma_start3A_452 : memref<1x128xi32, #tpu.memory_space<vmem>> -> memref<128xi32, #tpu.memory_space<vmem>>
      %dma_start3A_454 = arith.constant 0 : i32
      %dma_start3A_455 = arith.constant 0 : i32
      %dma_start3A_456 = tpu.memref_slice %arg3[%dma_start3A_454, %dma_start3A_455] : memref<20000x128xf32, #tpu.memory_space<hbm>> -> memref<20000x128xf32, #tpu.memory_space<hbm>>
      tpu.enqueue_indirect_dma source(%dma_start3A_456 : memref<20000x128xf32, #tpu.memory_space<hbm>>) target(%arg22 : memref<128x128xf32, #tpu.memory_space<vmem>>) offsets(%dma_start3A_453 : memref<128xi32, #tpu.memory_space<vmem>>) semaphore(%arg25 : memref<!tpu.dma_semaphore, #tpu.memory_space<semaphore_mem>>)
      %dma_wait3A_457 = arith.constant 4 : i32
      %dma_wait3A_458 = arith.constant 0 : i32
      %dma_wait3A_459 = tpu.memref_slice %arg18[%dma_wait3A_457, %dma_wait3A_458] : memref<8x128xi32, #tpu.memory_space<vmem>> -> memref<1x128xi32, #tpu.memory_space<vmem>>
      %dma_wait3A_460 = tpu.memref_squeeze %dma_wait3A_459 : memref<1x128xi32, #tpu.memory_space<vmem>> -> memref<128xi32, #tpu.memory_space<vmem>>
      %dma_wait3A_461 = arith.constant 0 : i32
      %dma_wait3A_462 = arith.constant 0 : i32
      %dma_wait3A_463 = tpu.memref_slice %arg3[%dma_wait3A_461, %dma_wait3A_462] : memref<20000x128xf32, #tpu.memory_space<hbm>> -> memref<20000x128xf32, #tpu.memory_space<hbm>>
      tpu.wait_indirect_dma semaphore(%arg24 : memref<!tpu.dma_semaphore, #tpu.memory_space<semaphore_mem>>) src(%dma_wait3A_463 : memref<20000x128xf32, #tpu.memory_space<hbm>>) dst(%arg21 : memref<128x128xf32, #tpu.memory_space<vmem>>)
      %run_scoped3A_464 = arith.constant 4 : i32
      "tpu.region"() ({
        %run_scoped3A_540 = tpu.sem_alloc : memref<!tpu.dma_semaphore, #tpu.memory_space<semaphore_mem>>
        %dma_start3A_541 = arith.constant 0 : i32
        %dma_start3A_542 = tpu.memref_slice %arg20[%run_scoped3A_464, %dma_start3A_541] : memref<8x128xi32, #tpu.memory_space<vmem>> -> memref<1x128xi32, #tpu.memory_space<vmem>>
        %dma_start3A_543 = tpu.memref_squeeze %dma_start3A_542 : memref<1x128xi32, #tpu.memory_space<vmem>> -> memref<128xi32, #tpu.memory_space<vmem>>
        %dma_start3A_544 = arith.constant 0 : i32
        %dma_start3A_545 = arith.constant 0 : i32
        %dma_start3A_546 = tpu.memref_slice %arg15[%dma_start3A_544, %dma_start3A_545] : memref<10112x128xf32, #tpu.memory_space<vmem_shared>> -> memref<10112x128xf32, #tpu.memory_space<vmem_shared>>
        tpu.enqueue_indirect_dma source(%arg21 : memref<128x128xf32, #tpu.memory_space<vmem>>) target(%dma_start3A_546 : memref<10112x128xf32, #tpu.memory_space<vmem_shared>>) offsets(%dma_start3A_543 : memref<128xi32, #tpu.memory_space<vmem>>) semaphore(%run_scoped3A_540 : memref<!tpu.dma_semaphore, #tpu.memory_space<semaphore_mem>>) {add = true}
        %dma_wait3A_547 = arith.constant 0 : i32
        %dma_wait3A_548 = tpu.memref_slice %arg20[%run_scoped3A_464, %dma_wait3A_547] : memref<8x128xi32, #tpu.memory_space<vmem>> -> memref<1x128xi32, #tpu.memory_space<vmem>>
        %dma_wait3A_549 = tpu.memref_squeeze %dma_wait3A_548 : memref<1x128xi32, #tpu.memory_space<vmem>> -> memref<128xi32, #tpu.memory_space<vmem>>
        %dma_wait3A_550 = arith.constant 0 : i32
        %dma_wait3A_551 = arith.constant 0 : i32
        %dma_wait3A_552 = tpu.memref_slice %arg15[%dma_wait3A_550, %dma_wait3A_551] : memref<10112x128xf32, #tpu.memory_space<vmem_shared>> -> memref<10112x128xf32, #tpu.memory_space<vmem_shared>>
        tpu.wait_indirect_dma semaphore(%run_scoped3A_540 : memref<!tpu.dma_semaphore, #tpu.memory_space<semaphore_mem>>) src(%arg21 : memref<128x128xf32, #tpu.memory_space<vmem>>) dst(%dma_wait3A_552 : memref<10112x128xf32, #tpu.memory_space<vmem_shared>>)
        tpu.yield
      }) : () -> ()
      %convert_element_type3A_465 = arith.extui %eq3A_124 : i1 to i32
      %cond3A_466 = arith.constant 0 : i32
      %cond3A_467 = arith.cmpi ne, %convert_element_type3A_465, %cond3A_466 : i32
      scf.if %cond3A_467 {
        %dma_start3A_540 = arith.constant 4 : i32
        %dma_start3A_541 = arith.constant 0 : i32
        %dma_start3A_542 = tpu.memref_slice %arg20[%dma_start3A_540, %dma_start3A_541] : memref<8x128xi32, #tpu.memory_space<vmem>> -> memref<1x128xi32, #tpu.memory_space<vmem>>
        %dma_start3A_543 = tpu.memref_squeeze %dma_start3A_542 : memref<1x128xi32, #tpu.memory_space<vmem>> -> memref<128xi32, #tpu.memory_space<vmem>>
        %dma_start3A_544 = arith.constant 0 : i32
        %dma_start3A_545 = arith.constant 0 : i32
        %dma_start3A_546 = tpu.memref_slice %arg16[%dma_start3A_544, %dma_start3A_545] : memref<10112x16xf32, #tpu.memory_space<vmem_shared>> -> memref<10112x16xf32, #tpu.memory_space<vmem_shared>>
        tpu.enqueue_indirect_dma source(%arg23 : memref<128x16xf32, #tpu.memory_space<vmem>>) target(%dma_start3A_546 : memref<10112x16xf32, #tpu.memory_space<vmem_shared>>) offsets(%dma_start3A_543 : memref<128xi32, #tpu.memory_space<vmem>>) semaphore(%arg28 : memref<!tpu.dma_semaphore, #tpu.memory_space<semaphore_mem>>) {add = true}
      } else {
      }
      %dma_start3A_468 = arith.constant 6 : i32
      %dma_start3A_469 = arith.constant 0 : i32
      %dma_start3A_470 = tpu.memref_slice %arg18[%dma_start3A_468, %dma_start3A_469] : memref<8x128xi32, #tpu.memory_space<vmem>> -> memref<1x128xi32, #tpu.memory_space<vmem>>
      %dma_start3A_471 = tpu.memref_squeeze %dma_start3A_470 : memref<1x128xi32, #tpu.memory_space<vmem>> -> memref<128xi32, #tpu.memory_space<vmem>>
      %dma_start3A_472 = arith.constant 0 : i32
      %dma_start3A_473 = arith.constant 0 : i32
      %dma_start3A_474 = tpu.memref_slice %arg3[%dma_start3A_472, %dma_start3A_473] : memref<20000x128xf32, #tpu.memory_space<hbm>> -> memref<20000x128xf32, #tpu.memory_space<hbm>>
      tpu.enqueue_indirect_dma source(%dma_start3A_474 : memref<20000x128xf32, #tpu.memory_space<hbm>>) target(%arg21 : memref<128x128xf32, #tpu.memory_space<vmem>>) offsets(%dma_start3A_471 : memref<128xi32, #tpu.memory_space<vmem>>) semaphore(%arg24 : memref<!tpu.dma_semaphore, #tpu.memory_space<semaphore_mem>>)
      %dma_wait3A_475 = arith.constant 5 : i32
      %dma_wait3A_476 = arith.constant 0 : i32
      %dma_wait3A_477 = tpu.memref_slice %arg18[%dma_wait3A_475, %dma_wait3A_476] : memref<8x128xi32, #tpu.memory_space<vmem>> -> memref<1x128xi32, #tpu.memory_space<vmem>>
      %dma_wait3A_478 = tpu.memref_squeeze %dma_wait3A_477 : memref<1x128xi32, #tpu.memory_space<vmem>> -> memref<128xi32, #tpu.memory_space<vmem>>
      %dma_wait3A_479 = arith.constant 0 : i32
      %dma_wait3A_480 = arith.constant 0 : i32
      %dma_wait3A_481 = tpu.memref_slice %arg3[%dma_wait3A_479, %dma_wait3A_480] : memref<20000x128xf32, #tpu.memory_space<hbm>> -> memref<20000x128xf32, #tpu.memory_space<hbm>>
      tpu.wait_indirect_dma semaphore(%arg25 : memref<!tpu.dma_semaphore, #tpu.memory_space<semaphore_mem>>) src(%dma_wait3A_481 : memref<20000x128xf32, #tpu.memory_space<hbm>>) dst(%arg22 : memref<128x128xf32, #tpu.memory_space<vmem>>)
      %run_scoped3A_482 = arith.constant 5 : i32
      "tpu.region"() ({
        %run_scoped3A_540 = tpu.sem_alloc : memref<!tpu.dma_semaphore, #tpu.memory_space<semaphore_mem>>
        %dma_start3A_541 = arith.constant 0 : i32
        %dma_start3A_542 = tpu.memref_slice %arg20[%run_scoped3A_482, %dma_start3A_541] : memref<8x128xi32, #tpu.memory_space<vmem>> -> memref<1x128xi32, #tpu.memory_space<vmem>>
        %dma_start3A_543 = tpu.memref_squeeze %dma_start3A_542 : memref<1x128xi32, #tpu.memory_space<vmem>> -> memref<128xi32, #tpu.memory_space<vmem>>
        %dma_start3A_544 = arith.constant 0 : i32
        %dma_start3A_545 = arith.constant 0 : i32
        %dma_start3A_546 = tpu.memref_slice %arg15[%dma_start3A_544, %dma_start3A_545] : memref<10112x128xf32, #tpu.memory_space<vmem_shared>> -> memref<10112x128xf32, #tpu.memory_space<vmem_shared>>
        tpu.enqueue_indirect_dma source(%arg22 : memref<128x128xf32, #tpu.memory_space<vmem>>) target(%dma_start3A_546 : memref<10112x128xf32, #tpu.memory_space<vmem_shared>>) offsets(%dma_start3A_543 : memref<128xi32, #tpu.memory_space<vmem>>) semaphore(%run_scoped3A_540 : memref<!tpu.dma_semaphore, #tpu.memory_space<semaphore_mem>>) {add = true}
        %dma_wait3A_547 = arith.constant 0 : i32
        %dma_wait3A_548 = tpu.memref_slice %arg20[%run_scoped3A_482, %dma_wait3A_547] : memref<8x128xi32, #tpu.memory_space<vmem>> -> memref<1x128xi32, #tpu.memory_space<vmem>>
        %dma_wait3A_549 = tpu.memref_squeeze %dma_wait3A_548 : memref<1x128xi32, #tpu.memory_space<vmem>> -> memref<128xi32, #tpu.memory_space<vmem>>
        %dma_wait3A_550 = arith.constant 0 : i32
        %dma_wait3A_551 = arith.constant 0 : i32
        %dma_wait3A_552 = tpu.memref_slice %arg15[%dma_wait3A_550, %dma_wait3A_551] : memref<10112x128xf32, #tpu.memory_space<vmem_shared>> -> memref<10112x128xf32, #tpu.memory_space<vmem_shared>>
        tpu.wait_indirect_dma semaphore(%run_scoped3A_540 : memref<!tpu.dma_semaphore, #tpu.memory_space<semaphore_mem>>) src(%arg22 : memref<128x128xf32, #tpu.memory_space<vmem>>) dst(%dma_wait3A_552 : memref<10112x128xf32, #tpu.memory_space<vmem_shared>>)
        tpu.yield
      }) : () -> ()
      %convert_element_type3A_483 = arith.extui %eq3A_124 : i1 to i32
      %cond3A_484 = arith.constant 0 : i32
      %cond3A_485 = arith.cmpi ne, %convert_element_type3A_483, %cond3A_484 : i32
      scf.if %cond3A_485 {
        %dma_start3A_540 = arith.constant 5 : i32
        %dma_start3A_541 = arith.constant 0 : i32
        %dma_start3A_542 = tpu.memref_slice %arg20[%dma_start3A_540, %dma_start3A_541] : memref<8x128xi32, #tpu.memory_space<vmem>> -> memref<1x128xi32, #tpu.memory_space<vmem>>
        %dma_start3A_543 = tpu.memref_squeeze %dma_start3A_542 : memref<1x128xi32, #tpu.memory_space<vmem>> -> memref<128xi32, #tpu.memory_space<vmem>>
        %dma_start3A_544 = arith.constant 0 : i32
        %dma_start3A_545 = arith.constant 0 : i32
        %dma_start3A_546 = tpu.memref_slice %arg16[%dma_start3A_544, %dma_start3A_545] : memref<10112x16xf32, #tpu.memory_space<vmem_shared>> -> memref<10112x16xf32, #tpu.memory_space<vmem_shared>>
        tpu.enqueue_indirect_dma source(%arg23 : memref<128x16xf32, #tpu.memory_space<vmem>>) target(%dma_start3A_546 : memref<10112x16xf32, #tpu.memory_space<vmem_shared>>) offsets(%dma_start3A_543 : memref<128xi32, #tpu.memory_space<vmem>>) semaphore(%arg28 : memref<!tpu.dma_semaphore, #tpu.memory_space<semaphore_mem>>) {add = true}
      } else {
      }
      %dma_start3A_486 = arith.constant 7 : i32
      %dma_start3A_487 = arith.constant 0 : i32
      %dma_start3A_488 = tpu.memref_slice %arg18[%dma_start3A_486, %dma_start3A_487] : memref<8x128xi32, #tpu.memory_space<vmem>> -> memref<1x128xi32, #tpu.memory_space<vmem>>
      %dma_start3A_489 = tpu.memref_squeeze %dma_start3A_488 : memref<1x128xi32, #tpu.memory_space<vmem>> -> memref<128xi32, #tpu.memory_space<vmem>>
      %dma_start3A_490 = arith.constant 0 : i32
      %dma_start3A_491 = arith.constant 0 : i32
      %dma_start3A_492 = tpu.memref_slice %arg3[%dma_start3A_490, %dma_start3A_491] : memref<20000x128xf32, #tpu.memory_space<hbm>> -> memref<20000x128xf32, #tpu.memory_space<hbm>>
      tpu.enqueue_indirect_dma source(%dma_start3A_492 : memref<20000x128xf32, #tpu.memory_space<hbm>>) target(%arg22 : memref<128x128xf32, #tpu.memory_space<vmem>>) offsets(%dma_start3A_489 : memref<128xi32, #tpu.memory_space<vmem>>) semaphore(%arg25 : memref<!tpu.dma_semaphore, #tpu.memory_space<semaphore_mem>>)
      %dma_wait3A_493 = arith.constant 6 : i32
      %dma_wait3A_494 = arith.constant 0 : i32
      %dma_wait3A_495 = tpu.memref_slice %arg18[%dma_wait3A_493, %dma_wait3A_494] : memref<8x128xi32, #tpu.memory_space<vmem>> -> memref<1x128xi32, #tpu.memory_space<vmem>>
      %dma_wait3A_496 = tpu.memref_squeeze %dma_wait3A_495 : memref<1x128xi32, #tpu.memory_space<vmem>> -> memref<128xi32, #tpu.memory_space<vmem>>
      %dma_wait3A_497 = arith.constant 0 : i32
      %dma_wait3A_498 = arith.constant 0 : i32
      %dma_wait3A_499 = tpu.memref_slice %arg3[%dma_wait3A_497, %dma_wait3A_498] : memref<20000x128xf32, #tpu.memory_space<hbm>> -> memref<20000x128xf32, #tpu.memory_space<hbm>>
      tpu.wait_indirect_dma semaphore(%arg24 : memref<!tpu.dma_semaphore, #tpu.memory_space<semaphore_mem>>) src(%dma_wait3A_499 : memref<20000x128xf32, #tpu.memory_space<hbm>>) dst(%arg21 : memref<128x128xf32, #tpu.memory_space<vmem>>)
      %run_scoped3A_500 = arith.constant 6 : i32
      "tpu.region"() ({
        %run_scoped3A_540 = tpu.sem_alloc : memref<!tpu.dma_semaphore, #tpu.memory_space<semaphore_mem>>
        %dma_start3A_541 = arith.constant 0 : i32
        %dma_start3A_542 = tpu.memref_slice %arg20[%run_scoped3A_500, %dma_start3A_541] : memref<8x128xi32, #tpu.memory_space<vmem>> -> memref<1x128xi32, #tpu.memory_space<vmem>>
        %dma_start3A_543 = tpu.memref_squeeze %dma_start3A_542 : memref<1x128xi32, #tpu.memory_space<vmem>> -> memref<128xi32, #tpu.memory_space<vmem>>
        %dma_start3A_544 = arith.constant 0 : i32
        %dma_start3A_545 = arith.constant 0 : i32
        %dma_start3A_546 = tpu.memref_slice %arg15[%dma_start3A_544, %dma_start3A_545] : memref<10112x128xf32, #tpu.memory_space<vmem_shared>> -> memref<10112x128xf32, #tpu.memory_space<vmem_shared>>
        tpu.enqueue_indirect_dma source(%arg21 : memref<128x128xf32, #tpu.memory_space<vmem>>) target(%dma_start3A_546 : memref<10112x128xf32, #tpu.memory_space<vmem_shared>>) offsets(%dma_start3A_543 : memref<128xi32, #tpu.memory_space<vmem>>) semaphore(%run_scoped3A_540 : memref<!tpu.dma_semaphore, #tpu.memory_space<semaphore_mem>>) {add = true}
        %dma_wait3A_547 = arith.constant 0 : i32
        %dma_wait3A_548 = tpu.memref_slice %arg20[%run_scoped3A_500, %dma_wait3A_547] : memref<8x128xi32, #tpu.memory_space<vmem>> -> memref<1x128xi32, #tpu.memory_space<vmem>>
        %dma_wait3A_549 = tpu.memref_squeeze %dma_wait3A_548 : memref<1x128xi32, #tpu.memory_space<vmem>> -> memref<128xi32, #tpu.memory_space<vmem>>
        %dma_wait3A_550 = arith.constant 0 : i32
        %dma_wait3A_551 = arith.constant 0 : i32
        %dma_wait3A_552 = tpu.memref_slice %arg15[%dma_wait3A_550, %dma_wait3A_551] : memref<10112x128xf32, #tpu.memory_space<vmem_shared>> -> memref<10112x128xf32, #tpu.memory_space<vmem_shared>>
        tpu.wait_indirect_dma semaphore(%run_scoped3A_540 : memref<!tpu.dma_semaphore, #tpu.memory_space<semaphore_mem>>) src(%arg21 : memref<128x128xf32, #tpu.memory_space<vmem>>) dst(%dma_wait3A_552 : memref<10112x128xf32, #tpu.memory_space<vmem_shared>>)
        tpu.yield
      }) : () -> ()
      %convert_element_type3A_501 = arith.extui %eq3A_124 : i1 to i32
      %cond3A_502 = arith.constant 0 : i32
      %cond3A_503 = arith.cmpi ne, %convert_element_type3A_501, %cond3A_502 : i32
      scf.if %cond3A_503 {
        %dma_start3A_540 = arith.constant 6 : i32
        %dma_start3A_541 = arith.constant 0 : i32
        %dma_start3A_542 = tpu.memref_slice %arg20[%dma_start3A_540, %dma_start3A_541] : memref<8x128xi32, #tpu.memory_space<vmem>> -> memref<1x128xi32, #tpu.memory_space<vmem>>
        %dma_start3A_543 = tpu.memref_squeeze %dma_start3A_542 : memref<1x128xi32, #tpu.memory_space<vmem>> -> memref<128xi32, #tpu.memory_space<vmem>>
        %dma_start3A_544 = arith.constant 0 : i32
        %dma_start3A_545 = arith.constant 0 : i32
        %dma_start3A_546 = tpu.memref_slice %arg16[%dma_start3A_544, %dma_start3A_545] : memref<10112x16xf32, #tpu.memory_space<vmem_shared>> -> memref<10112x16xf32, #tpu.memory_space<vmem_shared>>
        tpu.enqueue_indirect_dma source(%arg23 : memref<128x16xf32, #tpu.memory_space<vmem>>) target(%dma_start3A_546 : memref<10112x16xf32, #tpu.memory_space<vmem_shared>>) offsets(%dma_start3A_543 : memref<128xi32, #tpu.memory_space<vmem>>) semaphore(%arg28 : memref<!tpu.dma_semaphore, #tpu.memory_space<semaphore_mem>>) {add = true}
      } else {
      }
      %add3A_504 = arith.constant 1 : i32
      %add3A_505 = arith.addi %add3A_377, %add3A_504 : i32
      %lt3A_506 = arith.constant 10 : i32
      %lt3A_507 = arith.cmpi slt, %add3A_505, %lt3A_506 : i32
      %convert_element_type3A_508 = arith.extui %lt3A_507 : i1 to i32
      %cond3A_509 = arith.constant 0 : i32
      %cond3A_510 = arith.cmpi ne, %convert_element_type3A_508, %cond3A_509 : i32
      scf.if %cond3A_510 {
        %dma_start3A_540 = arith.constant 0 : i32
        %dma_start3A_541 = arith.constant 0 : i32
        %dma_start3A_542 = tpu.memref_slice %arg17[%dma_start3A_540, %dma_start3A_541] : memref<8x128xi32, #tpu.memory_space<vmem>> -> memref<1x128xi32, #tpu.memory_space<vmem>>
        %dma_start3A_543 = tpu.memref_squeeze %dma_start3A_542 : memref<1x128xi32, #tpu.memory_space<vmem>> -> memref<128xi32, #tpu.memory_space<vmem>>
        %dma_start3A_544 = arith.constant 0 : i32
        %dma_start3A_545 = arith.constant 0 : i32
        %dma_start3A_546 = tpu.memref_slice %arg3[%dma_start3A_544, %dma_start3A_545] : memref<20000x128xf32, #tpu.memory_space<hbm>> -> memref<20000x128xf32, #tpu.memory_space<hbm>>
        tpu.enqueue_indirect_dma source(%dma_start3A_546 : memref<20000x128xf32, #tpu.memory_space<hbm>>) target(%arg21 : memref<128x128xf32, #tpu.memory_space<vmem>>) offsets(%dma_start3A_543 : memref<128xi32, #tpu.memory_space<vmem>>) semaphore(%arg24 : memref<!tpu.dma_semaphore, #tpu.memory_space<semaphore_mem>>)
      } else {
      }
      %dma_wait3A_511 = arith.constant 7 : i32
      %dma_wait3A_512 = arith.constant 0 : i32
      %dma_wait3A_513 = tpu.memref_slice %arg18[%dma_wait3A_511, %dma_wait3A_512] : memref<8x128xi32, #tpu.memory_space<vmem>> -> memref<1x128xi32, #tpu.memory_space<vmem>>
      %dma_wait3A_514 = tpu.memref_squeeze %dma_wait3A_513 : memref<1x128xi32, #tpu.memory_space<vmem>> -> memref<128xi32, #tpu.memory_space<vmem>>
      %dma_wait3A_515 = arith.constant 0 : i32
      %dma_wait3A_516 = arith.constant 0 : i32
      %dma_wait3A_517 = tpu.memref_slice %arg3[%dma_wait3A_515, %dma_wait3A_516] : memref<20000x128xf32, #tpu.memory_space<hbm>> -> memref<20000x128xf32, #tpu.memory_space<hbm>>
      tpu.wait_indirect_dma semaphore(%arg25 : memref<!tpu.dma_semaphore, #tpu.memory_space<semaphore_mem>>) src(%dma_wait3A_517 : memref<20000x128xf32, #tpu.memory_space<hbm>>) dst(%arg22 : memref<128x128xf32, #tpu.memory_space<vmem>>)
      %run_scoped3A_518 = arith.constant 7 : i32
      "tpu.region"() ({
        %run_scoped3A_540 = tpu.sem_alloc : memref<!tpu.dma_semaphore, #tpu.memory_space<semaphore_mem>>
        %dma_start3A_541 = arith.constant 0 : i32
        %dma_start3A_542 = tpu.memref_slice %arg20[%run_scoped3A_518, %dma_start3A_541] : memref<8x128xi32, #tpu.memory_space<vmem>> -> memref<1x128xi32, #tpu.memory_space<vmem>>
        %dma_start3A_543 = tpu.memref_squeeze %dma_start3A_542 : memref<1x128xi32, #tpu.memory_space<vmem>> -> memref<128xi32, #tpu.memory_space<vmem>>
        %dma_start3A_544 = arith.constant 0 : i32
        %dma_start3A_545 = arith.constant 0 : i32
        %dma_start3A_546 = tpu.memref_slice %arg15[%dma_start3A_544, %dma_start3A_545] : memref<10112x128xf32, #tpu.memory_space<vmem_shared>> -> memref<10112x128xf32, #tpu.memory_space<vmem_shared>>
        tpu.enqueue_indirect_dma source(%arg22 : memref<128x128xf32, #tpu.memory_space<vmem>>) target(%dma_start3A_546 : memref<10112x128xf32, #tpu.memory_space<vmem_shared>>) offsets(%dma_start3A_543 : memref<128xi32, #tpu.memory_space<vmem>>) semaphore(%run_scoped3A_540 : memref<!tpu.dma_semaphore, #tpu.memory_space<semaphore_mem>>) {add = true}
        %dma_wait3A_547 = arith.constant 0 : i32
        %dma_wait3A_548 = tpu.memref_slice %arg20[%run_scoped3A_518, %dma_wait3A_547] : memref<8x128xi32, #tpu.memory_space<vmem>> -> memref<1x128xi32, #tpu.memory_space<vmem>>
        %dma_wait3A_549 = tpu.memref_squeeze %dma_wait3A_548 : memref<1x128xi32, #tpu.memory_space<vmem>> -> memref<128xi32, #tpu.memory_space<vmem>>
        %dma_wait3A_550 = arith.constant 0 : i32
        %dma_wait3A_551 = arith.constant 0 : i32
        %dma_wait3A_552 = tpu.memref_slice %arg15[%dma_wait3A_550, %dma_wait3A_551] : memref<10112x128xf32, #tpu.memory_space<vmem_shared>> -> memref<10112x128xf32, #tpu.memory_space<vmem_shared>>
        tpu.wait_indirect_dma semaphore(%run_scoped3A_540 : memref<!tpu.dma_semaphore, #tpu.memory_space<semaphore_mem>>) src(%arg22 : memref<128x128xf32, #tpu.memory_space<vmem>>) dst(%dma_wait3A_552 : memref<10112x128xf32, #tpu.memory_space<vmem_shared>>)
        tpu.yield
      }) : () -> ()
      %convert_element_type3A_519 = arith.extui %eq3A_124 : i1 to i32
      %cond3A_520 = arith.constant 0 : i32
      %cond3A_521 = arith.cmpi ne, %convert_element_type3A_519, %cond3A_520 : i32
      scf.if %cond3A_521 {
        %dma_start3A_540 = arith.constant 7 : i32
        %dma_start3A_541 = arith.constant 0 : i32
        %dma_start3A_542 = tpu.memref_slice %arg20[%dma_start3A_540, %dma_start3A_541] : memref<8x128xi32, #tpu.memory_space<vmem>> -> memref<1x128xi32, #tpu.memory_space<vmem>>
        %dma_start3A_543 = tpu.memref_squeeze %dma_start3A_542 : memref<1x128xi32, #tpu.memory_space<vmem>> -> memref<128xi32, #tpu.memory_space<vmem>>
        %dma_start3A_544 = arith.constant 0 : i32
        %dma_start3A_545 = arith.constant 0 : i32
        %dma_start3A_546 = tpu.memref_slice %arg16[%dma_start3A_544, %dma_start3A_545] : memref<10112x16xf32, #tpu.memory_space<vmem_shared>> -> memref<10112x16xf32, #tpu.memory_space<vmem_shared>>
        tpu.enqueue_indirect_dma source(%arg23 : memref<128x16xf32, #tpu.memory_space<vmem>>) target(%dma_start3A_546 : memref<10112x16xf32, #tpu.memory_space<vmem_shared>>) offsets(%dma_start3A_543 : memref<128xi32, #tpu.memory_space<vmem>>) semaphore(%arg28 : memref<!tpu.dma_semaphore, #tpu.memory_space<semaphore_mem>>) {add = true}
      } else {
      }
      %add3A_522 = arith.constant 1 : i32
      %add3A_523 = arith.addi %add3A_377, %add3A_522 : i32
      %lt3A_524 = arith.constant 10 : i32
      %lt3A_525 = arith.cmpi slt, %add3A_523, %lt3A_524 : i32
      %convert_element_type3A_526 = arith.extui %lt3A_525 : i1 to i32
      %cond3A_527 = arith.constant 0 : i32
      %cond3A_528 = arith.cmpi ne, %convert_element_type3A_526, %cond3A_527 : i32
      scf.if %cond3A_528 {
        %dma_start3A_540 = arith.constant 1 : i32
        %dma_start3A_541 = arith.constant 0 : i32
        %dma_start3A_542 = tpu.memref_slice %arg17[%dma_start3A_540, %dma_start3A_541] : memref<8x128xi32, #tpu.memory_space<vmem>> -> memref<1x128xi32, #tpu.memory_space<vmem>>
        %dma_start3A_543 = tpu.memref_squeeze %dma_start3A_542 : memref<1x128xi32, #tpu.memory_space<vmem>> -> memref<128xi32, #tpu.memory_space<vmem>>
        %dma_start3A_544 = arith.constant 0 : i32
        %dma_start3A_545 = arith.constant 0 : i32
        %dma_start3A_546 = tpu.memref_slice %arg3[%dma_start3A_544, %dma_start3A_545] : memref<20000x128xf32, #tpu.memory_space<hbm>> -> memref<20000x128xf32, #tpu.memory_space<hbm>>
        tpu.enqueue_indirect_dma source(%dma_start3A_546 : memref<20000x128xf32, #tpu.memory_space<hbm>>) target(%arg22 : memref<128x128xf32, #tpu.memory_space<vmem>>) offsets(%dma_start3A_543 : memref<128xi32, #tpu.memory_space<vmem>>) semaphore(%arg25 : memref<!tpu.dma_semaphore, #tpu.memory_space<semaphore_mem>>)
      } else {
      }
      %convert_element_type3A_529 = arith.extui %eq3A_124 : i1 to i32
      %cond3A_530 = arith.constant 0 : i32
      %cond3A_531 = arith.cmpi ne, %convert_element_type3A_529, %cond3A_530 : i32
      scf.if %cond3A_531 {
        %scan3A_540 = arith.constant 0 : i32
        %scan3A_541 = arith.constant 0 : i32
        %scan3A_542 = arith.constant 8 : i32
        %scan3A_543 = arith.addi %scan3A_541, %scan3A_542 : i32
        %scan3A_544 = arith.constant 1 : i32
        %scan3A_545 = scf.for %scan3A_547 = %scan3A_541 to %scan3A_543 step %scan3A_544 iter_args(%scan3A_548 = %scan3A_540) -> (i32)  : i32 {
          %dma_wait3A_549 = arith.constant 0 : i32
          %dma_wait3A_550 = arith.constant 0 : i32
          %dma_wait3A_551 = tpu.memref_slice %arg20[%dma_wait3A_549, %dma_wait3A_550] : memref<8x128xi32, #tpu.memory_space<vmem>> -> memref<1x128xi32, #tpu.memory_space<vmem>>
          %dma_wait3A_552 = tpu.memref_squeeze %dma_wait3A_551 : memref<1x128xi32, #tpu.memory_space<vmem>> -> memref<128xi32, #tpu.memory_space<vmem>>
          %dma_wait3A_553 = arith.constant 0 : i32
          %dma_wait3A_554 = arith.constant 0 : i32
          %dma_wait3A_555 = tpu.memref_slice %arg16[%dma_wait3A_553, %dma_wait3A_554] : memref<10112x16xf32, #tpu.memory_space<vmem_shared>> -> memref<10112x16xf32, #tpu.memory_space<vmem_shared>>
          tpu.wait_indirect_dma semaphore(%arg28 : memref<!tpu.dma_semaphore, #tpu.memory_space<semaphore_mem>>) src(%arg23 : memref<128x16xf32, #tpu.memory_space<vmem>>) dst(%dma_wait3A_555 : memref<10112x16xf32, #tpu.memory_space<vmem_shared>>)
          %scan3A_556 = arith.constant 0 : i32
          scf.yield %scan3A_556 : i32
        }
        %scan3A_546 = arith.constant 8 : i32
      } else {
      }
      %add3A_532 = arith.constant 2 : i32
      %add3A_533 = arith.addi %add3A_377, %add3A_532 : i32
      %lt3A_534 = arith.constant 10 : i32
      %lt3A_535 = arith.cmpi slt, %add3A_533, %lt3A_534 : i32
      %convert_element_type3A_536 = arith.extui %lt3A_535 : i1 to i32
      %cond3A_537 = arith.constant 0 : i32
      %cond3A_538 = arith.cmpi ne, %convert_element_type3A_536, %cond3A_537 : i32
      scf.if %cond3A_538 {
        %add3A_540 = arith.constant 2 : i32
        %add3A_541 = arith.addi %add3A_377, %add3A_540 : i32
        %mul3A_542 = arith.constant 8 : i32
        %mul3A_543 = arith.muli %mul3A_542, %add3A_541 : i32
        %dma_start3A_544 = arith.constant 0 : i32
        %dma_start3A_545 = tpu.memref_slice %arg6[%arg1, %mul3A_543, %dma_start3A_544] : memref<16x80x128xi32, #tpu.memory_space<hbm>> -> memref<1x8x128xi32, #tpu.memory_space<hbm>>
        %dma_start3A_546 = tpu.memref_squeeze %dma_start3A_545 : memref<1x8x128xi32, #tpu.memory_space<hbm>> -> memref<8x128xi32, #tpu.memory_space<hbm>>
        %dma_start3A_547 = arith.constant 0 : i32
        %dma_start3A_548 = tpu.memref_slice %arg6[%arg1, %mul3A_543, %dma_start3A_547] : memref<16x80x128xi32, #tpu.memory_space<hbm>> -> memref<1x8x128xi32, #tpu.memory_space<hbm>>
        %dma_start3A_549 = tpu.memref_squeeze %dma_start3A_548 : memref<1x8x128xi32, #tpu.memory_space<hbm>> -> memref<8x128xi32, #tpu.memory_space<hbm>>
        tpu.enqueue_dma source(%dma_start3A_549 : memref<8x128xi32, #tpu.memory_space<hbm>>) target(%arg18 : memref<8x128xi32, #tpu.memory_space<vmem>>) target_semaphore(%arg27 : memref<!tpu.dma_semaphore, #tpu.memory_space<semaphore_mem>>)
        %mul3A_550 = arith.constant 8 : i32
        %mul3A_551 = arith.muli %mul3A_550, %add3A_541 : i32
        %dma_start3A_552 = arith.constant 0 : i32
        %dma_start3A_553 = tpu.memref_slice %arg7[%arg1, %mul3A_551, %dma_start3A_552] : memref<16x80x128xi32, #tpu.memory_space<hbm>> -> memref<1x8x128xi32, #tpu.memory_space<hbm>>
        %dma_start3A_554 = tpu.memref_squeeze %dma_start3A_553 : memref<1x8x128xi32, #tpu.memory_space<hbm>> -> memref<8x128xi32, #tpu.memory_space<hbm>>
        %dma_start3A_555 = arith.constant 0 : i32
        %dma_start3A_556 = tpu.memref_slice %arg7[%arg1, %mul3A_551, %dma_start3A_555] : memref<16x80x128xi32, #tpu.memory_space<hbm>> -> memref<1x8x128xi32, #tpu.memory_space<hbm>>
        %dma_start3A_557 = tpu.memref_squeeze %dma_start3A_556 : memref<1x8x128xi32, #tpu.memory_space<hbm>> -> memref<8x128xi32, #tpu.memory_space<hbm>>
        tpu.enqueue_dma source(%dma_start3A_557 : memref<8x128xi32, #tpu.memory_space<hbm>>) target(%arg20 : memref<8x128xi32, #tpu.memory_space<vmem>>) target_semaphore(%arg27 : memref<!tpu.dma_semaphore, #tpu.memory_space<semaphore_mem>>)
      } else {
      }
      %scan3A_539 = arith.constant 0 : i32
      scf.yield %scan3A_539 : i32
    }
    %scan3A_200 = arith.constant 5 : i32
    %barrier3A_201 = arith.constant 0 : index
    tpu.barrier barrier_id(%barrier3A_201)
    %mul3A_202 = arith.constant 632 : i32
    %mul3A_203 = arith.muli %arg1, %mul3A_202 : i32
    "tpu.region"() ({
      %run_scoped3A = tpu.sem_alloc : memref<!tpu.dma_semaphore, #tpu.memory_space<semaphore_mem>>
      %dma_start3A_209 = arith.constant 0 : i32
      %dma_start3A_210 = tpu.memref_slice %arg13[%arg0, %mul3A_203, %dma_start3A_209] : memref<2x10112x128xf32, #tpu.memory_space<hbm>> -> memref<1x632x128xf32, #tpu.memory_space<hbm>>
      %dma_start3A_211 = tpu.memref_squeeze %dma_start3A_210 : memref<1x632x128xf32, #tpu.memory_space<hbm>> -> memref<632x128xf32, #tpu.memory_space<hbm>>
      %dma_start3A_212 = arith.constant 0 : i32
      %dma_start3A_213 = tpu.memref_slice %arg15[%mul3A_203, %dma_start3A_212] : memref<10112x128xf32, #tpu.memory_space<vmem_shared>> -> memref<632x128xf32, #tpu.memory_space<vmem_shared>>
      tpu.enqueue_dma source(%dma_start3A_213 : memref<632x128xf32, #tpu.memory_space<vmem_shared>>) target(%dma_start3A_211 : memref<632x128xf32, #tpu.memory_space<hbm>>) target_semaphore(%run_scoped3A : memref<!tpu.dma_semaphore, #tpu.memory_space<semaphore_mem>>)
      %dma_wait3A_214 = arith.constant 0 : i32
      %dma_wait3A_215 = tpu.memref_slice %arg13[%arg0, %mul3A_203, %dma_wait3A_214] : memref<2x10112x128xf32, #tpu.memory_space<hbm>> -> memref<1x632x128xf32, #tpu.memory_space<hbm>>
      %dma_wait3A_216 = tpu.memref_squeeze %dma_wait3A_215 : memref<1x632x128xf32, #tpu.memory_space<hbm>> -> memref<632x128xf32, #tpu.memory_space<hbm>>
      %dma_wait3A_217 = arith.constant 0 : i32
      %dma_wait3A_218 = tpu.memref_slice %arg15[%mul3A_203, %dma_wait3A_217] : memref<10112x128xf32, #tpu.memory_space<vmem_shared>> -> memref<632x128xf32, #tpu.memory_space<vmem_shared>>
      tpu.wait_dma2 semaphore(%run_scoped3A : memref<!tpu.dma_semaphore, #tpu.memory_space<semaphore_mem>>) src(%dma_wait3A_218 : memref<632x128xf32, #tpu.memory_space<vmem_shared>>) dst(%dma_wait3A_216 : memref<632x128xf32, #tpu.memory_space<hbm>>)
      tpu.yield
    }) : () -> ()
    %eq3A_204 = arith.constant 1 : i32
    %eq3A_205 = arith.cmpi eq, %arg0, %eq3A_204 : i32
    %convert_element_type3A_206 = arith.extui %eq3A_205 : i1 to i32
    %cond3A_207 = arith.constant 0 : i32
    %cond3A_208 = arith.cmpi ne, %convert_element_type3A_206, %cond3A_207 : i32
    scf.if %cond3A_208 {
      "tpu.region"() ({
        %run_scoped3A = tpu.sem_alloc : memref<!tpu.dma_semaphore, #tpu.memory_space<semaphore_mem>>
        %dma_start3A_209 = arith.constant 0 : i32
        %dma_start3A_210 = tpu.memref_slice %arg14[%mul3A_203, %dma_start3A_209] : memref<10112x16xf32, #tpu.memory_space<hbm>> -> memref<632x16xf32, #tpu.memory_space<hbm>>
        %dma_start3A_211 = arith.constant 0 : i32
        %dma_start3A_212 = tpu.memref_slice %arg16[%mul3A_203, %dma_start3A_211] : memref<10112x16xf32, #tpu.memory_space<vmem_shared>> -> memref<632x16xf32, #tpu.memory_space<vmem_shared>>
        tpu.enqueue_dma source(%dma_start3A_212 : memref<632x16xf32, #tpu.memory_space<vmem_shared>>) target(%dma_start3A_210 : memref<632x16xf32, #tpu.memory_space<hbm>>) target_semaphore(%run_scoped3A : memref<!tpu.dma_semaphore, #tpu.memory_space<semaphore_mem>>)
        %dma_wait3A_213 = arith.constant 0 : i32
        %dma_wait3A_214 = tpu.memref_slice %arg14[%mul3A_203, %dma_wait3A_213] : memref<10112x16xf32, #tpu.memory_space<hbm>> -> memref<632x16xf32, #tpu.memory_space<hbm>>
        %dma_wait3A_215 = arith.constant 0 : i32
        %dma_wait3A_216 = tpu.memref_slice %arg16[%mul3A_203, %dma_wait3A_215] : memref<10112x16xf32, #tpu.memory_space<vmem_shared>> -> memref<632x16xf32, #tpu.memory_space<vmem_shared>>
        tpu.wait_dma2 semaphore(%run_scoped3A : memref<!tpu.dma_semaphore, #tpu.memory_space<semaphore_mem>>) src(%dma_wait3A_216 : memref<632x16xf32, #tpu.memory_space<vmem_shared>>) dst(%dma_wait3A_214 : memref<632x16xf32, #tpu.memory_space<hbm>>)
        tpu.yield
      }) : () -> ()
    } else {
    }
    return
  }
}

module attributes {stable_mosaic.version = 14 : i64} {
  func.func @_tc_body(%arg0: i32, %arg1: memref<1000x256xf32, #tpu.memory_space<vmem>>, %arg2: memref<2x1000x128xf32, #tpu.memory_space<vmem>>, %arg3: memref<1000x16xf32, #tpu.memory_space<vmem>>, %arg4: memref<2x1000x128xf32, #tpu.memory_space<vmem>>, %arg5: memref<1000x16xf32, #tpu.memory_space<vmem>>, %arg6: memref<256x256xf32, #tpu.memory_space<vmem>>, %arg7: memref<256x256xf32, #tpu.memory_space<vmem>>, %arg8: memref<256x256xf32, #tpu.memory_space<vmem>>, %arg9: memref<256x256xf32, #tpu.memory_space<vmem>>, %arg10: memref<1x256xf32, #tpu.memory_space<vmem>>, %arg11: memref<1x256xf32, #tpu.memory_space<vmem>>, %arg12: memref<1000x256xf32, #tpu.memory_space<vmem>>) attributes {dimension_semantics = [#tpu.dimension_semantics<arbitrary>], iteration_bounds = array<i64: 10>, scalar_prefetch = 0 : i64, scratch_operands = 0 : i64, tpu.core_type = #tpu.core_type<tc>, window_params = [{transform_indices = @transform_0, window_bounds = array<i64: 1000, 256>}, {transform_indices = @transform_1, window_bounds = array<i64: 2, 1000, 128>}, {transform_indices = @transform_2, window_bounds = array<i64: 1000, 16>}, {transform_indices = @transform_3, window_bounds = array<i64: 2, 1000, 128>}, {transform_indices = @transform_4, window_bounds = array<i64: 1000, 16>}, {pipeline_mode = #tpu.pipeline_mode<synchronous>, transform_indices = @transform_5, window_bounds = array<i64: 256, 256>}, {pipeline_mode = #tpu.pipeline_mode<synchronous>, transform_indices = @transform_6, window_bounds = array<i64: 256, 256>}, {pipeline_mode = #tpu.pipeline_mode<synchronous>, transform_indices = @transform_7, window_bounds = array<i64: 256, 256>}, {pipeline_mode = #tpu.pipeline_mode<synchronous>, transform_indices = @transform_8, window_bounds = array<i64: 256, 256>}, {pipeline_mode = #tpu.pipeline_mode<synchronous>, transform_indices = @transform_9, window_bounds = array<i64: 1, 256>}, {pipeline_mode = #tpu.pipeline_mode<synchronous>, transform_indices = @transform_10, window_bounds = array<i64: 1, 256>}, {transform_indices = @transform_11, window_bounds = array<i64: 1000, 256>}]} {
    %get3A = arith.constant 0 : index
    %get3A_0 = arith.constant 0 : index
    %get3A_1 = vector.load %arg7[%get3A, %get3A_0] : memref<256x256xf32, #tpu.memory_space<vmem>>, vector<256x256xf32>
    %get3A_2 = arith.constant 0 : index
    %get3A_3 = arith.constant 0 : index
    %get3A_4 = vector.load %arg9[%get3A_2, %get3A_3] : memref<256x256xf32, #tpu.memory_space<vmem>>, vector<256x256xf32>
    %add3A = arith.addf %get3A_1, %get3A_4 : vector<256x256xf32>
    %get3A_5 = arith.constant 0 : index
    %get3A_6 = arith.constant 0 : index
    %get3A_7 = vector.load %arg1[%get3A_5, %get3A_6] : memref<1000x256xf32, #tpu.memory_space<vmem>>, vector<1000x256xf32>
    %dot_general3A = arith.constant dense<0.000000e+00> : vector<1000x256xf32>
    %dot_general3A_8 = tpu.matmul %get3A_7, %add3A, %dot_general3A {dimension_numbers = #tpu.dot_dimension_numbers<[1], [0], [0], [1], [0, 0, 1, 1], [], []>, transpose_lhs_hint = false} : vector<1000x256xf32>, vector<256x256xf32>, vector<1000x256xf32> -> vector<1000x256xf32>
    %get3A_9 = arith.constant 0 : index
    %get3A_10 = arith.constant 0 : index
    %get3A_11 = vector.load %arg3[%get3A_9, %get3A_10] : memref<1000x16xf32, #tpu.memory_space<vmem>>, vector<1000x1xf32>
    %max3A = arith.constant 1.000000e+00 : f32
    %max3A_12 = vector.broadcast %max3A : f32 to vector<1000x1xf32>
    %max3A_13 = arith.maximumf %get3A_11, %max3A_12 : vector<1000x1xf32>
    %div3A = arith.constant 1.000000e+00 : f32
    %div3A_14 = vector.broadcast %div3A : f32 to vector<1000x1xf32>
    %div3A_15 = arith.divf %div3A_14, %max3A_13 : vector<1000x1xf32>
    %get3A_16 = arith.constant 0 : index
    %get3A_17 = arith.constant 0 : index
    %get3A_18 = vector.load %arg6[%get3A_16, %get3A_17] : memref<256x256xf32, #tpu.memory_space<vmem>>, vector<256x256xf32>
    %get3A_19 = arith.constant 0 : index
    %get3A_20 = arith.constant 0 : index
    %get3A_21 = arith.constant 0 : index
    %get3A_22 = vector.load %arg2[%get3A_19, %get3A_20, %get3A_21] : memref<2x1000x128xf32, #tpu.memory_space<vmem>>, vector<1x1000x128xf32>
    %get3A_23 = vector.shape_cast %get3A_22 : vector<1x1000x128xf32> to vector<1000x128xf32>
    %mul3A = vector.broadcast %div3A_15 : vector<1000x1xf32> to vector<1000x128xf32>
    %mul3A_24 = arith.mulf %get3A_23, %mul3A : vector<1000x128xf32>
    %slice3A = vector.extract_strided_slice %get3A_18 {offsets = [0, 0], sizes = [128, 256], strides = [1, 1]} : vector<256x256xf32> to vector<128x256xf32>
    %dot_general3A_25 = arith.constant dense<0.000000e+00> : vector<1000x256xf32>
    %dot_general3A_26 = tpu.matmul %mul3A_24, %slice3A, %dot_general3A_25 {dimension_numbers = #tpu.dot_dimension_numbers<[1], [0], [0], [1], [0, 0, 1, 1], [], []>, transpose_lhs_hint = false} : vector<1000x128xf32>, vector<128x256xf32>, vector<1000x256xf32> -> vector<1000x256xf32>
    %add3A_27 = arith.addf %dot_general3A_8, %dot_general3A_26 : vector<1000x256xf32>
    %get3A_28 = arith.constant 1 : index
    %get3A_29 = arith.constant 0 : index
    %get3A_30 = arith.constant 0 : index
    %get3A_31 = vector.load %arg2[%get3A_28, %get3A_29, %get3A_30] : memref<2x1000x128xf32, #tpu.memory_space<vmem>>, vector<1x1000x128xf32>
    %get3A_32 = vector.shape_cast %get3A_31 : vector<1x1000x128xf32> to vector<1000x128xf32>
    %mul3A_33 = vector.broadcast %div3A_15 : vector<1000x1xf32> to vector<1000x128xf32>
    %mul3A_34 = arith.mulf %get3A_32, %mul3A_33 : vector<1000x128xf32>
    %slice3A_35 = vector.extract_strided_slice %get3A_18 {offsets = [128, 0], sizes = [128, 256], strides = [1, 1]} : vector<256x256xf32> to vector<128x256xf32>
    %dot_general3A_36 = arith.constant dense<0.000000e+00> : vector<1000x256xf32>
    %dot_general3A_37 = tpu.matmul %mul3A_34, %slice3A_35, %dot_general3A_36 {dimension_numbers = #tpu.dot_dimension_numbers<[1], [0], [0], [1], [0, 0, 1, 1], [], []>, transpose_lhs_hint = false} : vector<1000x128xf32>, vector<128x256xf32>, vector<1000x256xf32> -> vector<1000x256xf32>
    %add3A_38 = arith.addf %add3A_27, %dot_general3A_37 : vector<1000x256xf32>
    %get3A_39 = arith.constant 0 : index
    %get3A_40 = arith.constant 0 : index
    %get3A_41 = vector.load %arg5[%get3A_39, %get3A_40] : memref<1000x16xf32, #tpu.memory_space<vmem>>, vector<1000x1xf32>
    %max3A_42 = arith.constant 1.000000e+00 : f32
    %max3A_43 = vector.broadcast %max3A_42 : f32 to vector<1000x1xf32>
    %max3A_44 = arith.maximumf %get3A_41, %max3A_43 : vector<1000x1xf32>
    %div3A_45 = arith.constant 1.000000e+00 : f32
    %div3A_46 = vector.broadcast %div3A_45 : f32 to vector<1000x1xf32>
    %div3A_47 = arith.divf %div3A_46, %max3A_44 : vector<1000x1xf32>
    %get3A_48 = arith.constant 0 : index
    %get3A_49 = arith.constant 0 : index
    %get3A_50 = vector.load %arg8[%get3A_48, %get3A_49] : memref<256x256xf32, #tpu.memory_space<vmem>>, vector<256x256xf32>
    %get3A_51 = arith.constant 0 : index
    %get3A_52 = arith.constant 0 : index
    %get3A_53 = arith.constant 0 : index
    %get3A_54 = vector.load %arg4[%get3A_51, %get3A_52, %get3A_53] : memref<2x1000x128xf32, #tpu.memory_space<vmem>>, vector<1x1000x128xf32>
    %get3A_55 = vector.shape_cast %get3A_54 : vector<1x1000x128xf32> to vector<1000x128xf32>
    %mul3A_56 = vector.broadcast %div3A_47 : vector<1000x1xf32> to vector<1000x128xf32>
    %mul3A_57 = arith.mulf %get3A_55, %mul3A_56 : vector<1000x128xf32>
    %slice3A_58 = vector.extract_strided_slice %get3A_50 {offsets = [0, 0], sizes = [128, 256], strides = [1, 1]} : vector<256x256xf32> to vector<128x256xf32>
    %dot_general3A_59 = arith.constant dense<0.000000e+00> : vector<1000x256xf32>
    %dot_general3A_60 = tpu.matmul %mul3A_57, %slice3A_58, %dot_general3A_59 {dimension_numbers = #tpu.dot_dimension_numbers<[1], [0], [0], [1], [0, 0, 1, 1], [], []>, transpose_lhs_hint = false} : vector<1000x128xf32>, vector<128x256xf32>, vector<1000x256xf32> -> vector<1000x256xf32>
    %add3A_61 = arith.addf %add3A_38, %dot_general3A_60 : vector<1000x256xf32>
    %get3A_62 = arith.constant 1 : index
    %get3A_63 = arith.constant 0 : index
    %get3A_64 = arith.constant 0 : index
    %get3A_65 = vector.load %arg4[%get3A_62, %get3A_63, %get3A_64] : memref<2x1000x128xf32, #tpu.memory_space<vmem>>, vector<1x1000x128xf32>
    %get3A_66 = vector.shape_cast %get3A_65 : vector<1x1000x128xf32> to vector<1000x128xf32>
    %mul3A_67 = vector.broadcast %div3A_47 : vector<1000x1xf32> to vector<1000x128xf32>
    %mul3A_68 = arith.mulf %get3A_66, %mul3A_67 : vector<1000x128xf32>
    %slice3A_69 = vector.extract_strided_slice %get3A_50 {offsets = [128, 0], sizes = [128, 256], strides = [1, 1]} : vector<256x256xf32> to vector<128x256xf32>
    %dot_general3A_70 = arith.constant dense<0.000000e+00> : vector<1000x256xf32>
    %dot_general3A_71 = tpu.matmul %mul3A_68, %slice3A_69, %dot_general3A_70 {dimension_numbers = #tpu.dot_dimension_numbers<[1], [0], [0], [1], [0, 0, 1, 1], [], []>, transpose_lhs_hint = false} : vector<1000x128xf32>, vector<128x256xf32>, vector<1000x256xf32> -> vector<1000x256xf32>
    %add3A_72 = arith.addf %add3A_61, %dot_general3A_71 : vector<1000x256xf32>
    %get3A_73 = arith.constant 0 : index
    %get3A_74 = arith.constant 0 : index
    %get3A_75 = vector.load %arg10[%get3A_73, %get3A_74] : memref<1x256xf32, #tpu.memory_space<vmem>>, vector<1x256xf32>
    %add3A_76 = vector.broadcast %get3A_75 : vector<1x256xf32> to vector<1000x256xf32>
    %add3A_77 = arith.addf %add3A_72, %add3A_76 : vector<1000x256xf32>
    %get3A_78 = arith.constant 0 : index
    %get3A_79 = arith.constant 0 : index
    %get3A_80 = vector.load %arg11[%get3A_78, %get3A_79] : memref<1x256xf32, #tpu.memory_space<vmem>>, vector<1x256xf32>
    %add3A_81 = vector.broadcast %get3A_80 : vector<1x256xf32> to vector<1000x256xf32>
    %add3A_82 = arith.addf %add3A_77, %add3A_81 : vector<1000x256xf32>
    %swap3A = arith.constant 0 : index
    %swap3A_83 = arith.constant 0 : index
    %swap3A_84 = vector.load %arg12[%swap3A, %swap3A_83] : memref<1000x256xf32, #tpu.memory_space<vmem>>, vector<1000x256xf32>
    tpu.vector_store %arg12[%swap3A, %swap3A_83], %add3A_82 {strides = array<i32>} : memref<1000x256xf32, #tpu.memory_space<vmem>>, vector<1000x256xf32>,
    return
  }
  func.func @transform_0(%arg0: i32) -> (i32, i32) {
    %c0_i32 = arith.constant 0 : i32
    %c0_i32_0 = arith.constant 0 : i32
    return %arg0, %c0_i32 : i32, i32
  }
  func.func @transform_1(%arg0: i32) -> (i32, i32, i32) {
    %c0_i32 = arith.constant 0 : i32
    %c0_i32_0 = arith.constant 0 : i32
    %c0_i32_1 = arith.constant 0 : i32
    return %c0_i32, %arg0, %c0_i32_0 : i32, i32, i32
  }
  func.func @transform_2(%arg0: i32) -> (i32, i32) {
    %c0_i32 = arith.constant 0 : i32
    %c0_i32_0 = arith.constant 0 : i32
    return %arg0, %c0_i32 : i32, i32
  }
  func.func @transform_3(%arg0: i32) -> (i32, i32, i32) {
    %c0_i32 = arith.constant 0 : i32
    %c0_i32_0 = arith.constant 0 : i32
    %c0_i32_1 = arith.constant 0 : i32
    return %c0_i32, %arg0, %c0_i32_0 : i32, i32, i32
  }
  func.func @transform_4(%arg0: i32) -> (i32, i32) {
    %c0_i32 = arith.constant 0 : i32
    %c0_i32_0 = arith.constant 0 : i32
    return %arg0, %c0_i32 : i32, i32
  }
  func.func @transform_5(%arg0: i32) -> (i32, i32) {
    %c0_i32 = arith.constant 0 : i32
    %c0_i32_0 = arith.constant 0 : i32
    %c0_i32_1 = arith.constant 0 : i32
    return %c0_i32, %c0_i32_0 : i32, i32
  }
  func.func @transform_6(%arg0: i32) -> (i32, i32) {
    %c0_i32 = arith.constant 0 : i32
    %c0_i32_0 = arith.constant 0 : i32
    %c0_i32_1 = arith.constant 0 : i32
    return %c0_i32, %c0_i32_0 : i32, i32
  }
  func.func @transform_7(%arg0: i32) -> (i32, i32) {
    %c0_i32 = arith.constant 0 : i32
    %c0_i32_0 = arith.constant 0 : i32
    %c0_i32_1 = arith.constant 0 : i32
    return %c0_i32, %c0_i32_0 : i32, i32
  }
  func.func @transform_8(%arg0: i32) -> (i32, i32) {
    %c0_i32 = arith.constant 0 : i32
    %c0_i32_0 = arith.constant 0 : i32
    %c0_i32_1 = arith.constant 0 : i32
    return %c0_i32, %c0_i32_0 : i32, i32
  }
  func.func @transform_9(%arg0: i32) -> (i32, i32) {
    %c0_i32 = arith.constant 0 : i32
    %c0_i32_0 = arith.constant 0 : i32
    %c0_i32_1 = arith.constant 0 : i32
    return %c0_i32, %c0_i32_0 : i32, i32
  }
  func.func @transform_10(%arg0: i32) -> (i32, i32) {
    %c0_i32 = arith.constant 0 : i32
    %c0_i32_0 = arith.constant 0 : i32
    %c0_i32_1 = arith.constant 0 : i32
    return %c0_i32, %c0_i32_0 : i32, i32
  }
  func.func @transform_11(%arg0: i32) -> (i32, i32) {
    %c0_i32 = arith.constant 0 : i32
    %c0_i32_0 = arith.constant 0 : i32
    return %arg0, %c0_i32 : i32, i32
  }
}

</mosaic_0001>

<sc_bundles>
// kernel: kernel.4.cloned.1.call-start
scs
__scs_entry_jumppad:
0x0: {  	(pc) =	sbr.rel $0x88, $3  }
0x1: {  	(tag) =	ssettag $0x0;
	lr =	simm.s32 $0x1  }
0x2: {  	[smem:$0x3F97] =	sst lr;
	_ =	strace $0xD0000000  }
0x3: {  	_ = 	snop  }
0x4: {  	_ = 	snop  }
0x5: {  	_ = 	snop  }
0x6: {  	_ = 	snop  }
0x7: {  	_ = 	snop  }
__scs_overlays_trampoline_lowered:
0x8: {  	[smem:$0x3FA6] =	sst s0  }
0x9: {  	[smem:$0x3FA7] =	sst s1  }
0xa: {  	[smem:$0x3FA8] =	sst s2  }
0xb: {  	[smem:$0x3FA9] =	sst s3  }
0xc: {  	[smem:$0x3FAA] =	sst s4  }
0xd: {  	[smem:$0x3FAB] =	sst s5  }
0xe: {  	[smem:$0x3FAC] =	sst s6  }
0xf: {  	[smem:$0x3FAD] =	sst s7  }
0x10: {  	[smem:$0x3FAE] =	sst s8  }
0x11: {  	[smem:$0x3FAF] =	sst s9;
	s0 =	simm.s32 @!p0 $0x0  }
0x12: {  	s1 =	sld [smem:$0x3F95];
	s0 =	simm.s32 @p0 $0x1  }
0x13: {  	[smem:$0x3FB0] =	sst s0;
	s0 =	simm.s32 @!p1 $0x0  }
0x14: {  	s2 =	sld [smem:$0x3F94];
	s0 =	simm.s32 @p1 $0x1  }
0x15: {  	[smem:$0x3FB1] =	sst s0;
	s0 =	simm.s32 @!p2 $0x0  }
0x16: {  	s3 =	sld [smem:$0x3FDB];
	s0 =	simm.s32 @p2 $0x1  }
0x17: {  	s4 =	simm.s32 $0x1BF5;
	[smem:$0x3FB3] =	sst s0  }
0x18: {  	s0 =	sld [smem:$0x3F96];
	_ =	swait.ge [sflag:s4], $0x0  }
0x19: {  	s7 =	sld [smem:$0x3F97]  }
0x1a: {  	s8 =	sadd.s32 $0xFFFFE003, lr  }
0x1b: {  	s9 =	sadd.s32 $0xFFFFFEF7, lr;
	s5 =	simm.s32 $0xFFFFFFFF;
	p2 =	slt.u32 s8, $0xFFFFF086  }
0x1c: {  	p1 =	slt.u32 s9, $0xF7A;
	s5 =	simm.s32 @!p2 $0x0  }
0x1d: {  	s5 =	simm.s32 @p1 $0x1;
	p0 =	seq.s32 s7, s2  }
0x1e: {  	s7 =	smul.u32 @!p0 $0xF7A, s2;
	p2 =	seq.s32 @!p0 s5, $0x0  }
0x1f: {  	s9 =	smul.u32 $0xF7A, s1;
	s8 =	simm.s32 @!p0 $0x1BF5;
	p2 =	por !p2, p0  }
0x20: {  	[sflag:s8] =	ssyncset.s32 @!p0 $0xFFFFF086;
	s6 =	sadd.s32 @!p0 s3, s7;
	s7 =	simm.s32 @!p0 $0x108  }
0x21: {  	s3 =	sadd.s32 s3, s9;
	s6 =	sadd.s32 @!p0 $0x88, s6;
	s7 =	simm.s32 @p2 $0x1082  }
0x22: {  	[simem:s7], [sflag:s8] =	dma.local @!p0 [hbm:s6], $0xF7A  }
0x23: {  	s9 =	sor.u32 $0xD0000000, s2;
	s6 =	simm.s32 $0x108;
	_ =	swait.ge @!p0 [sflag:s8], $0x0  }
0x24: {  	s3 =	sadd.s32 $0x88, s3;
	s6 =	simm.s32 @!p1 $0x1082;
	[sflag:s4] =	ssyncset.s32 $0xFFFFF086  }
0x25: {  	[simem:s6], [sflag:s4] =	dma.local [hbm:s3], $0xF7A  }
0x26: {  	[smem:$0x3F97] =	sst s1;
	(tag) =	ssettag s2;
	_ =	strace s9  }
0x27: {  	s1 =	sld [smem:$0x3FA7]  }
0x28: {  	s2 =	sld [smem:$0x3FA8]  }
0x29: {  	s4 =	sld [smem:$0x3FAA]  }
0x2a: {  	p0 =	seq.s32 s5, $0x0;
	s5 =	sld [smem:$0x3FAB]  }
0x2b: {  	s6 =	sld [smem:$0x3FAC]  }
0x2c: {  	s7 =	sld [smem:$0x3FAD]  }
0x2d: {  	s3 =	simm.s32 $0x108;
	s8 =	sld [smem:$0x3FAE]  }
0x2e: {  	s3 =	simm.s32 @!p0 $0x1082;
	s9 =	sld [smem:$0x3FAF]  }
0x2f: {  	lr =	sadd.s32 s0, s3;
	s0 =	sld [smem:$0x3FA6]  }
0x30: {  	s3 =	sld [smem:$0x3FA9]  }
0x31: {  	[smem:$0x3FB2] =	sst s10  }
0x32: {  	s10 =	sld [smem:$0x3FB0];
	_ =	sdelay $0x3  }
0x33: {  	p0 =	seq.s32 s10, $0x1;
	s10 =	sld [smem:$0x3FB2];
	_ =	sdelay $0x3  }
0x34: {  	[smem:$0x3FB2] =	sst s10  }
0x35: {  	s10 =	sld [smem:$0x3FB1];
	_ =	sdelay $0x3  }
0x36: {  	p1 =	seq.s32 s10, $0x1;
	s10 =	sld [smem:$0x3FB2];
	_ =	sdelay $0x3  }
0x37: {  	[smem:$0x3FB2] =	sst s10  }
0x38: {  	s10 =	sld [smem:$0x3FB3]  }
0x39: {  	_ = 	snop;
	(pc) =	sbr.ind lr, $3  }
0x3a: {  	_ = 	snop  }
0x3b: {  	_ = 	snop  }
0x3c: {  	p2 =	seq.s32 s10, $0x1;
	s10 =	sld [smem:$0x3FB2]  }
0x3d: {  	_ =	shalt  }
0x3e: {  	_ =	shalt  }
0x3f: {  	_ =	shalt  }
0x40: {  	_ =	shalt  }
0x41: {  	_ =	shalt  }
0x42: {  	_ =	shalt  }
0x43: {  	_ =	shalt  }
0x44: {  	_ =	shalt  }
0x45: {  	_ =	shalt  }
0x46: {  	_ =	shalt  }
0x47: {  	_ =	shalt  }
0x48: {  	_ =	shalt  }
0x49: {  	_ =	shalt  }
0x4a: {  	_ =	shalt  }
0x4b: {  	_ =	shalt  }
0x4c: {  	_ =	shalt  }
0x4d: {  	_ =	shalt  }
0x4e: {  	_ =	shalt  }
0x4f: {  	_ =	shalt  }
0x50: {  	_ =	shalt  }
0x51: {  	_ =	shalt  }
0x52: {  	_ =	shalt  }
0x53: {  	_ =	shalt  }
0x54: {  	_ =	shalt  }
0x55: {  	_ =	shalt  }
0x56: {  	_ =	shalt  }
0x57: {  	_ =	shalt  }
0x58: {  	_ =	shalt  }
0x59: {  	_ =	shalt  }
0x5a: {  	_ =	shalt  }
0x5b: {  	_ =	shalt  }
0x5c: {  	_ =	shalt  }
0x5d: {  	_ =	shalt  }
0x5e: {  	_ =	shalt  }
0x5f: {  	_ =	shalt  }
0x60: {  	_ =	shalt  }
0x61: {  	_ =	shalt  }
0x62: {  	_ =	shalt  }
0x63: {  	_ =	shalt  }
0x64: {  	_ =	shalt  }
0x65: {  	_ =	shalt  }
0x66: {  	_ =	shalt  }
0x67: {  	_ =	shalt  }
0x68: {  	_ =	shalt  }
0x69: {  	_ =	shalt  }
0x6a: {  	_ =	shalt  }
0x6b: {  	_ =	shalt  }
0x6c: {  	_ =	shalt  }
0x6d: {  	_ =	shalt  }
0x6e: {  	_ =	shalt  }
0x6f: {  	_ =	shalt  }
0x70: {  	_ =	shalt  }
0x71: {  	_ =	shalt  }
0x72: {  	_ =	shalt  }
0x73: {  	_ =	shalt  }
0x74: {  	_ =	shalt  }
0x75: {  	_ =	shalt  }
0x76: {  	_ =	shalt  }
0x77: {  	_ =	shalt  }
0x78: {  	_ =	shalt  }
0x79: {  	_ =	shalt  }
0x7a: {  	_ =	shalt  }
0x7b: {  	_ =	shalt  }
0x7c: {  	_ =	shalt  }
0x7d: {  	_ =	shalt  }
0x7e: {  	_ =	shalt  }
0x7f: {  	_ =	shalt  }
0x80: {  	_ =	shalt  }
0x81: {  	_ =	shalt  }
0x82: {  	_ =	shalt  }
0x83: {  	_ =	shalt  }
0x84: {  	_ =	shalt  }
0x85: {  	_ =	shalt  }
0x86: {  	_ =	shalt  }
0x87: {  	_ =	shalt  }
.Lfunc_end0:
.L_simem_size_0:
called_computation_lowered:
.L_overlay_start_0:
0x88: {  	s2 =	sld [smem:$0x3FD9]  }
0x89: {  	s3 =	sld [smem:$0x3FFE];
	_ =	sdelay $0x1  }
0x8a: {  	s1 =	srdreg.scid  }
0x8b: {  	s0 =	sand.u32 $0x1, s1  }
0x8c: {  	s17 =	sshll.u32 s0, $0xA;
	s2 =	sadd.s32 s3, s2  }
0x8d: {  	s2 =	sadd.s32 s2, s17  }
0x8e: {  	[smem:$0x3FBE] =	sst s2  }
0x8f: {  	_ = 	snop  }
0x90: {  	s2 =	sld [smem:$0x3FD0];
	(tm) =	ssettm $0x1  }
0x91: {  	s18 =	sld [smem:$0x3FFB];
	_ =	sdelay $0x3  }
0x92: {  	_ =	strace s18  }
0x93: {  	s3 =	sld [smem:$0x3FFC];
	_ =	sdelay $0x3  }
0x94: {  	_ =	strace s3  }
0x95: {  	s3 =	sld [smem:$0x3FFD];
	_ =	sdelay $0x3  }
0x96: {  	_ =	strace s3  }
0x97: {  	_ =	strace $0x8FFFFFFF  }
0x98: {  	s19 =	sld [smem:$0x3FDB];
	_ =	sdelay $0x1  }
0x99: {  	s4 =	simm.s32 $_scs_section_size  }
0x9a: {  	s5 =	simm.s32 $_size__tile_overlayer_lowered;
	s6 =	simm.s32 $_tile_overlayer_lowered  }
0x9b: {  	s22 =	simm.s32 $0x1BFF;
	s21 =	sshll.u32 s6, $0x1;
	s3 =	sadd.s32 s4, s19  }
0x9c: {  	s7 =	simm.s32 $0x0;
	s20 =	sshll.u32 s5, $0x1;
	s5 =	sadd.s32 s21, s3  }
0x9d: {  	[timem:s7], [sflag:s22] =	dma.local [hbm:s5], s20  }
0x9e: {  	_ =	swait.ge [sflag:s22], s20  }
0x9f: {  	s4 =	ssub.s32 $0x0, s20;
	[sflag:s22] =	ssyncset.done $0x0  }
0xa0: {  	[sflag:s22] =	ssyncadd.s32 s4;
	_ =	sdelay $0x1  }
0xa1: {  	s23 =	simm.s32 $0x1B8B  }
0xa2: {  	_ =	swait.ge [sflag:s23], $0x1  }
0xa3: {  	[sflag:s23] =	ssyncset.done $0x0  }
0xa4: {  	s25 =	simm.s32 $0x1B8E;
	s24 =	sld [smem:$0x3FFE];
	[sflag:s23] =	ssyncadd.s32 $0xFFFFFFFF  }
0xa5: {  	s26 =	simm.s32 $execute0_lowered;
	[smem:$0x3FD2] =	sst s25  }
0xa6: {  	s5 =	sshll.u32 s26, $0x1;
	_ =	strace $0x80000046;
	[dreg:$0x1] =	wrdreg $0xFFFFFFFF  }
0xa7: {  	s28 =	simm.s32 $_size_execute0_lowered;
	s3 =	sadd.s32 s3, s5;
	[dreg:$0x0] =	wrdreg $0x0  }
0xa8: {  	s5 =	sshll.u32 s28, $0x1;
	[dreg:$0x2] =	wrdreg s3  }
0xa9: {  	[dreg:$0x3] =	wrdreg s5  }
0xaa: {  	[dreg:$0x4] =	wrdreg $0xC0  }
0xab: {  	_ =	task [dreg:s7], $0x5FFFF  }
0xac: {  	[dreg:$0x1] =	wrdreg $0xFFFFFFFF  }
0xad: {  	[dreg:$0x0] =	wrdreg $0x60  }
0xae: {  	[dreg:$0x2] =	wrdreg s2  }
0xaf: {  	[dreg:$0x3] =	wrdreg s24  }
0xb0: {  	[dreg:$0x4] =	wrdreg $0x0  }
0xb1: {  	[dreg:$0x5] =	wrdreg $0x13C000  }
0xb2: {  	[dreg:$0x6] =	wrdreg $0x9  }
0xb3: {  	_ =	task.clear_ibuf [dreg:s7], $0x7FFFF;
	_ =	strace $0x90000046  }
0xb4: {  	s29 =	simm.s32 $0x9;
	_ =	strace $0x80000048  }
0xb5: {  	_ =	swait.ge [sflag:s29], $0x1  }
0xb6: {  	[sflag:s29] =	ssyncadd.s32 $0xFFFFFFFF  }
0xb7: {  	_ =	strace $0x90000048  }
0xb8: {  	_ =	sfence  }
0xb9: {  	s30 =	sld [smem:$0x0];
	_ =	sdelay $0x2  }
0xba: {  	s31 =	sshll.u32 s1, $0xD;
	s1 =	sshrl.u32 s1, $0x2  }
0xbb: {  	s3 =	sand.u32 $0x4000, s31;
	s1 =	sadd.s32 s1, s30  }
0xbc: {  	s0 =	sor.u32 s3, s0;
	s1 =	sshll.u32 s1, $0x11  }
0xbd: {  	s0 =	sor.u32 s1, s0  }
0xbe: {  	s0 =	sadd.s32 $0x8F2B, s0  }
0xbf: {  	[sflag:s0] =	ssyncadd.remote.s32 $0x1  }
0xc0: {  	_ =	sfence.sel $0xFFFF  }
0xc1: {  	[dreg:$0x0] =	wrdreg $0xFFFFFFFF;
	(pc) =	sbr.abs _section_cstart, $3  }
0xc2: {  	[dreg:$0x1] =	wrdreg $0xFFFFFFFF  }
0xc3: {  	_ =	task.clear_ibuf [dreg:s7], $0x2FFFF;
	_ =	strace $0x9FFFFFFF  }
0xc4: {  	(tm) =	ssettm $0x7FFFFFFF  }
0xc5: {  	_ =	shalt  }
tec
execute0_lowered:
.L_overlay_start_1:
0x0: {  	(tag) =	ssettag $0x1  }
0x1: {  	s1 =	rddreg [dreg:$0x0]  }
0x2: {  	s0 =	rddreg [dreg:$0x1]  }
0x3: {  	s2 =	rddreg [dreg:$0x2]  }
0x4: {  	s3 =	rddreg [dreg:$0x3];
	s4 =	simm.s32 $0x0  }
0x5: {  	s5 =	srdreg.scid;
	[smem:$0x7FF] =	sst s4  }
0x6: {  	s6 =	sadd.s32 $0x15200, s0;
	s4 =	stileid.u32;
	s9 =	sadd.s32 $0x63800, s0  }
0x7: {  	s23 =	sadd.s32 $0x63600, s0;
	_ =	strace $0x80000047;
	[dreg:$0x9] =	wrdreg s9  }
0x8: {  	s14 =	sadd.s32 $0x6200, s0;
	s24 =	sadd.s32 $0x63400, s0;
	[dreg:$0xa] =	wrdreg s23  }
0x9: {  	s7 =	sand.u32 $0x1, s5;
	s15 =	sadd.s32 $0x1200, s0;
	[dreg:$0xb] =	wrdreg s24  }
0xa: {  	s16 =	sadd.s32 $0x10200, s0;
	s22 =	smul.u32 $0x13C00, s4;
	[dreg:$0x5] =	wrdreg s14  }
0xb: {  	s17 =	sadd.s32 $0xB200, s0;
	s8 =	smul.u32 $0x13C000, s7;
	[dreg:$0x6] =	wrdreg s15  }
0xc: {  	s25 =	smul.u32 $0x2780, s4;
	s10 =	ssub.s32 $0x2, s7;
	[dreg:$0x7] =	wrdreg s16  }
0xd: {  	s11 =	smul.u32 $0x278, s4;
	[dreg:$0x8] =	wrdreg s17;
	s13 =	sshrl.u32 s10, $0x1  }
0xe: {  	s8 =	sadd.s32 s22, s8;
	s12 =	sshrl.u32 s25, $0x3;
	s10 =	ssub.s32 s10, s13  }
0xf: {  	s26 =	sadd.s32 $0x80, s11;
	s5 =	sadd.s32 s22, s2;
	s13 =	sadd.s32 s25, s3  }
0x10: {  	s18 =	sadd.s32 $0x100, s11;
	s20 =	sadd.s32 $0x180, s11;
	s24 =	sadd.s32 $0x200, s11  }
0x11: {  	s8 =	sshrl.u32 s8, $0x3;
	[dreg:$0xc] =	wrdreg s5;
	s9 =	sshll.u32 s26, $0x7  }
0x12: {  	s19 =	sshll.u32 s18, $0x7;
	s21 =	sshll.u32 s18, $0x4;
	s22 =	sshll.u32 s20, $0x7  }
0x13: {  	s25 =	sshll.u32 s20, $0x4;
	s8 =	sadd.s32 s8, s0;
	s5 =	sadd.s32 s9, s2  }
0x14: {  	s0 =	sadd.s32 s12, s0;
	s23 =	sadd.s32 s22, s2;
	[dreg:$0xe] =	wrdreg s5  }
0x15: {  	s12 =	sshll.u32 s26, $0x4;
	s18 =	sadd.s32 s25, s3;
	[dreg:$0x12] =	wrdreg s23  }
0x16: {  	s11 =	sshll.u32 s24, $0x7;
	s5 =	sadd.s32 s12, s3;
	[dreg:$0x13] =	wrdreg s18  }
0x17: {  	s26 =	smul.u32 $0x2800, s4;
	[dreg:$0xf] =	wrdreg s5;
	s5 =	sadd.s32 s19, s2  }
0x18: {  	s19 =	sadd.s32 s11, s2;
	[dreg:$0x10] =	wrdreg s5  }
0x19: {  	s22 =	sadd.s32 $0x800, s26;
	[dreg:$0x14] =	wrdreg s19  }
0x1a: {  	s5 =	sadd.s32 s21, s3;
	[dreg:$0x16] =	wrdreg s22  }
0x1b: {  	s21 =	sshrl.u32 s26, $0x3;
	s22 =	sadd.s32 $0x6E000, s8;
	[dreg:$0x11] =	wrdreg s5  }
0x1c: {  	s28 =	simm.s32 $0x16F80;
	s23 =	sadd.s32 s14, s21;
	[dreg:$0x1f] =	wrdreg s22  }
0x1d: {  	s5 =	sshll.u32 s24, $0x4;
	s24 =	sadd.s32 s15, s21;
	[dreg:$0x17] =	wrdreg s23  }
0x1e: {  	s29 =	simm.s32 $0x80;
	s11 =	sadd.s32 s16, s21;
	[dreg:$0x18] =	wrdreg s24  }
0x1f: {  	s25 =	sadd.s32 $0xC00, s26;
	s12 =	sadd.s32 s17, s21;
	[dreg:$0x19] =	wrdreg s11  }
0x20: {  	s26 =	sor.u32 $0x80, s21;
	s20 =	sadd.s32 s5, s3;
	[dreg:$0x1a] =	wrdreg s12  }
0x21: {  	s30 =	simm.s32 $0x17380;
	s18 =	sadd.s32 s14, s26;
	[dreg:$0x15] =	wrdreg s20  }
0x22: {  	s31 =	simm.s32 $0x1B380;
	s19 =	sadd.s32 s15, s26;
	[dreg:$0x1b] =	wrdreg s18  }
0x23: {  	p0 =	sne.s32 s7, $0x0;
	s21 =	sadd.s32 s17, s26;
	[dreg:$0x1c] =	wrdreg s19  }
0x24: {  	p1 =	seq.s32 s7, $0x0;
	s23 =	sadd.s32 $0xBD000, s8;
	[dreg:$0x1e] =	wrdreg s21  }
0x25: {  	s9 =	simm.s32 $0x0;
	s24 =	sadd.s32 $0x64000, s0;
	[smem:$0x7FA] =	sst s23  }
.Ltmp0:
0x26: {  	s0 =	sadd.s32 $0x69000, s0;
	[smem:$0x7FB] =	sst s24;
	(pc) =	sbr.rel .LBB2_1-.Ltmp0, $4  }
0x27: {  	s8 =	smov.u32 s13;
	s5 =	simm.s32 $0x1;
	[smem:$0x7FC] =	sst s0  }
0x28: {  	s13 =	simm.s32 $0x2;
	s20 =	sadd.s32 s16, s26;
	[dreg:$0xd] =	wrdreg s8  }
0x29: {  	s26 =	smax.u32 s10, $0x1;
	s23 =	simm.s32 $0x3;
	[dreg:$0x1d] =	wrdreg s20  }
0x2a: {  	v0 =	vmov s7;
	s0 =	simm.s32 $0x4;
	[smem:$0x7FD] =	sst s26;
	s20 =	simm.s32 $0x6  }
.LBB2_23:
0x2b: {  	[bflag:$0x0] =	sbarrier.arrive $0xFFFF  }
0x2c: {  	s4 =	sld [smem:$0x7FA]  }
0x2d: {  	s9 =	sld [smem:$0x7F8]  }
0x2e: {  	s7 =	sld [smem:$0x7EF];
	_ =	sdelay $0x2  }
0x2f: {  	[hbm:s4], [sflag:s9] =	dma.local [spmem:s7], $0x2780  }
0x30: {  	_ =	swait.ge [sflag:s20], $0x2780  }
0x31: {  	s7 =	sld [smem:$0x7FC]  }
0x32: {  	[sflag:s20] =	ssyncset.done $0x0;
	s8 =	rddreg [dreg:$0xd]  }
0x33: {  	[sflag:s20] =	ssyncadd.s32 $0xFFFFD880;
	s4 =	sshrl.u32 @!p1 s8, $0x3  }
0x34: {  	[hbm:s7], [sflag:s9] =	dma.local @!p1 [spmem:s4], $0x4F0  }
0x35: {  	s4 =	simm.s32 @!p1 $0x6  }
0x36: {  	_ =	swait.ge @!p1 [sflag:s4], $0x4F0  }
0x37: {  	s24 =	sld [smem:$0x7EE]  }
0x38: {  	s26 =	sld [smem:$0x7FD];
	_ =	sdelay $0x1  }
0x39: {  	s9 =	sadd.s32 $0x1, s24  }
0x3a: {  	p2 =	sne.s32 s9, s26  }
.Ltmp1:
0x3b: {  	_ = 	snop;
	(pc) =	sbr.rel @!p2 .LBB2_24-.Ltmp1, $3  }
0x3c: {  	_ =	sdelay $0x1  }
0x3d: {  	[sflag:s4] =	ssyncset.done @!p1 $0x0  }
0x3e: {  	[sflag:s4] =	ssyncadd.s32 @!p1 $0xFFFFFB10  }
.LBB2_1:
0x3f: {  	[smem:$0x7EE] =	sst s9  }
0x40: {  	s4 =	simm.s32 $0x0;
	s7 =	rddreg [dreg:$0xb];
	s17 =	simm.s32 $0x1F380  }
0x41: {  	[tilespmem:s17], [sflag:$0x6] =	stream.linear.gather [hbm4b:s7+s4], $0x800, $0x38;
	[tilespmem:$0x1FB80] =	vst v63  }
0x42: {  	s18 =	stileid.u32;
	_ =	swait.ge [sflag:s20], $0x800  }
0x43: {  	s7 =	sshll.u32 s18, $0x6;
	s19 =	rddreg [dreg:$0xc]  }
0x44: {  	[sflag:s20] =	ssyncset.done $0x0;
	s22 =	rddreg [dreg:$0x9];
	s21 =	sshrl.u32 s19, $0x3  }
0x45: {  	s10 =	sor.u32 $0x1C06, s7;
	[sflag:s20] =	ssyncadd.s32 $0xFFFFF800;
	[smem:$0x7EF] =	sst s21  }
0x46: {  	[spmem:s21], [sflag:s10] =	dma.local [hbm:s22], $0x800  }
0x47: {  	_ =	swait.ge [sflag:s20], $0x800  }
0x48: {  	s24 =	sshrl.u32 s8, $0x3;
	[sflag:s20] =	ssyncset.done $0x0;
	s26 =	rddreg [dreg:$0xa]  }
0x49: {  	[smem:$0x7F0] =	sst s24;
	[sflag:s20] =	ssyncadd.s32 $0xFFFFF800  }
0x4a: {  	[spmem:s24], [sflag:s10] =	dma.local [hbm:s26], $0x100  }
0x4b: {  	_ =	swait.ge [sflag:s20], $0x100  }
0x4c: {  	s11 =	rddreg [dreg:$0xe]  }
0x4d: {  	[sflag:s20] =	ssyncset.done $0x0;
	s9 =	sshrl.u32 s11, $0x3  }
0x4e: {  	[sflag:s20] =	ssyncadd.s32 $0xFFFFFF00;
	[smem:$0x7F1] =	sst s9  }
0x4f: {  	[spmem:s9], [sflag:s10] =	dma.local [hbm:s22], $0x800  }
0x50: {  	_ =	swait.ge [sflag:s20], $0x800  }
0x51: {  	s12 =	rddreg [dreg:$0xf]  }
0x52: {  	[sflag:s20] =	ssyncset.done $0x0;
	s9 =	sshrl.u32 s12, $0x3  }
0x53: {  	[sflag:s20] =	ssyncadd.s32 $0xFFFFF800;
	[smem:$0x7F2] =	sst s9  }
0x54: {  	[spmem:s9], [sflag:s10] =	dma.local [hbm:s26], $0x100  }
0x55: {  	_ =	swait.ge [sflag:s20], $0x100  }
0x56: {  	s14 =	rddreg [dreg:$0x10]  }
0x57: {  	[sflag:s20] =	ssyncset.done $0x0;
	s9 =	sshrl.u32 s14, $0x3  }
0x58: {  	[sflag:s20] =	ssyncadd.s32 $0xFFFFFF00;
	[smem:$0x7F3] =	sst s9  }
0x59: {  	[spmem:s9], [sflag:s10] =	dma.local [hbm:s22], $0x800  }
0x5a: {  	_ =	swait.ge [sflag:s20], $0x800  }
0x5b: {  	s15 =	rddreg [dreg:$0x11]  }
0x5c: {  	[sflag:s20] =	ssyncset.done $0x0;
	s9 =	sshrl.u32 s15, $0x3  }
0x5d: {  	[sflag:s20] =	ssyncadd.s32 $0xFFFFF800;
	[smem:$0x7F4] =	sst s9  }
0x5e: {  	[spmem:s9], [sflag:s10] =	dma.local [hbm:s26], $0x100  }
0x5f: {  	_ =	swait.ge [sflag:s20], $0x100  }
0x60: {  	s16 =	rddreg [dreg:$0x12]  }
0x61: {  	[sflag:s20] =	ssyncset.done $0x0;
	s9 =	sshrl.u32 s16, $0x3  }
0x62: {  	[sflag:s20] =	ssyncadd.s32 $0xFFFFFF00;
	[smem:$0x7F5] =	sst s9  }
0x63: {  	[spmem:s9], [sflag:s10] =	dma.local [hbm:s22], $0x800  }
0x64: {  	_ =	swait.ge [sflag:s20], $0x800  }
0x65: {  	s17 =	rddreg [dreg:$0x13]  }
0x66: {  	[sflag:s20] =	ssyncset.done $0x0;
	s9 =	sshrl.u32 s17, $0x3  }
0x67: {  	[sflag:s20] =	ssyncadd.s32 $0xFFFFF800;
	[smem:$0x7F6] =	sst s9  }
0x68: {  	[spmem:s9], [sflag:s10] =	dma.local [hbm:s26], $0x100  }
0x69: {  	_ =	swait.ge [sflag:s20], $0x100  }
0x6a: {  	s18 =	rddreg [dreg:$0x14]  }
0x6b: {  	[sflag:s20] =	ssyncset.done $0x0;
	s9 =	sshrl.u32 s18, $0x3  }
0x6c: {  	[sflag:s20] =	ssyncadd.s32 $0xFFFFFF00;
	[smem:$0x7F7] =	sst s9  }
0x6d: {  	[spmem:s9], [sflag:s10] =	dma.local [hbm:s22], $0x780  }
0x6e: {  	_ =	swait.ge [sflag:s20], $0x780  }
0x6f: {  	s19 =	rddreg [dreg:$0x15]  }
0x70: {  	[sflag:s20] =	ssyncset.done $0x0;
	[smem:$0x7F8] =	sst s10;
	s7 =	sshrl.u32 s19, $0x3  }
0x71: {  	[sflag:s20] =	ssyncadd.s32 $0xFFFFF880;
	[smem:$0x7F9] =	sst s7  }
0x72: {  	[spmem:s7], [sflag:s10] =	dma.local [hbm:s26], $0xF0  }
0x73: {  	_ =	swait.ge [sflag:s20], $0xF0  }
0x74: {  	[sflag:s20] =	ssyncset.done $0x0  }
0x75: {  	[sflag:s20] =	ssyncadd.s32 $0xFFFFFF10  }
0x76: {  	[bflag:$0x0] =	sbarrier.arrive $0xFFFF  }
0x77: {  	s22 =	simm.s32 $0x16380;
	s21 =	rddreg [dreg:$0x17]  }
0x78: {  	[tilespmem:s22], [sflag:$0x3] =	stream.linear.gather [hbm4b:s21+s4], $0x400, $0x38;
	[tilespmem:$0x1FB80] =	vst v63  }
0x79: {  	s26 =	simm.s32 $0x16B80;
	s24 =	rddreg [dreg:$0x18]  }
0x7a: {  	[tilespmem:s26], [sflag:$0x3] =	stream.linear.gather [hbm4b:s24+s4], $0x400, $0x38;
	[tilespmem:$0x1FB80] =	vst v63  }
0x7b: {  	_ =	swait.ge [sflag:s23], $0x400  }
0x7c: {  	[sflag:s23] =	ssyncset.done $0x0  }
0x7d: {  	[sflag:s23] =	ssyncadd.s32 $0xFFFFFC00  }
0x7e: {  	_ =	swait.ge [sflag:s23], $0x400  }
0x7f: {  	[sflag:s23] =	ssyncset.done $0x0  }
0x80: {  	s7 =	simm.s32 $0x0;
	[sflag:s23] =	ssyncadd.s32 $0xFFFFFC00  }
0x81: {  	v2 =	vld [tilespmem:s7+$0x16380]  }
0x82: {  	v3 =	vld [tilespmem:s7+$0x16390]  }
0x83: {  	v5 =	vld [tilespmem:s7+$0x163A0]  }
0x84: {  	v4 =	vld [tilespmem:s7+$0x163B0]  }
0x85: {  	v1 =	vld [tilespmem:s7+$0x163C0]  }
0x86: {  	v6 =	vshll.u32 v2, $0x1;
	v2 =	vld [tilespmem:s7+$0x163D0]  }
0x87: {  	s8 =	simm.s32 $0x200;
	v7 =	vshll.u32 v3, $0x1;
	v3 =	vld [tilespmem:s7+$0x163E0];
	v6 =	vor.u32 v0, v6  }
.LBB2_2:
0x88: {  	s9 =	sshra.s32 s8, $0x2;
	p2 =	sne.s32 s8, $0xE00;
	[tilespmem:s7+$0x16380] =	vst v6;
	v6 =	vor.u32 v0, v7;
	v5 =	vshll.u32 v5, $0x1;
	v7 =	vld [tilespmem:s7+$0x163F0]  }
0x89: {  	v8 =	vld [tilespmem:s9+$0x16380];
	[tilespmem:s7+$0x16390] =	vst v6;
	v5 =	vor.u32 v0, v5;
	v4 =	vshll.u32 v4, $0x1  }
0x8a: {  	v9 =	vld [tilespmem:s9+$0x16390];
	[tilespmem:s7+$0x163A0] =	vst v5;
	v4 =	vor.u32 v0, v4;
	v1 =	vshll.u32 v1, $0x1  }
.Ltmp2:
0x8b: {  	v5 =	vld [tilespmem:s9+$0x163A0];
	[tilespmem:s7+$0x163B0] =	vst v4;
	v1 =	vor.u32 v0, v1;
	v2 =	vshll.u32 v2, $0x1;
	(pc) =	sbr.rel @p2 .LBB2_2-.Ltmp2, $4  }
0x8c: {  	v4 =	vld [tilespmem:s9+$0x163B0];
	[tilespmem:s7+$0x163C0] =	vst v1;
	v2 =	vor.u32 v0, v2;
	v3 =	vshll.u32 v3, $0x1  }
0x8d: {  	v1 =	vld [tilespmem:s9+$0x163C0];
	[tilespmem:s7+$0x163D0] =	vst v2;
	v3 =	vor.u32 v0, v3;
	v6 =	vshll.u32 v7, $0x1  }
0x8e: {  	v7 =	vshll.u32 v8, $0x1;
	v2 =	vld [tilespmem:s9+$0x163D0];
	[tilespmem:s7+$0x163E0] =	vst v3;
	v8 =	vor.u32 v0, v6  }
0x8f: {  	s8 =	sadd.s32 $0x200, s8;
	v6 =	vor.u32 v0, v7;
	v7 =	vshll.u32 v9, $0x1;
	v3 =	vld [tilespmem:s9+$0x163E0];
	[tilespmem:s7+$0x163F0] =	vst v8;
	s7 =	smov.u32 s9  }
0x90: {  	[tilespmem:s7+$0x16380] =	vst v6;
	v62 =	vor.u32 v0, v7;
	v5 =	vshll.u32 v5, $0x1;
	v63 =	vld [tilespmem:s7+$0x163F0]  }
0x91: {  	[tilespmem:s7+$0x16390] =	vst v62;
	v5 =	vor.u32 v0, v5;
	v4 =	vshll.u32 v4, $0x1  }
0x92: {  	[tilespmem:s7+$0x163A0] =	vst v5;
	v4 =	vor.u32 v0, v4;
	v1 =	vshll.u32 v1, $0x1  }
0x93: {  	[tilespmem:s7+$0x163B0] =	vst v4;
	v1 =	vor.u32 v0, v1;
	v2 =	vshll.u32 v2, $0x1  }
0x94: {  	[tilespmem:s7+$0x163C0] =	vst v1;
	v1 =	vor.u32 v0, v2;
	v2 =	vshll.u32 v3, $0x1  }
0x95: {  	[tilespmem:s7+$0x163D0] =	vst v1;
	v1 =	vor.u32 v0, v2;
	v2 =	vshll.u32 v63, $0x1  }
0x96: {  	[tilespmem:s7+$0x163E0] =	vst v1;
	v1 =	vor.u32 v0, v2  }
0x97: {  	s16 =	simm.s32 $0x0;
	s4 =	rddreg [dreg:$0x1b];
	s21 =	simm.s32 $0x16780;
	[tilespmem:s7+$0x163F0] =	vst v1  }
0x98: {  	[tilespmem:s21], [sflag:$0x4] =	stream.linear.gather [hbm4b:s4+s16], $0x400, $0x38;
	[tilespmem:$0x1FB80] =	vst v63  }
0x99: {  	s22 =	rddreg [dreg:$0x1c]  }
0x9a: {  	[tilespmem:s28], [sflag:$0x4] =	stream.linear.gather [hbm4b:s22+s16], $0x400, $0x38;
	[tilespmem:$0x1FB80] =	vst v63  }
0x9b: {  	s24 =	simm.s32 $0x16380  }
0x9c: {  	[tilespmem:s30], [sflag:$0x1] =	stream.indirect.gather [hbm4b:s1+s29], $0x80, s24, s29, $0xb8;
	[tilespmem:$0x1FB80] =	vst v63  }
0x9d: {  	s26 =	simm.s32 $0x16400  }
0x9e: {  	[tilespmem:s31], [sflag:$0x2] =	stream.indirect.gather [hbm4b:s1+s29], $0x80, s26, s29, $0xb8;
	[tilespmem:$0x1FB80] =	vst v63  }
.LBB2_4:
0x9f: {  	_ =	swait.ge [sflag:s0], $0x400  }
0xa0: {  	[sflag:s0] =	ssyncset.done $0x0  }
0xa1: {  	[sflag:s0] =	ssyncadd.s32 $0xFFFFFC00  }
0xa2: {  	_ =	swait.ge [sflag:s0], $0x400  }
0xa3: {  	[sflag:s0] =	ssyncset.done $0x0  }
0xa4: {  	s7 =	simm.s32 $0x0;
	[sflag:s0] =	ssyncadd.s32 $0xFFFFFC00  }
0xa5: {  	v2 =	vld [tilespmem:s7+$0x16780]  }
0xa6: {  	v3 =	vld [tilespmem:s7+$0x16790]  }
0xa7: {  	v5 =	vld [tilespmem:s7+$0x167A0]  }
0xa8: {  	v4 =	vld [tilespmem:s7+$0x167B0]  }
0xa9: {  	v1 =	vld [tilespmem:s7+$0x167C0]  }
0xaa: {  	v6 =	vshll.u32 v2, $0x1;
	v2 =	vld [tilespmem:s7+$0x167D0]  }
0xab: {  	s8 =	simm.s32 $0x200;
	v7 =	vshll.u32 v3, $0x1;
	v3 =	vld [tilespmem:s7+$0x167E0];
	v6 =	vor.u32 v0, v6  }
.LBB2_5:
0xac: {  	s9 =	sshra.s32 s8, $0x2;
	p2 =	sne.s32 s8, $0xE00;
	[tilespmem:s7+$0x16780] =	vst v6;
	v6 =	vor.u32 v0, v7;
	v5 =	vshll.u32 v5, $0x1;
	v7 =	vld [tilespmem:s7+$0x167F0]  }
0xad: {  	v8 =	vld [tilespmem:s9+$0x16780];
	[tilespmem:s7+$0x16790] =	vst v6;
	v5 =	vor.u32 v0, v5;
	v4 =	vshll.u32 v4, $0x1  }
0xae: {  	v9 =	vld [tilespmem:s9+$0x16790];
	[tilespmem:s7+$0x167A0] =	vst v5;
	v4 =	vor.u32 v0, v4;
	v1 =	vshll.u32 v1, $0x1  }
.Ltmp3:
0xaf: {  	v5 =	vld [tilespmem:s9+$0x167A0];
	[tilespmem:s7+$0x167B0] =	vst v4;
	v1 =	vor.u32 v0, v1;
	v2 =	vshll.u32 v2, $0x1;
	(pc) =	sbr.rel @p2 .LBB2_5-.Ltmp3, $4  }
0xb0: {  	v4 =	vld [tilespmem:s9+$0x167B0];
	[tilespmem:s7+$0x167C0] =	vst v1;
	v2 =	vor.u32 v0, v2;
	v3 =	vshll.u32 v3, $0x1  }
0xb1: {  	v1 =	vld [tilespmem:s9+$0x167C0];
	[tilespmem:s7+$0x167D0] =	vst v2;
	v3 =	vor.u32 v0, v3;
	v6 =	vshll.u32 v7, $0x1  }
0xb2: {  	v7 =	vshll.u32 v8, $0x1;
	v2 =	vld [tilespmem:s9+$0x167D0];
	[tilespmem:s7+$0x167E0] =	vst v3;
	v8 =	vor.u32 v0, v6  }
0xb3: {  	s8 =	sadd.s32 $0x200, s8;
	v6 =	vor.u32 v0, v7;
	v7 =	vshll.u32 v9, $0x1;
	v3 =	vld [tilespmem:s9+$0x167E0];
	[tilespmem:s7+$0x167F0] =	vst v8;
	s7 =	smov.u32 s9  }
0xb4: {  	[tilespmem:s7+$0x16780] =	vst v6;
	v62 =	vor.u32 v0, v7;
	v5 =	vshll.u32 v5, $0x1;
	v63 =	vld [tilespmem:s7+$0x167F0]  }
0xb5: {  	[tilespmem:s7+$0x16790] =	vst v62;
	v5 =	vor.u32 v0, v5;
	v4 =	vshll.u32 v4, $0x1  }
0xb6: {  	[tilespmem:s7+$0x167A0] =	vst v5;
	v4 =	vor.u32 v0, v4;
	v1 =	vshll.u32 v1, $0x1  }
0xb7: {  	[tilespmem:s7+$0x167B0] =	vst v4;
	v1 =	vor.u32 v0, v1;
	v2 =	vshll.u32 v2, $0x1  }
0xb8: {  	[tilespmem:s7+$0x167C0] =	vst v1;
	v1 =	vor.u32 v0, v2;
	v2 =	vshll.u32 v3, $0x1  }
0xb9: {  	[tilespmem:s7+$0x167D0] =	vst v1;
	v1 =	vor.u32 v0, v2;
	v2 =	vshll.u32 v63, $0x1  }
0xba: {  	[tilespmem:s7+$0x167E0] =	vst v1;
	v1 =	vor.u32 v0, v2  }
0xbb: {  	[tilespmem:s7+$0x167F0] =	vst v1  }
0xbc: {  	_ =	swait.ge [sflag:s5], $0x4000  }
0xbd: {  	[sflag:s5] =	ssyncset.done $0x0  }
0xbe: {  	s4 =	simm.s32 $0x16B80;
	[sflag:s5] =	ssyncadd.s32 $0xFFFFC000  }
0xbf: {  	[spmem:s2] =	stream.indirect.scatter.add.f32 [tilespmem:s30], [sflag:$0x6], $0x80, s4, s29, $0xb8;
	[tilespmem:$0x1FB80] =	vst v63  }
0xc0: {  	_ =	swait.ge [sflag:s20], $0x4000  }
0xc1: {  	s19 =	simm.s32 @p0 $0x80;
	s11 =	simm.s32 @p0 $0x17380;
	[sflag:s20] =	ssyncset.done $0x0  }
0xc2: {  	s15 =	simm.s32 @p0 $0x2;
	s7 =	simm.s32 @p0 $0x16480;
	[sflag:s20] =	ssyncadd.s32 $0xFFFFC000  }
0xc3: {  	[tilespmem:s11], [sflag:$0x1] =	stream.indirect.gather @p0 [hbm4b:s1+s19], $0x80, s7, s19, $0xb8;
	[tilespmem:$0x1FB80] =	vst v63  }
0xc4: {  	_ =	swait.ge @p0 [sflag:s15], $0x4000  }
0xc5: {  	s21 =	simm.s32 @p0 $0x1B380;
	[sflag:s15] =	ssyncset.done @p0 $0x0  }
0xc6: {  	s12 =	simm.s32 @p0 $0x6;
	s7 =	simm.s32 @p0 $0x16C00;
	[sflag:s15] =	ssyncadd.s32 @p0 $0xFFFFC000  }
0xc7: {  	[spmem:s2] =	stream.indirect.scatter.add.f32 @p0 [tilespmem:s21], [sflag:$0x6], $0x80, s7, s19, $0xb8;
	[tilespmem:$0x1FB80] =	vst v63  }
0xc8: {  	_ =	swait.ge @p0 [sflag:s12], $0x4000  }
0xc9: {  	s17 =	simm.s32 @!p0 $0x80;
	[sflag:s12] =	ssyncset.done @p0 $0x0  }
0xca: {  	s18 =	simm.s32 @!p0 $0x1F380;
	s7 =	simm.s32 @!p0 $0x16B80;
	[sflag:s12] =	ssyncadd.s32 @p0 $0xFFFFC000  }
0xcb: {  	[spmem:s3] =	stream.indirect.scatter.add.f32 @!p0 [tilespmem:s18], [sflag:$0x5], $0x10, s7, s17, $0xb8;
	[tilespmem:$0x1FB80] =	vst v63  }
0xcc: {  	s26 =	simm.s32 @!p0 $0x17380;
	s24 =	simm.s32 @!p0 $0x2;
	s7 =	simm.s32 @!p0 $0x16480  }
0xcd: {  	[tilespmem:s26], [sflag:$0x1] =	stream.indirect.gather @!p0 [hbm4b:s1+s17], $0x80, s7, s17, $0xb8;
	[tilespmem:$0x1FB80] =	vst v63  }
0xce: {  	_ =	swait.ge @!p0 [sflag:s24], $0x4000  }
0xcf: {  	s8 =	simm.s32 @!p0 $0x16C00;
	[sflag:s24] =	ssyncset.done @!p0 $0x0  }
0xd0: {  	s14 =	simm.s32 @!p0 $0x6;
	s7 =	simm.s32 @!p0 $0x1B380;
	[sflag:s24] =	ssyncadd.s32 @!p0 $0xFFFFC000  }
0xd1: {  	[spmem:s2] =	stream.indirect.scatter.add.f32 @!p0 [tilespmem:s7], [sflag:$0x6], $0x80, s8, s17, $0xb8;
	[tilespmem:$0x1FB80] =	vst v63  }
0xd2: {  	_ =	swait.ge @!p0 [sflag:s14], $0x4000  }
0xd3: {  	[sflag:s14] =	ssyncset.done @!p0 $0x0  }
0xd4: {  	[sflag:s14] =	ssyncadd.s32 @!p0 $0xFFFFC000  }
0xd5: {  	[spmem:s3] =	stream.indirect.scatter.add.f32 @!p0 [tilespmem:s18], [sflag:$0x5], $0x10, s8, s17, $0xb8;
	[tilespmem:$0x1FB80] =	vst v63  }
0xd6: {  	s10 =	simm.s32 $0x16500  }
0xd7: {  	[tilespmem:s31], [sflag:$0x2] =	stream.indirect.gather [hbm4b:s1+s29], $0x80, s10, s29, $0xb8;
	[tilespmem:$0x1FB80] =	vst v63  }
0xd8: {  	_ =	swait.ge [sflag:s5], $0x4000  }
0xd9: {  	[sflag:s5] =	ssyncset.done $0x0  }
0xda: {  	s22 =	simm.s32 $0x16C80;
	[sflag:s5] =	ssyncadd.s32 $0xFFFFC000  }
0xdb: {  	[spmem:s2] =	stream.indirect.scatter.add.f32 [tilespmem:s30], [sflag:$0x6], $0x80, s22, s29, $0xb8;
	[tilespmem:$0x1FB80] =	vst v63  }
0xdc: {  	_ =	swait.ge [sflag:s20], $0x4000  }
0xdd: {  	[sflag:s20] =	ssyncset.done $0x0  }
0xde: {  	s8 =	simm.s32 @p0 $0x16580;
	[sflag:s20] =	ssyncadd.s32 $0xFFFFC000  }
0xdf: {  	[tilespmem:s11], [sflag:$0x1] =	stream.indirect.gather @p0 [hbm4b:s1+s19], $0x80, s8, s19, $0xb8;
	[tilespmem:$0x1FB80] =	vst v63  }
0xe0: {  	_ =	swait.ge @p0 [sflag:s15], $0x4000  }
0xe1: {  	[sflag:s15] =	ssyncset.done @p0 $0x0  }
0xe2: {  	s8 =	simm.s32 @p0 $0x16D00;
	[sflag:s15] =	ssyncadd.s32 @p0 $0xFFFFC000  }
0xe3: {  	[spmem:s2] =	stream.indirect.scatter.add.f32 @p0 [tilespmem:s21], [sflag:$0x6], $0x80, s8, s19, $0xb8;
	[tilespmem:$0x1FB80] =	vst v63  }
0xe4: {  	_ =	swait.ge @p0 [sflag:s12], $0x4000  }
0xe5: {  	[sflag:s12] =	ssyncset.done @p0 $0x0  }
0xe6: {  	s8 =	simm.s32 @!p0 $0x16C80;
	[sflag:s12] =	ssyncadd.s32 @p0 $0xFFFFC000  }
0xe7: {  	[spmem:s3] =	stream.indirect.scatter.add.f32 @!p0 [tilespmem:s18], [sflag:$0x5], $0x10, s8, s17, $0xb8;
	[tilespmem:$0x1FB80] =	vst v63  }
0xe8: {  	s8 =	simm.s32 @!p0 $0x16580  }
0xe9: {  	[tilespmem:s26], [sflag:$0x1] =	stream.indirect.gather @!p0 [hbm4b:s1+s17], $0x80, s8, s17, $0xb8;
	[tilespmem:$0x1FB80] =	vst v63  }
0xea: {  	_ =	swait.ge @!p0 [sflag:s24], $0x4000  }
0xeb: {  	[sflag:s24] =	ssyncset.done @!p0 $0x0  }
0xec: {  	s8 =	simm.s32 @!p0 $0x16D00;
	[sflag:s24] =	ssyncadd.s32 @!p0 $0xFFFFC000  }
0xed: {  	[spmem:s2] =	stream.indirect.scatter.add.f32 @!p0 [tilespmem:s7], [sflag:$0x6], $0x80, s8, s17, $0xb8;
	[tilespmem:$0x1FB80] =	vst v63  }
0xee: {  	_ =	swait.ge @!p0 [sflag:s14], $0x4000  }
0xef: {  	[sflag:s14] =	ssyncset.done @!p0 $0x0  }
0xf0: {  	[sflag:s14] =	ssyncadd.s32 @!p0 $0xFFFFC000  }
0xf1: {  	[spmem:s3] =	stream.indirect.scatter.add.f32 @!p0 [tilespmem:s18], [sflag:$0x5], $0x10, s8, s17, $0xb8;
	[tilespmem:$0x1FB80] =	vst v63  }
0xf2: {  	s8 =	simm.s32 $0x16600  }
0xf3: {  	[tilespmem:s31], [sflag:$0x2] =	stream.indirect.gather [hbm4b:s1+s29], $0x80, s8, s29, $0xb8;
	[tilespmem:$0x1FB80] =	vst v63  }
0xf4: {  	_ =	swait.ge [sflag:s5], $0x4000  }
0xf5: {  	[sflag:s5] =	ssyncset.done $0x0  }
0xf6: {  	s9 =	simm.s32 $0x16D80;
	[sflag:s5] =	ssyncadd.s32 $0xFFFFC000  }
0xf7: {  	[spmem:s2] =	stream.indirect.scatter.add.f32 [tilespmem:s30], [sflag:$0x6], $0x80, s9, s29, $0xb8;
	[tilespmem:$0x1FB80] =	vst v63  }
0xf8: {  	_ =	swait.ge [sflag:s20], $0x4000  }
0xf9: {  	[sflag:s20] =	ssyncset.done $0x0  }
0xfa: {  	s8 =	simm.s32 @p0 $0x16680;
	[sflag:s20] =	ssyncadd.s32 $0xFFFFC000  }
0xfb: {  	[tilespmem:s11], [sflag:$0x1] =	stream.indirect.gather @p0 [hbm4b:s1+s19], $0x80, s8, s19, $0xb8;
	[tilespmem:$0x1FB80] =	vst v63  }
0xfc: {  	_ =	swait.ge @p0 [sflag:s15], $0x4000  }
0xfd: {  	[sflag:s15] =	ssyncset.done @p0 $0x0  }
0xfe: {  	s8 =	simm.s32 @p0 $0x16E00;
	[sflag:s15] =	ssyncadd.s32 @p0 $0xFFFFC000  }
0xff: {  	[spmem:s2] =	stream.indirect.scatter.add.f32 @p0 [tilespmem:s21], [sflag:$0x6], $0x80, s8, s19, $0xb8;
	[tilespmem:$0x1FB80] =	vst v63  }
0x100: {  	_ =	swait.ge @p0 [sflag:s12], $0x4000  }
0x101: {  	[sflag:s12] =	ssyncset.done @p0 $0x0  }
0x102: {  	s8 =	simm.s32 @!p0 $0x16D80;
	[sflag:s12] =	ssyncadd.s32 @p0 $0xFFFFC000  }
0x103: {  	[spmem:s3] =	stream.indirect.scatter.add.f32 @!p0 [tilespmem:s18], [sflag:$0x5], $0x10, s8, s17, $0xb8;
	[tilespmem:$0x1FB80] =	vst v63  }
0x104: {  	s8 =	simm.s32 @!p0 $0x16680  }
0x105: {  	[tilespmem:s26], [sflag:$0x1] =	stream.indirect.gather @!p0 [hbm4b:s1+s17], $0x80, s8, s17, $0xb8;
	[tilespmem:$0x1FB80] =	vst v63  }
0x106: {  	_ =	swait.ge @!p0 [sflag:s24], $0x4000  }
0x107: {  	[sflag:s24] =	ssyncset.done @!p0 $0x0  }
0x108: {  	s8 =	simm.s32 @!p0 $0x16E00;
	[sflag:s24] =	ssyncadd.s32 @!p0 $0xFFFFC000  }
0x109: {  	[spmem:s2] =	stream.indirect.scatter.add.f32 @!p0 [tilespmem:s7], [sflag:$0x6], $0x80, s8, s17, $0xb8;
	[tilespmem:$0x1FB80] =	vst v63  }
0x10a: {  	_ =	swait.ge @!p0 [sflag:s14], $0x4000  }
0x10b: {  	[sflag:s14] =	ssyncset.done @!p0 $0x0  }
0x10c: {  	[sflag:s14] =	ssyncadd.s32 @!p0 $0xFFFFC000  }
0x10d: {  	[spmem:s3] =	stream.indirect.scatter.add.f32 @!p0 [tilespmem:s18], [sflag:$0x5], $0x10, s8, s17, $0xb8;
	[tilespmem:$0x1FB80] =	vst v63  }
0x10e: {  	s10 =	simm.s32 $0x16700  }
0x10f: {  	[tilespmem:s31], [sflag:$0x2] =	stream.indirect.gather [hbm4b:s1+s29], $0x80, s10, s29, $0xb8;
	[tilespmem:$0x1FB80] =	vst v63  }
0x110: {  	_ =	swait.ge [sflag:s5], $0x4000  }
0x111: {  	[sflag:s5] =	ssyncset.done $0x0  }
0x112: {  	s22 =	simm.s32 $0x16E80;
	[sflag:s5] =	ssyncadd.s32 $0xFFFFC000  }
0x113: {  	[spmem:s2] =	stream.indirect.scatter.add.f32 [tilespmem:s30], [sflag:$0x6], $0x80, s22, s29, $0xb8;
	[tilespmem:$0x1FB80] =	vst v63  }
0x114: {  	_ =	swait.ge [sflag:s20], $0x4000  }
0x115: {  	s9 =	simm.s32 @p1 $0x16E80;
	[sflag:s20] =	ssyncset.done $0x0  }
0x116: {  	s8 =	simm.s32 @p1 $0x80;
	s10 =	simm.s32 @p1 $0x1F380;
	[sflag:s20] =	ssyncadd.s32 $0xFFFFC000  }
0x117: {  	[spmem:s3] =	stream.indirect.scatter.add.f32 @p1 [tilespmem:s10], [sflag:$0x5], $0x10, s9, s8, $0xb8;
	[tilespmem:$0x1FB80] =	vst v63  }
0x118: {  	s22 =	simm.s32 @p1 $0x17380;
	s9 =	simm.s32 @p1 $0x16780  }
0x119: {  	[tilespmem:s22], [sflag:$0x1] =	stream.indirect.gather @p1 [hbm4b:s1+s8], $0x80, s9, s8, $0xb8;
	[tilespmem:$0x1FB80] =	vst v63  }
0x11a: {  	s9 =	simm.s32 @p1 $0x2  }
0x11b: {  	_ =	swait.ge @p1 [sflag:s9], $0x4000  }
0x11c: {  	s4 =	simm.s32 @p1 $0x6;
	[sflag:s9] =	ssyncset.done @p1 $0x0  }
0x11d: {  	s22 =	simm.s32 @p1 $0x1B380;
	[sflag:s9] =	ssyncadd.s32 @p1 $0xFFFFC000;
	s9 =	simm.s32 @p1 $0x16F00  }
0x11e: {  	[spmem:s2] =	stream.indirect.scatter.add.f32 @p1 [tilespmem:s22], [sflag:$0x6], $0x80, s9, s8, $0xb8;
	[tilespmem:$0x1FB80] =	vst v63  }
0x11f: {  	_ =	swait.ge @p1 [sflag:s4], $0x4000  }
0x120: {  	[sflag:s4] =	ssyncset.done @p1 $0x0  }
0x121: {  	[sflag:s4] =	ssyncadd.s32 @p1 $0xFFFFC000  }
0x122: {  	[spmem:s3] =	stream.indirect.scatter.add.f32 @p1 [tilespmem:s10], [sflag:$0x5], $0x10, s9, s8, $0xb8;
	[tilespmem:$0x1FB80] =	vst v63  }
0x123: {  	s4 =	simm.s32 @p1 $0x16800  }
0x124: {  	[tilespmem:s22], [sflag:$0x2] =	stream.indirect.gather @p1 [hbm4b:s1+s8], $0x80, s4, s8, $0xb8;
	[tilespmem:$0x1FB80] =	vst v63  }
0x125: {  	s4 =	simm.s32 @p1 $0x5  }
0x126: {  	_ =	swait.ge @p1 [sflag:s4], $0x800  }
0x127: {  	[sflag:s4] =	ssyncset.done @p1 $0x0  }
0x128: {  	[sflag:s4] =	ssyncadd.s32 @p1 $0xFFFFF800  }
0x129: {  	_ =	swait.ge @p1 [sflag:s4], $0x800  }
0x12a: {  	[sflag:s4] =	ssyncset.done @p1 $0x0  }
0x12b: {  	[sflag:s4] =	ssyncadd.s32 @p1 $0xFFFFF800  }
0x12c: {  	_ =	swait.ge @p1 [sflag:s4], $0x800  }
0x12d: {  	[sflag:s4] =	ssyncset.done @p1 $0x0  }
0x12e: {  	[sflag:s4] =	ssyncadd.s32 @p1 $0xFFFFF800  }
0x12f: {  	_ =	swait.ge @p1 [sflag:s4], $0x800  }
0x130: {  	[sflag:s4] =	ssyncset.done @p1 $0x0  }
0x131: {  	[sflag:s4] =	ssyncadd.s32 @p1 $0xFFFFF800  }
0x132: {  	_ =	swait.ge @p1 [sflag:s4], $0x800  }
0x133: {  	[sflag:s4] =	ssyncset.done @p1 $0x0  }
0x134: {  	[sflag:s4] =	ssyncadd.s32 @p1 $0xFFFFF800  }
0x135: {  	_ =	swait.ge @p1 [sflag:s4], $0x800  }
0x136: {  	[sflag:s4] =	ssyncset.done @p1 $0x0  }
0x137: {  	[sflag:s4] =	ssyncadd.s32 @p1 $0xFFFFF800  }
0x138: {  	_ =	swait.ge @p1 [sflag:s4], $0x800  }
0x139: {  	[sflag:s4] =	ssyncset.done @p1 $0x0  }
0x13a: {  	[sflag:s4] =	ssyncadd.s32 @p1 $0xFFFFF800  }
0x13b: {  	_ =	swait.ge @p1 [sflag:s4], $0x800  }
0x13c: {  	s9 =	simm.s32 @!p1 $0x17380;
	[sflag:s4] =	ssyncset.done @p1 $0x0  }
0x13d: {  	s8 =	simm.s32 @!p1 $0x16780;
	[sflag:s4] =	ssyncadd.s32 @p1 $0xFFFFF800;
	s4 =	simm.s32 @!p1 $0x80  }
0x13e: {  	[tilespmem:s9], [sflag:$0x1] =	stream.indirect.gather @!p1 [hbm4b:s1+s4], $0x80, s8, s4, $0xb8;
	[tilespmem:$0x1FB80] =	vst v63  }
0x13f: {  	s8 =	simm.s32 @!p1 $0x2  }
0x140: {  	_ =	swait.ge @!p1 [sflag:s8], $0x4000  }
0x141: {  	[sflag:s8] =	ssyncset.done @!p1 $0x0  }
0x142: {  	s9 =	simm.s32 @!p1 $0x1B380;
	[sflag:s8] =	ssyncadd.s32 @!p1 $0xFFFFC000;
	s8 =	simm.s32 @!p1 $0x16F00  }
0x143: {  	[spmem:s2] =	stream.indirect.scatter.add.f32 @!p1 [tilespmem:s9], [sflag:$0x6], $0x80, s8, s4, $0xb8;
	[tilespmem:$0x1FB80] =	vst v63  }
0x144: {  	p2 =	seq.s32 s16, $0x4;
	s8 =	simm.s32 @!p1 $0x6  }
.Ltmp4:
0x145: {  	_ =	swait.ge @!p1 [sflag:s8], $0x4000;
	(pc) =	sbr.rel @p2 .LBB2_10-.Ltmp4, $4  }
0x146: {  	[sflag:s8] =	ssyncset.done @!p1 $0x0  }
0x147: {  	[sflag:s8] =	ssyncadd.s32 @!p1 $0xFFFFC000;
	s8 =	simm.s32 @!p1 $0x16800  }
0x148: {  	[tilespmem:s9], [sflag:$0x2] =	stream.indirect.gather @!p1 [hbm4b:s1+s4], $0x80, s8, s4, $0xb8;
	[tilespmem:$0x1FB80] =	vst v63  }
0x149: {  	s8 =	sshll.u32 s16, $0xB  }
0x14a: {  	s4 =	rddreg [dreg:$0x16]  }
0x14b: {  	s4 =	sadd.s32 s8, s4  }
0x14c: {  	s9 =	rddreg [dreg:$0x5];
	s4 =	sshrl.u32 s4, $0x3  }
0x14d: {  	s10 =	simm.s32 $0x0;
	s22 =	simm.s32 $0x16380;
	s9 =	sadd.s32 s9, s4  }
0x14e: {  	[tilespmem:s22], [sflag:$0x3] =	stream.linear.gather [hbm4b:s9+s10], $0x400, $0x38;
	[tilespmem:$0x1FB80] =	vst v63  }
0x14f: {  	s22 =	rddreg [dreg:$0x6]  }
0x150: {  	s4 =	sadd.s32 s22, s4;
	s22 =	simm.s32 $0x16B80  }
0x151: {  	[tilespmem:s22], [sflag:$0x3] =	stream.linear.gather [hbm4b:s4+s10], $0x400, $0x38;
	[tilespmem:$0x1FB80] =	vst v63  }
0x152: {  	_ =	swait.ge [sflag:s23], $0x400  }
0x153: {  	[sflag:s23] =	ssyncset.done $0x0  }
0x154: {  	[sflag:s23] =	ssyncadd.s32 $0xFFFFFC00  }
0x155: {  	_ =	swait.ge [sflag:s23], $0x400  }
0x156: {  	[sflag:s23] =	ssyncset.done $0x0  }
0x157: {  	s9 =	simm.s32 $0x0;
	[sflag:s23] =	ssyncadd.s32 $0xFFFFFC00  }
0x158: {  	v2 =	vld [tilespmem:s9+$0x16380]  }
0x159: {  	v3 =	vld [tilespmem:s9+$0x16390]  }
0x15a: {  	v5 =	vld [tilespmem:s9+$0x163A0]  }
0x15b: {  	v4 =	vld [tilespmem:s9+$0x163B0]  }
0x15c: {  	v1 =	vld [tilespmem:s9+$0x163C0]  }
0x15d: {  	v6 =	vshll.u32 v2, $0x1;
	v2 =	vld [tilespmem:s9+$0x163D0]  }
0x15e: {  	s10 =	simm.s32 $0x200;
	v7 =	vshll.u32 v3, $0x1;
	v3 =	vld [tilespmem:s9+$0x163E0];
	v6 =	vor.u32 v0, v6  }
.LBB2_8:
0x15f: {  	s4 =	sshra.s32 s10, $0x2;
	p3 =	sne.s32 s10, $0xE00;
	[tilespmem:s9+$0x16380] =	vst v6;
	v6 =	vor.u32 v0, v7;
	v5 =	vshll.u32 v5, $0x1;
	v7 =	vld [tilespmem:s9+$0x163F0]  }
0x160: {  	v8 =	vld [tilespmem:s4+$0x16380];
	[tilespmem:s9+$0x16390] =	vst v6;
	v5 =	vor.u32 v0, v5;
	v4 =	vshll.u32 v4, $0x1  }
0x161: {  	v9 =	vld [tilespmem:s4+$0x16390];
	[tilespmem:s9+$0x163A0] =	vst v5;
	v4 =	vor.u32 v0, v4;
	v1 =	vshll.u32 v1, $0x1  }
.Ltmp5:
0x162: {  	v5 =	vld [tilespmem:s4+$0x163A0];
	[tilespmem:s9+$0x163B0] =	vst v4;
	v1 =	vor.u32 v0, v1;
	v2 =	vshll.u32 v2, $0x1;
	(pc) =	sbr.rel @p3 .LBB2_8-.Ltmp5, $4  }
0x163: {  	v4 =	vld [tilespmem:s4+$0x163B0];
	[tilespmem:s9+$0x163C0] =	vst v1;
	v2 =	vor.u32 v0, v2;
	v3 =	vshll.u32 v3, $0x1  }
0x164: {  	v1 =	vld [tilespmem:s4+$0x163C0];
	[tilespmem:s9+$0x163D0] =	vst v2;
	v3 =	vor.u32 v0, v3;
	v6 =	vshll.u32 v7, $0x1  }
0x165: {  	v7 =	vshll.u32 v8, $0x1;
	v2 =	vld [tilespmem:s4+$0x163D0];
	[tilespmem:s9+$0x163E0] =	vst v3;
	v8 =	vor.u32 v0, v6  }
0x166: {  	s10 =	sadd.s32 $0x200, s10;
	v6 =	vor.u32 v0, v7;
	v7 =	vshll.u32 v9, $0x1;
	v3 =	vld [tilespmem:s4+$0x163E0];
	[tilespmem:s9+$0x163F0] =	vst v8;
	s9 =	smov.u32 s4  }
0x167: {  	[tilespmem:s9+$0x16380] =	vst v6;
	v62 =	vor.u32 v0, v7;
	v5 =	vshll.u32 v5, $0x1;
	v63 =	vld [tilespmem:s9+$0x163F0]  }
0x168: {  	[tilespmem:s9+$0x16390] =	vst v62;
	v5 =	vor.u32 v0, v5;
	v4 =	vshll.u32 v4, $0x1  }
0x169: {  	[tilespmem:s9+$0x163A0] =	vst v5;
	v4 =	vor.u32 v0, v4;
	v1 =	vshll.u32 v1, $0x1  }
0x16a: {  	[tilespmem:s9+$0x163B0] =	vst v4;
	v1 =	vor.u32 v0, v1;
	v2 =	vshll.u32 v2, $0x1  }
0x16b: {  	[tilespmem:s9+$0x163C0] =	vst v1;
	v1 =	vor.u32 v0, v2;
	v2 =	vshll.u32 v3, $0x1  }
0x16c: {  	[tilespmem:s9+$0x163D0] =	vst v1;
	v1 =	vor.u32 v0, v2;
	v2 =	vshll.u32 v63, $0x1  }
0x16d: {  	[tilespmem:s9+$0x163E0] =	vst v1;
	v1 =	vor.u32 v0, v2  }
0x16e: {  	[tilespmem:s9+$0x163F0] =	vst v1  }
.LBB2_10:
0x16f: {  	_ =	swait.ge [sflag:s5], $0x4000  }
0x170: {  	[sflag:s5] =	ssyncset.done $0x0  }
0x171: {  	[sflag:s5] =	ssyncadd.s32 $0xFFFFC000  }
0x172: {  	[spmem:s2] =	stream.indirect.scatter.add.f32 [tilespmem:s30], [sflag:$0x6], $0x80, s28, s29, $0xb8;
	[tilespmem:$0x1FB80] =	vst v63  }
0x173: {  	_ =	swait.ge [sflag:s20], $0x4000  }
0x174: {  	[sflag:s20] =	ssyncset.done $0x0  }
0x175: {  	s4 =	simm.s32 @p0 $0x16880;
	[sflag:s20] =	ssyncadd.s32 $0xFFFFC000  }
0x176: {  	[tilespmem:s11], [sflag:$0x1] =	stream.indirect.gather @p0 [hbm4b:s1+s19], $0x80, s4, s19, $0xb8;
	[tilespmem:$0x1FB80] =	vst v63  }
0x177: {  	_ =	swait.ge @p0 [sflag:s15], $0x4000  }
0x178: {  	[sflag:s15] =	ssyncset.done @p0 $0x0  }
0x179: {  	s4 =	simm.s32 @p0 $0x17000;
	[sflag:s15] =	ssyncadd.s32 @p0 $0xFFFFC000  }
0x17a: {  	[spmem:s2] =	stream.indirect.scatter.add.f32 @p0 [tilespmem:s21], [sflag:$0x6], $0x80, s4, s19, $0xb8;
	[tilespmem:$0x1FB80] =	vst v63  }
0x17b: {  	_ =	swait.ge @p0 [sflag:s12], $0x4000  }
0x17c: {  	[sflag:s12] =	ssyncset.done @p0 $0x0  }
0x17d: {  	s4 =	simm.s32 @!p0 $0x16F80;
	[sflag:s12] =	ssyncadd.s32 @p0 $0xFFFFC000  }
0x17e: {  	[spmem:s3] =	stream.indirect.scatter.add.f32 @!p0 [tilespmem:s18], [sflag:$0x5], $0x10, s4, s17, $0xb8;
	[tilespmem:$0x1FB80] =	vst v63  }
0x17f: {  	s4 =	simm.s32 @!p0 $0x16880  }
0x180: {  	[tilespmem:s26], [sflag:$0x1] =	stream.indirect.gather @!p0 [hbm4b:s1+s17], $0x80, s4, s17, $0xb8;
	[tilespmem:$0x1FB80] =	vst v63  }
0x181: {  	_ =	swait.ge @!p0 [sflag:s24], $0x4000  }
0x182: {  	[sflag:s24] =	ssyncset.done @!p0 $0x0  }
0x183: {  	s4 =	simm.s32 @!p0 $0x17000;
	[sflag:s24] =	ssyncadd.s32 @!p0 $0xFFFFC000  }
0x184: {  	[spmem:s2] =	stream.indirect.scatter.add.f32 @!p0 [tilespmem:s7], [sflag:$0x6], $0x80, s4, s17, $0xb8;
	[tilespmem:$0x1FB80] =	vst v63  }
0x185: {  	_ =	swait.ge @!p0 [sflag:s14], $0x4000  }
0x186: {  	[sflag:s14] =	ssyncset.done @!p0 $0x0  }
0x187: {  	[sflag:s14] =	ssyncadd.s32 @!p0 $0xFFFFC000  }
0x188: {  	[spmem:s3] =	stream.indirect.scatter.add.f32 @!p0 [tilespmem:s18], [sflag:$0x5], $0x10, s4, s17, $0xb8;
	[tilespmem:$0x1FB80] =	vst v63  }
0x189: {  	s10 =	simm.s32 $0x16900  }
0x18a: {  	[tilespmem:s31], [sflag:$0x2] =	stream.indirect.gather [hbm4b:s1+s29], $0x80, s10, s29, $0xb8;
	[tilespmem:$0x1FB80] =	vst v63  }
0x18b: {  	_ =	swait.ge [sflag:s5], $0x4000  }
0x18c: {  	[sflag:s5] =	ssyncset.done $0x0  }
0x18d: {  	s22 =	simm.s32 $0x17080;
	[sflag:s5] =	ssyncadd.s32 $0xFFFFC000  }
0x18e: {  	[spmem:s2] =	stream.indirect.scatter.add.f32 [tilespmem:s30], [sflag:$0x6], $0x80, s22, s29, $0xb8;
	[tilespmem:$0x1FB80] =	vst v63  }
0x18f: {  	_ =	swait.ge [sflag:s20], $0x4000  }
0x190: {  	[sflag:s20] =	ssyncset.done $0x0  }
0x191: {  	s4 =	simm.s32 @p0 $0x16980;
	[sflag:s20] =	ssyncadd.s32 $0xFFFFC000  }
0x192: {  	[tilespmem:s11], [sflag:$0x1] =	stream.indirect.gather @p0 [hbm4b:s1+s19], $0x80, s4, s19, $0xb8;
	[tilespmem:$0x1FB80] =	vst v63  }
0x193: {  	_ =	swait.ge @p0 [sflag:s15], $0x4000  }
0x194: {  	[sflag:s15] =	ssyncset.done @p0 $0x0  }
0x195: {  	s4 =	simm.s32 @p0 $0x17100;
	[sflag:s15] =	ssyncadd.s32 @p0 $0xFFFFC000  }
0x196: {  	[spmem:s2] =	stream.indirect.scatter.add.f32 @p0 [tilespmem:s21], [sflag:$0x6], $0x80, s4, s19, $0xb8;
	[tilespmem:$0x1FB80] =	vst v63  }
0x197: {  	_ =	swait.ge @p0 [sflag:s12], $0x4000  }
0x198: {  	[sflag:s12] =	ssyncset.done @p0 $0x0  }
0x199: {  	s4 =	simm.s32 @!p0 $0x17080;
	[sflag:s12] =	ssyncadd.s32 @p0 $0xFFFFC000  }
0x19a: {  	[spmem:s3] =	stream.indirect.scatter.add.f32 @!p0 [tilespmem:s18], [sflag:$0x5], $0x10, s4, s17, $0xb8;
	[tilespmem:$0x1FB80] =	vst v63  }
0x19b: {  	s4 =	simm.s32 @!p0 $0x16980  }
0x19c: {  	[tilespmem:s26], [sflag:$0x1] =	stream.indirect.gather @!p0 [hbm4b:s1+s17], $0x80, s4, s17, $0xb8;
	[tilespmem:$0x1FB80] =	vst v63  }
0x19d: {  	_ =	swait.ge @!p0 [sflag:s24], $0x4000  }
0x19e: {  	[sflag:s24] =	ssyncset.done @!p0 $0x0  }
0x19f: {  	s4 =	simm.s32 @!p0 $0x17100;
	[sflag:s24] =	ssyncadd.s32 @!p0 $0xFFFFC000  }
0x1a0: {  	[spmem:s2] =	stream.indirect.scatter.add.f32 @!p0 [tilespmem:s7], [sflag:$0x6], $0x80, s4, s17, $0xb8;
	[tilespmem:$0x1FB80] =	vst v63  }
0x1a1: {  	_ =	swait.ge @!p0 [sflag:s14], $0x4000  }
0x1a2: {  	[sflag:s14] =	ssyncset.done @!p0 $0x0  }
0x1a3: {  	[sflag:s14] =	ssyncadd.s32 @!p0 $0xFFFFC000  }
0x1a4: {  	[spmem:s3] =	stream.indirect.scatter.add.f32 @!p0 [tilespmem:s18], [sflag:$0x5], $0x10, s4, s17, $0xb8;
	[tilespmem:$0x1FB80] =	vst v63  }
0x1a5: {  	s9 =	simm.s32 $0x16A00  }
0x1a6: {  	[tilespmem:s31], [sflag:$0x2] =	stream.indirect.gather [hbm4b:s1+s29], $0x80, s9, s29, $0xb8;
	[tilespmem:$0x1FB80] =	vst v63  }
0x1a7: {  	_ =	swait.ge [sflag:s5], $0x4000  }
0x1a8: {  	[sflag:s5] =	ssyncset.done $0x0  }
0x1a9: {  	s10 =	simm.s32 $0x17180;
	[sflag:s5] =	ssyncadd.s32 $0xFFFFC000  }
0x1aa: {  	[spmem:s2] =	stream.indirect.scatter.add.f32 [tilespmem:s30], [sflag:$0x6], $0x80, s10, s29, $0xb8;
	[tilespmem:$0x1FB80] =	vst v63  }
0x1ab: {  	_ =	swait.ge [sflag:s20], $0x4000  }
0x1ac: {  	[sflag:s20] =	ssyncset.done $0x0  }
0x1ad: {  	s4 =	simm.s32 @p0 $0x16A80;
	[sflag:s20] =	ssyncadd.s32 $0xFFFFC000  }
0x1ae: {  	[tilespmem:s11], [sflag:$0x1] =	stream.indirect.gather @p0 [hbm4b:s1+s19], $0x80, s4, s19, $0xb8;
	[tilespmem:$0x1FB80] =	vst v63  }
0x1af: {  	_ =	swait.ge @p0 [sflag:s15], $0x4000  }
0x1b0: {  	[sflag:s15] =	ssyncset.done @p0 $0x0  }
0x1b1: {  	s4 =	simm.s32 @p0 $0x17200;
	[sflag:s15] =	ssyncadd.s32 @p0 $0xFFFFC000  }
0x1b2: {  	[spmem:s2] =	stream.indirect.scatter.add.f32 @p0 [tilespmem:s21], [sflag:$0x6], $0x80, s4, s19, $0xb8;
	[tilespmem:$0x1FB80] =	vst v63  }
0x1b3: {  	_ =	swait.ge @p0 [sflag:s12], $0x4000  }
0x1b4: {  	[sflag:s12] =	ssyncset.done @p0 $0x0  }
0x1b5: {  	s4 =	simm.s32 @!p0 $0x17180;
	[sflag:s12] =	ssyncadd.s32 @p0 $0xFFFFC000  }
0x1b6: {  	[spmem:s3] =	stream.indirect.scatter.add.f32 @!p0 [tilespmem:s18], [sflag:$0x5], $0x10, s4, s17, $0xb8;
	[tilespmem:$0x1FB80] =	vst v63  }
0x1b7: {  	s4 =	simm.s32 @!p0 $0x16A80  }
0x1b8: {  	[tilespmem:s26], [sflag:$0x1] =	stream.indirect.gather @!p0 [hbm4b:s1+s17], $0x80, s4, s17, $0xb8;
	[tilespmem:$0x1FB80] =	vst v63  }
0x1b9: {  	_ =	swait.ge @!p0 [sflag:s24], $0x4000  }
0x1ba: {  	[sflag:s24] =	ssyncset.done @!p0 $0x0  }
0x1bb: {  	s4 =	simm.s32 @!p0 $0x17200;
	[sflag:s24] =	ssyncadd.s32 @!p0 $0xFFFFC000  }
0x1bc: {  	[spmem:s2] =	stream.indirect.scatter.add.f32 @!p0 [tilespmem:s7], [sflag:$0x6], $0x80, s4, s17, $0xb8;
	[tilespmem:$0x1FB80] =	vst v63  }
0x1bd: {  	_ =	swait.ge @!p0 [sflag:s14], $0x4000  }
0x1be: {  	[sflag:s14] =	ssyncset.done @!p0 $0x0  }
0x1bf: {  	[sflag:s14] =	ssyncadd.s32 @!p0 $0xFFFFC000  }
0x1c0: {  	[spmem:s3] =	stream.indirect.scatter.add.f32 @!p0 [tilespmem:s18], [sflag:$0x5], $0x10, s4, s17, $0xb8;
	[tilespmem:$0x1FB80] =	vst v63  }
0x1c1: {  	s22 =	simm.s32 $0x16B00  }
0x1c2: {  	[tilespmem:s31], [sflag:$0x2] =	stream.indirect.gather [hbm4b:s1+s29], $0x80, s22, s29, $0xb8;
	[tilespmem:$0x1FB80] =	vst v63  }
0x1c3: {  	_ =	swait.ge [sflag:s5], $0x4000  }
0x1c4: {  	[sflag:s5] =	ssyncset.done $0x0  }
0x1c5: {  	s24 =	simm.s32 $0x17280;
	[sflag:s5] =	ssyncadd.s32 $0xFFFFC000  }
0x1c6: {  	[spmem:s2] =	stream.indirect.scatter.add.f32 [tilespmem:s30], [sflag:$0x6], $0x80, s24, s29, $0xb8;
	[tilespmem:$0x1FB80] =	vst v63  }
0x1c7: {  	_ =	swait.ge [sflag:s20], $0x4000  }
0x1c8: {  	[sflag:s20] =	ssyncset.done $0x0  }
0x1c9: {  	s4 =	simm.s32 @!p0 $0x17280;
	[sflag:s20] =	ssyncadd.s32 $0xFFFFC000  }
0x1ca: {  	[spmem:s3] =	stream.indirect.scatter.add.f32 @!p0 [tilespmem:s18], [sflag:$0x5], $0x10, s4, s17, $0xb8;
	[tilespmem:$0x1FB80] =	vst v63  }
0x1cb: {  	s9 =	simm.s32 @!p2 $0x17380;
	s7 =	simm.s32 @!p2 $0x16380;
	s4 =	simm.s32 @!p2 $0x80  }
0x1cc: {  	[tilespmem:s9], [sflag:$0x1] =	stream.indirect.gather @!p2 [hbm4b:s1+s4], $0x80, s7, s4, $0xb8;
	[tilespmem:$0x1FB80] =	vst v63  }
0x1cd: {  	_ =	swait.ge [sflag:s13], $0x4000  }
0x1ce: {  	[sflag:s13] =	ssyncset.done $0x0  }
0x1cf: {  	s26 =	simm.s32 $0x17300;
	[sflag:s13] =	ssyncadd.s32 $0xFFFFC000  }
0x1d0: {  	[spmem:s2] =	stream.indirect.scatter.add.f32 [tilespmem:s31], [sflag:$0x6], $0x80, s26, s29, $0xb8;
	[tilespmem:$0x1FB80] =	vst v63  }
0x1d1: {  	_ =	swait.ge [sflag:s20], $0x4000  }
0x1d2: {  	[sflag:s20] =	ssyncset.done $0x0  }
0x1d3: {  	s7 =	simm.s32 @!p0 $0x17300;
	[sflag:s20] =	ssyncadd.s32 $0xFFFFC000  }
0x1d4: {  	[spmem:s3] =	stream.indirect.scatter.add.f32 @!p0 [tilespmem:s18], [sflag:$0x5], $0x10, s7, s17, $0xb8;
	[tilespmem:$0x1FB80] =	vst v63  }
0x1d5: {  	s9 =	simm.s32 @!p2 $0x1B380;
	s7 =	simm.s32 @!p2 $0x16400  }
0x1d6: {  	[tilespmem:s9], [sflag:$0x2] =	stream.indirect.gather @!p2 [hbm4b:s1+s4], $0x80, s7, s4, $0xb8;
	[tilespmem:$0x1FB80] =	vst v63  }
0x1d7: {  	s4 =	simm.s32 @!p0 $0x5  }
0x1d8: {  	_ =	swait.ge @!p0 [sflag:s4], $0x800  }
0x1d9: {  	[sflag:s4] =	ssyncset.done @!p0 $0x0  }
0x1da: {  	[sflag:s4] =	ssyncadd.s32 @!p0 $0xFFFFF800  }
0x1db: {  	_ =	swait.ge @!p0 [sflag:s4], $0x800  }
0x1dc: {  	[sflag:s4] =	ssyncset.done @!p0 $0x0  }
0x1dd: {  	[sflag:s4] =	ssyncadd.s32 @!p0 $0xFFFFF800  }
0x1de: {  	_ =	swait.ge @!p0 [sflag:s4], $0x800  }
0x1df: {  	[sflag:s4] =	ssyncset.done @!p0 $0x0  }
0x1e0: {  	[sflag:s4] =	ssyncadd.s32 @!p0 $0xFFFFF800  }
0x1e1: {  	_ =	swait.ge @!p0 [sflag:s4], $0x800  }
0x1e2: {  	[sflag:s4] =	ssyncset.done @!p0 $0x0  }
0x1e3: {  	[sflag:s4] =	ssyncadd.s32 @!p0 $0xFFFFF800  }
0x1e4: {  	_ =	swait.ge @!p0 [sflag:s4], $0x800  }
0x1e5: {  	[sflag:s4] =	ssyncset.done @!p0 $0x0  }
0x1e6: {  	[sflag:s4] =	ssyncadd.s32 @!p0 $0xFFFFF800  }
0x1e7: {  	_ =	swait.ge @!p0 [sflag:s4], $0x800  }
0x1e8: {  	[sflag:s4] =	ssyncset.done @!p0 $0x0  }
0x1e9: {  	[sflag:s4] =	ssyncadd.s32 @!p0 $0xFFFFF800  }
0x1ea: {  	_ =	swait.ge @!p0 [sflag:s4], $0x800  }
.Ltmp6:
0x1eb: {  	[sflag:s4] =	ssyncset.done @!p0 $0x0;
	(pc) =	sbr.rel @p2 .LBB2_12-.Ltmp6, $4  }
0x1ec: {  	[sflag:s4] =	ssyncadd.s32 @!p0 $0xFFFFF800  }
0x1ed: {  	_ =	swait.ge @!p0 [sflag:s4], $0x800  }
0x1ee: {  	[sflag:s4] =	ssyncset.done @!p0 $0x0  }
0x1ef: {  	[sflag:s4] =	ssyncadd.s32 @!p0 $0xFFFFF800  }
0x1f0: {  	s4 =	sadd.s32 s8, s25;
	s7 =	rddreg [dreg:$0x5]  }
.Ltmp7:
0x1f1: {  	s24 =	simm.s32 $0x0;
	s4 =	sshrl.u32 s4, $0x3;
	(pc) =	sbr.rel .LBB2_4-.Ltmp7, $4  }
0x1f2: {  	s9 =	simm.s32 $0x16780;
	s26 =	rddreg [dreg:$0x6];
	s7 =	sadd.s32 s7, s4  }
0x1f3: {  	[tilespmem:s9], [sflag:$0x4] =	stream.linear.gather [hbm4b:s7+s24], $0x400, $0x38;
	[tilespmem:$0x1FB80] =	vst v63  }
0x1f4: {  	s16 =	sadd.s32 $0x1, s16;
	s4 =	sadd.s32 s26, s4  }
0x1f5: {  	[tilespmem:s28], [sflag:$0x4] =	stream.linear.gather [hbm4b:s4+s24], $0x400, $0x38;
	[tilespmem:$0x1FB80] =	vst v63  }
.LBB2_12:
0x1f6: {  	[bflag:$0x0] =	sbarrier.arrive $0xFFFF  }
0x1f7: {  	s8 =	sld [smem:$0x7F8]  }
0x1f8: {  	s9 =	sld [smem:$0x7EF];
	_ =	sdelay $0x1  }
0x1f9: {  	s4 =	rddreg [dreg:$0x1f]  }
0x1fa: {  	[hbm:s4], [sflag:s8] =	dma.local [spmem:s9], $0x2780  }
0x1fb: {  	_ =	swait.ge [sflag:s20], $0x2780  }
0x1fc: {  	s7 =	sld [smem:$0x7FB]  }
0x1fd: {  	[sflag:s20] =	ssyncset.done $0x0;
	s4 =	rddreg [dreg:$0xd]  }
0x1fe: {  	[sflag:s20] =	ssyncadd.s32 $0xFFFFD880;
	s4 =	sshrl.u32 @!p0 s4, $0x3  }
0x1ff: {  	[hbm:s7], [sflag:s8] =	dma.local @!p0 [spmem:s4], $0x4F0  }
0x200: {  	s4 =	simm.s32 @!p0 $0x6  }
0x201: {  	_ =	swait.ge @!p0 [sflag:s4], $0x4F0  }
0x202: {  	[sflag:s4] =	ssyncset.done @!p0 $0x0  }
0x203: {  	s22 =	rddreg [dreg:$0x9];
	[sflag:s4] =	ssyncadd.s32 @!p0 $0xFFFFFB10  }
0x204: {  	[spmem:s9], [sflag:s8] =	dma.local [hbm:s22], $0x800  }
0x205: {  	_ =	swait.ge [sflag:s20], $0x800  }
0x206: {  	s26 =	sld [smem:$0x7F0]  }
0x207: {  	[sflag:s20] =	ssyncset.done $0x0  }
0x208: {  	s24 =	rddreg [dreg:$0xa];
	[sflag:s20] =	ssyncadd.s32 $0xFFFFF800  }
0x209: {  	[spmem:s26], [sflag:s8] =	dma.local [hbm:s24], $0x100  }
0x20a: {  	_ =	swait.ge [sflag:s20], $0x100  }
0x20b: {  	s10 =	sld [smem:$0x7F1]  }
0x20c: {  	[sflag:s20] =	ssyncset.done $0x0  }
0x20d: {  	[sflag:s20] =	ssyncadd.s32 $0xFFFFFF00  }
0x20e: {  	[spmem:s10], [sflag:s8] =	dma.local [hbm:s22], $0x800  }
0x20f: {  	_ =	swait.ge [sflag:s20], $0x800  }
0x210: {  	s11 =	sld [smem:$0x7F2]  }
0x211: {  	[sflag:s20] =	ssyncset.done $0x0  }
0x212: {  	[sflag:s20] =	ssyncadd.s32 $0xFFFFF800  }
0x213: {  	[spmem:s11], [sflag:s8] =	dma.local [hbm:s24], $0x100  }
0x214: {  	_ =	swait.ge [sflag:s20], $0x100  }
0x215: {  	s12 =	sld [smem:$0x7F3]  }
0x216: {  	[sflag:s20] =	ssyncset.done $0x0  }
0x217: {  	[sflag:s20] =	ssyncadd.s32 $0xFFFFFF00  }
0x218: {  	[spmem:s12], [sflag:s8] =	dma.local [hbm:s22], $0x800  }
0x219: {  	_ =	swait.ge [sflag:s20], $0x800  }
0x21a: {  	s14 =	sld [smem:$0x7F4]  }
0x21b: {  	[sflag:s20] =	ssyncset.done $0x0  }
0x21c: {  	[sflag:s20] =	ssyncadd.s32 $0xFFFFF800  }
0x21d: {  	[spmem:s14], [sflag:s8] =	dma.local [hbm:s24], $0x100  }
0x21e: {  	_ =	swait.ge [sflag:s20], $0x100  }
0x21f: {  	s15 =	sld [smem:$0x7F5]  }
0x220: {  	[sflag:s20] =	ssyncset.done $0x0  }
0x221: {  	[sflag:s20] =	ssyncadd.s32 $0xFFFFFF00  }
0x222: {  	[spmem:s15], [sflag:s8] =	dma.local [hbm:s22], $0x800  }
0x223: {  	_ =	swait.ge [sflag:s20], $0x800  }
0x224: {  	s16 =	sld [smem:$0x7F6]  }
0x225: {  	[sflag:s20] =	ssyncset.done $0x0  }
0x226: {  	[sflag:s20] =	ssyncadd.s32 $0xFFFFF800  }
0x227: {  	[spmem:s16], [sflag:s8] =	dma.local [hbm:s24], $0x100  }
0x228: {  	_ =	swait.ge [sflag:s20], $0x100  }
0x229: {  	s17 =	sld [smem:$0x7F7]  }
0x22a: {  	[sflag:s20] =	ssyncset.done $0x0  }
0x22b: {  	[sflag:s20] =	ssyncadd.s32 $0xFFFFFF00  }
0x22c: {  	[spmem:s17], [sflag:s8] =	dma.local [hbm:s22], $0x780  }
0x22d: {  	_ =	swait.ge [sflag:s20], $0x780  }
0x22e: {  	s18 =	sld [smem:$0x7F9]  }
0x22f: {  	[sflag:s20] =	ssyncset.done $0x0  }
0x230: {  	[sflag:s20] =	ssyncadd.s32 $0xFFFFF880  }
0x231: {  	[spmem:s18], [sflag:s8] =	dma.local [hbm:s24], $0xF0  }
0x232: {  	_ =	swait.ge [sflag:s20], $0xF0  }
0x233: {  	[sflag:s20] =	ssyncset.done $0x0  }
0x234: {  	[sflag:s20] =	ssyncadd.s32 $0xFFFFFF10  }
0x235: {  	[bflag:$0x0] =	sbarrier.arrive $0xFFFF  }
0x236: {  	s19 =	simm.s32 $0x0;
	s22 =	simm.s32 $0x16380;
	s21 =	rddreg [dreg:$0x19]  }
0x237: {  	[tilespmem:s22], [sflag:$0x3] =	stream.linear.gather [hbm4b:s21+s19], $0x400, $0x38;
	[tilespmem:$0x1FB80] =	vst v63  }
0x238: {  	s26 =	simm.s32 $0x16B80;
	s24 =	rddreg [dreg:$0x1a]  }
0x239: {  	[tilespmem:s26], [sflag:$0x3] =	stream.linear.gather [hbm4b:s24+s19], $0x400, $0x38;
	[tilespmem:$0x1FB80] =	vst v63  }
0x23a: {  	_ =	swait.ge [sflag:s23], $0x400  }
0x23b: {  	[sflag:s23] =	ssyncset.done $0x0  }
0x23c: {  	[sflag:s23] =	ssyncadd.s32 $0xFFFFFC00  }
0x23d: {  	_ =	swait.ge [sflag:s23], $0x400  }
0x23e: {  	[sflag:s23] =	ssyncset.done $0x0  }
0x23f: {  	s7 =	simm.s32 $0x0;
	[sflag:s23] =	ssyncadd.s32 $0xFFFFFC00  }
0x240: {  	v2 =	vld [tilespmem:s7+$0x16380]  }
0x241: {  	v3 =	vld [tilespmem:s7+$0x16390]  }
0x242: {  	v5 =	vld [tilespmem:s7+$0x163A0]  }
0x243: {  	v4 =	vld [tilespmem:s7+$0x163B0]  }
0x244: {  	v1 =	vld [tilespmem:s7+$0x163C0]  }
0x245: {  	v6 =	vshll.u32 v2, $0x1;
	v2 =	vld [tilespmem:s7+$0x163D0]  }
0x246: {  	s8 =	simm.s32 $0x200;
	v7 =	vshll.u32 v3, $0x1;
	v3 =	vld [tilespmem:s7+$0x163E0];
	v6 =	vor.u32 v0, v6  }
.LBB2_13:
0x247: {  	s4 =	sshra.s32 s8, $0x2;
	p2 =	sne.s32 s8, $0xE00;
	[tilespmem:s7+$0x16380] =	vst v6;
	v6 =	vor.u32 v0, v7;
	v5 =	vshll.u32 v5, $0x1;
	v7 =	vld [tilespmem:s7+$0x163F0]  }
0x248: {  	v8 =	vld [tilespmem:s4+$0x16380];
	[tilespmem:s7+$0x16390] =	vst v6;
	v5 =	vor.u32 v0, v5;
	v4 =	vshll.u32 v4, $0x1  }
0x249: {  	v9 =	vld [tilespmem:s4+$0x16390];
	[tilespmem:s7+$0x163A0] =	vst v5;
	v4 =	vor.u32 v0, v4;
	v1 =	vshll.u32 v1, $0x1  }
.Ltmp8:
0x24a: {  	v5 =	vld [tilespmem:s4+$0x163A0];
	[tilespmem:s7+$0x163B0] =	vst v4;
	v1 =	vor.u32 v0, v1;
	v2 =	vshll.u32 v2, $0x1;
	(pc) =	sbr.rel @p2 .LBB2_13-.Ltmp8, $4  }
0x24b: {  	v4 =	vld [tilespmem:s4+$0x163B0];
	[tilespmem:s7+$0x163C0] =	vst v1;
	v2 =	vor.u32 v0, v2;
	v3 =	vshll.u32 v3, $0x1  }
0x24c: {  	v1 =	vld [tilespmem:s4+$0x163C0];
	[tilespmem:s7+$0x163D0] =	vst v2;
	v3 =	vor.u32 v0, v3;
	v6 =	vshll.u32 v7, $0x1  }
0x24d: {  	v7 =	vshll.u32 v8, $0x1;
	v2 =	vld [tilespmem:s4+$0x163D0];
	[tilespmem:s7+$0x163E0] =	vst v3;
	v8 =	vor.u32 v0, v6  }
0x24e: {  	s8 =	sadd.s32 $0x200, s8;
	v6 =	vor.u32 v0, v7;
	v7 =	vshll.u32 v9, $0x1;
	v3 =	vld [tilespmem:s4+$0x163E0];
	[tilespmem:s7+$0x163F0] =	vst v8;
	s7 =	smov.u32 s4  }
0x24f: {  	[tilespmem:s7+$0x16380] =	vst v6;
	v62 =	vor.u32 v0, v7;
	v5 =	vshll.u32 v5, $0x1;
	v63 =	vld [tilespmem:s7+$0x163F0]  }
0x250: {  	[tilespmem:s7+$0x16390] =	vst v62;
	v5 =	vor.u32 v0, v5;
	v4 =	vshll.u32 v4, $0x1  }
0x251: {  	[tilespmem:s7+$0x163A0] =	vst v5;
	v4 =	vor.u32 v0, v4;
	v1 =	vshll.u32 v1, $0x1  }
0x252: {  	[tilespmem:s7+$0x163B0] =	vst v4;
	v1 =	vor.u32 v0, v1;
	v2 =	vshll.u32 v2, $0x1  }
0x253: {  	[tilespmem:s7+$0x163C0] =	vst v1;
	v1 =	vor.u32 v0, v2;
	v2 =	vshll.u32 v3, $0x1  }
0x254: {  	[tilespmem:s7+$0x163D0] =	vst v1;
	v1 =	vor.u32 v0, v2;
	v2 =	vshll.u32 v63, $0x1  }
0x255: {  	[tilespmem:s7+$0x163E0] =	vst v1;
	v1 =	vor.u32 v0, v2  }
0x256: {  	s16 =	simm.s32 $0x0;
	s4 =	rddreg [dreg:$0x1d];
	s21 =	simm.s32 $0x16780;
	[tilespmem:s7+$0x163F0] =	vst v1  }
0x257: {  	[tilespmem:s21], [sflag:$0x4] =	stream.linear.gather [hbm4b:s4+s16], $0x400, $0x38;
	[tilespmem:$0x1FB80] =	vst v63  }
0x258: {  	s22 =	rddreg [dreg:$0x1e]  }
0x259: {  	[tilespmem:s28], [sflag:$0x4] =	stream.linear.gather [hbm4b:s22+s16], $0x400, $0x38;
	[tilespmem:$0x1FB80] =	vst v63  }
0x25a: {  	s24 =	simm.s32 $0x16380  }
0x25b: {  	[tilespmem:s30], [sflag:$0x1] =	stream.indirect.gather [hbm4b:s6+s29], $0x80, s24, s29, $0xb8;
	[tilespmem:$0x1FB80] =	vst v63  }
0x25c: {  	s26 =	simm.s32 $0x16400  }
0x25d: {  	[tilespmem:s31], [sflag:$0x2] =	stream.indirect.gather [hbm4b:s6+s29], $0x80, s26, s29, $0xb8;
	[tilespmem:$0x1FB80] =	vst v63  }
.LBB2_15:
0x25e: {  	_ =	swait.ge [sflag:s0], $0x400  }
0x25f: {  	[sflag:s0] =	ssyncset.done $0x0  }
0x260: {  	[sflag:s0] =	ssyncadd.s32 $0xFFFFFC00  }
0x261: {  	_ =	swait.ge [sflag:s0], $0x400  }
0x262: {  	[sflag:s0] =	ssyncset.done $0x0  }
0x263: {  	s7 =	simm.s32 $0x0;
	[sflag:s0] =	ssyncadd.s32 $0xFFFFFC00  }
0x264: {  	v2 =	vld [tilespmem:s7+$0x16780]  }
0x265: {  	v3 =	vld [tilespmem:s7+$0x16790]  }
0x266: {  	v5 =	vld [tilespmem:s7+$0x167A0]  }
0x267: {  	v4 =	vld [tilespmem:s7+$0x167B0]  }
0x268: {  	v1 =	vld [tilespmem:s7+$0x167C0]  }
0x269: {  	v6 =	vshll.u32 v2, $0x1;
	v2 =	vld [tilespmem:s7+$0x167D0]  }
0x26a: {  	s8 =	simm.s32 $0x200;
	v7 =	vshll.u32 v3, $0x1;
	v3 =	vld [tilespmem:s7+$0x167E0];
	v6 =	vor.u32 v0, v6  }
.LBB2_16:
0x26b: {  	s4 =	sshra.s32 s8, $0x2;
	p2 =	sne.s32 s8, $0xE00;
	[tilespmem:s7+$0x16780] =	vst v6;
	v6 =	vor.u32 v0, v7;
	v5 =	vshll.u32 v5, $0x1;
	v7 =	vld [tilespmem:s7+$0x167F0]  }
0x26c: {  	v8 =	vld [tilespmem:s4+$0x16780];
	[tilespmem:s7+$0x16790] =	vst v6;
	v5 =	vor.u32 v0, v5;
	v4 =	vshll.u32 v4, $0x1  }
0x26d: {  	v9 =	vld [tilespmem:s4+$0x16790];
	[tilespmem:s7+$0x167A0] =	vst v5;
	v4 =	vor.u32 v0, v4;
	v1 =	vshll.u32 v1, $0x1  }
.Ltmp9:
0x26e: {  	v5 =	vld [tilespmem:s4+$0x167A0];
	[tilespmem:s7+$0x167B0] =	vst v4;
	v1 =	vor.u32 v0, v1;
	v2 =	vshll.u32 v2, $0x1;
	(pc) =	sbr.rel @p2 .LBB2_16-.Ltmp9, $4  }
0x26f: {  	v4 =	vld [tilespmem:s4+$0x167B0];
	[tilespmem:s7+$0x167C0] =	vst v1;
	v2 =	vor.u32 v0, v2;
	v3 =	vshll.u32 v3, $0x1  }
0x270: {  	v1 =	vld [tilespmem:s4+$0x167C0];
	[tilespmem:s7+$0x167D0] =	vst v2;
	v3 =	vor.u32 v0, v3;
	v6 =	vshll.u32 v7, $0x1  }
0x271: {  	v7 =	vshll.u32 v8, $0x1;
	v2 =	vld [tilespmem:s4+$0x167D0];
	[tilespmem:s7+$0x167E0] =	vst v3;
	v8 =	vor.u32 v0, v6  }
0x272: {  	s8 =	sadd.s32 $0x200, s8;
	v6 =	vor.u32 v0, v7;
	v7 =	vshll.u32 v9, $0x1;
	v3 =	vld [tilespmem:s4+$0x167E0];
	[tilespmem:s7+$0x167F0] =	vst v8;
	s7 =	smov.u32 s4  }
0x273: {  	[tilespmem:s7+$0x16780] =	vst v6;
	v62 =	vor.u32 v0, v7;
	v5 =	vshll.u32 v5, $0x1;
	v63 =	vld [tilespmem:s7+$0x167F0]  }
0x274: {  	[tilespmem:s7+$0x16790] =	vst v62;
	v5 =	vor.u32 v0, v5;
	v4 =	vshll.u32 v4, $0x1  }
0x275: {  	[tilespmem:s7+$0x167A0] =	vst v5;
	v4 =	vor.u32 v0, v4;
	v1 =	vshll.u32 v1, $0x1  }
0x276: {  	[tilespmem:s7+$0x167B0] =	vst v4;
	v1 =	vor.u32 v0, v1;
	v2 =	vshll.u32 v2, $0x1  }
0x277: {  	[tilespmem:s7+$0x167C0] =	vst v1;
	v1 =	vor.u32 v0, v2;
	v2 =	vshll.u32 v3, $0x1  }
0x278: {  	[tilespmem:s7+$0x167D0] =	vst v1;
	v1 =	vor.u32 v0, v2;
	v2 =	vshll.u32 v63, $0x1  }
0x279: {  	[tilespmem:s7+$0x167E0] =	vst v1;
	v1 =	vor.u32 v0, v2  }
0x27a: {  	[tilespmem:s7+$0x167F0] =	vst v1  }
0x27b: {  	_ =	swait.ge [sflag:s5], $0x4000  }
0x27c: {  	[sflag:s5] =	ssyncset.done $0x0  }
0x27d: {  	s4 =	simm.s32 $0x16B80;
	[sflag:s5] =	ssyncadd.s32 $0xFFFFC000  }
0x27e: {  	[spmem:s2] =	stream.indirect.scatter.add.f32 [tilespmem:s30], [sflag:$0x6], $0x80, s4, s29, $0xb8;
	[tilespmem:$0x1FB80] =	vst v63  }
0x27f: {  	_ =	swait.ge [sflag:s20], $0x4000  }
0x280: {  	s19 =	simm.s32 @p1 $0x80;
	s11 =	simm.s32 @p1 $0x17380;
	[sflag:s20] =	ssyncset.done $0x0  }
0x281: {  	s15 =	simm.s32 @p1 $0x2;
	s4 =	simm.s32 @p1 $0x16480;
	[sflag:s20] =	ssyncadd.s32 $0xFFFFC000  }
0x282: {  	[tilespmem:s11], [sflag:$0x1] =	stream.indirect.gather @p1 [hbm4b:s6+s19], $0x80, s4, s19, $0xb8;
	[tilespmem:$0x1FB80] =	vst v63  }
0x283: {  	_ =	swait.ge @p1 [sflag:s15], $0x4000  }
0x284: {  	s21 =	simm.s32 @p1 $0x1B380;
	[sflag:s15] =	ssyncset.done @p1 $0x0  }
0x285: {  	s12 =	simm.s32 @p1 $0x6;
	s4 =	simm.s32 @p1 $0x16C00;
	[sflag:s15] =	ssyncadd.s32 @p1 $0xFFFFC000  }
0x286: {  	[spmem:s2] =	stream.indirect.scatter.add.f32 @p1 [tilespmem:s21], [sflag:$0x6], $0x80, s4, s19, $0xb8;
	[tilespmem:$0x1FB80] =	vst v63  }
0x287: {  	_ =	swait.ge @p1 [sflag:s12], $0x4000  }
0x288: {  	s17 =	simm.s32 @!p1 $0x80;
	[sflag:s12] =	ssyncset.done @p1 $0x0  }
0x289: {  	s18 =	simm.s32 @!p1 $0x1F380;
	s4 =	simm.s32 @!p1 $0x16B80;
	[sflag:s12] =	ssyncadd.s32 @p1 $0xFFFFC000  }
0x28a: {  	[spmem:s3] =	stream.indirect.scatter.add.f32 @!p1 [tilespmem:s18], [sflag:$0x5], $0x10, s4, s17, $0xb8;
	[tilespmem:$0x1FB80] =	vst v63  }
0x28b: {  	s26 =	simm.s32 @!p1 $0x17380;
	s24 =	simm.s32 @!p1 $0x2;
	s4 =	simm.s32 @!p1 $0x16480  }
0x28c: {  	[tilespmem:s26], [sflag:$0x1] =	stream.indirect.gather @!p1 [hbm4b:s6+s17], $0x80, s4, s17, $0xb8;
	[tilespmem:$0x1FB80] =	vst v63  }
0x28d: {  	_ =	swait.ge @!p1 [sflag:s24], $0x4000  }
0x28e: {  	s14 =	simm.s32 @!p1 $0x6;
	[sflag:s24] =	ssyncset.done @!p1 $0x0  }
0x28f: {  	s7 =	simm.s32 @!p1 $0x1B380;
	s4 =	simm.s32 @!p1 $0x16C00;
	[sflag:s24] =	ssyncadd.s32 @!p1 $0xFFFFC000  }
0x290: {  	[spmem:s2] =	stream.indirect.scatter.add.f32 @!p1 [tilespmem:s7], [sflag:$0x6], $0x80, s4, s17, $0xb8;
	[tilespmem:$0x1FB80] =	vst v63  }
0x291: {  	_ =	swait.ge @!p1 [sflag:s14], $0x4000  }
0x292: {  	[sflag:s14] =	ssyncset.done @!p1 $0x0  }
0x293: {  	[sflag:s14] =	ssyncadd.s32 @!p1 $0xFFFFC000  }
0x294: {  	[spmem:s3] =	stream.indirect.scatter.add.f32 @!p1 [tilespmem:s18], [sflag:$0x5], $0x10, s4, s17, $0xb8;
	[tilespmem:$0x1FB80] =	vst v63  }
0x295: {  	s10 =	simm.s32 $0x16500  }
0x296: {  	[tilespmem:s31], [sflag:$0x2] =	stream.indirect.gather [hbm4b:s6+s29], $0x80, s10, s29, $0xb8;
	[tilespmem:$0x1FB80] =	vst v63  }
0x297: {  	_ =	swait.ge [sflag:s5], $0x4000  }
0x298: {  	[sflag:s5] =	ssyncset.done $0x0  }
0x299: {  	s22 =	simm.s32 $0x16C80;
	[sflag:s5] =	ssyncadd.s32 $0xFFFFC000  }
0x29a: {  	[spmem:s2] =	stream.indirect.scatter.add.f32 [tilespmem:s30], [sflag:$0x6], $0x80, s22, s29, $0xb8;
	[tilespmem:$0x1FB80] =	vst v63  }
0x29b: {  	_ =	swait.ge [sflag:s20], $0x4000  }
0x29c: {  	[sflag:s20] =	ssyncset.done $0x0  }
0x29d: {  	s4 =	simm.s32 @p1 $0x16580;
	[sflag:s20] =	ssyncadd.s32 $0xFFFFC000  }
0x29e: {  	[tilespmem:s11], [sflag:$0x1] =	stream.indirect.gather @p1 [hbm4b:s6+s19], $0x80, s4, s19, $0xb8;
	[tilespmem:$0x1FB80] =	vst v63  }
0x29f: {  	_ =	swait.ge @p1 [sflag:s15], $0x4000  }
0x2a0: {  	[sflag:s15] =	ssyncset.done @p1 $0x0  }
0x2a1: {  	s4 =	simm.s32 @p1 $0x16D00;
	[sflag:s15] =	ssyncadd.s32 @p1 $0xFFFFC000  }
0x2a2: {  	[spmem:s2] =	stream.indirect.scatter.add.f32 @p1 [tilespmem:s21], [sflag:$0x6], $0x80, s4, s19, $0xb8;
	[tilespmem:$0x1FB80] =	vst v63  }
0x2a3: {  	_ =	swait.ge @p1 [sflag:s12], $0x4000  }
0x2a4: {  	[sflag:s12] =	ssyncset.done @p1 $0x0  }
0x2a5: {  	s4 =	simm.s32 @!p1 $0x16C80;
	[sflag:s12] =	ssyncadd.s32 @p1 $0xFFFFC000  }
0x2a6: {  	[spmem:s3] =	stream.indirect.scatter.add.f32 @!p1 [tilespmem:s18], [sflag:$0x5], $0x10, s4, s17, $0xb8;
	[tilespmem:$0x1FB80] =	vst v63  }
0x2a7: {  	s4 =	simm.s32 @!p1 $0x16580  }
0x2a8: {  	[tilespmem:s26], [sflag:$0x1] =	stream.indirect.gather @!p1 [hbm4b:s6+s17], $0x80, s4, s17, $0xb8;
	[tilespmem:$0x1FB80] =	vst v63  }
0x2a9: {  	_ =	swait.ge @!p1 [sflag:s24], $0x4000  }
0x2aa: {  	[sflag:s24] =	ssyncset.done @!p1 $0x0  }
0x2ab: {  	s4 =	simm.s32 @!p1 $0x16D00;
	[sflag:s24] =	ssyncadd.s32 @!p1 $0xFFFFC000  }
0x2ac: {  	[spmem:s2] =	stream.indirect.scatter.add.f32 @!p1 [tilespmem:s7], [sflag:$0x6], $0x80, s4, s17, $0xb8;
	[tilespmem:$0x1FB80] =	vst v63  }
0x2ad: {  	_ =	swait.ge @!p1 [sflag:s14], $0x4000  }
0x2ae: {  	[sflag:s14] =	ssyncset.done @!p1 $0x0  }
0x2af: {  	[sflag:s14] =	ssyncadd.s32 @!p1 $0xFFFFC000  }
0x2b0: {  	[spmem:s3] =	stream.indirect.scatter.add.f32 @!p1 [tilespmem:s18], [sflag:$0x5], $0x10, s4, s17, $0xb8;
	[tilespmem:$0x1FB80] =	vst v63  }
0x2b1: {  	s8 =	simm.s32 $0x16600  }
0x2b2: {  	[tilespmem:s31], [sflag:$0x2] =	stream.indirect.gather [hbm4b:s6+s29], $0x80, s8, s29, $0xb8;
	[tilespmem:$0x1FB80] =	vst v63  }
0x2b3: {  	_ =	swait.ge [sflag:s5], $0x4000  }
0x2b4: {  	[sflag:s5] =	ssyncset.done $0x0  }
0x2b5: {  	s9 =	simm.s32 $0x16D80;
	[sflag:s5] =	ssyncadd.s32 $0xFFFFC000  }
0x2b6: {  	[spmem:s2] =	stream.indirect.scatter.add.f32 [tilespmem:s30], [sflag:$0x6], $0x80, s9, s29, $0xb8;
	[tilespmem:$0x1FB80] =	vst v63  }
0x2b7: {  	_ =	swait.ge [sflag:s20], $0x4000  }
0x2b8: {  	[sflag:s20] =	ssyncset.done $0x0  }
0x2b9: {  	s4 =	simm.s32 @p1 $0x16680;
	[sflag:s20] =	ssyncadd.s32 $0xFFFFC000  }
0x2ba: {  	[tilespmem:s11], [sflag:$0x1] =	stream.indirect.gather @p1 [hbm4b:s6+s19], $0x80, s4, s19, $0xb8;
	[tilespmem:$0x1FB80] =	vst v63  }
0x2bb: {  	_ =	swait.ge @p1 [sflag:s15], $0x4000  }
0x2bc: {  	[sflag:s15] =	ssyncset.done @p1 $0x0  }
0x2bd: {  	s4 =	simm.s32 @p1 $0x16E00;
	[sflag:s15] =	ssyncadd.s32 @p1 $0xFFFFC000  }
0x2be: {  	[spmem:s2] =	stream.indirect.scatter.add.f32 @p1 [tilespmem:s21], [sflag:$0x6], $0x80, s4, s19, $0xb8;
	[tilespmem:$0x1FB80] =	vst v63  }
0x2bf: {  	_ =	swait.ge @p1 [sflag:s12], $0x4000  }
0x2c0: {  	[sflag:s12] =	ssyncset.done @p1 $0x0  }
0x2c1: {  	s4 =	simm.s32 @!p1 $0x16D80;
	[sflag:s12] =	ssyncadd.s32 @p1 $0xFFFFC000  }
0x2c2: {  	[spmem:s3] =	stream.indirect.scatter.add.f32 @!p1 [tilespmem:s18], [sflag:$0x5], $0x10, s4, s17, $0xb8;
	[tilespmem:$0x1FB80] =	vst v63  }
0x2c3: {  	s4 =	simm.s32 @!p1 $0x16680  }
0x2c4: {  	[tilespmem:s26], [sflag:$0x1] =	stream.indirect.gather @!p1 [hbm4b:s6+s17], $0x80, s4, s17, $0xb8;
	[tilespmem:$0x1FB80] =	vst v63  }
0x2c5: {  	_ =	swait.ge @!p1 [sflag:s24], $0x4000  }
0x2c6: {  	[sflag:s24] =	ssyncset.done @!p1 $0x0  }
0x2c7: {  	s4 =	simm.s32 @!p1 $0x16E00;
	[sflag:s24] =	ssyncadd.s32 @!p1 $0xFFFFC000  }
0x2c8: {  	[spmem:s2] =	stream.indirect.scatter.add.f32 @!p1 [tilespmem:s7], [sflag:$0x6], $0x80, s4, s17, $0xb8;
	[tilespmem:$0x1FB80] =	vst v63  }
0x2c9: {  	_ =	swait.ge @!p1 [sflag:s14], $0x4000  }
0x2ca: {  	[sflag:s14] =	ssyncset.done @!p1 $0x0  }
0x2cb: {  	[sflag:s14] =	ssyncadd.s32 @!p1 $0xFFFFC000  }
0x2cc: {  	[spmem:s3] =	stream.indirect.scatter.add.f32 @!p1 [tilespmem:s18], [sflag:$0x5], $0x10, s4, s17, $0xb8;
	[tilespmem:$0x1FB80] =	vst v63  }
0x2cd: {  	s10 =	simm.s32 $0x16700  }
0x2ce: {  	[tilespmem:s31], [sflag:$0x2] =	stream.indirect.gather [hbm4b:s6+s29], $0x80, s10, s29, $0xb8;
	[tilespmem:$0x1FB80] =	vst v63  }
0x2cf: {  	_ =	swait.ge [sflag:s5], $0x4000  }
0x2d0: {  	[sflag:s5] =	ssyncset.done $0x0  }
0x2d1: {  	s22 =	simm.s32 $0x16E80;
	[sflag:s5] =	ssyncadd.s32 $0xFFFFC000  }
0x2d2: {  	[spmem:s2] =	stream.indirect.scatter.add.f32 [tilespmem:s30], [sflag:$0x6], $0x80, s22, s29, $0xb8;
	[tilespmem:$0x1FB80] =	vst v63  }
0x2d3: {  	_ =	swait.ge [sflag:s20], $0x4000  }
0x2d4: {  	s8 =	simm.s32 @p0 $0x16E80;
	[sflag:s20] =	ssyncset.done $0x0  }
0x2d5: {  	s9 =	simm.s32 @p0 $0x1F380;
	s4 =	simm.s32 @p0 $0x80;
	[sflag:s20] =	ssyncadd.s32 $0xFFFFC000  }
0x2d6: {  	[spmem:s3] =	stream.indirect.scatter.add.f32 @p0 [tilespmem:s9], [sflag:$0x5], $0x10, s8, s4, $0xb8;
	[tilespmem:$0x1FB80] =	vst v63  }
0x2d7: {  	s10 =	simm.s32 @p0 $0x17380;
	s8 =	simm.s32 @p0 $0x16780  }
0x2d8: {  	[tilespmem:s10], [sflag:$0x1] =	stream.indirect.gather @p0 [hbm4b:s6+s4], $0x80, s8, s4, $0xb8;
	[tilespmem:$0x1FB80] =	vst v63  }
0x2d9: {  	s8 =	simm.s32 @p0 $0x2  }
0x2da: {  	_ =	swait.ge @p0 [sflag:s8], $0x4000  }
0x2db: {  	s22 =	simm.s32 @p0 $0x6;
	[sflag:s8] =	ssyncset.done @p0 $0x0  }
0x2dc: {  	s10 =	simm.s32 @p0 $0x1B380;
	[sflag:s8] =	ssyncadd.s32 @p0 $0xFFFFC000;
	s8 =	simm.s32 @p0 $0x16F00  }
0x2dd: {  	[spmem:s2] =	stream.indirect.scatter.add.f32 @p0 [tilespmem:s10], [sflag:$0x6], $0x80, s8, s4, $0xb8;
	[tilespmem:$0x1FB80] =	vst v63  }
0x2de: {  	_ =	swait.ge @p0 [sflag:s22], $0x4000  }
0x2df: {  	[sflag:s22] =	ssyncset.done @p0 $0x0  }
0x2e0: {  	[sflag:s22] =	ssyncadd.s32 @p0 $0xFFFFC000  }
0x2e1: {  	[spmem:s3] =	stream.indirect.scatter.add.f32 @p0 [tilespmem:s9], [sflag:$0x5], $0x10, s8, s4, $0xb8;
	[tilespmem:$0x1FB80] =	vst v63  }
0x2e2: {  	s8 =	simm.s32 @p0 $0x16800  }
0x2e3: {  	[tilespmem:s10], [sflag:$0x2] =	stream.indirect.gather @p0 [hbm4b:s6+s4], $0x80, s8, s4, $0xb8;
	[tilespmem:$0x1FB80] =	vst v63  }
0x2e4: {  	s4 =	simm.s32 @p0 $0x5  }
0x2e5: {  	_ =	swait.ge @p0 [sflag:s4], $0x800  }
0x2e6: {  	[sflag:s4] =	ssyncset.done @p0 $0x0  }
0x2e7: {  	[sflag:s4] =	ssyncadd.s32 @p0 $0xFFFFF800  }
0x2e8: {  	_ =	swait.ge @p0 [sflag:s4], $0x800  }
0x2e9: {  	[sflag:s4] =	ssyncset.done @p0 $0x0  }
0x2ea: {  	[sflag:s4] =	ssyncadd.s32 @p0 $0xFFFFF800  }
0x2eb: {  	_ =	swait.ge @p0 [sflag:s4], $0x800  }
0x2ec: {  	[sflag:s4] =	ssyncset.done @p0 $0x0  }
0x2ed: {  	[sflag:s4] =	ssyncadd.s32 @p0 $0xFFFFF800  }
0x2ee: {  	_ =	swait.ge @p0 [sflag:s4], $0x800  }
0x2ef: {  	[sflag:s4] =	ssyncset.done @p0 $0x0  }
0x2f0: {  	[sflag:s4] =	ssyncadd.s32 @p0 $0xFFFFF800  }
0x2f1: {  	_ =	swait.ge @p0 [sflag:s4], $0x800  }
0x2f2: {  	[sflag:s4] =	ssyncset.done @p0 $0x0  }
0x2f3: {  	[sflag:s4] =	ssyncadd.s32 @p0 $0xFFFFF800  }
0x2f4: {  	_ =	swait.ge @p0 [sflag:s4], $0x800  }
0x2f5: {  	[sflag:s4] =	ssyncset.done @p0 $0x0  }
0x2f6: {  	[sflag:s4] =	ssyncadd.s32 @p0 $0xFFFFF800  }
0x2f7: {  	_ =	swait.ge @p0 [sflag:s4], $0x800  }
0x2f8: {  	[sflag:s4] =	ssyncset.done @p0 $0x0  }
0x2f9: {  	[sflag:s4] =	ssyncadd.s32 @p0 $0xFFFFF800  }
0x2fa: {  	_ =	swait.ge @p0 [sflag:s4], $0x800  }
0x2fb: {  	s9 =	simm.s32 @!p0 $0x17380;
	[sflag:s4] =	ssyncset.done @p0 $0x0  }
0x2fc: {  	s8 =	simm.s32 @!p0 $0x16780;
	[sflag:s4] =	ssyncadd.s32 @p0 $0xFFFFF800;
	s4 =	simm.s32 @!p0 $0x80  }
0x2fd: {  	[tilespmem:s9], [sflag:$0x1] =	stream.indirect.gather @!p0 [hbm4b:s6+s4], $0x80, s8, s4, $0xb8;
	[tilespmem:$0x1FB80] =	vst v63  }
0x2fe: {  	s8 =	simm.s32 @!p0 $0x2  }
0x2ff: {  	_ =	swait.ge @!p0 [sflag:s8], $0x4000  }
0x300: {  	[sflag:s8] =	ssyncset.done @!p0 $0x0  }
0x301: {  	s9 =	simm.s32 @!p0 $0x1B380;
	[sflag:s8] =	ssyncadd.s32 @!p0 $0xFFFFC000;
	s8 =	simm.s32 @!p0 $0x16F00  }
0x302: {  	[spmem:s2] =	stream.indirect.scatter.add.f32 @!p0 [tilespmem:s9], [sflag:$0x6], $0x80, s8, s4, $0xb8;
	[tilespmem:$0x1FB80] =	vst v63  }
0x303: {  	p2 =	seq.s32 s16, $0x4;
	s8 =	simm.s32 @!p0 $0x6  }
.Ltmp10:
0x304: {  	_ =	swait.ge @!p0 [sflag:s8], $0x4000;
	(pc) =	sbr.rel @p2 .LBB2_21-.Ltmp10, $4  }
0x305: {  	[sflag:s8] =	ssyncset.done @!p0 $0x0  }
0x306: {  	[sflag:s8] =	ssyncadd.s32 @!p0 $0xFFFFC000;
	s8 =	simm.s32 @!p0 $0x16800  }
0x307: {  	[tilespmem:s9], [sflag:$0x2] =	stream.indirect.gather @!p0 [hbm4b:s6+s4], $0x80, s8, s4, $0xb8;
	[tilespmem:$0x1FB80] =	vst v63  }
0x308: {  	s8 =	sshll.u32 s16, $0xB  }
0x309: {  	s4 =	rddreg [dreg:$0x16]  }
0x30a: {  	s4 =	sadd.s32 s8, s4  }
0x30b: {  	s9 =	rddreg [dreg:$0x7];
	s4 =	sshrl.u32 s4, $0x3  }
0x30c: {  	s10 =	simm.s32 $0x0;
	s22 =	simm.s32 $0x16380;
	s9 =	sadd.s32 s9, s4  }
0x30d: {  	[tilespmem:s22], [sflag:$0x3] =	stream.linear.gather [hbm4b:s9+s10], $0x400, $0x38;
	[tilespmem:$0x1FB80] =	vst v63  }
0x30e: {  	s22 =	rddreg [dreg:$0x8]  }
0x30f: {  	s4 =	sadd.s32 s22, s4;
	s22 =	simm.s32 $0x16B80  }
0x310: {  	[tilespmem:s22], [sflag:$0x3] =	stream.linear.gather [hbm4b:s4+s10], $0x400, $0x38;
	[tilespmem:$0x1FB80] =	vst v63  }
0x311: {  	_ =	swait.ge [sflag:s23], $0x400  }
0x312: {  	[sflag:s23] =	ssyncset.done $0x0  }
0x313: {  	[sflag:s23] =	ssyncadd.s32 $0xFFFFFC00  }
0x314: {  	_ =	swait.ge [sflag:s23], $0x400  }
0x315: {  	[sflag:s23] =	ssyncset.done $0x0  }
0x316: {  	s9 =	simm.s32 $0x0;
	[sflag:s23] =	ssyncadd.s32 $0xFFFFFC00  }
0x317: {  	v2 =	vld [tilespmem:s9+$0x16380]  }
0x318: {  	v3 =	vld [tilespmem:s9+$0x16390]  }
0x319: {  	v5 =	vld [tilespmem:s9+$0x163A0]  }
0x31a: {  	v4 =	vld [tilespmem:s9+$0x163B0]  }
0x31b: {  	v1 =	vld [tilespmem:s9+$0x163C0]  }
0x31c: {  	v6 =	vshll.u32 v2, $0x1;
	v2 =	vld [tilespmem:s9+$0x163D0]  }
0x31d: {  	s10 =	simm.s32 $0x200;
	v7 =	vshll.u32 v3, $0x1;
	v3 =	vld [tilespmem:s9+$0x163E0];
	v6 =	vor.u32 v0, v6  }
.LBB2_19:
0x31e: {  	s4 =	sshra.s32 s10, $0x2;
	p3 =	sne.s32 s10, $0xE00;
	[tilespmem:s9+$0x16380] =	vst v6;
	v6 =	vor.u32 v0, v7;
	v5 =	vshll.u32 v5, $0x1;
	v7 =	vld [tilespmem:s9+$0x163F0]  }
0x31f: {  	v8 =	vld [tilespmem:s4+$0x16380];
	[tilespmem:s9+$0x16390] =	vst v6;
	v5 =	vor.u32 v0, v5;
	v4 =	vshll.u32 v4, $0x1  }
0x320: {  	v9 =	vld [tilespmem:s4+$0x16390];
	[tilespmem:s9+$0x163A0] =	vst v5;
	v4 =	vor.u32 v0, v4;
	v1 =	vshll.u32 v1, $0x1  }
.Ltmp11:
0x321: {  	v5 =	vld [tilespmem:s4+$0x163A0];
	[tilespmem:s9+$0x163B0] =	vst v4;
	v1 =	vor.u32 v0, v1;
	v2 =	vshll.u32 v2, $0x1;
	(pc) =	sbr.rel @p3 .LBB2_19-.Ltmp11, $4  }
0x322: {  	v4 =	vld [tilespmem:s4+$0x163B0];
	[tilespmem:s9+$0x163C0] =	vst v1;
	v2 =	vor.u32 v0, v2;
	v3 =	vshll.u32 v3, $0x1  }
0x323: {  	v1 =	vld [tilespmem:s4+$0x163C0];
	[tilespmem:s9+$0x163D0] =	vst v2;
	v3 =	vor.u32 v0, v3;
	v6 =	vshll.u32 v7, $0x1  }
0x324: {  	v7 =	vshll.u32 v8, $0x1;
	v2 =	vld [tilespmem:s4+$0x163D0];
	[tilespmem:s9+$0x163E0] =	vst v3;
	v8 =	vor.u32 v0, v6  }
0x325: {  	s10 =	sadd.s32 $0x200, s10;
	v6 =	vor.u32 v0, v7;
	v7 =	vshll.u32 v9, $0x1;
	v3 =	vld [tilespmem:s4+$0x163E0];
	[tilespmem:s9+$0x163F0] =	vst v8;
	s9 =	smov.u32 s4  }
0x326: {  	[tilespmem:s9+$0x16380] =	vst v6;
	v62 =	vor.u32 v0, v7;
	v5 =	vshll.u32 v5, $0x1;
	v63 =	vld [tilespmem:s9+$0x163F0]  }
0x327: {  	[tilespmem:s9+$0x16390] =	vst v62;
	v5 =	vor.u32 v0, v5;
	v4 =	vshll.u32 v4, $0x1  }
0x328: {  	[tilespmem:s9+$0x163A0] =	vst v5;
	v4 =	vor.u32 v0, v4;
	v1 =	vshll.u32 v1, $0x1  }
0x329: {  	[tilespmem:s9+$0x163B0] =	vst v4;
	v1 =	vor.u32 v0, v1;
	v2 =	vshll.u32 v2, $0x1  }
0x32a: {  	[tilespmem:s9+$0x163C0] =	vst v1;
	v1 =	vor.u32 v0, v2;
	v2 =	vshll.u32 v3, $0x1  }
0x32b: {  	[tilespmem:s9+$0x163D0] =	vst v1;
	v1 =	vor.u32 v0, v2;
	v2 =	vshll.u32 v63, $0x1  }
0x32c: {  	[tilespmem:s9+$0x163E0] =	vst v1;
	v1 =	vor.u32 v0, v2  }
0x32d: {  	[tilespmem:s9+$0x163F0] =	vst v1  }
.LBB2_21:
0x32e: {  	_ =	swait.ge [sflag:s5], $0x4000  }
0x32f: {  	[sflag:s5] =	ssyncset.done $0x0  }
0x330: {  	[sflag:s5] =	ssyncadd.s32 $0xFFFFC000  }
0x331: {  	[spmem:s2] =	stream.indirect.scatter.add.f32 [tilespmem:s30], [sflag:$0x6], $0x80, s28, s29, $0xb8;
	[tilespmem:$0x1FB80] =	vst v63  }
0x332: {  	_ =	swait.ge [sflag:s20], $0x4000  }
0x333: {  	[sflag:s20] =	ssyncset.done $0x0  }
0x334: {  	s4 =	simm.s32 @p1 $0x16880;
	[sflag:s20] =	ssyncadd.s32 $0xFFFFC000  }
0x335: {  	[tilespmem:s11], [sflag:$0x1] =	stream.indirect.gather @p1 [hbm4b:s6+s19], $0x80, s4, s19, $0xb8;
	[tilespmem:$0x1FB80] =	vst v63  }
0x336: {  	_ =	swait.ge @p1 [sflag:s15], $0x4000  }
0x337: {  	[sflag:s15] =	ssyncset.done @p1 $0x0  }
0x338: {  	s4 =	simm.s32 @p1 $0x17000;
	[sflag:s15] =	ssyncadd.s32 @p1 $0xFFFFC000  }
0x339: {  	[spmem:s2] =	stream.indirect.scatter.add.f32 @p1 [tilespmem:s21], [sflag:$0x6], $0x80, s4, s19, $0xb8;
	[tilespmem:$0x1FB80] =	vst v63  }
0x33a: {  	_ =	swait.ge @p1 [sflag:s12], $0x4000  }
0x33b: {  	[sflag:s12] =	ssyncset.done @p1 $0x0  }
0x33c: {  	s4 =	simm.s32 @!p1 $0x16F80;
	[sflag:s12] =	ssyncadd.s32 @p1 $0xFFFFC000  }
0x33d: {  	[spmem:s3] =	stream.indirect.scatter.add.f32 @!p1 [tilespmem:s18], [sflag:$0x5], $0x10, s4, s17, $0xb8;
	[tilespmem:$0x1FB80] =	vst v63  }
0x33e: {  	s4 =	simm.s32 @!p1 $0x16880  }
0x33f: {  	[tilespmem:s26], [sflag:$0x1] =	stream.indirect.gather @!p1 [hbm4b:s6+s17], $0x80, s4, s17, $0xb8;
	[tilespmem:$0x1FB80] =	vst v63  }
0x340: {  	_ =	swait.ge @!p1 [sflag:s24], $0x4000  }
0x341: {  	[sflag:s24] =	ssyncset.done @!p1 $0x0  }
0x342: {  	s4 =	simm.s32 @!p1 $0x17000;
	[sflag:s24] =	ssyncadd.s32 @!p1 $0xFFFFC000  }
0x343: {  	[spmem:s2] =	stream.indirect.scatter.add.f32 @!p1 [tilespmem:s7], [sflag:$0x6], $0x80, s4, s17, $0xb8;
	[tilespmem:$0x1FB80] =	vst v63  }
0x344: {  	_ =	swait.ge @!p1 [sflag:s14], $0x4000  }
0x345: {  	[sflag:s14] =	ssyncset.done @!p1 $0x0  }
0x346: {  	[sflag:s14] =	ssyncadd.s32 @!p1 $0xFFFFC000  }
0x347: {  	[spmem:s3] =	stream.indirect.scatter.add.f32 @!p1 [tilespmem:s18], [sflag:$0x5], $0x10, s4, s17, $0xb8;
	[tilespmem:$0x1FB80] =	vst v63  }
0x348: {  	s10 =	simm.s32 $0x16900  }
0x349: {  	[tilespmem:s31], [sflag:$0x2] =	stream.indirect.gather [hbm4b:s6+s29], $0x80, s10, s29, $0xb8;
	[tilespmem:$0x1FB80] =	vst v63  }
0x34a: {  	_ =	swait.ge [sflag:s5], $0x4000  }
0x34b: {  	[sflag:s5] =	ssyncset.done $0x0  }
0x34c: {  	s22 =	simm.s32 $0x17080;
	[sflag:s5] =	ssyncadd.s32 $0xFFFFC000  }
0x34d: {  	[spmem:s2] =	stream.indirect.scatter.add.f32 [tilespmem:s30], [sflag:$0x6], $0x80, s22, s29, $0xb8;
	[tilespmem:$0x1FB80] =	vst v63  }
0x34e: {  	_ =	swait.ge [sflag:s20], $0x4000  }
0x34f: {  	[sflag:s20] =	ssyncset.done $0x0  }
0x350: {  	s4 =	simm.s32 @p1 $0x16980;
	[sflag:s20] =	ssyncadd.s32 $0xFFFFC000  }
0x351: {  	[tilespmem:s11], [sflag:$0x1] =	stream.indirect.gather @p1 [hbm4b:s6+s19], $0x80, s4, s19, $0xb8;
	[tilespmem:$0x1FB80] =	vst v63  }
0x352: {  	_ =	swait.ge @p1 [sflag:s15], $0x4000  }
0x353: {  	[sflag:s15] =	ssyncset.done @p1 $0x0  }
0x354: {  	s4 =	simm.s32 @p1 $0x17100;
	[sflag:s15] =	ssyncadd.s32 @p1 $0xFFFFC000  }
0x355: {  	[spmem:s2] =	stream.indirect.scatter.add.f32 @p1 [tilespmem:s21], [sflag:$0x6], $0x80, s4, s19, $0xb8;
	[tilespmem:$0x1FB80] =	vst v63  }
0x356: {  	_ =	swait.ge @p1 [sflag:s12], $0x4000  }
0x357: {  	[sflag:s12] =	ssyncset.done @p1 $0x0  }
0x358: {  	s4 =	simm.s32 @!p1 $0x17080;
	[sflag:s12] =	ssyncadd.s32 @p1 $0xFFFFC000  }
0x359: {  	[spmem:s3] =	stream.indirect.scatter.add.f32 @!p1 [tilespmem:s18], [sflag:$0x5], $0x10, s4, s17, $0xb8;
	[tilespmem:$0x1FB80] =	vst v63  }
0x35a: {  	s4 =	simm.s32 @!p1 $0x16980  }
0x35b: {  	[tilespmem:s26], [sflag:$0x1] =	stream.indirect.gather @!p1 [hbm4b:s6+s17], $0x80, s4, s17, $0xb8;
	[tilespmem:$0x1FB80] =	vst v63  }
0x35c: {  	_ =	swait.ge @!p1 [sflag:s24], $0x4000  }
0x35d: {  	[sflag:s24] =	ssyncset.done @!p1 $0x0  }
0x35e: {  	s4 =	simm.s32 @!p1 $0x17100;
	[sflag:s24] =	ssyncadd.s32 @!p1 $0xFFFFC000  }
0x35f: {  	[spmem:s2] =	stream.indirect.scatter.add.f32 @!p1 [tilespmem:s7], [sflag:$0x6], $0x80, s4, s17, $0xb8;
	[tilespmem:$0x1FB80] =	vst v63  }
0x360: {  	_ =	swait.ge @!p1 [sflag:s14], $0x4000  }
0x361: {  	[sflag:s14] =	ssyncset.done @!p1 $0x0  }
0x362: {  	[sflag:s14] =	ssyncadd.s32 @!p1 $0xFFFFC000  }
0x363: {  	[spmem:s3] =	stream.indirect.scatter.add.f32 @!p1 [tilespmem:s18], [sflag:$0x5], $0x10, s4, s17, $0xb8;
	[tilespmem:$0x1FB80] =	vst v63  }
0x364: {  	s9 =	simm.s32 $0x16A00  }
0x365: {  	[tilespmem:s31], [sflag:$0x2] =	stream.indirect.gather [hbm4b:s6+s29], $0x80, s9, s29, $0xb8;
	[tilespmem:$0x1FB80] =	vst v63  }
0x366: {  	_ =	swait.ge [sflag:s5], $0x4000  }
0x367: {  	[sflag:s5] =	ssyncset.done $0x0  }
0x368: {  	s10 =	simm.s32 $0x17180;
	[sflag:s5] =	ssyncadd.s32 $0xFFFFC000  }
0x369: {  	[spmem:s2] =	stream.indirect.scatter.add.f32 [tilespmem:s30], [sflag:$0x6], $0x80, s10, s29, $0xb8;
	[tilespmem:$0x1FB80] =	vst v63  }
0x36a: {  	_ =	swait.ge [sflag:s20], $0x4000  }
0x36b: {  	[sflag:s20] =	ssyncset.done $0x0  }
0x36c: {  	s4 =	simm.s32 @p1 $0x16A80;
	[sflag:s20] =	ssyncadd.s32 $0xFFFFC000  }
0x36d: {  	[tilespmem:s11], [sflag:$0x1] =	stream.indirect.gather @p1 [hbm4b:s6+s19], $0x80, s4, s19, $0xb8;
	[tilespmem:$0x1FB80] =	vst v63  }
0x36e: {  	_ =	swait.ge @p1 [sflag:s15], $0x4000  }
0x36f: {  	[sflag:s15] =	ssyncset.done @p1 $0x0  }
0x370: {  	s4 =	simm.s32 @p1 $0x17200;
	[sflag:s15] =	ssyncadd.s32 @p1 $0xFFFFC000  }
0x371: {  	[spmem:s2] =	stream.indirect.scatter.add.f32 @p1 [tilespmem:s21], [sflag:$0x6], $0x80, s4, s19, $0xb8;
	[tilespmem:$0x1FB80] =	vst v63  }
0x372: {  	_ =	swait.ge @p1 [sflag:s12], $0x4000  }
0x373: {  	[sflag:s12] =	ssyncset.done @p1 $0x0  }
0x374: {  	s4 =	simm.s32 @!p1 $0x17180;
	[sflag:s12] =	ssyncadd.s32 @p1 $0xFFFFC000  }
0x375: {  	[spmem:s3] =	stream.indirect.scatter.add.f32 @!p1 [tilespmem:s18], [sflag:$0x5], $0x10, s4, s17, $0xb8;
	[tilespmem:$0x1FB80] =	vst v63  }
0x376: {  	s4 =	simm.s32 @!p1 $0x16A80  }
0x377: {  	[tilespmem:s26], [sflag:$0x1] =	stream.indirect.gather @!p1 [hbm4b:s6+s17], $0x80, s4, s17, $0xb8;
	[tilespmem:$0x1FB80] =	vst v63  }
0x378: {  	_ =	swait.ge @!p1 [sflag:s24], $0x4000  }
0x379: {  	[sflag:s24] =	ssyncset.done @!p1 $0x0  }
0x37a: {  	s4 =	simm.s32 @!p1 $0x17200;
	[sflag:s24] =	ssyncadd.s32 @!p1 $0xFFFFC000  }
0x37b: {  	[spmem:s2] =	stream.indirect.scatter.add.f32 @!p1 [tilespmem:s7], [sflag:$0x6], $0x80, s4, s17, $0xb8;
	[tilespmem:$0x1FB80] =	vst v63  }
0x37c: {  	_ =	swait.ge @!p1 [sflag:s14], $0x4000  }
0x37d: {  	[sflag:s14] =	ssyncset.done @!p1 $0x0  }
0x37e: {  	[sflag:s14] =	ssyncadd.s32 @!p1 $0xFFFFC000  }
0x37f: {  	[spmem:s3] =	stream.indirect.scatter.add.f32 @!p1 [tilespmem:s18], [sflag:$0x5], $0x10, s4, s17, $0xb8;
	[tilespmem:$0x1FB80] =	vst v63  }
0x380: {  	s22 =	simm.s32 $0x16B00  }
0x381: {  	[tilespmem:s31], [sflag:$0x2] =	stream.indirect.gather [hbm4b:s6+s29], $0x80, s22, s29, $0xb8;
	[tilespmem:$0x1FB80] =	vst v63  }
0x382: {  	_ =	swait.ge [sflag:s5], $0x4000  }
0x383: {  	[sflag:s5] =	ssyncset.done $0x0  }
0x384: {  	s24 =	simm.s32 $0x17280;
	[sflag:s5] =	ssyncadd.s32 $0xFFFFC000  }
0x385: {  	[spmem:s2] =	stream.indirect.scatter.add.f32 [tilespmem:s30], [sflag:$0x6], $0x80, s24, s29, $0xb8;
	[tilespmem:$0x1FB80] =	vst v63  }
0x386: {  	_ =	swait.ge [sflag:s20], $0x4000  }
0x387: {  	[sflag:s20] =	ssyncset.done $0x0  }
0x388: {  	s4 =	simm.s32 @!p1 $0x17280;
	[sflag:s20] =	ssyncadd.s32 $0xFFFFC000  }
0x389: {  	[spmem:s3] =	stream.indirect.scatter.add.f32 @!p1 [tilespmem:s18], [sflag:$0x5], $0x10, s4, s17, $0xb8;
	[tilespmem:$0x1FB80] =	vst v63  }
0x38a: {  	s9 =	simm.s32 @!p2 $0x17380;
	s7 =	simm.s32 @!p2 $0x16380;
	s4 =	simm.s32 @!p2 $0x80  }
0x38b: {  	[tilespmem:s9], [sflag:$0x1] =	stream.indirect.gather @!p2 [hbm4b:s6+s4], $0x80, s7, s4, $0xb8;
	[tilespmem:$0x1FB80] =	vst v63  }
0x38c: {  	_ =	swait.ge [sflag:s13], $0x4000  }
0x38d: {  	[sflag:s13] =	ssyncset.done $0x0  }
0x38e: {  	s26 =	simm.s32 $0x17300;
	[sflag:s13] =	ssyncadd.s32 $0xFFFFC000  }
0x38f: {  	[spmem:s2] =	stream.indirect.scatter.add.f32 [tilespmem:s31], [sflag:$0x6], $0x80, s26, s29, $0xb8;
	[tilespmem:$0x1FB80] =	vst v63  }
0x390: {  	_ =	swait.ge [sflag:s20], $0x4000  }
0x391: {  	[sflag:s20] =	ssyncset.done $0x0  }
0x392: {  	s7 =	simm.s32 @!p1 $0x17300;
	[sflag:s20] =	ssyncadd.s32 $0xFFFFC000  }
0x393: {  	[spmem:s3] =	stream.indirect.scatter.add.f32 @!p1 [tilespmem:s18], [sflag:$0x5], $0x10, s7, s17, $0xb8;
	[tilespmem:$0x1FB80] =	vst v63  }
0x394: {  	s9 =	simm.s32 @!p2 $0x1B380;
	s7 =	simm.s32 @!p2 $0x16400  }
0x395: {  	[tilespmem:s9], [sflag:$0x2] =	stream.indirect.gather @!p2 [hbm4b:s6+s4], $0x80, s7, s4, $0xb8;
	[tilespmem:$0x1FB80] =	vst v63  }
0x396: {  	s4 =	simm.s32 @!p1 $0x5  }
0x397: {  	_ =	swait.ge @!p1 [sflag:s4], $0x800  }
0x398: {  	[sflag:s4] =	ssyncset.done @!p1 $0x0  }
0x399: {  	[sflag:s4] =	ssyncadd.s32 @!p1 $0xFFFFF800  }
0x39a: {  	_ =	swait.ge @!p1 [sflag:s4], $0x800  }
0x39b: {  	[sflag:s4] =	ssyncset.done @!p1 $0x0  }
0x39c: {  	[sflag:s4] =	ssyncadd.s32 @!p1 $0xFFFFF800  }
0x39d: {  	_ =	swait.ge @!p1 [sflag:s4], $0x800  }
0x39e: {  	[sflag:s4] =	ssyncset.done @!p1 $0x0  }
0x39f: {  	[sflag:s4] =	ssyncadd.s32 @!p1 $0xFFFFF800  }
0x3a0: {  	_ =	swait.ge @!p1 [sflag:s4], $0x800  }
0x3a1: {  	[sflag:s4] =	ssyncset.done @!p1 $0x0  }
0x3a2: {  	[sflag:s4] =	ssyncadd.s32 @!p1 $0xFFFFF800  }
0x3a3: {  	_ =	swait.ge @!p1 [sflag:s4], $0x800  }
0x3a4: {  	[sflag:s4] =	ssyncset.done @!p1 $0x0  }
0x3a5: {  	[sflag:s4] =	ssyncadd.s32 @!p1 $0xFFFFF800  }
0x3a6: {  	_ =	swait.ge @!p1 [sflag:s4], $0x800  }
0x3a7: {  	[sflag:s4] =	ssyncset.done @!p1 $0x0  }
0x3a8: {  	[sflag:s4] =	ssyncadd.s32 @!p1 $0xFFFFF800  }
0x3a9: {  	_ =	swait.ge @!p1 [sflag:s4], $0x800  }
.Ltmp12:
0x3aa: {  	[sflag:s4] =	ssyncset.done @!p1 $0x0;
	(pc) =	sbr.rel @p2 .LBB2_23-.Ltmp12, $4  }
0x3ab: {  	[sflag:s4] =	ssyncadd.s32 @!p1 $0xFFFFF800  }
0x3ac: {  	_ =	swait.ge @!p1 [sflag:s4], $0x800  }
0x3ad: {  	[sflag:s4] =	ssyncset.done @!p1 $0x0  }
0x3ae: {  	[sflag:s4] =	ssyncadd.s32 @!p1 $0xFFFFF800  }
0x3af: {  	s4 =	sadd.s32 s8, s25;
	s7 =	rddreg [dreg:$0x7]  }
.Ltmp13:
0x3b0: {  	s24 =	simm.s32 $0x0;
	s4 =	sshrl.u32 s4, $0x3;
	(pc) =	sbr.rel .LBB2_15-.Ltmp13, $4  }
0x3b1: {  	s9 =	simm.s32 $0x16780;
	s26 =	rddreg [dreg:$0x8];
	s7 =	sadd.s32 s7, s4  }
0x3b2: {  	[tilespmem:s9], [sflag:$0x4] =	stream.linear.gather [hbm4b:s7+s24], $0x400, $0x38;
	[tilespmem:$0x1FB80] =	vst v63  }
0x3b3: {  	s16 =	sadd.s32 $0x1, s16;
	s4 =	sadd.s32 s26, s4  }
0x3b4: {  	[tilespmem:s28], [sflag:$0x4] =	stream.linear.gather [hbm4b:s4+s24], $0x400, $0x38;
	[tilespmem:$0x1FB80] =	vst v63  }
.LBB2_24:
0x3b5: {  	_ =	sfence.sel $0x180000  }
0x3b6: {  	[bflag:$0x0] =	sbarrier.arrive $0xFFFF  }
0x3b7: {  	_ =	strace $0x90000047  }
0x3b8: {  	s0 =	stileid.u32;
	[bflag:$0x2] =	sbarrier.arrive $0xFFFF  }
0x3b9: {  	p0 =	sne.s32 s0, $0x0;
	s0 =	rddreg [dreg:$0x4]  }
0x3ba: {  	s0 =	sadd.s32 @!p0 $0x100000, s0  }
0x3bb: {  	[sflag:s0] =	ssyncadd.tile.s32 @!p0 $0x1;
	_ =	shalt  }
.Lfunc_end2:
_tile_overlayer_lowered:
.L_overlay_start_2:
0x3bc: {  	(tag) =	ssettag $0x2  }
0x3bd: {  	s0 =	rddreg [dreg:$0x0];
	s2 =	stileid.u32  }
0x3be: {  	s1 =	rddreg [dreg:$0x1];
	p0 =	sne.s32 s2, $0x0  }
0x3bf: {  	s3 =	rddreg [dreg:$0x2];
	[bflag:$0x3] =	sbarrier.arrive $0xFFFF;
	s2 =	simm.s32 @!p0 $0x1C06  }
0x3c0: {  	[timem:s3], [sflag:s2] =	dma.local @!p0 [hbm:s0], s1  }
0x3c1: {  	s0 =	simm.s32 @!p0 $0x6  }
0x3c2: {  	_ =	swait.ge @!p0 [sflag:s0], s1  }
0x3c3: {  	s1 =	ssub.s32 @!p0 $0x0, s1;
	[sflag:s0] =	ssyncset.done @!p0 $0x0  }
0x3c4: {  	[sflag:s0] =	ssyncadd.s32 @!p0 s1  }
0x3c5: {  	[bflag:$0x3] =	sbarrier.arrive $0xFFFF  }
0x3c6: {  	_ =	shalt  }

</sc_bundles>
